<compile_context>
chip_gen: v7x
topology: tpu7x:2x2x1
jax: 0.10.2.dev20260603
libtpu: 0.0.44.dev20260713+nightly
codegen_flags: <defaults>
</compile_context>

<pallas_src>
import functools

import jax
import jax.numpy as jnp
from jax import lax
from jax.experimental import pallas as pl
from jax.experimental.pallas import tpu as pltpu
from jax.experimental.pallas import tpu_sc as plsc

IN_F = 256
OUT_F = 256
NUM_E = 64
BATCH = 2048

TILE = 128
NUM_TILES = BATCH // TILE
G = NUM_TILES + NUM_E - 1

SC_CORES = 2
SC_SUBCORES = 16
SC_WORKERS = SC_CORES * SC_SUBCORES


def _sc_row_gather(table, idx):
    n = idx.shape[0]
    d = table.shape[1]
    rows_per_w = n // SC_WORKERS
    mesh = plsc.VectorSubcoreMesh(core_axis_name="c", subcore_axis_name="s")

    @functools.partial(
        pl.kernel,
        out_type=jax.ShapeDtypeStruct((n, d), table.dtype),
        mesh=mesh,
        scratch_types=[
            pltpu.VMEM((rows_per_w,), jnp.int32),
            pltpu.VMEM((rows_per_w, d), table.dtype),
            pltpu.SemaphoreType.DMA,
        ],
    )
    def k(table_hbm, idx_hbm, out_hbm, idx_v, rows_v, sem):
        wid = lax.axis_index("s") * SC_CORES + lax.axis_index("c")
        base = wid * rows_per_w
        pltpu.sync_copy(idx_hbm.at[pl.ds(base, rows_per_w)], idx_v)
        pltpu.async_copy(table_hbm.at[idx_v], rows_v, sem).wait()
        pltpu.sync_copy(rows_v, out_hbm.at[pl.ds(base, rows_per_w)])

    return k(table, idx)


def _sc_row_scatter(rows, idx):
    n = idx.shape[0]
    d = rows.shape[1]
    rows_per_w = n // SC_WORKERS
    mesh = plsc.VectorSubcoreMesh(core_axis_name="c", subcore_axis_name="s")

    @functools.partial(
        pl.kernel,
        out_type=jax.ShapeDtypeStruct((n, d), rows.dtype),
        mesh=mesh,
        scratch_types=[
            pltpu.VMEM((rows_per_w,), jnp.int32),
            pltpu.VMEM((rows_per_w, d), rows.dtype),
            pltpu.SemaphoreType.DMA,
        ],
    )
    def k(rows_hbm, idx_hbm, out_hbm, idx_v, rows_v, sem):
        wid = lax.axis_index("s") * SC_CORES + lax.axis_index("c")
        base = wid * rows_per_w
        pltpu.sync_copy(idx_hbm.at[pl.ds(base, rows_per_w)], idx_v)
        pltpu.sync_copy(rows_hbm.at[pl.ds(base, rows_per_w)], rows_v)
        pltpu.async_copy(rows_v, out_hbm.at[idx_v], sem).wait()

    return k(rows, idx)


NBUF = 16


HBATCH = BATCH // 2


def _gmm_body(
    se_r, tile_r, e_r, lo_r, hi_r, x_ref, w_hbm, b_ref, o_ref, wbuf, sems
):
    c = pl.program_id(0)
    j_lo = se_r[c]
    j_hi = se_r[c + 1]

    def start(slot, j):
        pltpu.make_async_copy(
            w_hbm.at[pl.ds(e_r[j], 1)], wbuf.at[pl.ds(slot, 1)], sems.at[slot]
        ).start()

    def wait(slot):
        pltpu.make_async_copy(
            w_hbm.at[pl.ds(0, 1)], wbuf.at[pl.ds(slot, 1)], sems.at[slot]
        ).wait()

    o_ref[...] = jnp.zeros((HBATCH, OUT_F), jnp.float32)
    for b in range(NBUF):
        @pl.when(j_lo + b < j_hi)
        def _(b=b):
            start(b, j_lo + b)

    def round_body(rnd, _):
        j0 = j_lo + rnd * NBUF
        for b in range(NBUF):
            @pl.when(j0 + b < j_hi)
            def _(b=b):
                j = j0 + b
                wait(b)
                t = tile_r[j]
                lo = lo_r[j]
                hi = hi_r[j]
                gbase = t * TILE
                base = gbase - c * HBATCH
                rows = gbase + lax.broadcasted_iota(jnp.int32, (TILE, 1), 0)
                mask = (rows >= lo) & (rows < hi)
                x = jnp.where(mask, x_ref[pl.ds(base, TILE), :], 0.0).astype(
                    jnp.bfloat16
                )
                w = wbuf[pl.ds(b, 1)][0]
                acc = lax.dot_general(
                    x, w, (((1,), (1,)), ((), ())),
                    preferred_element_type=jnp.float32,
                )
                brow = b_ref[pl.ds(e_r[j], 1), :]
                acc = acc + jnp.where(mask, brow, 0.0)
                o_ref[pl.ds(base, TILE), :] += acc

                @pl.when(j + NBUF < j_hi)
                def _():
                    start(b, j + NBUF)
        return 0

    nrounds = (j_hi - j_lo + NBUF - 1) // NBUF
    lax.fori_loop(0, nrounds, round_body, 0)


def _grouped_matmul(split, tile_of, e_of, lo, hi, x_sorted, w3, bias2):
    grid_spec = pltpu.PrefetchScalarGridSpec(
        num_scalar_prefetch=5,
        grid=(2,),
        in_specs=[
            pl.BlockSpec((HBATCH, IN_F), lambda c, *_: (c, 0)),
            pl.BlockSpec(memory_space=pltpu.MemorySpace.HBM),
            pl.BlockSpec((NUM_E, OUT_F), lambda c, *_: (0, 0)),
        ],
        out_specs=pl.BlockSpec((HBATCH, OUT_F), lambda c, *_: (c, 0)),
        scratch_shapes=[
            pltpu.VMEM((NBUF, OUT_F, IN_F), jnp.bfloat16),
            pltpu.SemaphoreType.DMA((NBUF,)),
        ],
    )
    return pl.pallas_call(
        _gmm_body,
        grid_spec=grid_spec,
        out_shape=jax.ShapeDtypeStruct((BATCH, OUT_F), jnp.float32),
        compiler_params=pltpu.CompilerParams(dimension_semantics=("parallel",)),
    )(split, tile_of, e_of, lo, hi, x_sorted, w3, bias2)


def kernel(input, route_index, weight, weight_fact, bias, bias_fact):
    r = route_index.astype(jnp.int32)
    eids = jnp.arange(NUM_E, dtype=jnp.int32)

    H = r[:, None] == eids[None, :]
    tri = jnp.tril(jnp.ones((BATCH, BATCH), jnp.bfloat16))
    C = lax.dot_general(
        tri,
        H.astype(jnp.bfloat16),
        (((1,), (0,)), ((), ())),
        preferred_element_type=jnp.float32,
    )
    counts = C[BATCH - 1].astype(jnp.int32)
    off_incl = jnp.cumsum(counts)
    off_excl = off_incl - counts
    rank = jnp.sum(
        jnp.where(H, off_excl[None, :].astype(jnp.float32) + C - 1.0, 0.0),
        axis=1,
    ).astype(jnp.int32)

    nonempty = counts > 0
    first_t = off_excl // TILE
    last_t = jnp.where(nonempty, (off_incl - 1) // TILE, 0)
    ntiles = jnp.where(nonempty, last_t - first_t + 1, 0)
    cum = jnp.cumsum(ntiles)
    starts = cum - ntiles
    gids = jnp.arange(G, dtype=jnp.int32)
    e_g = jnp.sum((cum[None, :] <= gids[:, None]).astype(jnp.int32), axis=1)
    valid = e_g < NUM_E
    onehot = e_g[:, None] == eids[None, :]

    def pick(v):
        return jnp.sum(jnp.where(onehot, v[None, :], 0), axis=1)

    t_g = pick(first_t) + (gids - pick(starts))
    tile_of = jnp.where(valid, t_g, NUM_TILES - 1).astype(jnp.int32)
    e_safe = jnp.where(valid, e_g, 0).astype(jnp.int32)
    lo = jnp.where(valid, pick(off_excl), 0).astype(jnp.int32)
    hi = jnp.where(valid, pick(off_incl), 0).astype(jnp.int32)
    n_items = cum[NUM_E - 1]
    s = jnp.sum((valid & (tile_of < NUM_TILES // 2)).astype(jnp.int32))
    split = jnp.stack([jnp.int32(0), s, n_items]).astype(jnp.int32)

    x_sorted = _sc_row_scatter(input, rank)
    w3 = (weight + weight_fact).reshape(NUM_E, OUT_F, IN_F).astype(jnp.bfloat16)
    bias2 = bias + bias_fact
    y_sorted = _grouped_matmul(
        split, tile_of, e_safe, lo, hi, x_sorted, w3, bias2
    )
    return _sc_row_gather(y_sorted, rank)

# --- scband reference (transcript-rebuilt; emitter-appended) ---
"""Pipeline reference for scband-switch-linear-5033701671494 (READ-ONLY COPY).

The authoritative reference and input builder live on the scoring server;
editing this copy changes nothing except your own understanding.
"""

import jax, jax.numpy as jnp
import numpy as np

IN_FEATURES = 256
OUT_FEATURES = 256
NUM_EXPERTS = 64
BATCH = 2048

def setup_inputs(seed: int = 0) -> dict:
    key = jax.random.key(seed)
    k_in, k_idx, k_w, k_wf, k_b, k_bf = jax.random.split(key, 6)
    inp = jax.random.normal(k_in, (BATCH, IN_FEATURES), dtype=jnp.float32)
    route_index = jax.random.randint(k_idx, (BATCH,), 0, NUM_EXPERTS)
    # learned params (randomized for numeric testing; original init is zeros+kaiming)
    weight = jax.random.normal(k_w, (NUM_EXPERTS, OUT_FEATURES * IN_FEATURES), dtype=jnp.float32) * 0.02
    weight_fact = jax.random.normal(k_wf, (1, OUT_FEATURES * IN_FEATURES), dtype=jnp.float32) * 0.05
    bias = jax.random.normal(k_b, (NUM_EXPERTS, OUT_FEATURES), dtype=jnp.float32) * 0.02
    bias_fact = jax.random.normal(k_bf, (1, OUT_FEATURES), dtype=jnp.float32) * 0.05
    return {"input": inp, "route_index": route_index, "weight": weight, "weight_fact": weight_fact, "bias": bias, "bias_fact": bias_fact}

def reference(input, route_index, weight, weight_fact, bias, bias_fact):
    batch_size = route_index.shape[0]
    # F.embedding(route_index, weight) + weight_fact
    expert_weight = jnp.take(weight, route_index, axis=0) + weight_fact
    expert_weight = expert_weight.reshape(batch_size, OUT_FEATURES, IN_FEATURES)
    expert_bias = jnp.take(bias, route_index, axis=0) + bias_fact
    output = jnp.einsum('bmn,bn->bm', expert_weight, input)
    output = output + expert_bias
    return output

if __name__ == "__main__":
    import jax
    _d = setup_inputs()
    print(jax.jit(kernel)(*tuple(_d.values())))

</pallas_src>

<mosaic_0001>
#map = affine_map<(d0, d1) -> (0, 0)>
#map1 = affine_map<(d0, d1) -> (0)>
module attributes {stable_mosaic.version = 14 : i64} {
  func.func @k(%arg0: i32, %arg1: i32, %arg2: memref<2048x256xf32, #tpu.memory_space<hbm>>, %arg3: memref<2048xi32, #tpu.memory_space<hbm>>, %arg4: memref<2048x256xf32, #tpu.memory_space<hbm>>, %arg5: memref<64xi32, #tpu.memory_space<vmem>>, %arg6: memref<64x256xf32, #tpu.memory_space<vmem>>, %arg7: memref<!tpu.dma_semaphore, #tpu.memory_space<semaphore_mem>>) attributes {dimension_semantics = [#tpu.dimension_semantics<core_parallel>, #tpu.dimension_semantics<subcore_parallel>], iteration_bounds = array<i64: 2, 16>, scalar_prefetch = 0 : i64, scratch_operands = 3 : i64, tpu.core_type = #tpu.core_type<sc_vector_subcore>, window_params = [{transform_indices = #map}, {transform_indices = #map1}, {transform_indices = #map}]} {
    %mul3A = arith.constant 2 : i32
    %mul3A_0 = arith.muli %arg1, %mul3A : i32
    %add3A = arith.addi %mul3A_0, %arg0 : i32
    %mul3A_1 = arith.constant 64 : i32
    %mul3A_2 = arith.muli %add3A, %mul3A_1 : i32
    "tpu.region"() ({
      %run_scoped3A = tpu.sem_alloc : memref<!tpu.dma_semaphore, #tpu.memory_space<semaphore_mem>>
      %dma_start3A_7 = tpu.memref_slice %arg3[%mul3A_2] : memref<2048xi32, #tpu.memory_space<hbm>> -> memref<64xi32, #tpu.memory_space<hbm>>
      %dma_start3A_8 = tpu.memref_slice %arg3[%mul3A_2] : memref<2048xi32, #tpu.memory_space<hbm>> -> memref<64xi32, #tpu.memory_space<hbm>>
      tpu.enqueue_dma source(%dma_start3A_8 : memref<64xi32, #tpu.memory_space<hbm>>) target(%arg5 : memref<64xi32, #tpu.memory_space<vmem>>) target_semaphore(%run_scoped3A : memref<!tpu.dma_semaphore, #tpu.memory_space<semaphore_mem>>)
      %dma_wait3A_9 = tpu.memref_slice %arg3[%mul3A_2] : memref<2048xi32, #tpu.memory_space<hbm>> -> memref<64xi32, #tpu.memory_space<hbm>>
      %dma_wait3A_10 = tpu.memref_slice %arg3[%mul3A_2] : memref<2048xi32, #tpu.memory_space<hbm>> -> memref<64xi32, #tpu.memory_space<hbm>>
      tpu.wait_dma2 semaphore(%run_scoped3A : memref<!tpu.dma_semaphore, #tpu.memory_space<semaphore_mem>>) src(%dma_wait3A_10 : memref<64xi32, #tpu.memory_space<hbm>>) dst(%arg5 : memref<64xi32, #tpu.memory_space<vmem>>)
      tpu.yield
    }) : () -> ()
    %dma_start3A = arith.constant 0 : i32
    %dma_start3A_3 = arith.constant 0 : i32
    %dma_start3A_4 = tpu.memref_slice %arg2[%dma_start3A, %dma_start3A_3] : memref<2048x256xf32, #tpu.memory_space<hbm>> -> memref<2048x256xf32, #tpu.memory_space<hbm>>
    tpu.enqueue_indirect_dma source(%dma_start3A_4 : memref<2048x256xf32, #tpu.memory_space<hbm>>) target(%arg6 : memref<64x256xf32, #tpu.memory_space<vmem>>) offsets(%arg5 : memref<64xi32, #tpu.memory_space<vmem>>) semaphore(%arg7 : memref<!tpu.dma_semaphore, #tpu.memory_space<semaphore_mem>>)
    %dma_wait3A = arith.constant 0 : i32
    %dma_wait3A_5 = arith.constant 0 : i32
    %dma_wait3A_6 = tpu.memref_slice %arg2[%dma_wait3A, %dma_wait3A_5] : memref<2048x256xf32, #tpu.memory_space<hbm>> -> memref<2048x256xf32, #tpu.memory_space<hbm>>
    tpu.wait_indirect_dma semaphore(%arg7 : memref<!tpu.dma_semaphore, #tpu.memory_space<semaphore_mem>>) src(%dma_wait3A_6 : memref<2048x256xf32, #tpu.memory_space<hbm>>) dst(%arg6 : memref<64x256xf32, #tpu.memory_space<vmem>>)
    "tpu.region"() ({
      %run_scoped3A = tpu.sem_alloc : memref<!tpu.dma_semaphore, #tpu.memory_space<semaphore_mem>>
      %dma_start3A_7 = arith.constant 0 : i32
      %dma_start3A_8 = tpu.memref_slice %arg4[%mul3A_2, %dma_start3A_7] : memref<2048x256xf32, #tpu.memory_space<hbm>> -> memref<64x256xf32, #tpu.memory_space<hbm>>
      %dma_start3A_9 = arith.constant 0 : i32
      %dma_start3A_10 = tpu.memref_slice %arg4[%mul3A_2, %dma_start3A_9] : memref<2048x256xf32, #tpu.memory_space<hbm>> -> memref<64x256xf32, #tpu.memory_space<hbm>>
      tpu.enqueue_dma source(%arg6 : memref<64x256xf32, #tpu.memory_space<vmem>>) target(%dma_start3A_10 : memref<64x256xf32, #tpu.memory_space<hbm>>) target_semaphore(%run_scoped3A : memref<!tpu.dma_semaphore, #tpu.memory_space<semaphore_mem>>)
      %dma_wait3A_11 = arith.constant 0 : i32
      %dma_wait3A_12 = tpu.memref_slice %arg4[%mul3A_2, %dma_wait3A_11] : memref<2048x256xf32, #tpu.memory_space<hbm>> -> memref<64x256xf32, #tpu.memory_space<hbm>>
      %dma_wait3A_13 = arith.constant 0 : i32
      %dma_wait3A_14 = tpu.memref_slice %arg4[%mul3A_2, %dma_wait3A_13] : memref<2048x256xf32, #tpu.memory_space<hbm>> -> memref<64x256xf32, #tpu.memory_space<hbm>>
      tpu.wait_dma2 semaphore(%run_scoped3A : memref<!tpu.dma_semaphore, #tpu.memory_space<semaphore_mem>>) src(%arg6 : memref<64x256xf32, #tpu.memory_space<vmem>>) dst(%dma_wait3A_14 : memref<64x256xf32, #tpu.memory_space<hbm>>)
      tpu.yield
    }) : () -> ()
    return
  }
}

#map = affine_map<(d0, d1) -> (0, 0)>
#map1 = affine_map<(d0, d1) -> (0)>
module attributes {stable_mosaic.version = 14 : i64} {
  func.func @k(%arg0: i32, %arg1: i32, %arg2: memref<2048x256xf32, #tpu.memory_space<hbm>>, %arg3: memref<2048xi32, #tpu.memory_space<hbm>>, %arg4: memref<2048x256xf32, #tpu.memory_space<hbm>>, %arg5: memref<64xi32, #tpu.memory_space<vmem>>, %arg6: memref<64x256xf32, #tpu.memory_space<vmem>>, %arg7: memref<!tpu.dma_semaphore, #tpu.memory_space<semaphore_mem>>) attributes {dimension_semantics = [#tpu.dimension_semantics<core_parallel>, #tpu.dimension_semantics<subcore_parallel>], iteration_bounds = array<i64: 2, 16>, scalar_prefetch = 0 : i64, scratch_operands = 3 : i64, tpu.core_type = #tpu.core_type<sc_vector_subcore>, window_params = [{transform_indices = #map}, {transform_indices = #map1}, {transform_indices = #map}]} {
    %mul3A = arith.constant 2 : i32
    %mul3A_0 = arith.muli %arg1, %mul3A : i32
    %add3A = arith.addi %mul3A_0, %arg0 : i32
    %mul3A_1 = arith.constant 64 : i32
    %mul3A_2 = arith.muli %add3A, %mul3A_1 : i32
    "tpu.region"() ({
      %run_scoped3A = tpu.sem_alloc : memref<!tpu.dma_semaphore, #tpu.memory_space<semaphore_mem>>
      %dma_start3A_7 = tpu.memref_slice %arg3[%mul3A_2] : memref<2048xi32, #tpu.memory_space<hbm>> -> memref<64xi32, #tpu.memory_space<hbm>>
      %dma_start3A_8 = tpu.memref_slice %arg3[%mul3A_2] : memref<2048xi32, #tpu.memory_space<hbm>> -> memref<64xi32, #tpu.memory_space<hbm>>
      tpu.enqueue_dma source(%dma_start3A_8 : memref<64xi32, #tpu.memory_space<hbm>>) target(%arg5 : memref<64xi32, #tpu.memory_space<vmem>>) target_semaphore(%run_scoped3A : memref<!tpu.dma_semaphore, #tpu.memory_space<semaphore_mem>>)
      %dma_wait3A_9 = tpu.memref_slice %arg3[%mul3A_2] : memref<2048xi32, #tpu.memory_space<hbm>> -> memref<64xi32, #tpu.memory_space<hbm>>
      %dma_wait3A_10 = tpu.memref_slice %arg3[%mul3A_2] : memref<2048xi32, #tpu.memory_space<hbm>> -> memref<64xi32, #tpu.memory_space<hbm>>
      tpu.wait_dma2 semaphore(%run_scoped3A : memref<!tpu.dma_semaphore, #tpu.memory_space<semaphore_mem>>) src(%dma_wait3A_10 : memref<64xi32, #tpu.memory_space<hbm>>) dst(%arg5 : memref<64xi32, #tpu.memory_space<vmem>>)
      tpu.yield
    }) : () -> ()
    "tpu.region"() ({
      %run_scoped3A = tpu.sem_alloc : memref<!tpu.dma_semaphore, #tpu.memory_space<semaphore_mem>>
      %dma_start3A_7 = arith.constant 0 : i32
      %dma_start3A_8 = tpu.memref_slice %arg2[%mul3A_2, %dma_start3A_7] : memref<2048x256xf32, #tpu.memory_space<hbm>> -> memref<64x256xf32, #tpu.memory_space<hbm>>
      %dma_start3A_9 = arith.constant 0 : i32
      %dma_start3A_10 = tpu.memref_slice %arg2[%mul3A_2, %dma_start3A_9] : memref<2048x256xf32, #tpu.memory_space<hbm>> -> memref<64x256xf32, #tpu.memory_space<hbm>>
      tpu.enqueue_dma source(%dma_start3A_10 : memref<64x256xf32, #tpu.memory_space<hbm>>) target(%arg6 : memref<64x256xf32, #tpu.memory_space<vmem>>) target_semaphore(%run_scoped3A : memref<!tpu.dma_semaphore, #tpu.memory_space<semaphore_mem>>)
      %dma_wait3A_11 = arith.constant 0 : i32
      %dma_wait3A_12 = tpu.memref_slice %arg2[%mul3A_2, %dma_wait3A_11] : memref<2048x256xf32, #tpu.memory_space<hbm>> -> memref<64x256xf32, #tpu.memory_space<hbm>>
      %dma_wait3A_13 = arith.constant 0 : i32
      %dma_wait3A_14 = tpu.memref_slice %arg2[%mul3A_2, %dma_wait3A_13] : memref<2048x256xf32, #tpu.memory_space<hbm>> -> memref<64x256xf32, #tpu.memory_space<hbm>>
      tpu.wait_dma2 semaphore(%run_scoped3A : memref<!tpu.dma_semaphore, #tpu.memory_space<semaphore_mem>>) src(%dma_wait3A_14 : memref<64x256xf32, #tpu.memory_space<hbm>>) dst(%arg6 : memref<64x256xf32, #tpu.memory_space<vmem>>)
      tpu.yield
    }) : () -> ()
    %dma_start3A = arith.constant 0 : i32
    %dma_start3A_3 = arith.constant 0 : i32
    %dma_start3A_4 = tpu.memref_slice %arg4[%dma_start3A, %dma_start3A_3] : memref<2048x256xf32, #tpu.memory_space<hbm>> -> memref<2048x256xf32, #tpu.memory_space<hbm>>
    tpu.enqueue_indirect_dma source(%arg6 : memref<64x256xf32, #tpu.memory_space<vmem>>) target(%dma_start3A_4 : memref<2048x256xf32, #tpu.memory_space<hbm>>) offsets(%arg5 : memref<64xi32, #tpu.memory_space<vmem>>) semaphore(%arg7 : memref<!tpu.dma_semaphore, #tpu.memory_space<semaphore_mem>>)
    %dma_wait3A = arith.constant 0 : i32
    %dma_wait3A_5 = arith.constant 0 : i32
    %dma_wait3A_6 = tpu.memref_slice %arg4[%dma_wait3A, %dma_wait3A_5] : memref<2048x256xf32, #tpu.memory_space<hbm>> -> memref<2048x256xf32, #tpu.memory_space<hbm>>
    tpu.wait_indirect_dma semaphore(%arg7 : memref<!tpu.dma_semaphore, #tpu.memory_space<semaphore_mem>>) src(%arg6 : memref<64x256xf32, #tpu.memory_space<vmem>>) dst(%dma_wait3A_6 : memref<2048x256xf32, #tpu.memory_space<hbm>>)
    return
  }
}

module attributes {stable_mosaic.version = 14 : i64} {
  func.func @_gmm_body(%arg0: i32, %arg1: memref<3xi32, #tpu.memory_space<smem>>, %arg2: memref<79xi32, #tpu.memory_space<smem>>, %arg3: memref<79xi32, #tpu.memory_space<smem>>, %arg4: memref<79xi32, #tpu.memory_space<smem>>, %arg5: memref<79xi32, #tpu.memory_space<smem>>, %arg6: memref<1024x256xf32, #tpu.memory_space<vmem>>, %arg7: memref<64x256x256xbf16, #tpu.memory_space<hbm>>, %arg8: memref<64x256xf32, #tpu.memory_space<vmem>>, %arg9: memref<1024x256xf32, #tpu.memory_space<vmem>>, %arg10: memref<16x256x256xbf16, #tpu.memory_space<vmem>>, %arg11: memref<16x!tpu.dma_semaphore, #tpu.memory_space<semaphore_mem>>) attributes {dimension_semantics = [#tpu.dimension_semantics<parallel>], iteration_bounds = array<i64: 2>, scalar_prefetch = 5 : i64, scratch_operands = 2 : i64, tpu.core_type = #tpu.core_type<tc>, window_params = [{transform_indices = @transform_0, window_bounds = array<i64: 1024, 256>}, {}, {pipeline_mode = #tpu.pipeline_mode<synchronous>, transform_indices = @transform_2, window_bounds = array<i64: 64, 256>}, {transform_indices = @transform_3, window_bounds = array<i64: 1024, 256>}]} {
    %get3A = arith.index_cast %arg0 : i32 to index
    %get3A_0 = memref.load %arg1[%get3A] : memref<3xi32, #tpu.memory_space<smem>>
    %add3A = arith.constant 1 : i32
    %add3A_1 = arith.addi %arg0, %add3A : i32
    %get3A_2 = arith.index_cast %add3A_1 : i32 to index
    %get3A_3 = memref.load %arg1[%get3A_2] : memref<3xi32, #tpu.memory_space<smem>>
    %broadcast_in_dim3A = arith.constant 0.000000e+00 : f32
    %broadcast_in_dim3A_4 = vector.broadcast %broadcast_in_dim3A : f32 to vector<1024x256xf32>
    %swap3A = arith.constant 0 : index
    %swap3A_5 = arith.constant 0 : index
    %swap3A_6 = vector.load %arg9[%swap3A, %swap3A_5] : memref<1024x256xf32, #tpu.memory_space<vmem>>, vector<1024x256xf32>
    tpu.vector_store %arg9[%swap3A, %swap3A_5], %broadcast_in_dim3A_4 {strides = array<i32>} : memref<1024x256xf32, #tpu.memory_space<vmem>>, vector<1024x256xf32>,
    %add3A_7 = arith.constant 0 : i32
    %add3A_8 = arith.addi %get3A_0, %add3A_7 : i32
    %lt3A = arith.cmpi slt, %add3A_8, %get3A_3 : i32
    %convert_element_type3A = arith.extui %lt3A : i1 to i32
    %cond3A = arith.constant 0 : i32
    %cond3A_9 = arith.cmpi ne, %convert_element_type3A, %cond3A : i32
    scf.if %cond3A_9 {
      %add3A_132 = arith.constant 0 : i32
      %add3A_133 = arith.addi %get3A_0, %add3A_132 : i32
      %get3A_134 = arith.index_cast %add3A_133 : i32 to index
      %get3A_135 = memref.load %arg3[%get3A_134] : memref<79xi32, #tpu.memory_space<smem>>
      %dma_start3A = arith.constant 0 : i32
      %dma_start3A_136 = tpu.memref_slice %arg11[%dma_start3A] : memref<16x!tpu.dma_semaphore, #tpu.memory_space<semaphore_mem>> -> memref<1x!tpu.dma_semaphore, #tpu.memory_space<semaphore_mem>>
      %dma_start3A_137 = tpu.memref_squeeze %dma_start3A_136 : memref<1x!tpu.dma_semaphore, #tpu.memory_space<semaphore_mem>> -> memref<!tpu.dma_semaphore, #tpu.memory_space<semaphore_mem>>
      %dma_start3A_138 = arith.constant 0 : i32
      %dma_start3A_139 = arith.constant 0 : i32
      %dma_start3A_140 = arith.constant 0 : i32
      %dma_start3A_141 = tpu.memref_slice %arg10[%dma_start3A_138, %dma_start3A_139, %dma_start3A_140] : memref<16x256x256xbf16, #tpu.memory_space<vmem>> -> memref<1x256x256xbf16, #tpu.memory_space<vmem>>
      %dma_start3A_142 = arith.constant 0 : i32
      %dma_start3A_143 = arith.constant 0 : i32
      %dma_start3A_144 = tpu.memref_slice %arg7[%get3A_135, %dma_start3A_142, %dma_start3A_143] : memref<64x256x256xbf16, #tpu.memory_space<hbm>> -> memref<1x256x256xbf16, #tpu.memory_space<hbm>>
      tpu.enqueue_dma source(%dma_start3A_144 : memref<1x256x256xbf16, #tpu.memory_space<hbm>>) target(%dma_start3A_141 : memref<1x256x256xbf16, #tpu.memory_space<vmem>>) target_semaphore(%dma_start3A_137 : memref<!tpu.dma_semaphore, #tpu.memory_space<semaphore_mem>>)
    } else {
    }
    %add3A_10 = arith.constant 1 : i32
    %add3A_11 = arith.addi %get3A_0, %add3A_10 : i32
    %lt3A_12 = arith.cmpi slt, %add3A_11, %get3A_3 : i32
    %convert_element_type3A_13 = arith.extui %lt3A_12 : i1 to i32
    %cond3A_14 = arith.constant 0 : i32
    %cond3A_15 = arith.cmpi ne, %convert_element_type3A_13, %cond3A_14 : i32
    scf.if %cond3A_15 {
      %add3A_132 = arith.constant 1 : i32
      %add3A_133 = arith.addi %get3A_0, %add3A_132 : i32
      %get3A_134 = arith.index_cast %add3A_133 : i32 to index
      %get3A_135 = memref.load %arg3[%get3A_134] : memref<79xi32, #tpu.memory_space<smem>>
      %dma_start3A = arith.constant 1 : i32
      %dma_start3A_136 = tpu.memref_slice %arg11[%dma_start3A] : memref<16x!tpu.dma_semaphore, #tpu.memory_space<semaphore_mem>> -> memref<1x!tpu.dma_semaphore, #tpu.memory_space<semaphore_mem>>
      %dma_start3A_137 = tpu.memref_squeeze %dma_start3A_136 : memref<1x!tpu.dma_semaphore, #tpu.memory_space<semaphore_mem>> -> memref<!tpu.dma_semaphore, #tpu.memory_space<semaphore_mem>>
      %dma_start3A_138 = arith.constant 1 : i32
      %dma_start3A_139 = arith.constant 0 : i32
      %dma_start3A_140 = arith.constant 0 : i32
      %dma_start3A_141 = tpu.memref_slice %arg10[%dma_start3A_138, %dma_start3A_139, %dma_start3A_140] : memref<16x256x256xbf16, #tpu.memory_space<vmem>> -> memref<1x256x256xbf16, #tpu.memory_space<vmem>>
      %dma_start3A_142 = arith.constant 0 : i32
      %dma_start3A_143 = arith.constant 0 : i32
      %dma_start3A_144 = tpu.memref_slice %arg7[%get3A_135, %dma_start3A_142, %dma_start3A_143] : memref<64x256x256xbf16, #tpu.memory_space<hbm>> -> memref<1x256x256xbf16, #tpu.memory_space<hbm>>
      tpu.enqueue_dma source(%dma_start3A_144 : memref<1x256x256xbf16, #tpu.memory_space<hbm>>) target(%dma_start3A_141 : memref<1x256x256xbf16, #tpu.memory_space<vmem>>) target_semaphore(%dma_start3A_137 : memref<!tpu.dma_semaphore, #tpu.memory_space<semaphore_mem>>)
    } else {
    }
    %add3A_16 = arith.constant 2 : i32
    %add3A_17 = arith.addi %get3A_0, %add3A_16 : i32
    %lt3A_18 = arith.cmpi slt, %add3A_17, %get3A_3 : i32
    %convert_element_type3A_19 = arith.extui %lt3A_18 : i1 to i32
    %cond3A_20 = arith.constant 0 : i32
    %cond3A_21 = arith.cmpi ne, %convert_element_type3A_19, %cond3A_20 : i32
    scf.if %cond3A_21 {
      %add3A_132 = arith.constant 2 : i32
      %add3A_133 = arith.addi %get3A_0, %add3A_132 : i32
      %get3A_134 = arith.index_cast %add3A_133 : i32 to index
      %get3A_135 = memref.load %arg3[%get3A_134] : memref<79xi32, #tpu.memory_space<smem>>
      %dma_start3A = arith.constant 2 : i32
      %dma_start3A_136 = tpu.memref_slice %arg11[%dma_start3A] : memref<16x!tpu.dma_semaphore, #tpu.memory_space<semaphore_mem>> -> memref<1x!tpu.dma_semaphore, #tpu.memory_space<semaphore_mem>>
      %dma_start3A_137 = tpu.memref_squeeze %dma_start3A_136 : memref<1x!tpu.dma_semaphore, #tpu.memory_space<semaphore_mem>> -> memref<!tpu.dma_semaphore, #tpu.memory_space<semaphore_mem>>
      %dma_start3A_138 = arith.constant 2 : i32
      %dma_start3A_139 = arith.constant 0 : i32
      %dma_start3A_140 = arith.constant 0 : i32
      %dma_start3A_141 = tpu.memref_slice %arg10[%dma_start3A_138, %dma_start3A_139, %dma_start3A_140] : memref<16x256x256xbf16, #tpu.memory_space<vmem>> -> memref<1x256x256xbf16, #tpu.memory_space<vmem>>
      %dma_start3A_142 = arith.constant 0 : i32
      %dma_start3A_143 = arith.constant 0 : i32
      %dma_start3A_144 = tpu.memref_slice %arg7[%get3A_135, %dma_start3A_142, %dma_start3A_143] : memref<64x256x256xbf16, #tpu.memory_space<hbm>> -> memref<1x256x256xbf16, #tpu.memory_space<hbm>>
      tpu.enqueue_dma source(%dma_start3A_144 : memref<1x256x256xbf16, #tpu.memory_space<hbm>>) target(%dma_start3A_141 : memref<1x256x256xbf16, #tpu.memory_space<vmem>>) target_semaphore(%dma_start3A_137 : memref<!tpu.dma_semaphore, #tpu.memory_space<semaphore_mem>>)
    } else {
    }
    %add3A_22 = arith.constant 3 : i32
    %add3A_23 = arith.addi %get3A_0, %add3A_22 : i32
    %lt3A_24 = arith.cmpi slt, %add3A_23, %get3A_3 : i32
    %convert_element_type3A_25 = arith.extui %lt3A_24 : i1 to i32
    %cond3A_26 = arith.constant 0 : i32
    %cond3A_27 = arith.cmpi ne, %convert_element_type3A_25, %cond3A_26 : i32
    scf.if %cond3A_27 {
      %add3A_132 = arith.constant 3 : i32
      %add3A_133 = arith.addi %get3A_0, %add3A_132 : i32
      %get3A_134 = arith.index_cast %add3A_133 : i32 to index
      %get3A_135 = memref.load %arg3[%get3A_134] : memref<79xi32, #tpu.memory_space<smem>>
      %dma_start3A = arith.constant 3 : i32
      %dma_start3A_136 = tpu.memref_slice %arg11[%dma_start3A] : memref<16x!tpu.dma_semaphore, #tpu.memory_space<semaphore_mem>> -> memref<1x!tpu.dma_semaphore, #tpu.memory_space<semaphore_mem>>
      %dma_start3A_137 = tpu.memref_squeeze %dma_start3A_136 : memref<1x!tpu.dma_semaphore, #tpu.memory_space<semaphore_mem>> -> memref<!tpu.dma_semaphore, #tpu.memory_space<semaphore_mem>>
      %dma_start3A_138 = arith.constant 3 : i32
      %dma_start3A_139 = arith.constant 0 : i32
      %dma_start3A_140 = arith.constant 0 : i32
      %dma_start3A_141 = tpu.memref_slice %arg10[%dma_start3A_138, %dma_start3A_139, %dma_start3A_140] : memref<16x256x256xbf16, #tpu.memory_space<vmem>> -> memref<1x256x256xbf16, #tpu.memory_space<vmem>>
      %dma_start3A_142 = arith.constant 0 : i32
      %dma_start3A_143 = arith.constant 0 : i32
      %dma_start3A_144 = tpu.memref_slice %arg7[%get3A_135, %dma_start3A_142, %dma_start3A_143] : memref<64x256x256xbf16, #tpu.memory_space<hbm>> -> memref<1x256x256xbf16, #tpu.memory_space<hbm>>
      tpu.enqueue_dma source(%dma_start3A_144 : memref<1x256x256xbf16, #tpu.memory_space<hbm>>) target(%dma_start3A_141 : memref<1x256x256xbf16, #tpu.memory_space<vmem>>) target_semaphore(%dma_start3A_137 : memref<!tpu.dma_semaphore, #tpu.memory_space<semaphore_mem>>)
    } else {
    }
    %add3A_28 = arith.constant 4 : i32
    %add3A_29 = arith.addi %get3A_0, %add3A_28 : i32
    %lt3A_30 = arith.cmpi slt, %add3A_29, %get3A_3 : i32
    %convert_element_type3A_31 = arith.extui %lt3A_30 : i1 to i32
    %cond3A_32 = arith.constant 0 : i32
    %cond3A_33 = arith.cmpi ne, %convert_element_type3A_31, %cond3A_32 : i32
    scf.if %cond3A_33 {
      %add3A_132 = arith.constant 4 : i32
      %add3A_133 = arith.addi %get3A_0, %add3A_132 : i32
      %get3A_134 = arith.index_cast %add3A_133 : i32 to index
      %get3A_135 = memref.load %arg3[%get3A_134] : memref<79xi32, #tpu.memory_space<smem>>
      %dma_start3A = arith.constant 4 : i32
      %dma_start3A_136 = tpu.memref_slice %arg11[%dma_start3A] : memref<16x!tpu.dma_semaphore, #tpu.memory_space<semaphore_mem>> -> memref<1x!tpu.dma_semaphore, #tpu.memory_space<semaphore_mem>>
      %dma_start3A_137 = tpu.memref_squeeze %dma_start3A_136 : memref<1x!tpu.dma_semaphore, #tpu.memory_space<semaphore_mem>> -> memref<!tpu.dma_semaphore, #tpu.memory_space<semaphore_mem>>
      %dma_start3A_138 = arith.constant 4 : i32
      %dma_start3A_139 = arith.constant 0 : i32
      %dma_start3A_140 = arith.constant 0 : i32
      %dma_start3A_141 = tpu.memref_slice %arg10[%dma_start3A_138, %dma_start3A_139, %dma_start3A_140] : memref<16x256x256xbf16, #tpu.memory_space<vmem>> -> memref<1x256x256xbf16, #tpu.memory_space<vmem>>
      %dma_start3A_142 = arith.constant 0 : i32
      %dma_start3A_143 = arith.constant 0 : i32
      %dma_start3A_144 = tpu.memref_slice %arg7[%get3A_135, %dma_start3A_142, %dma_start3A_143] : memref<64x256x256xbf16, #tpu.memory_space<hbm>> -> memref<1x256x256xbf16, #tpu.memory_space<hbm>>
      tpu.enqueue_dma source(%dma_start3A_144 : memref<1x256x256xbf16, #tpu.memory_space<hbm>>) target(%dma_start3A_141 : memref<1x256x256xbf16, #tpu.memory_space<vmem>>) target_semaphore(%dma_start3A_137 : memref<!tpu.dma_semaphore, #tpu.memory_space<semaphore_mem>>)
    } else {
    }
    %add3A_34 = arith.constant 5 : i32
    %add3A_35 = arith.addi %get3A_0, %add3A_34 : i32
    %lt3A_36 = arith.cmpi slt, %add3A_35, %get3A_3 : i32
    %convert_element_type3A_37 = arith.extui %lt3A_36 : i1 to i32
    %cond3A_38 = arith.constant 0 : i32
    %cond3A_39 = arith.cmpi ne, %convert_element_type3A_37, %cond3A_38 : i32
    scf.if %cond3A_39 {
      %add3A_132 = arith.constant 5 : i32
      %add3A_133 = arith.addi %get3A_0, %add3A_132 : i32
      %get3A_134 = arith.index_cast %add3A_133 : i32 to index
      %get3A_135 = memref.load %arg3[%get3A_134] : memref<79xi32, #tpu.memory_space<smem>>
      %dma_start3A = arith.constant 5 : i32
      %dma_start3A_136 = tpu.memref_slice %arg11[%dma_start3A] : memref<16x!tpu.dma_semaphore, #tpu.memory_space<semaphore_mem>> -> memref<1x!tpu.dma_semaphore, #tpu.memory_space<semaphore_mem>>
      %dma_start3A_137 = tpu.memref_squeeze %dma_start3A_136 : memref<1x!tpu.dma_semaphore, #tpu.memory_space<semaphore_mem>> -> memref<!tpu.dma_semaphore, #tpu.memory_space<semaphore_mem>>
      %dma_start3A_138 = arith.constant 5 : i32
      %dma_start3A_139 = arith.constant 0 : i32
      %dma_start3A_140 = arith.constant 0 : i32
      %dma_start3A_141 = tpu.memref_slice %arg10[%dma_start3A_138, %dma_start3A_139, %dma_start3A_140] : memref<16x256x256xbf16, #tpu.memory_space<vmem>> -> memref<1x256x256xbf16, #tpu.memory_space<vmem>>
      %dma_start3A_142 = arith.constant 0 : i32
      %dma_start3A_143 = arith.constant 0 : i32
      %dma_start3A_144 = tpu.memref_slice %arg7[%get3A_135, %dma_start3A_142, %dma_start3A_143] : memref<64x256x256xbf16, #tpu.memory_space<hbm>> -> memref<1x256x256xbf16, #tpu.memory_space<hbm>>
      tpu.enqueue_dma source(%dma_start3A_144 : memref<1x256x256xbf16, #tpu.memory_space<hbm>>) target(%dma_start3A_141 : memref<1x256x256xbf16, #tpu.memory_space<vmem>>) target_semaphore(%dma_start3A_137 : memref<!tpu.dma_semaphore, #tpu.memory_space<semaphore_mem>>)
    } else {
    }
    %add3A_40 = arith.constant 6 : i32
    %add3A_41 = arith.addi %get3A_0, %add3A_40 : i32
    %lt3A_42 = arith.cmpi slt, %add3A_41, %get3A_3 : i32
    %convert_element_type3A_43 = arith.extui %lt3A_42 : i1 to i32
    %cond3A_44 = arith.constant 0 : i32
    %cond3A_45 = arith.cmpi ne, %convert_element_type3A_43, %cond3A_44 : i32
    scf.if %cond3A_45 {
      %add3A_132 = arith.constant 6 : i32
      %add3A_133 = arith.addi %get3A_0, %add3A_132 : i32
      %get3A_134 = arith.index_cast %add3A_133 : i32 to index
      %get3A_135 = memref.load %arg3[%get3A_134] : memref<79xi32, #tpu.memory_space<smem>>
      %dma_start3A = arith.constant 6 : i32
      %dma_start3A_136 = tpu.memref_slice %arg11[%dma_start3A] : memref<16x!tpu.dma_semaphore, #tpu.memory_space<semaphore_mem>> -> memref<1x!tpu.dma_semaphore, #tpu.memory_space<semaphore_mem>>
      %dma_start3A_137 = tpu.memref_squeeze %dma_start3A_136 : memref<1x!tpu.dma_semaphore, #tpu.memory_space<semaphore_mem>> -> memref<!tpu.dma_semaphore, #tpu.memory_space<semaphore_mem>>
      %dma_start3A_138 = arith.constant 6 : i32
      %dma_start3A_139 = arith.constant 0 : i32
      %dma_start3A_140 = arith.constant 0 : i32
      %dma_start3A_141 = tpu.memref_slice %arg10[%dma_start3A_138, %dma_start3A_139, %dma_start3A_140] : memref<16x256x256xbf16, #tpu.memory_space<vmem>> -> memref<1x256x256xbf16, #tpu.memory_space<vmem>>
      %dma_start3A_142 = arith.constant 0 : i32
      %dma_start3A_143 = arith.constant 0 : i32
      %dma_start3A_144 = tpu.memref_slice %arg7[%get3A_135, %dma_start3A_142, %dma_start3A_143] : memref<64x256x256xbf16, #tpu.memory_space<hbm>> -> memref<1x256x256xbf16, #tpu.memory_space<hbm>>
      tpu.enqueue_dma source(%dma_start3A_144 : memref<1x256x256xbf16, #tpu.memory_space<hbm>>) target(%dma_start3A_141 : memref<1x256x256xbf16, #tpu.memory_space<vmem>>) target_semaphore(%dma_start3A_137 : memref<!tpu.dma_semaphore, #tpu.memory_space<semaphore_mem>>)
    } else {
    }
    %add3A_46 = arith.constant 7 : i32
    %add3A_47 = arith.addi %get3A_0, %add3A_46 : i32
    %lt3A_48 = arith.cmpi slt, %add3A_47, %get3A_3 : i32
    %convert_element_type3A_49 = arith.extui %lt3A_48 : i1 to i32
    %cond3A_50 = arith.constant 0 : i32
    %cond3A_51 = arith.cmpi ne, %convert_element_type3A_49, %cond3A_50 : i32
    scf.if %cond3A_51 {
      %add3A_132 = arith.constant 7 : i32
      %add3A_133 = arith.addi %get3A_0, %add3A_132 : i32
      %get3A_134 = arith.index_cast %add3A_133 : i32 to index
      %get3A_135 = memref.load %arg3[%get3A_134] : memref<79xi32, #tpu.memory_space<smem>>
      %dma_start3A = arith.constant 7 : i32
      %dma_start3A_136 = tpu.memref_slice %arg11[%dma_start3A] : memref<16x!tpu.dma_semaphore, #tpu.memory_space<semaphore_mem>> -> memref<1x!tpu.dma_semaphore, #tpu.memory_space<semaphore_mem>>
      %dma_start3A_137 = tpu.memref_squeeze %dma_start3A_136 : memref<1x!tpu.dma_semaphore, #tpu.memory_space<semaphore_mem>> -> memref<!tpu.dma_semaphore, #tpu.memory_space<semaphore_mem>>
      %dma_start3A_138 = arith.constant 7 : i32
      %dma_start3A_139 = arith.constant 0 : i32
      %dma_start3A_140 = arith.constant 0 : i32
      %dma_start3A_141 = tpu.memref_slice %arg10[%dma_start3A_138, %dma_start3A_139, %dma_start3A_140] : memref<16x256x256xbf16, #tpu.memory_space<vmem>> -> memref<1x256x256xbf16, #tpu.memory_space<vmem>>
      %dma_start3A_142 = arith.constant 0 : i32
      %dma_start3A_143 = arith.constant 0 : i32
      %dma_start3A_144 = tpu.memref_slice %arg7[%get3A_135, %dma_start3A_142, %dma_start3A_143] : memref<64x256x256xbf16, #tpu.memory_space<hbm>> -> memref<1x256x256xbf16, #tpu.memory_space<hbm>>
      tpu.enqueue_dma source(%dma_start3A_144 : memref<1x256x256xbf16, #tpu.memory_space<hbm>>) target(%dma_start3A_141 : memref<1x256x256xbf16, #tpu.memory_space<vmem>>) target_semaphore(%dma_start3A_137 : memref<!tpu.dma_semaphore, #tpu.memory_space<semaphore_mem>>)
    } else {
    }
    %add3A_52 = arith.constant 8 : i32
    %add3A_53 = arith.addi %get3A_0, %add3A_52 : i32
    %lt3A_54 = arith.cmpi slt, %add3A_53, %get3A_3 : i32
    %convert_element_type3A_55 = arith.extui %lt3A_54 : i1 to i32
    %cond3A_56 = arith.constant 0 : i32
    %cond3A_57 = arith.cmpi ne, %convert_element_type3A_55, %cond3A_56 : i32
    scf.if %cond3A_57 {
      %add3A_132 = arith.constant 8 : i32
      %add3A_133 = arith.addi %get3A_0, %add3A_132 : i32
      %get3A_134 = arith.index_cast %add3A_133 : i32 to index
      %get3A_135 = memref.load %arg3[%get3A_134] : memref<79xi32, #tpu.memory_space<smem>>
      %dma_start3A = arith.constant 8 : i32
      %dma_start3A_136 = tpu.memref_slice %arg11[%dma_start3A] : memref<16x!tpu.dma_semaphore, #tpu.memory_space<semaphore_mem>> -> memref<1x!tpu.dma_semaphore, #tpu.memory_space<semaphore_mem>>
      %dma_start3A_137 = tpu.memref_squeeze %dma_start3A_136 : memref<1x!tpu.dma_semaphore, #tpu.memory_space<semaphore_mem>> -> memref<!tpu.dma_semaphore, #tpu.memory_space<semaphore_mem>>
      %dma_start3A_138 = arith.constant 8 : i32
      %dma_start3A_139 = arith.constant 0 : i32
      %dma_start3A_140 = arith.constant 0 : i32
      %dma_start3A_141 = tpu.memref_slice %arg10[%dma_start3A_138, %dma_start3A_139, %dma_start3A_140] : memref<16x256x256xbf16, #tpu.memory_space<vmem>> -> memref<1x256x256xbf16, #tpu.memory_space<vmem>>
      %dma_start3A_142 = arith.constant 0 : i32
      %dma_start3A_143 = arith.constant 0 : i32
      %dma_start3A_144 = tpu.memref_slice %arg7[%get3A_135, %dma_start3A_142, %dma_start3A_143] : memref<64x256x256xbf16, #tpu.memory_space<hbm>> -> memref<1x256x256xbf16, #tpu.memory_space<hbm>>
      tpu.enqueue_dma source(%dma_start3A_144 : memref<1x256x256xbf16, #tpu.memory_space<hbm>>) target(%dma_start3A_141 : memref<1x256x256xbf16, #tpu.memory_space<vmem>>) target_semaphore(%dma_start3A_137 : memref<!tpu.dma_semaphore, #tpu.memory_space<semaphore_mem>>)
    } else {
    }
    %add3A_58 = arith.constant 9 : i32
    %add3A_59 = arith.addi %get3A_0, %add3A_58 : i32
    %lt3A_60 = arith.cmpi slt, %add3A_59, %get3A_3 : i32
    %convert_element_type3A_61 = arith.extui %lt3A_60 : i1 to i32
    %cond3A_62 = arith.constant 0 : i32
    %cond3A_63 = arith.cmpi ne, %convert_element_type3A_61, %cond3A_62 : i32
    scf.if %cond3A_63 {
      %add3A_132 = arith.constant 9 : i32
      %add3A_133 = arith.addi %get3A_0, %add3A_132 : i32
      %get3A_134 = arith.index_cast %add3A_133 : i32 to index
      %get3A_135 = memref.load %arg3[%get3A_134] : memref<79xi32, #tpu.memory_space<smem>>
      %dma_start3A = arith.constant 9 : i32
      %dma_start3A_136 = tpu.memref_slice %arg11[%dma_start3A] : memref<16x!tpu.dma_semaphore, #tpu.memory_space<semaphore_mem>> -> memref<1x!tpu.dma_semaphore, #tpu.memory_space<semaphore_mem>>
      %dma_start3A_137 = tpu.memref_squeeze %dma_start3A_136 : memref<1x!tpu.dma_semaphore, #tpu.memory_space<semaphore_mem>> -> memref<!tpu.dma_semaphore, #tpu.memory_space<semaphore_mem>>
      %dma_start3A_138 = arith.constant 9 : i32
      %dma_start3A_139 = arith.constant 0 : i32
      %dma_start3A_140 = arith.constant 0 : i32
      %dma_start3A_141 = tpu.memref_slice %arg10[%dma_start3A_138, %dma_start3A_139, %dma_start3A_140] : memref<16x256x256xbf16, #tpu.memory_space<vmem>> -> memref<1x256x256xbf16, #tpu.memory_space<vmem>>
      %dma_start3A_142 = arith.constant 0 : i32
      %dma_start3A_143 = arith.constant 0 : i32
      %dma_start3A_144 = tpu.memref_slice %arg7[%get3A_135, %dma_start3A_142, %dma_start3A_143] : memref<64x256x256xbf16, #tpu.memory_space<hbm>> -> memref<1x256x256xbf16, #tpu.memory_space<hbm>>
      tpu.enqueue_dma source(%dma_start3A_144 : memref<1x256x256xbf16, #tpu.memory_space<hbm>>) target(%dma_start3A_141 : memref<1x256x256xbf16, #tpu.memory_space<vmem>>) target_semaphore(%dma_start3A_137 : memref<!tpu.dma_semaphore, #tpu.memory_space<semaphore_mem>>)
    } else {
    }
    %add3A_64 = arith.constant 10 : i32
    %add3A_65 = arith.addi %get3A_0, %add3A_64 : i32
    %lt3A_66 = arith.cmpi slt, %add3A_65, %get3A_3 : i32
    %convert_element_type3A_67 = arith.extui %lt3A_66 : i1 to i32
    %cond3A_68 = arith.constant 0 : i32
    %cond3A_69 = arith.cmpi ne, %convert_element_type3A_67, %cond3A_68 : i32
    scf.if %cond3A_69 {
      %add3A_132 = arith.constant 10 : i32
      %add3A_133 = arith.addi %get3A_0, %add3A_132 : i32
      %get3A_134 = arith.index_cast %add3A_133 : i32 to index
      %get3A_135 = memref.load %arg3[%get3A_134] : memref<79xi32, #tpu.memory_space<smem>>
      %dma_start3A = arith.constant 10 : i32
      %dma_start3A_136 = tpu.memref_slice %arg11[%dma_start3A] : memref<16x!tpu.dma_semaphore, #tpu.memory_space<semaphore_mem>> -> memref<1x!tpu.dma_semaphore, #tpu.memory_space<semaphore_mem>>
      %dma_start3A_137 = tpu.memref_squeeze %dma_start3A_136 : memref<1x!tpu.dma_semaphore, #tpu.memory_space<semaphore_mem>> -> memref<!tpu.dma_semaphore, #tpu.memory_space<semaphore_mem>>
      %dma_start3A_138 = arith.constant 10 : i32
      %dma_start3A_139 = arith.constant 0 : i32
      %dma_start3A_140 = arith.constant 0 : i32
      %dma_start3A_141 = tpu.memref_slice %arg10[%dma_start3A_138, %dma_start3A_139, %dma_start3A_140] : memref<16x256x256xbf16, #tpu.memory_space<vmem>> -> memref<1x256x256xbf16, #tpu.memory_space<vmem>>
      %dma_start3A_142 = arith.constant 0 : i32
      %dma_start3A_143 = arith.constant 0 : i32
      %dma_start3A_144 = tpu.memref_slice %arg7[%get3A_135, %dma_start3A_142, %dma_start3A_143] : memref<64x256x256xbf16, #tpu.memory_space<hbm>> -> memref<1x256x256xbf16, #tpu.memory_space<hbm>>
      tpu.enqueue_dma source(%dma_start3A_144 : memref<1x256x256xbf16, #tpu.memory_space<hbm>>) target(%dma_start3A_141 : memref<1x256x256xbf16, #tpu.memory_space<vmem>>) target_semaphore(%dma_start3A_137 : memref<!tpu.dma_semaphore, #tpu.memory_space<semaphore_mem>>)
    } else {
    }
    %add3A_70 = arith.constant 11 : i32
    %add3A_71 = arith.addi %get3A_0, %add3A_70 : i32
    %lt3A_72 = arith.cmpi slt, %add3A_71, %get3A_3 : i32
    %convert_element_type3A_73 = arith.extui %lt3A_72 : i1 to i32
    %cond3A_74 = arith.constant 0 : i32
    %cond3A_75 = arith.cmpi ne, %convert_element_type3A_73, %cond3A_74 : i32
    scf.if %cond3A_75 {
      %add3A_132 = arith.constant 11 : i32
      %add3A_133 = arith.addi %get3A_0, %add3A_132 : i32
      %get3A_134 = arith.index_cast %add3A_133 : i32 to index
      %get3A_135 = memref.load %arg3[%get3A_134] : memref<79xi32, #tpu.memory_space<smem>>
      %dma_start3A = arith.constant 11 : i32
      %dma_start3A_136 = tpu.memref_slice %arg11[%dma_start3A] : memref<16x!tpu.dma_semaphore, #tpu.memory_space<semaphore_mem>> -> memref<1x!tpu.dma_semaphore, #tpu.memory_space<semaphore_mem>>
      %dma_start3A_137 = tpu.memref_squeeze %dma_start3A_136 : memref<1x!tpu.dma_semaphore, #tpu.memory_space<semaphore_mem>> -> memref<!tpu.dma_semaphore, #tpu.memory_space<semaphore_mem>>
      %dma_start3A_138 = arith.constant 11 : i32
      %dma_start3A_139 = arith.constant 0 : i32
      %dma_start3A_140 = arith.constant 0 : i32
      %dma_start3A_141 = tpu.memref_slice %arg10[%dma_start3A_138, %dma_start3A_139, %dma_start3A_140] : memref<16x256x256xbf16, #tpu.memory_space<vmem>> -> memref<1x256x256xbf16, #tpu.memory_space<vmem>>
      %dma_start3A_142 = arith.constant 0 : i32
      %dma_start3A_143 = arith.constant 0 : i32
      %dma_start3A_144 = tpu.memref_slice %arg7[%get3A_135, %dma_start3A_142, %dma_start3A_143] : memref<64x256x256xbf16, #tpu.memory_space<hbm>> -> memref<1x256x256xbf16, #tpu.memory_space<hbm>>
      tpu.enqueue_dma source(%dma_start3A_144 : memref<1x256x256xbf16, #tpu.memory_space<hbm>>) target(%dma_start3A_141 : memref<1x256x256xbf16, #tpu.memory_space<vmem>>) target_semaphore(%dma_start3A_137 : memref<!tpu.dma_semaphore, #tpu.memory_space<semaphore_mem>>)
    } else {
    }
    %add3A_76 = arith.constant 12 : i32
    %add3A_77 = arith.addi %get3A_0, %add3A_76 : i32
    %lt3A_78 = arith.cmpi slt, %add3A_77, %get3A_3 : i32
    %convert_element_type3A_79 = arith.extui %lt3A_78 : i1 to i32
    %cond3A_80 = arith.constant 0 : i32
    %cond3A_81 = arith.cmpi ne, %convert_element_type3A_79, %cond3A_80 : i32
    scf.if %cond3A_81 {
      %add3A_132 = arith.constant 12 : i32
      %add3A_133 = arith.addi %get3A_0, %add3A_132 : i32
      %get3A_134 = arith.index_cast %add3A_133 : i32 to index
      %get3A_135 = memref.load %arg3[%get3A_134] : memref<79xi32, #tpu.memory_space<smem>>
      %dma_start3A = arith.constant 12 : i32
      %dma_start3A_136 = tpu.memref_slice %arg11[%dma_start3A] : memref<16x!tpu.dma_semaphore, #tpu.memory_space<semaphore_mem>> -> memref<1x!tpu.dma_semaphore, #tpu.memory_space<semaphore_mem>>
      %dma_start3A_137 = tpu.memref_squeeze %dma_start3A_136 : memref<1x!tpu.dma_semaphore, #tpu.memory_space<semaphore_mem>> -> memref<!tpu.dma_semaphore, #tpu.memory_space<semaphore_mem>>
      %dma_start3A_138 = arith.constant 12 : i32
      %dma_start3A_139 = arith.constant 0 : i32
      %dma_start3A_140 = arith.constant 0 : i32
      %dma_start3A_141 = tpu.memref_slice %arg10[%dma_start3A_138, %dma_start3A_139, %dma_start3A_140] : memref<16x256x256xbf16, #tpu.memory_space<vmem>> -> memref<1x256x256xbf16, #tpu.memory_space<vmem>>
      %dma_start3A_142 = arith.constant 0 : i32
      %dma_start3A_143 = arith.constant 0 : i32
      %dma_start3A_144 = tpu.memref_slice %arg7[%get3A_135, %dma_start3A_142, %dma_start3A_143] : memref<64x256x256xbf16, #tpu.memory_space<hbm>> -> memref<1x256x256xbf16, #tpu.memory_space<hbm>>
      tpu.enqueue_dma source(%dma_start3A_144 : memref<1x256x256xbf16, #tpu.memory_space<hbm>>) target(%dma_start3A_141 : memref<1x256x256xbf16, #tpu.memory_space<vmem>>) target_semaphore(%dma_start3A_137 : memref<!tpu.dma_semaphore, #tpu.memory_space<semaphore_mem>>)
    } else {
    }
    %add3A_82 = arith.constant 13 : i32
    %add3A_83 = arith.addi %get3A_0, %add3A_82 : i32
    %lt3A_84 = arith.cmpi slt, %add3A_83, %get3A_3 : i32
    %convert_element_type3A_85 = arith.extui %lt3A_84 : i1 to i32
    %cond3A_86 = arith.constant 0 : i32
    %cond3A_87 = arith.cmpi ne, %convert_element_type3A_85, %cond3A_86 : i32
    scf.if %cond3A_87 {
      %add3A_132 = arith.constant 13 : i32
      %add3A_133 = arith.addi %get3A_0, %add3A_132 : i32
      %get3A_134 = arith.index_cast %add3A_133 : i32 to index
      %get3A_135 = memref.load %arg3[%get3A_134] : memref<79xi32, #tpu.memory_space<smem>>
      %dma_start3A = arith.constant 13 : i32
      %dma_start3A_136 = tpu.memref_slice %arg11[%dma_start3A] : memref<16x!tpu.dma_semaphore, #tpu.memory_space<semaphore_mem>> -> memref<1x!tpu.dma_semaphore, #tpu.memory_space<semaphore_mem>>
      %dma_start3A_137 = tpu.memref_squeeze %dma_start3A_136 : memref<1x!tpu.dma_semaphore, #tpu.memory_space<semaphore_mem>> -> memref<!tpu.dma_semaphore, #tpu.memory_space<semaphore_mem>>
      %dma_start3A_138 = arith.constant 13 : i32
      %dma_start3A_139 = arith.constant 0 : i32
      %dma_start3A_140 = arith.constant 0 : i32
      %dma_start3A_141 = tpu.memref_slice %arg10[%dma_start3A_138, %dma_start3A_139, %dma_start3A_140] : memref<16x256x256xbf16, #tpu.memory_space<vmem>> -> memref<1x256x256xbf16, #tpu.memory_space<vmem>>
      %dma_start3A_142 = arith.constant 0 : i32
      %dma_start3A_143 = arith.constant 0 : i32
      %dma_start3A_144 = tpu.memref_slice %arg7[%get3A_135, %dma_start3A_142, %dma_start3A_143] : memref<64x256x256xbf16, #tpu.memory_space<hbm>> -> memref<1x256x256xbf16, #tpu.memory_space<hbm>>
      tpu.enqueue_dma source(%dma_start3A_144 : memref<1x256x256xbf16, #tpu.memory_space<hbm>>) target(%dma_start3A_141 : memref<1x256x256xbf16, #tpu.memory_space<vmem>>) target_semaphore(%dma_start3A_137 : memref<!tpu.dma_semaphore, #tpu.memory_space<semaphore_mem>>)
    } else {
    }
    %add3A_88 = arith.constant 14 : i32
    %add3A_89 = arith.addi %get3A_0, %add3A_88 : i32
    %lt3A_90 = arith.cmpi slt, %add3A_89, %get3A_3 : i32
    %convert_element_type3A_91 = arith.extui %lt3A_90 : i1 to i32
    %cond3A_92 = arith.constant 0 : i32
    %cond3A_93 = arith.cmpi ne, %convert_element_type3A_91, %cond3A_92 : i32
    scf.if %cond3A_93 {
      %add3A_132 = arith.constant 14 : i32
      %add3A_133 = arith.addi %get3A_0, %add3A_132 : i32
      %get3A_134 = arith.index_cast %add3A_133 : i32 to index
      %get3A_135 = memref.load %arg3[%get3A_134] : memref<79xi32, #tpu.memory_space<smem>>
      %dma_start3A = arith.constant 14 : i32
      %dma_start3A_136 = tpu.memref_slice %arg11[%dma_start3A] : memref<16x!tpu.dma_semaphore, #tpu.memory_space<semaphore_mem>> -> memref<1x!tpu.dma_semaphore, #tpu.memory_space<semaphore_mem>>
      %dma_start3A_137 = tpu.memref_squeeze %dma_start3A_136 : memref<1x!tpu.dma_semaphore, #tpu.memory_space<semaphore_mem>> -> memref<!tpu.dma_semaphore, #tpu.memory_space<semaphore_mem>>
      %dma_start3A_138 = arith.constant 14 : i32
      %dma_start3A_139 = arith.constant 0 : i32
      %dma_start3A_140 = arith.constant 0 : i32
      %dma_start3A_141 = tpu.memref_slice %arg10[%dma_start3A_138, %dma_start3A_139, %dma_start3A_140] : memref<16x256x256xbf16, #tpu.memory_space<vmem>> -> memref<1x256x256xbf16, #tpu.memory_space<vmem>>
      %dma_start3A_142 = arith.constant 0 : i32
      %dma_start3A_143 = arith.constant 0 : i32
      %dma_start3A_144 = tpu.memref_slice %arg7[%get3A_135, %dma_start3A_142, %dma_start3A_143] : memref<64x256x256xbf16, #tpu.memory_space<hbm>> -> memref<1x256x256xbf16, #tpu.memory_space<hbm>>
      tpu.enqueue_dma source(%dma_start3A_144 : memref<1x256x256xbf16, #tpu.memory_space<hbm>>) target(%dma_start3A_141 : memref<1x256x256xbf16, #tpu.memory_space<vmem>>) target_semaphore(%dma_start3A_137 : memref<!tpu.dma_semaphore, #tpu.memory_space<semaphore_mem>>)
    } else {
    }
    %add3A_94 = arith.constant 15 : i32
    %add3A_95 = arith.addi %get3A_0, %add3A_94 : i32
    %lt3A_96 = arith.cmpi slt, %add3A_95, %get3A_3 : i32
    %convert_element_type3A_97 = arith.extui %lt3A_96 : i1 to i32
    %cond3A_98 = arith.constant 0 : i32
    %cond3A_99 = arith.cmpi ne, %convert_element_type3A_97, %cond3A_98 : i32
    scf.if %cond3A_99 {
      %add3A_132 = arith.constant 15 : i32
      %add3A_133 = arith.addi %get3A_0, %add3A_132 : i32
      %get3A_134 = arith.index_cast %add3A_133 : i32 to index
      %get3A_135 = memref.load %arg3[%get3A_134] : memref<79xi32, #tpu.memory_space<smem>>
      %dma_start3A = arith.constant 15 : i32
      %dma_start3A_136 = tpu.memref_slice %arg11[%dma_start3A] : memref<16x!tpu.dma_semaphore, #tpu.memory_space<semaphore_mem>> -> memref<1x!tpu.dma_semaphore, #tpu.memory_space<semaphore_mem>>
      %dma_start3A_137 = tpu.memref_squeeze %dma_start3A_136 : memref<1x!tpu.dma_semaphore, #tpu.memory_space<semaphore_mem>> -> memref<!tpu.dma_semaphore, #tpu.memory_space<semaphore_mem>>
      %dma_start3A_138 = arith.constant 15 : i32
      %dma_start3A_139 = arith.constant 0 : i32
      %dma_start3A_140 = arith.constant 0 : i32
      %dma_start3A_141 = tpu.memref_slice %arg10[%dma_start3A_138, %dma_start3A_139, %dma_start3A_140] : memref<16x256x256xbf16, #tpu.memory_space<vmem>> -> memref<1x256x256xbf16, #tpu.memory_space<vmem>>
      %dma_start3A_142 = arith.constant 0 : i32
      %dma_start3A_143 = arith.constant 0 : i32
      %dma_start3A_144 = tpu.memref_slice %arg7[%get3A_135, %dma_start3A_142, %dma_start3A_143] : memref<64x256x256xbf16, #tpu.memory_space<hbm>> -> memref<1x256x256xbf16, #tpu.memory_space<hbm>>
      tpu.enqueue_dma source(%dma_start3A_144 : memref<1x256x256xbf16, #tpu.memory_space<hbm>>) target(%dma_start3A_141 : memref<1x256x256xbf16, #tpu.memory_space<vmem>>) target_semaphore(%dma_start3A_137 : memref<!tpu.dma_semaphore, #tpu.memory_space<semaphore_mem>>)
    } else {
    }
    %sub3A = arith.subi %get3A_3, %get3A_0 : i32
    %add3A_100 = arith.constant 16 : i32
    %add3A_101 = arith.addi %sub3A, %add3A_100 : i32
    %sub3A_102 = arith.constant 1 : i32
    %sub3A_103 = arith.subi %add3A_101, %sub3A_102 : i32
    %jit3A = arith.constant 16 : i32
    %div3A = arith.divsi %sub3A_103, %jit3A : i32
    %sign3A = arith.constant 0 : i32
    %sign3A_104 = arith.cmpi sgt, %sub3A_103, %sign3A : i32
    %sign3A_105 = arith.extui %sign3A_104 : i1 to i32
    %sign3A_106 = arith.constant 0 : i32
    %sign3A_107 = arith.cmpi slt, %sub3A_103, %sign3A_106 : i32
    %sign3A_108 = arith.extui %sign3A_107 : i1 to i32
    %sign3A_109 = arith.subi %sign3A_105, %sign3A_108 : i32
    %sign3A_110 = arith.constant 0 : i32
    %sign3A_111 = arith.cmpi sgt, %jit3A, %sign3A_110 : i32
    %sign3A_112 = arith.extui %sign3A_111 : i1 to i32
    %sign3A_113 = arith.constant 0 : i32
    %sign3A_114 = arith.cmpi slt, %jit3A, %sign3A_113 : i32
    %sign3A_115 = arith.extui %sign3A_114 : i1 to i32
    %sign3A_116 = arith.subi %sign3A_112, %sign3A_115 : i32
    %ne3A = arith.cmpi ne, %sign3A_109, %sign3A_116 : i32
    %rem3A = arith.remsi %sub3A_103, %jit3A : i32
    %ne3A_117 = arith.constant 0 : i32
    %ne3A_118 = arith.cmpi ne, %rem3A, %ne3A_117 : i32
    %and3A = arith.andi %ne3A, %ne3A_118 : i1
    %sub3A_119 = arith.constant 1 : i32
    %sub3A_120 = arith.subi %div3A, %sub3A_119 : i32
    %select_n3A = arith.select %and3A, %sub3A_120, %div3A : i32
    %while3A = arith.constant 0 : i32
    %while3A_121 = arith.constant 0 : i32
    %while3A_122 = arith.subi %select_n3A, %while3A : i32
    %while3A_123 = arith.addi %while3A, %while3A_122 : i32
    %while3A_124 = arith.constant 1 : i32
    %while3A_125 = arith.divsi %while3A_122, %while3A_124 : i32
    %while3A_126 = arith.muli %while3A_125, %while3A_124 : i32
    %while3A_127 = arith.addi %while3A, %while3A_126 : i32
    %while3A_128 = arith.constant 1 : i32
    %while3A_129 = scf.for %while3A_132 = %while3A to %while3A_127 step %while3A_128 iter_args(%while3A_133 = %while3A_121) -> (i32)  : i32 {
      %mul3A = arith.constant 16 : i32
      %mul3A_134 = arith.muli %while3A_132, %mul3A : i32
      %add3A_135 = arith.addi %get3A_0, %mul3A_134 : i32
      %add3A_136 = arith.constant 0 : i32
      %add3A_137 = arith.addi %add3A_135, %add3A_136 : i32
      %lt3A_138 = arith.cmpi slt, %add3A_137, %get3A_3 : i32
      %convert_element_type3A_139 = arith.extui %lt3A_138 : i1 to i32
      %cond3A_140 = arith.constant 0 : i32
      %cond3A_141 = arith.cmpi ne, %convert_element_type3A_139, %cond3A_140 : i32
      scf.if %cond3A_141 {
        %add3A_233 = arith.constant 0 : i32
        %add3A_234 = arith.addi %add3A_135, %add3A_233 : i32
        %dma_wait3A = arith.constant 0 : i32
        %dma_wait3A_235 = tpu.memref_slice %arg11[%dma_wait3A] : memref<16x!tpu.dma_semaphore, #tpu.memory_space<semaphore_mem>> -> memref<1x!tpu.dma_semaphore, #tpu.memory_space<semaphore_mem>>
        %dma_wait3A_236 = tpu.memref_squeeze %dma_wait3A_235 : memref<1x!tpu.dma_semaphore, #tpu.memory_space<semaphore_mem>> -> memref<!tpu.dma_semaphore, #tpu.memory_space<semaphore_mem>>
        %dma_wait3A_237 = arith.constant 0 : i32
        %dma_wait3A_238 = arith.constant 0 : i32
        %dma_wait3A_239 = arith.constant 0 : i32
        %dma_wait3A_240 = tpu.memref_slice %arg10[%dma_wait3A_237, %dma_wait3A_238, %dma_wait3A_239] : memref<16x256x256xbf16, #tpu.memory_space<vmem>> -> memref<1x256x256xbf16, #tpu.memory_space<vmem>>
        %dma_wait3A_241 = arith.constant 0 : i32
        %dma_wait3A_242 = arith.constant 0 : i32
        %dma_wait3A_243 = arith.constant 0 : i32
        %dma_wait3A_244 = tpu.memref_slice %arg7[%dma_wait3A_241, %dma_wait3A_242, %dma_wait3A_243] : memref<64x256x256xbf16, #tpu.memory_space<hbm>> -> memref<1x256x256xbf16, #tpu.memory_space<hbm>>
        tpu.wait_dma2 semaphore(%dma_wait3A_236 : memref<!tpu.dma_semaphore, #tpu.memory_space<semaphore_mem>>) src(%dma_wait3A_244 : memref<1x256x256xbf16, #tpu.memory_space<hbm>>) dst(%dma_wait3A_240 : memref<1x256x256xbf16, #tpu.memory_space<vmem>>)
        %get3A_245 = arith.index_cast %add3A_234 : i32 to index
        %get3A_246 = memref.load %arg2[%get3A_245] : memref<79xi32, #tpu.memory_space<smem>>
        %get3A_247 = arith.index_cast %add3A_234 : i32 to index
        %get3A_248 = memref.load %arg4[%get3A_247] : memref<79xi32, #tpu.memory_space<smem>>
        %get3A_249 = arith.index_cast %add3A_234 : i32 to index
        %get3A_250 = memref.load %arg5[%get3A_249] : memref<79xi32, #tpu.memory_space<smem>>
        %mul3A_251 = arith.constant 128 : i32
        %mul3A_252 = arith.muli %get3A_246, %mul3A_251 : i32
        %mul3A_253 = arith.constant 1024 : i32
        %mul3A_254 = arith.muli %arg0, %mul3A_253 : i32
        %sub3A_255 = arith.subi %mul3A_252, %mul3A_254 : i32
        %iota3A = tpu.iota {dimensions = array<i32: 0>} : vector<128x1xi32>
        %add3A_256 = vector.broadcast %mul3A_252 : i32 to vector<128x1xi32>
        %add3A_257 = arith.addi %add3A_256, %iota3A : vector<128x1xi32>
        %ge3A = vector.broadcast %get3A_248 : i32 to vector<128x1xi32>
        %ge3A_258 = arith.cmpi sge, %add3A_257, %ge3A : vector<128x1xi32>
        %lt3A_259 = vector.broadcast %get3A_250 : i32 to vector<128x1xi32>
        %lt3A_260 = arith.cmpi slt, %add3A_257, %lt3A_259 : vector<128x1xi32>
        %and3A_261 = arith.andi %ge3A_258, %lt3A_260 : vector<128x1xi1>
        %get3A_262 = arith.index_cast %sub3A_255 : i32 to index
        %get3A_263 = arith.constant 0 : index
        %get3A_264 = vector.load %arg6[%get3A_262, %get3A_263] : memref<1024x256xf32, #tpu.memory_space<vmem>>, vector<128x256xf32>
        %jit3A_265 = arith.constant 0.000000e+00 : f32
        %broadcast_in_dim3A_266 = vector.shape_cast %and3A_261 : vector<128x1xi1> to vector<128x1xi1>
        %broadcast_in_dim3A_267 = vector.broadcast %broadcast_in_dim3A_266 : vector<128x1xi1> to vector<128x256xi1>
        %broadcast_in_dim3A_268 = vector.broadcast %jit3A_265 : f32 to vector<128x256xf32>
        %select_n3A_269 = arith.select %broadcast_in_dim3A_267, %get3A_264, %broadcast_in_dim3A_268 : vector<128x256xi1>, vector<128x256xf32>
        %convert_element_type3A_270 = arith.truncf %select_n3A_269 : vector<128x256xf32> to vector<128x256xbf16>
        %get3A_271 = arith.constant 0 : index
        %get3A_272 = arith.constant 0 : index
        %get3A_273 = arith.constant 0 : index
        %get3A_274 = vector.load %arg10[%get3A_271, %get3A_272, %get3A_273] : memref<16x256x256xbf16, #tpu.memory_space<vmem>>, vector<1x256x256xbf16>
        %squeeze3A = vector.shape_cast %get3A_274 : vector<1x256x256xbf16> to vector<256x256xbf16>
        %dot_general3A = arith.constant dense<0.000000e+00> : vector<128x256xf32>
        %dot_general3A_275 = tpu.matmul %convert_element_type3A_270, %squeeze3A, %dot_general3A {dimension_numbers = #tpu.dot_dimension_numbers<[1], [1], [0], [0], [0, 0, 1, 0], [], []>, transpose_lhs_hint = false} : vector<128x256xbf16>, vector<256x256xbf16>, vector<128x256xf32> -> vector<128x256xf32>
        %get3A_276 = arith.index_cast %add3A_234 : i32 to index
        %get3A_277 = memref.load %arg3[%get3A_276] : memref<79xi32, #tpu.memory_space<smem>>
        %get3A_278 = arith.index_cast %get3A_277 : i32 to index
        %get3A_279 = arith.constant 0 : index
        %get3A_280 = vector.load %arg8[%get3A_278, %get3A_279] : memref<64x256xf32, #tpu.memory_space<vmem>>, vector<1x256xf32>
        %jit3A_281 = arith.constant 0.000000e+00 : f32
        %broadcast_in_dim3A_282 = vector.shape_cast %and3A_261 : vector<128x1xi1> to vector<128x1xi1>
        %broadcast_in_dim3A_283 = vector.broadcast %broadcast_in_dim3A_282 : vector<128x1xi1> to vector<128x256xi1>
        %broadcast_in_dim3A_284 = vector.shape_cast %get3A_280 : vector<1x256xf32> to vector<1x256xf32>
        %broadcast_in_dim3A_285 = vector.broadcast %broadcast_in_dim3A_284 : vector<1x256xf32> to vector<128x256xf32>
        %broadcast_in_dim3A_286 = vector.broadcast %jit3A_281 : f32 to vector<128x256xf32>
        %select_n3A_287 = arith.select %broadcast_in_dim3A_283, %broadcast_in_dim3A_285, %broadcast_in_dim3A_286 : vector<128x256xi1>, vector<128x256xf32>
        %add3A_288 = arith.addf %dot_general3A_275, %select_n3A_287 : vector<128x256xf32>
        %get3A_289 = arith.index_cast %sub3A_255 : i32 to index
        %get3A_290 = arith.constant 0 : index
        %get3A_291 = vector.load %arg9[%get3A_289, %get3A_290] : memref<1024x256xf32, #tpu.memory_space<vmem>>, vector<128x256xf32>
        %add3A_292 = arith.addf %get3A_291, %add3A_288 : vector<128x256xf32>
        %swap3A_293 = arith.index_cast %sub3A_255 : i32 to index
        %swap3A_294 = arith.constant 0 : index
        %swap3A_295 = vector.load %arg9[%swap3A_293, %swap3A_294] : memref<1024x256xf32, #tpu.memory_space<vmem>>, vector<128x256xf32>
        tpu.vector_store %arg9[%swap3A_293, %swap3A_294], %add3A_292 {strides = array<i32>} : memref<1024x256xf32, #tpu.memory_space<vmem>>, vector<128x256xf32>,
        %add3A_296 = arith.constant 16 : i32
        %add3A_297 = arith.addi %add3A_234, %add3A_296 : i32
        %lt3A_298 = arith.cmpi slt, %add3A_297, %get3A_3 : i32
        %convert_element_type3A_299 = arith.extui %lt3A_298 : i1 to i32
        %cond3A_300 = arith.constant 0 : i32
        %cond3A_301 = arith.cmpi ne, %convert_element_type3A_299, %cond3A_300 : i32
        scf.if %cond3A_301 {
          %add3A_302 = arith.constant 16 : i32
          %add3A_303 = arith.addi %add3A_234, %add3A_302 : i32
          %get3A_304 = arith.index_cast %add3A_303 : i32 to index
          %get3A_305 = memref.load %arg3[%get3A_304] : memref<79xi32, #tpu.memory_space<smem>>
          %dma_start3A = arith.constant 0 : i32
          %dma_start3A_306 = tpu.memref_slice %arg11[%dma_start3A] : memref<16x!tpu.dma_semaphore, #tpu.memory_space<semaphore_mem>> -> memref<1x!tpu.dma_semaphore, #tpu.memory_space<semaphore_mem>>
          %dma_start3A_307 = tpu.memref_squeeze %dma_start3A_306 : memref<1x!tpu.dma_semaphore, #tpu.memory_space<semaphore_mem>> -> memref<!tpu.dma_semaphore, #tpu.memory_space<semaphore_mem>>
          %dma_start3A_308 = arith.constant 0 : i32
          %dma_start3A_309 = arith.constant 0 : i32
          %dma_start3A_310 = arith.constant 0 : i32
          %dma_start3A_311 = tpu.memref_slice %arg10[%dma_start3A_308, %dma_start3A_309, %dma_start3A_310] : memref<16x256x256xbf16, #tpu.memory_space<vmem>> -> memref<1x256x256xbf16, #tpu.memory_space<vmem>>
          %dma_start3A_312 = arith.constant 0 : i32
          %dma_start3A_313 = arith.constant 0 : i32
          %dma_start3A_314 = tpu.memref_slice %arg7[%get3A_305, %dma_start3A_312, %dma_start3A_313] : memref<64x256x256xbf16, #tpu.memory_space<hbm>> -> memref<1x256x256xbf16, #tpu.memory_space<hbm>>
          tpu.enqueue_dma source(%dma_start3A_314 : memref<1x256x256xbf16, #tpu.memory_space<hbm>>) target(%dma_start3A_311 : memref<1x256x256xbf16, #tpu.memory_space<vmem>>) target_semaphore(%dma_start3A_307 : memref<!tpu.dma_semaphore, #tpu.memory_space<semaphore_mem>>)
        } else {
        }
      } else {
      }
      %add3A_142 = arith.constant 1 : i32
      %add3A_143 = arith.addi %add3A_135, %add3A_142 : i32
      %lt3A_144 = arith.cmpi slt, %add3A_143, %get3A_3 : i32
      %convert_element_type3A_145 = arith.extui %lt3A_144 : i1 to i32
      %cond3A_146 = arith.constant 0 : i32
      %cond3A_147 = arith.cmpi ne, %convert_element_type3A_145, %cond3A_146 : i32
      scf.if %cond3A_147 {
        %add3A_233 = arith.constant 1 : i32
        %add3A_234 = arith.addi %add3A_135, %add3A_233 : i32
        %dma_wait3A = arith.constant 1 : i32
        %dma_wait3A_235 = tpu.memref_slice %arg11[%dma_wait3A] : memref<16x!tpu.dma_semaphore, #tpu.memory_space<semaphore_mem>> -> memref<1x!tpu.dma_semaphore, #tpu.memory_space<semaphore_mem>>
        %dma_wait3A_236 = tpu.memref_squeeze %dma_wait3A_235 : memref<1x!tpu.dma_semaphore, #tpu.memory_space<semaphore_mem>> -> memref<!tpu.dma_semaphore, #tpu.memory_space<semaphore_mem>>
        %dma_wait3A_237 = arith.constant 1 : i32
        %dma_wait3A_238 = arith.constant 0 : i32
        %dma_wait3A_239 = arith.constant 0 : i32
        %dma_wait3A_240 = tpu.memref_slice %arg10[%dma_wait3A_237, %dma_wait3A_238, %dma_wait3A_239] : memref<16x256x256xbf16, #tpu.memory_space<vmem>> -> memref<1x256x256xbf16, #tpu.memory_space<vmem>>
        %dma_wait3A_241 = arith.constant 0 : i32
        %dma_wait3A_242 = arith.constant 0 : i32
        %dma_wait3A_243 = arith.constant 0 : i32
        %dma_wait3A_244 = tpu.memref_slice %arg7[%dma_wait3A_241, %dma_wait3A_242, %dma_wait3A_243] : memref<64x256x256xbf16, #tpu.memory_space<hbm>> -> memref<1x256x256xbf16, #tpu.memory_space<hbm>>
        tpu.wait_dma2 semaphore(%dma_wait3A_236 : memref<!tpu.dma_semaphore, #tpu.memory_space<semaphore_mem>>) src(%dma_wait3A_244 : memref<1x256x256xbf16, #tpu.memory_space<hbm>>) dst(%dma_wait3A_240 : memref<1x256x256xbf16, #tpu.memory_space<vmem>>)
        %get3A_245 = arith.index_cast %add3A_234 : i32 to index
        %get3A_246 = memref.load %arg2[%get3A_245] : memref<79xi32, #tpu.memory_space<smem>>
        %get3A_247 = arith.index_cast %add3A_234 : i32 to index
        %get3A_248 = memref.load %arg4[%get3A_247] : memref<79xi32, #tpu.memory_space<smem>>
        %get3A_249 = arith.index_cast %add3A_234 : i32 to index
        %get3A_250 = memref.load %arg5[%get3A_249] : memref<79xi32, #tpu.memory_space<smem>>
        %mul3A_251 = arith.constant 128 : i32
        %mul3A_252 = arith.muli %get3A_246, %mul3A_251 : i32
        %mul3A_253 = arith.constant 1024 : i32
        %mul3A_254 = arith.muli %arg0, %mul3A_253 : i32
        %sub3A_255 = arith.subi %mul3A_252, %mul3A_254 : i32
        %iota3A = tpu.iota {dimensions = array<i32: 0>} : vector<128x1xi32>
        %add3A_256 = vector.broadcast %mul3A_252 : i32 to vector<128x1xi32>
        %add3A_257 = arith.addi %add3A_256, %iota3A : vector<128x1xi32>
        %ge3A = vector.broadcast %get3A_248 : i32 to vector<128x1xi32>
        %ge3A_258 = arith.cmpi sge, %add3A_257, %ge3A : vector<128x1xi32>
        %lt3A_259 = vector.broadcast %get3A_250 : i32 to vector<128x1xi32>
        %lt3A_260 = arith.cmpi slt, %add3A_257, %lt3A_259 : vector<128x1xi32>
        %and3A_261 = arith.andi %ge3A_258, %lt3A_260 : vector<128x1xi1>
        %get3A_262 = arith.index_cast %sub3A_255 : i32 to index
        %get3A_263 = arith.constant 0 : index
        %get3A_264 = vector.load %arg6[%get3A_262, %get3A_263] : memref<1024x256xf32, #tpu.memory_space<vmem>>, vector<128x256xf32>
        %jit3A_265 = arith.constant 0.000000e+00 : f32
        %broadcast_in_dim3A_266 = vector.shape_cast %and3A_261 : vector<128x1xi1> to vector<128x1xi1>
        %broadcast_in_dim3A_267 = vector.broadcast %broadcast_in_dim3A_266 : vector<128x1xi1> to vector<128x256xi1>
        %broadcast_in_dim3A_268 = vector.broadcast %jit3A_265 : f32 to vector<128x256xf32>
        %select_n3A_269 = arith.select %broadcast_in_dim3A_267, %get3A_264, %broadcast_in_dim3A_268 : vector<128x256xi1>, vector<128x256xf32>
        %convert_element_type3A_270 = arith.truncf %select_n3A_269 : vector<128x256xf32> to vector<128x256xbf16>
        %get3A_271 = arith.constant 1 : index
        %get3A_272 = arith.constant 0 : index
        %get3A_273 = arith.constant 0 : index
        %get3A_274 = vector.load %arg10[%get3A_271, %get3A_272, %get3A_273] : memref<16x256x256xbf16, #tpu.memory_space<vmem>>, vector<1x256x256xbf16>
        %squeeze3A = vector.shape_cast %get3A_274 : vector<1x256x256xbf16> to vector<256x256xbf16>
        %dot_general3A = arith.constant dense<0.000000e+00> : vector<128x256xf32>
        %dot_general3A_275 = tpu.matmul %convert_element_type3A_270, %squeeze3A, %dot_general3A {dimension_numbers = #tpu.dot_dimension_numbers<[1], [1], [0], [0], [0, 0, 1, 0], [], []>, transpose_lhs_hint = false} : vector<128x256xbf16>, vector<256x256xbf16>, vector<128x256xf32> -> vector<128x256xf32>
        %get3A_276 = arith.index_cast %add3A_234 : i32 to index
        %get3A_277 = memref.load %arg3[%get3A_276] : memref<79xi32, #tpu.memory_space<smem>>
        %get3A_278 = arith.index_cast %get3A_277 : i32 to index
        %get3A_279 = arith.constant 0 : index
        %get3A_280 = vector.load %arg8[%get3A_278, %get3A_279] : memref<64x256xf32, #tpu.memory_space<vmem>>, vector<1x256xf32>
        %jit3A_281 = arith.constant 0.000000e+00 : f32
        %broadcast_in_dim3A_282 = vector.shape_cast %and3A_261 : vector<128x1xi1> to vector<128x1xi1>
        %broadcast_in_dim3A_283 = vector.broadcast %broadcast_in_dim3A_282 : vector<128x1xi1> to vector<128x256xi1>
        %broadcast_in_dim3A_284 = vector.shape_cast %get3A_280 : vector<1x256xf32> to vector<1x256xf32>
        %broadcast_in_dim3A_285 = vector.broadcast %broadcast_in_dim3A_284 : vector<1x256xf32> to vector<128x256xf32>
        %broadcast_in_dim3A_286 = vector.broadcast %jit3A_281 : f32 to vector<128x256xf32>
        %select_n3A_287 = arith.select %broadcast_in_dim3A_283, %broadcast_in_dim3A_285, %broadcast_in_dim3A_286 : vector<128x256xi1>, vector<128x256xf32>
        %add3A_288 = arith.addf %dot_general3A_275, %select_n3A_287 : vector<128x256xf32>
        %get3A_289 = arith.index_cast %sub3A_255 : i32 to index
        %get3A_290 = arith.constant 0 : index
        %get3A_291 = vector.load %arg9[%get3A_289, %get3A_290] : memref<1024x256xf32, #tpu.memory_space<vmem>>, vector<128x256xf32>
        %add3A_292 = arith.addf %get3A_291, %add3A_288 : vector<128x256xf32>
        %swap3A_293 = arith.index_cast %sub3A_255 : i32 to index
        %swap3A_294 = arith.constant 0 : index
        %swap3A_295 = vector.load %arg9[%swap3A_293, %swap3A_294] : memref<1024x256xf32, #tpu.memory_space<vmem>>, vector<128x256xf32>
        tpu.vector_store %arg9[%swap3A_293, %swap3A_294], %add3A_292 {strides = array<i32>} : memref<1024x256xf32, #tpu.memory_space<vmem>>, vector<128x256xf32>,
        %add3A_296 = arith.constant 16 : i32
        %add3A_297 = arith.addi %add3A_234, %add3A_296 : i32
        %lt3A_298 = arith.cmpi slt, %add3A_297, %get3A_3 : i32
        %convert_element_type3A_299 = arith.extui %lt3A_298 : i1 to i32
        %cond3A_300 = arith.constant 0 : i32
        %cond3A_301 = arith.cmpi ne, %convert_element_type3A_299, %cond3A_300 : i32
        scf.if %cond3A_301 {
          %add3A_302 = arith.constant 16 : i32
          %add3A_303 = arith.addi %add3A_234, %add3A_302 : i32
          %get3A_304 = arith.index_cast %add3A_303 : i32 to index
          %get3A_305 = memref.load %arg3[%get3A_304] : memref<79xi32, #tpu.memory_space<smem>>
          %dma_start3A = arith.constant 1 : i32
          %dma_start3A_306 = tpu.memref_slice %arg11[%dma_start3A] : memref<16x!tpu.dma_semaphore, #tpu.memory_space<semaphore_mem>> -> memref<1x!tpu.dma_semaphore, #tpu.memory_space<semaphore_mem>>
          %dma_start3A_307 = tpu.memref_squeeze %dma_start3A_306 : memref<1x!tpu.dma_semaphore, #tpu.memory_space<semaphore_mem>> -> memref<!tpu.dma_semaphore, #tpu.memory_space<semaphore_mem>>
          %dma_start3A_308 = arith.constant 1 : i32
          %dma_start3A_309 = arith.constant 0 : i32
          %dma_start3A_310 = arith.constant 0 : i32
          %dma_start3A_311 = tpu.memref_slice %arg10[%dma_start3A_308, %dma_start3A_309, %dma_start3A_310] : memref<16x256x256xbf16, #tpu.memory_space<vmem>> -> memref<1x256x256xbf16, #tpu.memory_space<vmem>>
          %dma_start3A_312 = arith.constant 0 : i32
          %dma_start3A_313 = arith.constant 0 : i32
          %dma_start3A_314 = tpu.memref_slice %arg7[%get3A_305, %dma_start3A_312, %dma_start3A_313] : memref<64x256x256xbf16, #tpu.memory_space<hbm>> -> memref<1x256x256xbf16, #tpu.memory_space<hbm>>
          tpu.enqueue_dma source(%dma_start3A_314 : memref<1x256x256xbf16, #tpu.memory_space<hbm>>) target(%dma_start3A_311 : memref<1x256x256xbf16, #tpu.memory_space<vmem>>) target_semaphore(%dma_start3A_307 : memref<!tpu.dma_semaphore, #tpu.memory_space<semaphore_mem>>)
        } else {
        }
      } else {
      }
      %add3A_148 = arith.constant 2 : i32
      %add3A_149 = arith.addi %add3A_135, %add3A_148 : i32
      %lt3A_150 = arith.cmpi slt, %add3A_149, %get3A_3 : i32
      %convert_element_type3A_151 = arith.extui %lt3A_150 : i1 to i32
      %cond3A_152 = arith.constant 0 : i32
      %cond3A_153 = arith.cmpi ne, %convert_element_type3A_151, %cond3A_152 : i32
      scf.if %cond3A_153 {
        %add3A_233 = arith.constant 2 : i32
        %add3A_234 = arith.addi %add3A_135, %add3A_233 : i32
        %dma_wait3A = arith.constant 2 : i32
        %dma_wait3A_235 = tpu.memref_slice %arg11[%dma_wait3A] : memref<16x!tpu.dma_semaphore, #tpu.memory_space<semaphore_mem>> -> memref<1x!tpu.dma_semaphore, #tpu.memory_space<semaphore_mem>>
        %dma_wait3A_236 = tpu.memref_squeeze %dma_wait3A_235 : memref<1x!tpu.dma_semaphore, #tpu.memory_space<semaphore_mem>> -> memref<!tpu.dma_semaphore, #tpu.memory_space<semaphore_mem>>
        %dma_wait3A_237 = arith.constant 2 : i32
        %dma_wait3A_238 = arith.constant 0 : i32
        %dma_wait3A_239 = arith.constant 0 : i32
        %dma_wait3A_240 = tpu.memref_slice %arg10[%dma_wait3A_237, %dma_wait3A_238, %dma_wait3A_239] : memref<16x256x256xbf16, #tpu.memory_space<vmem>> -> memref<1x256x256xbf16, #tpu.memory_space<vmem>>
        %dma_wait3A_241 = arith.constant 0 : i32
        %dma_wait3A_242 = arith.constant 0 : i32
        %dma_wait3A_243 = arith.constant 0 : i32
        %dma_wait3A_244 = tpu.memref_slice %arg7[%dma_wait3A_241, %dma_wait3A_242, %dma_wait3A_243] : memref<64x256x256xbf16, #tpu.memory_space<hbm>> -> memref<1x256x256xbf16, #tpu.memory_space<hbm>>
        tpu.wait_dma2 semaphore(%dma_wait3A_236 : memref<!tpu.dma_semaphore, #tpu.memory_space<semaphore_mem>>) src(%dma_wait3A_244 : memref<1x256x256xbf16, #tpu.memory_space<hbm>>) dst(%dma_wait3A_240 : memref<1x256x256xbf16, #tpu.memory_space<vmem>>)
        %get3A_245 = arith.index_cast %add3A_234 : i32 to index
        %get3A_246 = memref.load %arg2[%get3A_245] : memref<79xi32, #tpu.memory_space<smem>>
        %get3A_247 = arith.index_cast %add3A_234 : i32 to index
        %get3A_248 = memref.load %arg4[%get3A_247] : memref<79xi32, #tpu.memory_space<smem>>
        %get3A_249 = arith.index_cast %add3A_234 : i32 to index
        %get3A_250 = memref.load %arg5[%get3A_249] : memref<79xi32, #tpu.memory_space<smem>>
        %mul3A_251 = arith.constant 128 : i32
        %mul3A_252 = arith.muli %get3A_246, %mul3A_251 : i32
        %mul3A_253 = arith.constant 1024 : i32
        %mul3A_254 = arith.muli %arg0, %mul3A_253 : i32
        %sub3A_255 = arith.subi %mul3A_252, %mul3A_254 : i32
        %iota3A = tpu.iota {dimensions = array<i32: 0>} : vector<128x1xi32>
        %add3A_256 = vector.broadcast %mul3A_252 : i32 to vector<128x1xi32>
        %add3A_257 = arith.addi %add3A_256, %iota3A : vector<128x1xi32>
        %ge3A = vector.broadcast %get3A_248 : i32 to vector<128x1xi32>
        %ge3A_258 = arith.cmpi sge, %add3A_257, %ge3A : vector<128x1xi32>
        %lt3A_259 = vector.broadcast %get3A_250 : i32 to vector<128x1xi32>
        %lt3A_260 = arith.cmpi slt, %add3A_257, %lt3A_259 : vector<128x1xi32>
        %and3A_261 = arith.andi %ge3A_258, %lt3A_260 : vector<128x1xi1>
        %get3A_262 = arith.index_cast %sub3A_255 : i32 to index
        %get3A_263 = arith.constant 0 : index
        %get3A_264 = vector.load %arg6[%get3A_262, %get3A_263] : memref<1024x256xf32, #tpu.memory_space<vmem>>, vector<128x256xf32>
        %jit3A_265 = arith.constant 0.000000e+00 : f32
        %broadcast_in_dim3A_266 = vector.shape_cast %and3A_261 : vector<128x1xi1> to vector<128x1xi1>
        %broadcast_in_dim3A_267 = vector.broadcast %broadcast_in_dim3A_266 : vector<128x1xi1> to vector<128x256xi1>
        %broadcast_in_dim3A_268 = vector.broadcast %jit3A_265 : f32 to vector<128x256xf32>
        %select_n3A_269 = arith.select %broadcast_in_dim3A_267, %get3A_264, %broadcast_in_dim3A_268 : vector<128x256xi1>, vector<128x256xf32>
        %convert_element_type3A_270 = arith.truncf %select_n3A_269 : vector<128x256xf32> to vector<128x256xbf16>
        %get3A_271 = arith.constant 2 : index
        %get3A_272 = arith.constant 0 : index
        %get3A_273 = arith.constant 0 : index
        %get3A_274 = vector.load %arg10[%get3A_271, %get3A_272, %get3A_273] : memref<16x256x256xbf16, #tpu.memory_space<vmem>>, vector<1x256x256xbf16>
        %squeeze3A = vector.shape_cast %get3A_274 : vector<1x256x256xbf16> to vector<256x256xbf16>
        %dot_general3A = arith.constant dense<0.000000e+00> : vector<128x256xf32>
        %dot_general3A_275 = tpu.matmul %convert_element_type3A_270, %squeeze3A, %dot_general3A {dimension_numbers = #tpu.dot_dimension_numbers<[1], [1], [0], [0], [0, 0, 1, 0], [], []>, transpose_lhs_hint = false} : vector<128x256xbf16>, vector<256x256xbf16>, vector<128x256xf32> -> vector<128x256xf32>
        %get3A_276 = arith.index_cast %add3A_234 : i32 to index
        %get3A_277 = memref.load %arg3[%get3A_276] : memref<79xi32, #tpu.memory_space<smem>>
        %get3A_278 = arith.index_cast %get3A_277 : i32 to index
        %get3A_279 = arith.constant 0 : index
        %get3A_280 = vector.load %arg8[%get3A_278, %get3A_279] : memref<64x256xf32, #tpu.memory_space<vmem>>, vector<1x256xf32>
        %jit3A_281 = arith.constant 0.000000e+00 : f32
        %broadcast_in_dim3A_282 = vector.shape_cast %and3A_261 : vector<128x1xi1> to vector<128x1xi1>
        %broadcast_in_dim3A_283 = vector.broadcast %broadcast_in_dim3A_282 : vector<128x1xi1> to vector<128x256xi1>
        %broadcast_in_dim3A_284 = vector.shape_cast %get3A_280 : vector<1x256xf32> to vector<1x256xf32>
        %broadcast_in_dim3A_285 = vector.broadcast %broadcast_in_dim3A_284 : vector<1x256xf32> to vector<128x256xf32>
        %broadcast_in_dim3A_286 = vector.broadcast %jit3A_281 : f32 to vector<128x256xf32>
        %select_n3A_287 = arith.select %broadcast_in_dim3A_283, %broadcast_in_dim3A_285, %broadcast_in_dim3A_286 : vector<128x256xi1>, vector<128x256xf32>
        %add3A_288 = arith.addf %dot_general3A_275, %select_n3A_287 : vector<128x256xf32>
        %get3A_289 = arith.index_cast %sub3A_255 : i32 to index
        %get3A_290 = arith.constant 0 : index
        %get3A_291 = vector.load %arg9[%get3A_289, %get3A_290] : memref<1024x256xf32, #tpu.memory_space<vmem>>, vector<128x256xf32>
        %add3A_292 = arith.addf %get3A_291, %add3A_288 : vector<128x256xf32>
        %swap3A_293 = arith.index_cast %sub3A_255 : i32 to index
        %swap3A_294 = arith.constant 0 : index
        %swap3A_295 = vector.load %arg9[%swap3A_293, %swap3A_294] : memref<1024x256xf32, #tpu.memory_space<vmem>>, vector<128x256xf32>
        tpu.vector_store %arg9[%swap3A_293, %swap3A_294], %add3A_292 {strides = array<i32>} : memref<1024x256xf32, #tpu.memory_space<vmem>>, vector<128x256xf32>,
        %add3A_296 = arith.constant 16 : i32
        %add3A_297 = arith.addi %add3A_234, %add3A_296 : i32
        %lt3A_298 = arith.cmpi slt, %add3A_297, %get3A_3 : i32
        %convert_element_type3A_299 = arith.extui %lt3A_298 : i1 to i32
        %cond3A_300 = arith.constant 0 : i32
        %cond3A_301 = arith.cmpi ne, %convert_element_type3A_299, %cond3A_300 : i32
        scf.if %cond3A_301 {
          %add3A_302 = arith.constant 16 : i32
          %add3A_303 = arith.addi %add3A_234, %add3A_302 : i32
          %get3A_304 = arith.index_cast %add3A_303 : i32 to index
          %get3A_305 = memref.load %arg3[%get3A_304] : memref<79xi32, #tpu.memory_space<smem>>
          %dma_start3A = arith.constant 2 : i32
          %dma_start3A_306 = tpu.memref_slice %arg11[%dma_start3A] : memref<16x!tpu.dma_semaphore, #tpu.memory_space<semaphore_mem>> -> memref<1x!tpu.dma_semaphore, #tpu.memory_space<semaphore_mem>>
          %dma_start3A_307 = tpu.memref_squeeze %dma_start3A_306 : memref<1x!tpu.dma_semaphore, #tpu.memory_space<semaphore_mem>> -> memref<!tpu.dma_semaphore, #tpu.memory_space<semaphore_mem>>
          %dma_start3A_308 = arith.constant 2 : i32
          %dma_start3A_309 = arith.constant 0 : i32
          %dma_start3A_310 = arith.constant 0 : i32
          %dma_start3A_311 = tpu.memref_slice %arg10[%dma_start3A_308, %dma_start3A_309, %dma_start3A_310] : memref<16x256x256xbf16, #tpu.memory_space<vmem>> -> memref<1x256x256xbf16, #tpu.memory_space<vmem>>
          %dma_start3A_312 = arith.constant 0 : i32
          %dma_start3A_313 = arith.constant 0 : i32
          %dma_start3A_314 = tpu.memref_slice %arg7[%get3A_305, %dma_start3A_312, %dma_start3A_313] : memref<64x256x256xbf16, #tpu.memory_space<hbm>> -> memref<1x256x256xbf16, #tpu.memory_space<hbm>>
          tpu.enqueue_dma source(%dma_start3A_314 : memref<1x256x256xbf16, #tpu.memory_space<hbm>>) target(%dma_start3A_311 : memref<1x256x256xbf16, #tpu.memory_space<vmem>>) target_semaphore(%dma_start3A_307 : memref<!tpu.dma_semaphore, #tpu.memory_space<semaphore_mem>>)
        } else {
        }
      } else {
      }
      %add3A_154 = arith.constant 3 : i32
      %add3A_155 = arith.addi %add3A_135, %add3A_154 : i32
      %lt3A_156 = arith.cmpi slt, %add3A_155, %get3A_3 : i32
      %convert_element_type3A_157 = arith.extui %lt3A_156 : i1 to i32
      %cond3A_158 = arith.constant 0 : i32
      %cond3A_159 = arith.cmpi ne, %convert_element_type3A_157, %cond3A_158 : i32
      scf.if %cond3A_159 {
        %add3A_233 = arith.constant 3 : i32
        %add3A_234 = arith.addi %add3A_135, %add3A_233 : i32
        %dma_wait3A = arith.constant 3 : i32
        %dma_wait3A_235 = tpu.memref_slice %arg11[%dma_wait3A] : memref<16x!tpu.dma_semaphore, #tpu.memory_space<semaphore_mem>> -> memref<1x!tpu.dma_semaphore, #tpu.memory_space<semaphore_mem>>
        %dma_wait3A_236 = tpu.memref_squeeze %dma_wait3A_235 : memref<1x!tpu.dma_semaphore, #tpu.memory_space<semaphore_mem>> -> memref<!tpu.dma_semaphore, #tpu.memory_space<semaphore_mem>>
        %dma_wait3A_237 = arith.constant 3 : i32
        %dma_wait3A_238 = arith.constant 0 : i32
        %dma_wait3A_239 = arith.constant 0 : i32
        %dma_wait3A_240 = tpu.memref_slice %arg10[%dma_wait3A_237, %dma_wait3A_238, %dma_wait3A_239] : memref<16x256x256xbf16, #tpu.memory_space<vmem>> -> memref<1x256x256xbf16, #tpu.memory_space<vmem>>
        %dma_wait3A_241 = arith.constant 0 : i32
        %dma_wait3A_242 = arith.constant 0 : i32
        %dma_wait3A_243 = arith.constant 0 : i32
        %dma_wait3A_244 = tpu.memref_slice %arg7[%dma_wait3A_241, %dma_wait3A_242, %dma_wait3A_243] : memref<64x256x256xbf16, #tpu.memory_space<hbm>> -> memref<1x256x256xbf16, #tpu.memory_space<hbm>>
        tpu.wait_dma2 semaphore(%dma_wait3A_236 : memref<!tpu.dma_semaphore, #tpu.memory_space<semaphore_mem>>) src(%dma_wait3A_244 : memref<1x256x256xbf16, #tpu.memory_space<hbm>>) dst(%dma_wait3A_240 : memref<1x256x256xbf16, #tpu.memory_space<vmem>>)
        %get3A_245 = arith.index_cast %add3A_234 : i32 to index
        %get3A_246 = memref.load %arg2[%get3A_245] : memref<79xi32, #tpu.memory_space<smem>>
        %get3A_247 = arith.index_cast %add3A_234 : i32 to index
        %get3A_248 = memref.load %arg4[%get3A_247] : memref<79xi32, #tpu.memory_space<smem>>
        %get3A_249 = arith.index_cast %add3A_234 : i32 to index
        %get3A_250 = memref.load %arg5[%get3A_249] : memref<79xi32, #tpu.memory_space<smem>>
        %mul3A_251 = arith.constant 128 : i32
        %mul3A_252 = arith.muli %get3A_246, %mul3A_251 : i32
        %mul3A_253 = arith.constant 1024 : i32
        %mul3A_254 = arith.muli %arg0, %mul3A_253 : i32
        %sub3A_255 = arith.subi %mul3A_252, %mul3A_254 : i32
        %iota3A = tpu.iota {dimensions = array<i32: 0>} : vector<128x1xi32>
        %add3A_256 = vector.broadcast %mul3A_252 : i32 to vector<128x1xi32>
        %add3A_257 = arith.addi %add3A_256, %iota3A : vector<128x1xi32>
        %ge3A = vector.broadcast %get3A_248 : i32 to vector<128x1xi32>
        %ge3A_258 = arith.cmpi sge, %add3A_257, %ge3A : vector<128x1xi32>
        %lt3A_259 = vector.broadcast %get3A_250 : i32 to vector<128x1xi32>
        %lt3A_260 = arith.cmpi slt, %add3A_257, %lt3A_259 : vector<128x1xi32>
        %and3A_261 = arith.andi %ge3A_258, %lt3A_260 : vector<128x1xi1>
        %get3A_262 = arith.index_cast %sub3A_255 : i32 to index
        %get3A_263 = arith.constant 0 : index
        %get3A_264 = vector.load %arg6[%get3A_262, %get3A_263] : memref<1024x256xf32, #tpu.memory_space<vmem>>, vector<128x256xf32>
        %jit3A_265 = arith.constant 0.000000e+00 : f32
        %broadcast_in_dim3A_266 = vector.shape_cast %and3A_261 : vector<128x1xi1> to vector<128x1xi1>
        %broadcast_in_dim3A_267 = vector.broadcast %broadcast_in_dim3A_266 : vector<128x1xi1> to vector<128x256xi1>
        %broadcast_in_dim3A_268 = vector.broadcast %jit3A_265 : f32 to vector<128x256xf32>
        %select_n3A_269 = arith.select %broadcast_in_dim3A_267, %get3A_264, %broadcast_in_dim3A_268 : vector<128x256xi1>, vector<128x256xf32>
        %convert_element_type3A_270 = arith.truncf %select_n3A_269 : vector<128x256xf32> to vector<128x256xbf16>
        %get3A_271 = arith.constant 3 : index
        %get3A_272 = arith.constant 0 : index
        %get3A_273 = arith.constant 0 : index
        %get3A_274 = vector.load %arg10[%get3A_271, %get3A_272, %get3A_273] : memref<16x256x256xbf16, #tpu.memory_space<vmem>>, vector<1x256x256xbf16>
        %squeeze3A = vector.shape_cast %get3A_274 : vector<1x256x256xbf16> to vector<256x256xbf16>
        %dot_general3A = arith.constant dense<0.000000e+00> : vector<128x256xf32>
        %dot_general3A_275 = tpu.matmul %convert_element_type3A_270, %squeeze3A, %dot_general3A {dimension_numbers = #tpu.dot_dimension_numbers<[1], [1], [0], [0], [0, 0, 1, 0], [], []>, transpose_lhs_hint = false} : vector<128x256xbf16>, vector<256x256xbf16>, vector<128x256xf32> -> vector<128x256xf32>
        %get3A_276 = arith.index_cast %add3A_234 : i32 to index
        %get3A_277 = memref.load %arg3[%get3A_276] : memref<79xi32, #tpu.memory_space<smem>>
        %get3A_278 = arith.index_cast %get3A_277 : i32 to index
        %get3A_279 = arith.constant 0 : index
        %get3A_280 = vector.load %arg8[%get3A_278, %get3A_279] : memref<64x256xf32, #tpu.memory_space<vmem>>, vector<1x256xf32>
        %jit3A_281 = arith.constant 0.000000e+00 : f32
        %broadcast_in_dim3A_282 = vector.shape_cast %and3A_261 : vector<128x1xi1> to vector<128x1xi1>
        %broadcast_in_dim3A_283 = vector.broadcast %broadcast_in_dim3A_282 : vector<128x1xi1> to vector<128x256xi1>
        %broadcast_in_dim3A_284 = vector.shape_cast %get3A_280 : vector<1x256xf32> to vector<1x256xf32>
        %broadcast_in_dim3A_285 = vector.broadcast %broadcast_in_dim3A_284 : vector<1x256xf32> to vector<128x256xf32>
        %broadcast_in_dim3A_286 = vector.broadcast %jit3A_281 : f32 to vector<128x256xf32>
        %select_n3A_287 = arith.select %broadcast_in_dim3A_283, %broadcast_in_dim3A_285, %broadcast_in_dim3A_286 : vector<128x256xi1>, vector<128x256xf32>
        %add3A_288 = arith.addf %dot_general3A_275, %select_n3A_287 : vector<128x256xf32>
        %get3A_289 = arith.index_cast %sub3A_255 : i32 to index
        %get3A_290 = arith.constant 0 : index
        %get3A_291 = vector.load %arg9[%get3A_289, %get3A_290] : memref<1024x256xf32, #tpu.memory_space<vmem>>, vector<128x256xf32>
        %add3A_292 = arith.addf %get3A_291, %add3A_288 : vector<128x256xf32>
        %swap3A_293 = arith.index_cast %sub3A_255 : i32 to index
        %swap3A_294 = arith.constant 0 : index
        %swap3A_295 = vector.load %arg9[%swap3A_293, %swap3A_294] : memref<1024x256xf32, #tpu.memory_space<vmem>>, vector<128x256xf32>
        tpu.vector_store %arg9[%swap3A_293, %swap3A_294], %add3A_292 {strides = array<i32>} : memref<1024x256xf32, #tpu.memory_space<vmem>>, vector<128x256xf32>,
        %add3A_296 = arith.constant 16 : i32
        %add3A_297 = arith.addi %add3A_234, %add3A_296 : i32
        %lt3A_298 = arith.cmpi slt, %add3A_297, %get3A_3 : i32
        %convert_element_type3A_299 = arith.extui %lt3A_298 : i1 to i32
        %cond3A_300 = arith.constant 0 : i32
        %cond3A_301 = arith.cmpi ne, %convert_element_type3A_299, %cond3A_300 : i32
        scf.if %cond3A_301 {
          %add3A_302 = arith.constant 16 : i32
          %add3A_303 = arith.addi %add3A_234, %add3A_302 : i32
          %get3A_304 = arith.index_cast %add3A_303 : i32 to index
          %get3A_305 = memref.load %arg3[%get3A_304] : memref<79xi32, #tpu.memory_space<smem>>
          %dma_start3A = arith.constant 3 : i32
          %dma_start3A_306 = tpu.memref_slice %arg11[%dma_start3A] : memref<16x!tpu.dma_semaphore, #tpu.memory_space<semaphore_mem>> -> memref<1x!tpu.dma_semaphore, #tpu.memory_space<semaphore_mem>>
          %dma_start3A_307 = tpu.memref_squeeze %dma_start3A_306 : memref<1x!tpu.dma_semaphore, #tpu.memory_space<semaphore_mem>> -> memref<!tpu.dma_semaphore, #tpu.memory_space<semaphore_mem>>
          %dma_start3A_308 = arith.constant 3 : i32
          %dma_start3A_309 = arith.constant 0 : i32
          %dma_start3A_310 = arith.constant 0 : i32
          %dma_start3A_311 = tpu.memref_slice %arg10[%dma_start3A_308, %dma_start3A_309, %dma_start3A_310] : memref<16x256x256xbf16, #tpu.memory_space<vmem>> -> memref<1x256x256xbf16, #tpu.memory_space<vmem>>
          %dma_start3A_312 = arith.constant 0 : i32
          %dma_start3A_313 = arith.constant 0 : i32
          %dma_start3A_314 = tpu.memref_slice %arg7[%get3A_305, %dma_start3A_312, %dma_start3A_313] : memref<64x256x256xbf16, #tpu.memory_space<hbm>> -> memref<1x256x256xbf16, #tpu.memory_space<hbm>>
          tpu.enqueue_dma source(%dma_start3A_314 : memref<1x256x256xbf16, #tpu.memory_space<hbm>>) target(%dma_start3A_311 : memref<1x256x256xbf16, #tpu.memory_space<vmem>>) target_semaphore(%dma_start3A_307 : memref<!tpu.dma_semaphore, #tpu.memory_space<semaphore_mem>>)
        } else {
        }
      } else {
      }
      %add3A_160 = arith.constant 4 : i32
      %add3A_161 = arith.addi %add3A_135, %add3A_160 : i32
      %lt3A_162 = arith.cmpi slt, %add3A_161, %get3A_3 : i32
      %convert_element_type3A_163 = arith.extui %lt3A_162 : i1 to i32
      %cond3A_164 = arith.constant 0 : i32
      %cond3A_165 = arith.cmpi ne, %convert_element_type3A_163, %cond3A_164 : i32
      scf.if %cond3A_165 {
        %add3A_233 = arith.constant 4 : i32
        %add3A_234 = arith.addi %add3A_135, %add3A_233 : i32
        %dma_wait3A = arith.constant 4 : i32
        %dma_wait3A_235 = tpu.memref_slice %arg11[%dma_wait3A] : memref<16x!tpu.dma_semaphore, #tpu.memory_space<semaphore_mem>> -> memref<1x!tpu.dma_semaphore, #tpu.memory_space<semaphore_mem>>
        %dma_wait3A_236 = tpu.memref_squeeze %dma_wait3A_235 : memref<1x!tpu.dma_semaphore, #tpu.memory_space<semaphore_mem>> -> memref<!tpu.dma_semaphore, #tpu.memory_space<semaphore_mem>>
        %dma_wait3A_237 = arith.constant 4 : i32
        %dma_wait3A_238 = arith.constant 0 : i32
        %dma_wait3A_239 = arith.constant 0 : i32
        %dma_wait3A_240 = tpu.memref_slice %arg10[%dma_wait3A_237, %dma_wait3A_238, %dma_wait3A_239] : memref<16x256x256xbf16, #tpu.memory_space<vmem>> -> memref<1x256x256xbf16, #tpu.memory_space<vmem>>
        %dma_wait3A_241 = arith.constant 0 : i32
        %dma_wait3A_242 = arith.constant 0 : i32
        %dma_wait3A_243 = arith.constant 0 : i32
        %dma_wait3A_244 = tpu.memref_slice %arg7[%dma_wait3A_241, %dma_wait3A_242, %dma_wait3A_243] : memref<64x256x256xbf16, #tpu.memory_space<hbm>> -> memref<1x256x256xbf16, #tpu.memory_space<hbm>>
        tpu.wait_dma2 semaphore(%dma_wait3A_236 : memref<!tpu.dma_semaphore, #tpu.memory_space<semaphore_mem>>) src(%dma_wait3A_244 : memref<1x256x256xbf16, #tpu.memory_space<hbm>>) dst(%dma_wait3A_240 : memref<1x256x256xbf16, #tpu.memory_space<vmem>>)
        %get3A_245 = arith.index_cast %add3A_234 : i32 to index
        %get3A_246 = memref.load %arg2[%get3A_245] : memref<79xi32, #tpu.memory_space<smem>>
        %get3A_247 = arith.index_cast %add3A_234 : i32 to index
        %get3A_248 = memref.load %arg4[%get3A_247] : memref<79xi32, #tpu.memory_space<smem>>
        %get3A_249 = arith.index_cast %add3A_234 : i32 to index
        %get3A_250 = memref.load %arg5[%get3A_249] : memref<79xi32, #tpu.memory_space<smem>>
        %mul3A_251 = arith.constant 128 : i32
        %mul3A_252 = arith.muli %get3A_246, %mul3A_251 : i32
        %mul3A_253 = arith.constant 1024 : i32
        %mul3A_254 = arith.muli %arg0, %mul3A_253 : i32
        %sub3A_255 = arith.subi %mul3A_252, %mul3A_254 : i32
        %iota3A = tpu.iota {dimensions = array<i32: 0>} : vector<128x1xi32>
        %add3A_256 = vector.broadcast %mul3A_252 : i32 to vector<128x1xi32>
        %add3A_257 = arith.addi %add3A_256, %iota3A : vector<128x1xi32>
        %ge3A = vector.broadcast %get3A_248 : i32 to vector<128x1xi32>
        %ge3A_258 = arith.cmpi sge, %add3A_257, %ge3A : vector<128x1xi32>
        %lt3A_259 = vector.broadcast %get3A_250 : i32 to vector<128x1xi32>
        %lt3A_260 = arith.cmpi slt, %add3A_257, %lt3A_259 : vector<128x1xi32>
        %and3A_261 = arith.andi %ge3A_258, %lt3A_260 : vector<128x1xi1>
        %get3A_262 = arith.index_cast %sub3A_255 : i32 to index
        %get3A_263 = arith.constant 0 : index
        %get3A_264 = vector.load %arg6[%get3A_262, %get3A_263] : memref<1024x256xf32, #tpu.memory_space<vmem>>, vector<128x256xf32>
        %jit3A_265 = arith.constant 0.000000e+00 : f32
        %broadcast_in_dim3A_266 = vector.shape_cast %and3A_261 : vector<128x1xi1> to vector<128x1xi1>
        %broadcast_in_dim3A_267 = vector.broadcast %broadcast_in_dim3A_266 : vector<128x1xi1> to vector<128x256xi1>
        %broadcast_in_dim3A_268 = vector.broadcast %jit3A_265 : f32 to vector<128x256xf32>
        %select_n3A_269 = arith.select %broadcast_in_dim3A_267, %get3A_264, %broadcast_in_dim3A_268 : vector<128x256xi1>, vector<128x256xf32>
        %convert_element_type3A_270 = arith.truncf %select_n3A_269 : vector<128x256xf32> to vector<128x256xbf16>
        %get3A_271 = arith.constant 4 : index
        %get3A_272 = arith.constant 0 : index
        %get3A_273 = arith.constant 0 : index
        %get3A_274 = vector.load %arg10[%get3A_271, %get3A_272, %get3A_273] : memref<16x256x256xbf16, #tpu.memory_space<vmem>>, vector<1x256x256xbf16>
        %squeeze3A = vector.shape_cast %get3A_274 : vector<1x256x256xbf16> to vector<256x256xbf16>
        %dot_general3A = arith.constant dense<0.000000e+00> : vector<128x256xf32>
        %dot_general3A_275 = tpu.matmul %convert_element_type3A_270, %squeeze3A, %dot_general3A {dimension_numbers = #tpu.dot_dimension_numbers<[1], [1], [0], [0], [0, 0, 1, 0], [], []>, transpose_lhs_hint = false} : vector<128x256xbf16>, vector<256x256xbf16>, vector<128x256xf32> -> vector<128x256xf32>
        %get3A_276 = arith.index_cast %add3A_234 : i32 to index
        %get3A_277 = memref.load %arg3[%get3A_276] : memref<79xi32, #tpu.memory_space<smem>>
        %get3A_278 = arith.index_cast %get3A_277 : i32 to index
        %get3A_279 = arith.constant 0 : index
        %get3A_280 = vector.load %arg8[%get3A_278, %get3A_279] : memref<64x256xf32, #tpu.memory_space<vmem>>, vector<1x256xf32>
        %jit3A_281 = arith.constant 0.000000e+00 : f32
        %broadcast_in_dim3A_282 = vector.shape_cast %and3A_261 : vector<128x1xi1> to vector<128x1xi1>
        %broadcast_in_dim3A_283 = vector.broadcast %broadcast_in_dim3A_282 : vector<128x1xi1> to vector<128x256xi1>
        %broadcast_in_dim3A_284 = vector.shape_cast %get3A_280 : vector<1x256xf32> to vector<1x256xf32>
        %broadcast_in_dim3A_285 = vector.broadcast %broadcast_in_dim3A_284 : vector<1x256xf32> to vector<128x256xf32>
        %broadcast_in_dim3A_286 = vector.broadcast %jit3A_281 : f32 to vector<128x256xf32>
        %select_n3A_287 = arith.select %broadcast_in_dim3A_283, %broadcast_in_dim3A_285, %broadcast_in_dim3A_286 : vector<128x256xi1>, vector<128x256xf32>
        %add3A_288 = arith.addf %dot_general3A_275, %select_n3A_287 : vector<128x256xf32>
        %get3A_289 = arith.index_cast %sub3A_255 : i32 to index
        %get3A_290 = arith.constant 0 : index
        %get3A_291 = vector.load %arg9[%get3A_289, %get3A_290] : memref<1024x256xf32, #tpu.memory_space<vmem>>, vector<128x256xf32>
        %add3A_292 = arith.addf %get3A_291, %add3A_288 : vector<128x256xf32>
        %swap3A_293 = arith.index_cast %sub3A_255 : i32 to index
        %swap3A_294 = arith.constant 0 : index
        %swap3A_295 = vector.load %arg9[%swap3A_293, %swap3A_294] : memref<1024x256xf32, #tpu.memory_space<vmem>>, vector<128x256xf32>
        tpu.vector_store %arg9[%swap3A_293, %swap3A_294], %add3A_292 {strides = array<i32>} : memref<1024x256xf32, #tpu.memory_space<vmem>>, vector<128x256xf32>,
        %add3A_296 = arith.constant 16 : i32
        %add3A_297 = arith.addi %add3A_234, %add3A_296 : i32
        %lt3A_298 = arith.cmpi slt, %add3A_297, %get3A_3 : i32
        %convert_element_type3A_299 = arith.extui %lt3A_298 : i1 to i32
        %cond3A_300 = arith.constant 0 : i32
        %cond3A_301 = arith.cmpi ne, %convert_element_type3A_299, %cond3A_300 : i32
        scf.if %cond3A_301 {
          %add3A_302 = arith.constant 16 : i32
          %add3A_303 = arith.addi %add3A_234, %add3A_302 : i32
          %get3A_304 = arith.index_cast %add3A_303 : i32 to index
          %get3A_305 = memref.load %arg3[%get3A_304] : memref<79xi32, #tpu.memory_space<smem>>
          %dma_start3A = arith.constant 4 : i32
          %dma_start3A_306 = tpu.memref_slice %arg11[%dma_start3A] : memref<16x!tpu.dma_semaphore, #tpu.memory_space<semaphore_mem>> -> memref<1x!tpu.dma_semaphore, #tpu.memory_space<semaphore_mem>>
          %dma_start3A_307 = tpu.memref_squeeze %dma_start3A_306 : memref<1x!tpu.dma_semaphore, #tpu.memory_space<semaphore_mem>> -> memref<!tpu.dma_semaphore, #tpu.memory_space<semaphore_mem>>
          %dma_start3A_308 = arith.constant 4 : i32
          %dma_start3A_309 = arith.constant 0 : i32
          %dma_start3A_310 = arith.constant 0 : i32
          %dma_start3A_311 = tpu.memref_slice %arg10[%dma_start3A_308, %dma_start3A_309, %dma_start3A_310] : memref<16x256x256xbf16, #tpu.memory_space<vmem>> -> memref<1x256x256xbf16, #tpu.memory_space<vmem>>
          %dma_start3A_312 = arith.constant 0 : i32
          %dma_start3A_313 = arith.constant 0 : i32
          %dma_start3A_314 = tpu.memref_slice %arg7[%get3A_305, %dma_start3A_312, %dma_start3A_313] : memref<64x256x256xbf16, #tpu.memory_space<hbm>> -> memref<1x256x256xbf16, #tpu.memory_space<hbm>>
          tpu.enqueue_dma source(%dma_start3A_314 : memref<1x256x256xbf16, #tpu.memory_space<hbm>>) target(%dma_start3A_311 : memref<1x256x256xbf16, #tpu.memory_space<vmem>>) target_semaphore(%dma_start3A_307 : memref<!tpu.dma_semaphore, #tpu.memory_space<semaphore_mem>>)
        } else {
        }
      } else {
      }
      %add3A_166 = arith.constant 5 : i32
      %add3A_167 = arith.addi %add3A_135, %add3A_166 : i32
      %lt3A_168 = arith.cmpi slt, %add3A_167, %get3A_3 : i32
      %convert_element_type3A_169 = arith.extui %lt3A_168 : i1 to i32
      %cond3A_170 = arith.constant 0 : i32
      %cond3A_171 = arith.cmpi ne, %convert_element_type3A_169, %cond3A_170 : i32
      scf.if %cond3A_171 {
        %add3A_233 = arith.constant 5 : i32
        %add3A_234 = arith.addi %add3A_135, %add3A_233 : i32
        %dma_wait3A = arith.constant 5 : i32
        %dma_wait3A_235 = tpu.memref_slice %arg11[%dma_wait3A] : memref<16x!tpu.dma_semaphore, #tpu.memory_space<semaphore_mem>> -> memref<1x!tpu.dma_semaphore, #tpu.memory_space<semaphore_mem>>
        %dma_wait3A_236 = tpu.memref_squeeze %dma_wait3A_235 : memref<1x!tpu.dma_semaphore, #tpu.memory_space<semaphore_mem>> -> memref<!tpu.dma_semaphore, #tpu.memory_space<semaphore_mem>>
        %dma_wait3A_237 = arith.constant 5 : i32
        %dma_wait3A_238 = arith.constant 0 : i32
        %dma_wait3A_239 = arith.constant 0 : i32
        %dma_wait3A_240 = tpu.memref_slice %arg10[%dma_wait3A_237, %dma_wait3A_238, %dma_wait3A_239] : memref<16x256x256xbf16, #tpu.memory_space<vmem>> -> memref<1x256x256xbf16, #tpu.memory_space<vmem>>
        %dma_wait3A_241 = arith.constant 0 : i32
        %dma_wait3A_242 = arith.constant 0 : i32
        %dma_wait3A_243 = arith.constant 0 : i32
        %dma_wait3A_244 = tpu.memref_slice %arg7[%dma_wait3A_241, %dma_wait3A_242, %dma_wait3A_243] : memref<64x256x256xbf16, #tpu.memory_space<hbm>> -> memref<1x256x256xbf16, #tpu.memory_space<hbm>>
        tpu.wait_dma2 semaphore(%dma_wait3A_236 : memref<!tpu.dma_semaphore, #tpu.memory_space<semaphore_mem>>) src(%dma_wait3A_244 : memref<1x256x256xbf16, #tpu.memory_space<hbm>>) dst(%dma_wait3A_240 : memref<1x256x256xbf16, #tpu.memory_space<vmem>>)
        %get3A_245 = arith.index_cast %add3A_234 : i32 to index
        %get3A_246 = memref.load %arg2[%get3A_245] : memref<79xi32, #tpu.memory_space<smem>>
        %get3A_247 = arith.index_cast %add3A_234 : i32 to index
        %get3A_248 = memref.load %arg4[%get3A_247] : memref<79xi32, #tpu.memory_space<smem>>
        %get3A_249 = arith.index_cast %add3A_234 : i32 to index
        %get3A_250 = memref.load %arg5[%get3A_249] : memref<79xi32, #tpu.memory_space<smem>>
        %mul3A_251 = arith.constant 128 : i32
        %mul3A_252 = arith.muli %get3A_246, %mul3A_251 : i32
        %mul3A_253 = arith.constant 1024 : i32
        %mul3A_254 = arith.muli %arg0, %mul3A_253 : i32
        %sub3A_255 = arith.subi %mul3A_252, %mul3A_254 : i32
        %iota3A = tpu.iota {dimensions = array<i32: 0>} : vector<128x1xi32>
        %add3A_256 = vector.broadcast %mul3A_252 : i32 to vector<128x1xi32>
        %add3A_257 = arith.addi %add3A_256, %iota3A : vector<128x1xi32>
        %ge3A = vector.broadcast %get3A_248 : i32 to vector<128x1xi32>
        %ge3A_258 = arith.cmpi sge, %add3A_257, %ge3A : vector<128x1xi32>
        %lt3A_259 = vector.broadcast %get3A_250 : i32 to vector<128x1xi32>
        %lt3A_260 = arith.cmpi slt, %add3A_257, %lt3A_259 : vector<128x1xi32>
        %and3A_261 = arith.andi %ge3A_258, %lt3A_260 : vector<128x1xi1>
        %get3A_262 = arith.index_cast %sub3A_255 : i32 to index
        %get3A_263 = arith.constant 0 : index
        %get3A_264 = vector.load %arg6[%get3A_262, %get3A_263] : memref<1024x256xf32, #tpu.memory_space<vmem>>, vector<128x256xf32>
        %jit3A_265 = arith.constant 0.000000e+00 : f32
        %broadcast_in_dim3A_266 = vector.shape_cast %and3A_261 : vector<128x1xi1> to vector<128x1xi1>
        %broadcast_in_dim3A_267 = vector.broadcast %broadcast_in_dim3A_266 : vector<128x1xi1> to vector<128x256xi1>
        %broadcast_in_dim3A_268 = vector.broadcast %jit3A_265 : f32 to vector<128x256xf32>
        %select_n3A_269 = arith.select %broadcast_in_dim3A_267, %get3A_264, %broadcast_in_dim3A_268 : vector<128x256xi1>, vector<128x256xf32>
        %convert_element_type3A_270 = arith.truncf %select_n3A_269 : vector<128x256xf32> to vector<128x256xbf16>
        %get3A_271 = arith.constant 5 : index
        %get3A_272 = arith.constant 0 : index
        %get3A_273 = arith.constant 0 : index
        %get3A_274 = vector.load %arg10[%get3A_271, %get3A_272, %get3A_273] : memref<16x256x256xbf16, #tpu.memory_space<vmem>>, vector<1x256x256xbf16>
        %squeeze3A = vector.shape_cast %get3A_274 : vector<1x256x256xbf16> to vector<256x256xbf16>
        %dot_general3A = arith.constant dense<0.000000e+00> : vector<128x256xf32>
        %dot_general3A_275 = tpu.matmul %convert_element_type3A_270, %squeeze3A, %dot_general3A {dimension_numbers = #tpu.dot_dimension_numbers<[1], [1], [0], [0], [0, 0, 1, 0], [], []>, transpose_lhs_hint = false} : vector<128x256xbf16>, vector<256x256xbf16>, vector<128x256xf32> -> vector<128x256xf32>
        %get3A_276 = arith.index_cast %add3A_234 : i32 to index
        %get3A_277 = memref.load %arg3[%get3A_276] : memref<79xi32, #tpu.memory_space<smem>>
        %get3A_278 = arith.index_cast %get3A_277 : i32 to index
        %get3A_279 = arith.constant 0 : index
        %get3A_280 = vector.load %arg8[%get3A_278, %get3A_279] : memref<64x256xf32, #tpu.memory_space<vmem>>, vector<1x256xf32>
        %jit3A_281 = arith.constant 0.000000e+00 : f32
        %broadcast_in_dim3A_282 = vector.shape_cast %and3A_261 : vector<128x1xi1> to vector<128x1xi1>
        %broadcast_in_dim3A_283 = vector.broadcast %broadcast_in_dim3A_282 : vector<128x1xi1> to vector<128x256xi1>
        %broadcast_in_dim3A_284 = vector.shape_cast %get3A_280 : vector<1x256xf32> to vector<1x256xf32>
        %broadcast_in_dim3A_285 = vector.broadcast %broadcast_in_dim3A_284 : vector<1x256xf32> to vector<128x256xf32>
        %broadcast_in_dim3A_286 = vector.broadcast %jit3A_281 : f32 to vector<128x256xf32>
        %select_n3A_287 = arith.select %broadcast_in_dim3A_283, %broadcast_in_dim3A_285, %broadcast_in_dim3A_286 : vector<128x256xi1>, vector<128x256xf32>
        %add3A_288 = arith.addf %dot_general3A_275, %select_n3A_287 : vector<128x256xf32>
        %get3A_289 = arith.index_cast %sub3A_255 : i32 to index
        %get3A_290 = arith.constant 0 : index
        %get3A_291 = vector.load %arg9[%get3A_289, %get3A_290] : memref<1024x256xf32, #tpu.memory_space<vmem>>, vector<128x256xf32>
        %add3A_292 = arith.addf %get3A_291, %add3A_288 : vector<128x256xf32>
        %swap3A_293 = arith.index_cast %sub3A_255 : i32 to index
        %swap3A_294 = arith.constant 0 : index
        %swap3A_295 = vector.load %arg9[%swap3A_293, %swap3A_294] : memref<1024x256xf32, #tpu.memory_space<vmem>>, vector<128x256xf32>
        tpu.vector_store %arg9[%swap3A_293, %swap3A_294], %add3A_292 {strides = array<i32>} : memref<1024x256xf32, #tpu.memory_space<vmem>>, vector<128x256xf32>,
        %add3A_296 = arith.constant 16 : i32
        %add3A_297 = arith.addi %add3A_234, %add3A_296 : i32
        %lt3A_298 = arith.cmpi slt, %add3A_297, %get3A_3 : i32
        %convert_element_type3A_299 = arith.extui %lt3A_298 : i1 to i32
        %cond3A_300 = arith.constant 0 : i32
        %cond3A_301 = arith.cmpi ne, %convert_element_type3A_299, %cond3A_300 : i32
        scf.if %cond3A_301 {
          %add3A_302 = arith.constant 16 : i32
          %add3A_303 = arith.addi %add3A_234, %add3A_302 : i32
          %get3A_304 = arith.index_cast %add3A_303 : i32 to index
          %get3A_305 = memref.load %arg3[%get3A_304] : memref<79xi32, #tpu.memory_space<smem>>
          %dma_start3A = arith.constant 5 : i32
          %dma_start3A_306 = tpu.memref_slice %arg11[%dma_start3A] : memref<16x!tpu.dma_semaphore, #tpu.memory_space<semaphore_mem>> -> memref<1x!tpu.dma_semaphore, #tpu.memory_space<semaphore_mem>>
          %dma_start3A_307 = tpu.memref_squeeze %dma_start3A_306 : memref<1x!tpu.dma_semaphore, #tpu.memory_space<semaphore_mem>> -> memref<!tpu.dma_semaphore, #tpu.memory_space<semaphore_mem>>
          %dma_start3A_308 = arith.constant 5 : i32
          %dma_start3A_309 = arith.constant 0 : i32
          %dma_start3A_310 = arith.constant 0 : i32
          %dma_start3A_311 = tpu.memref_slice %arg10[%dma_start3A_308, %dma_start3A_309, %dma_start3A_310] : memref<16x256x256xbf16, #tpu.memory_space<vmem>> -> memref<1x256x256xbf16, #tpu.memory_space<vmem>>
          %dma_start3A_312 = arith.constant 0 : i32
          %dma_start3A_313 = arith.constant 0 : i32
          %dma_start3A_314 = tpu.memref_slice %arg7[%get3A_305, %dma_start3A_312, %dma_start3A_313] : memref<64x256x256xbf16, #tpu.memory_space<hbm>> -> memref<1x256x256xbf16, #tpu.memory_space<hbm>>
          tpu.enqueue_dma source(%dma_start3A_314 : memref<1x256x256xbf16, #tpu.memory_space<hbm>>) target(%dma_start3A_311 : memref<1x256x256xbf16, #tpu.memory_space<vmem>>) target_semaphore(%dma_start3A_307 : memref<!tpu.dma_semaphore, #tpu.memory_space<semaphore_mem>>)
        } else {
        }
      } else {
      }
      %add3A_172 = arith.constant 6 : i32
      %add3A_173 = arith.addi %add3A_135, %add3A_172 : i32
      %lt3A_174 = arith.cmpi slt, %add3A_173, %get3A_3 : i32
      %convert_element_type3A_175 = arith.extui %lt3A_174 : i1 to i32
      %cond3A_176 = arith.constant 0 : i32
      %cond3A_177 = arith.cmpi ne, %convert_element_type3A_175, %cond3A_176 : i32
      scf.if %cond3A_177 {
        %add3A_233 = arith.constant 6 : i32
        %add3A_234 = arith.addi %add3A_135, %add3A_233 : i32
        %dma_wait3A = arith.constant 6 : i32
        %dma_wait3A_235 = tpu.memref_slice %arg11[%dma_wait3A] : memref<16x!tpu.dma_semaphore, #tpu.memory_space<semaphore_mem>> -> memref<1x!tpu.dma_semaphore, #tpu.memory_space<semaphore_mem>>
        %dma_wait3A_236 = tpu.memref_squeeze %dma_wait3A_235 : memref<1x!tpu.dma_semaphore, #tpu.memory_space<semaphore_mem>> -> memref<!tpu.dma_semaphore, #tpu.memory_space<semaphore_mem>>
        %dma_wait3A_237 = arith.constant 6 : i32
        %dma_wait3A_238 = arith.constant 0 : i32
        %dma_wait3A_239 = arith.constant 0 : i32
        %dma_wait3A_240 = tpu.memref_slice %arg10[%dma_wait3A_237, %dma_wait3A_238, %dma_wait3A_239] : memref<16x256x256xbf16, #tpu.memory_space<vmem>> -> memref<1x256x256xbf16, #tpu.memory_space<vmem>>
        %dma_wait3A_241 = arith.constant 0 : i32
        %dma_wait3A_242 = arith.constant 0 : i32
        %dma_wait3A_243 = arith.constant 0 : i32
        %dma_wait3A_244 = tpu.memref_slice %arg7[%dma_wait3A_241, %dma_wait3A_242, %dma_wait3A_243] : memref<64x256x256xbf16, #tpu.memory_space<hbm>> -> memref<1x256x256xbf16, #tpu.memory_space<hbm>>
        tpu.wait_dma2 semaphore(%dma_wait3A_236 : memref<!tpu.dma_semaphore, #tpu.memory_space<semaphore_mem>>) src(%dma_wait3A_244 : memref<1x256x256xbf16, #tpu.memory_space<hbm>>) dst(%dma_wait3A_240 : memref<1x256x256xbf16, #tpu.memory_space<vmem>>)
        %get3A_245 = arith.index_cast %add3A_234 : i32 to index
        %get3A_246 = memref.load %arg2[%get3A_245] : memref<79xi32, #tpu.memory_space<smem>>
        %get3A_247 = arith.index_cast %add3A_234 : i32 to index
        %get3A_248 = memref.load %arg4[%get3A_247] : memref<79xi32, #tpu.memory_space<smem>>
        %get3A_249 = arith.index_cast %add3A_234 : i32 to index
        %get3A_250 = memref.load %arg5[%get3A_249] : memref<79xi32, #tpu.memory_space<smem>>
        %mul3A_251 = arith.constant 128 : i32
        %mul3A_252 = arith.muli %get3A_246, %mul3A_251 : i32
        %mul3A_253 = arith.constant 1024 : i32
        %mul3A_254 = arith.muli %arg0, %mul3A_253 : i32
        %sub3A_255 = arith.subi %mul3A_252, %mul3A_254 : i32
        %iota3A = tpu.iota {dimensions = array<i32: 0>} : vector<128x1xi32>
        %add3A_256 = vector.broadcast %mul3A_252 : i32 to vector<128x1xi32>
        %add3A_257 = arith.addi %add3A_256, %iota3A : vector<128x1xi32>
        %ge3A = vector.broadcast %get3A_248 : i32 to vector<128x1xi32>
        %ge3A_258 = arith.cmpi sge, %add3A_257, %ge3A : vector<128x1xi32>
        %lt3A_259 = vector.broadcast %get3A_250 : i32 to vector<128x1xi32>
        %lt3A_260 = arith.cmpi slt, %add3A_257, %lt3A_259 : vector<128x1xi32>
        %and3A_261 = arith.andi %ge3A_258, %lt3A_260 : vector<128x1xi1>
        %get3A_262 = arith.index_cast %sub3A_255 : i32 to index
        %get3A_263 = arith.constant 0 : index
        %get3A_264 = vector.load %arg6[%get3A_262, %get3A_263] : memref<1024x256xf32, #tpu.memory_space<vmem>>, vector<128x256xf32>
        %jit3A_265 = arith.constant 0.000000e+00 : f32
        %broadcast_in_dim3A_266 = vector.shape_cast %and3A_261 : vector<128x1xi1> to vector<128x1xi1>
        %broadcast_in_dim3A_267 = vector.broadcast %broadcast_in_dim3A_266 : vector<128x1xi1> to vector<128x256xi1>
        %broadcast_in_dim3A_268 = vector.broadcast %jit3A_265 : f32 to vector<128x256xf32>
        %select_n3A_269 = arith.select %broadcast_in_dim3A_267, %get3A_264, %broadcast_in_dim3A_268 : vector<128x256xi1>, vector<128x256xf32>
        %convert_element_type3A_270 = arith.truncf %select_n3A_269 : vector<128x256xf32> to vector<128x256xbf16>
        %get3A_271 = arith.constant 6 : index
        %get3A_272 = arith.constant 0 : index
        %get3A_273 = arith.constant 0 : index
        %get3A_274 = vector.load %arg10[%get3A_271, %get3A_272, %get3A_273] : memref<16x256x256xbf16, #tpu.memory_space<vmem>>, vector<1x256x256xbf16>
        %squeeze3A = vector.shape_cast %get3A_274 : vector<1x256x256xbf16> to vector<256x256xbf16>
        %dot_general3A = arith.constant dense<0.000000e+00> : vector<128x256xf32>
        %dot_general3A_275 = tpu.matmul %convert_element_type3A_270, %squeeze3A, %dot_general3A {dimension_numbers = #tpu.dot_dimension_numbers<[1], [1], [0], [0], [0, 0, 1, 0], [], []>, transpose_lhs_hint = false} : vector<128x256xbf16>, vector<256x256xbf16>, vector<128x256xf32> -> vector<128x256xf32>
        %get3A_276 = arith.index_cast %add3A_234 : i32 to index
        %get3A_277 = memref.load %arg3[%get3A_276] : memref<79xi32, #tpu.memory_space<smem>>
        %get3A_278 = arith.index_cast %get3A_277 : i32 to index
        %get3A_279 = arith.constant 0 : index
        %get3A_280 = vector.load %arg8[%get3A_278, %get3A_279] : memref<64x256xf32, #tpu.memory_space<vmem>>, vector<1x256xf32>
        %jit3A_281 = arith.constant 0.000000e+00 : f32
        %broadcast_in_dim3A_282 = vector.shape_cast %and3A_261 : vector<128x1xi1> to vector<128x1xi1>
        %broadcast_in_dim3A_283 = vector.broadcast %broadcast_in_dim3A_282 : vector<128x1xi1> to vector<128x256xi1>
        %broadcast_in_dim3A_284 = vector.shape_cast %get3A_280 : vector<1x256xf32> to vector<1x256xf32>
        %broadcast_in_dim3A_285 = vector.broadcast %broadcast_in_dim3A_284 : vector<1x256xf32> to vector<128x256xf32>
        %broadcast_in_dim3A_286 = vector.broadcast %jit3A_281 : f32 to vector<128x256xf32>
        %select_n3A_287 = arith.select %broadcast_in_dim3A_283, %broadcast_in_dim3A_285, %broadcast_in_dim3A_286 : vector<128x256xi1>, vector<128x256xf32>
        %add3A_288 = arith.addf %dot_general3A_275, %select_n3A_287 : vector<128x256xf32>
        %get3A_289 = arith.index_cast %sub3A_255 : i32 to index
        %get3A_290 = arith.constant 0 : index
        %get3A_291 = vector.load %arg9[%get3A_289, %get3A_290] : memref<1024x256xf32, #tpu.memory_space<vmem>>, vector<128x256xf32>
        %add3A_292 = arith.addf %get3A_291, %add3A_288 : vector<128x256xf32>
        %swap3A_293 = arith.index_cast %sub3A_255 : i32 to index
        %swap3A_294 = arith.constant 0 : index
        %swap3A_295 = vector.load %arg9[%swap3A_293, %swap3A_294] : memref<1024x256xf32, #tpu.memory_space<vmem>>, vector<128x256xf32>
        tpu.vector_store %arg9[%swap3A_293, %swap3A_294], %add3A_292 {strides = array<i32>} : memref<1024x256xf32, #tpu.memory_space<vmem>>, vector<128x256xf32>,
        %add3A_296 = arith.constant 16 : i32
        %add3A_297 = arith.addi %add3A_234, %add3A_296 : i32
        %lt3A_298 = arith.cmpi slt, %add3A_297, %get3A_3 : i32
        %convert_element_type3A_299 = arith.extui %lt3A_298 : i1 to i32
        %cond3A_300 = arith.constant 0 : i32
        %cond3A_301 = arith.cmpi ne, %convert_element_type3A_299, %cond3A_300 : i32
        scf.if %cond3A_301 {
          %add3A_302 = arith.constant 16 : i32
          %add3A_303 = arith.addi %add3A_234, %add3A_302 : i32
          %get3A_304 = arith.index_cast %add3A_303 : i32 to index
          %get3A_305 = memref.load %arg3[%get3A_304] : memref<79xi32, #tpu.memory_space<smem>>
          %dma_start3A = arith.constant 6 : i32
          %dma_start3A_306 = tpu.memref_slice %arg11[%dma_start3A] : memref<16x!tpu.dma_semaphore, #tpu.memory_space<semaphore_mem>> -> memref<1x!tpu.dma_semaphore, #tpu.memory_space<semaphore_mem>>
          %dma_start3A_307 = tpu.memref_squeeze %dma_start3A_306 : memref<1x!tpu.dma_semaphore, #tpu.memory_space<semaphore_mem>> -> memref<!tpu.dma_semaphore, #tpu.memory_space<semaphore_mem>>
          %dma_start3A_308 = arith.constant 6 : i32
          %dma_start3A_309 = arith.constant 0 : i32
          %dma_start3A_310 = arith.constant 0 : i32
          %dma_start3A_311 = tpu.memref_slice %arg10[%dma_start3A_308, %dma_start3A_309, %dma_start3A_310] : memref<16x256x256xbf16, #tpu.memory_space<vmem>> -> memref<1x256x256xbf16, #tpu.memory_space<vmem>>
          %dma_start3A_312 = arith.constant 0 : i32
          %dma_start3A_313 = arith.constant 0 : i32
          %dma_start3A_314 = tpu.memref_slice %arg7[%get3A_305, %dma_start3A_312, %dma_start3A_313] : memref<64x256x256xbf16, #tpu.memory_space<hbm>> -> memref<1x256x256xbf16, #tpu.memory_space<hbm>>
          tpu.enqueue_dma source(%dma_start3A_314 : memref<1x256x256xbf16, #tpu.memory_space<hbm>>) target(%dma_start3A_311 : memref<1x256x256xbf16, #tpu.memory_space<vmem>>) target_semaphore(%dma_start3A_307 : memref<!tpu.dma_semaphore, #tpu.memory_space<semaphore_mem>>)
        } else {
        }
      } else {
      }
      %add3A_178 = arith.constant 7 : i32
      %add3A_179 = arith.addi %add3A_135, %add3A_178 : i32
      %lt3A_180 = arith.cmpi slt, %add3A_179, %get3A_3 : i32
      %convert_element_type3A_181 = arith.extui %lt3A_180 : i1 to i32
      %cond3A_182 = arith.constant 0 : i32
      %cond3A_183 = arith.cmpi ne, %convert_element_type3A_181, %cond3A_182 : i32
      scf.if %cond3A_183 {
        %add3A_233 = arith.constant 7 : i32
        %add3A_234 = arith.addi %add3A_135, %add3A_233 : i32
        %dma_wait3A = arith.constant 7 : i32
        %dma_wait3A_235 = tpu.memref_slice %arg11[%dma_wait3A] : memref<16x!tpu.dma_semaphore, #tpu.memory_space<semaphore_mem>> -> memref<1x!tpu.dma_semaphore, #tpu.memory_space<semaphore_mem>>
        %dma_wait3A_236 = tpu.memref_squeeze %dma_wait3A_235 : memref<1x!tpu.dma_semaphore, #tpu.memory_space<semaphore_mem>> -> memref<!tpu.dma_semaphore, #tpu.memory_space<semaphore_mem>>
        %dma_wait3A_237 = arith.constant 7 : i32
        %dma_wait3A_238 = arith.constant 0 : i32
        %dma_wait3A_239 = arith.constant 0 : i32
        %dma_wait3A_240 = tpu.memref_slice %arg10[%dma_wait3A_237, %dma_wait3A_238, %dma_wait3A_239] : memref<16x256x256xbf16, #tpu.memory_space<vmem>> -> memref<1x256x256xbf16, #tpu.memory_space<vmem>>
        %dma_wait3A_241 = arith.constant 0 : i32
        %dma_wait3A_242 = arith.constant 0 : i32
        %dma_wait3A_243 = arith.constant 0 : i32
        %dma_wait3A_244 = tpu.memref_slice %arg7[%dma_wait3A_241, %dma_wait3A_242, %dma_wait3A_243] : memref<64x256x256xbf16, #tpu.memory_space<hbm>> -> memref<1x256x256xbf16, #tpu.memory_space<hbm>>
        tpu.wait_dma2 semaphore(%dma_wait3A_236 : memref<!tpu.dma_semaphore, #tpu.memory_space<semaphore_mem>>) src(%dma_wait3A_244 : memref<1x256x256xbf16, #tpu.memory_space<hbm>>) dst(%dma_wait3A_240 : memref<1x256x256xbf16, #tpu.memory_space<vmem>>)
        %get3A_245 = arith.index_cast %add3A_234 : i32 to index
        %get3A_246 = memref.load %arg2[%get3A_245] : memref<79xi32, #tpu.memory_space<smem>>
        %get3A_247 = arith.index_cast %add3A_234 : i32 to index
        %get3A_248 = memref.load %arg4[%get3A_247] : memref<79xi32, #tpu.memory_space<smem>>
        %get3A_249 = arith.index_cast %add3A_234 : i32 to index
        %get3A_250 = memref.load %arg5[%get3A_249] : memref<79xi32, #tpu.memory_space<smem>>
        %mul3A_251 = arith.constant 128 : i32
        %mul3A_252 = arith.muli %get3A_246, %mul3A_251 : i32
        %mul3A_253 = arith.constant 1024 : i32
        %mul3A_254 = arith.muli %arg0, %mul3A_253 : i32
        %sub3A_255 = arith.subi %mul3A_252, %mul3A_254 : i32
        %iota3A = tpu.iota {dimensions = array<i32: 0>} : vector<128x1xi32>
        %add3A_256 = vector.broadcast %mul3A_252 : i32 to vector<128x1xi32>
        %add3A_257 = arith.addi %add3A_256, %iota3A : vector<128x1xi32>
        %ge3A = vector.broadcast %get3A_248 : i32 to vector<128x1xi32>
        %ge3A_258 = arith.cmpi sge, %add3A_257, %ge3A : vector<128x1xi32>
        %lt3A_259 = vector.broadcast %get3A_250 : i32 to vector<128x1xi32>
        %lt3A_260 = arith.cmpi slt, %add3A_257, %lt3A_259 : vector<128x1xi32>
        %and3A_261 = arith.andi %ge3A_258, %lt3A_260 : vector<128x1xi1>
        %get3A_262 = arith.index_cast %sub3A_255 : i32 to index
        %get3A_263 = arith.constant 0 : index
        %get3A_264 = vector.load %arg6[%get3A_262, %get3A_263] : memref<1024x256xf32, #tpu.memory_space<vmem>>, vector<128x256xf32>
        %jit3A_265 = arith.constant 0.000000e+00 : f32
        %broadcast_in_dim3A_266 = vector.shape_cast %and3A_261 : vector<128x1xi1> to vector<128x1xi1>
        %broadcast_in_dim3A_267 = vector.broadcast %broadcast_in_dim3A_266 : vector<128x1xi1> to vector<128x256xi1>
        %broadcast_in_dim3A_268 = vector.broadcast %jit3A_265 : f32 to vector<128x256xf32>
        %select_n3A_269 = arith.select %broadcast_in_dim3A_267, %get3A_264, %broadcast_in_dim3A_268 : vector<128x256xi1>, vector<128x256xf32>
        %convert_element_type3A_270 = arith.truncf %select_n3A_269 : vector<128x256xf32> to vector<128x256xbf16>
        %get3A_271 = arith.constant 7 : index
        %get3A_272 = arith.constant 0 : index
        %get3A_273 = arith.constant 0 : index
        %get3A_274 = vector.load %arg10[%get3A_271, %get3A_272, %get3A_273] : memref<16x256x256xbf16, #tpu.memory_space<vmem>>, vector<1x256x256xbf16>
        %squeeze3A = vector.shape_cast %get3A_274 : vector<1x256x256xbf16> to vector<256x256xbf16>
        %dot_general3A = arith.constant dense<0.000000e+00> : vector<128x256xf32>
        %dot_general3A_275 = tpu.matmul %convert_element_type3A_270, %squeeze3A, %dot_general3A {dimension_numbers = #tpu.dot_dimension_numbers<[1], [1], [0], [0], [0, 0, 1, 0], [], []>, transpose_lhs_hint = false} : vector<128x256xbf16>, vector<256x256xbf16>, vector<128x256xf32> -> vector<128x256xf32>
        %get3A_276 = arith.index_cast %add3A_234 : i32 to index
        %get3A_277 = memref.load %arg3[%get3A_276] : memref<79xi32, #tpu.memory_space<smem>>
        %get3A_278 = arith.index_cast %get3A_277 : i32 to index
        %get3A_279 = arith.constant 0 : index
        %get3A_280 = vector.load %arg8[%get3A_278, %get3A_279] : memref<64x256xf32, #tpu.memory_space<vmem>>, vector<1x256xf32>
        %jit3A_281 = arith.constant 0.000000e+00 : f32
        %broadcast_in_dim3A_282 = vector.shape_cast %and3A_261 : vector<128x1xi1> to vector<128x1xi1>
        %broadcast_in_dim3A_283 = vector.broadcast %broadcast_in_dim3A_282 : vector<128x1xi1> to vector<128x256xi1>
        %broadcast_in_dim3A_284 = vector.shape_cast %get3A_280 : vector<1x256xf32> to vector<1x256xf32>
        %broadcast_in_dim3A_285 = vector.broadcast %broadcast_in_dim3A_284 : vector<1x256xf32> to vector<128x256xf32>
        %broadcast_in_dim3A_286 = vector.broadcast %jit3A_281 : f32 to vector<128x256xf32>
        %select_n3A_287 = arith.select %broadcast_in_dim3A_283, %broadcast_in_dim3A_285, %broadcast_in_dim3A_286 : vector<128x256xi1>, vector<128x256xf32>
        %add3A_288 = arith.addf %dot_general3A_275, %select_n3A_287 : vector<128x256xf32>
        %get3A_289 = arith.index_cast %sub3A_255 : i32 to index
        %get3A_290 = arith.constant 0 : index
        %get3A_291 = vector.load %arg9[%get3A_289, %get3A_290] : memref<1024x256xf32, #tpu.memory_space<vmem>>, vector<128x256xf32>
        %add3A_292 = arith.addf %get3A_291, %add3A_288 : vector<128x256xf32>
        %swap3A_293 = arith.index_cast %sub3A_255 : i32 to index
        %swap3A_294 = arith.constant 0 : index
        %swap3A_295 = vector.load %arg9[%swap3A_293, %swap3A_294] : memref<1024x256xf32, #tpu.memory_space<vmem>>, vector<128x256xf32>
        tpu.vector_store %arg9[%swap3A_293, %swap3A_294], %add3A_292 {strides = array<i32>} : memref<1024x256xf32, #tpu.memory_space<vmem>>, vector<128x256xf32>,
        %add3A_296 = arith.constant 16 : i32
        %add3A_297 = arith.addi %add3A_234, %add3A_296 : i32
        %lt3A_298 = arith.cmpi slt, %add3A_297, %get3A_3 : i32
        %convert_element_type3A_299 = arith.extui %lt3A_298 : i1 to i32
        %cond3A_300 = arith.constant 0 : i32
        %cond3A_301 = arith.cmpi ne, %convert_element_type3A_299, %cond3A_300 : i32
        scf.if %cond3A_301 {
          %add3A_302 = arith.constant 16 : i32
          %add3A_303 = arith.addi %add3A_234, %add3A_302 : i32
          %get3A_304 = arith.index_cast %add3A_303 : i32 to index
          %get3A_305 = memref.load %arg3[%get3A_304] : memref<79xi32, #tpu.memory_space<smem>>
          %dma_start3A = arith.constant 7 : i32
          %dma_start3A_306 = tpu.memref_slice %arg11[%dma_start3A] : memref<16x!tpu.dma_semaphore, #tpu.memory_space<semaphore_mem>> -> memref<1x!tpu.dma_semaphore, #tpu.memory_space<semaphore_mem>>
          %dma_start3A_307 = tpu.memref_squeeze %dma_start3A_306 : memref<1x!tpu.dma_semaphore, #tpu.memory_space<semaphore_mem>> -> memref<!tpu.dma_semaphore, #tpu.memory_space<semaphore_mem>>
          %dma_start3A_308 = arith.constant 7 : i32
          %dma_start3A_309 = arith.constant 0 : i32
          %dma_start3A_310 = arith.constant 0 : i32
          %dma_start3A_311 = tpu.memref_slice %arg10[%dma_start3A_308, %dma_start3A_309, %dma_start3A_310] : memref<16x256x256xbf16, #tpu.memory_space<vmem>> -> memref<1x256x256xbf16, #tpu.memory_space<vmem>>
          %dma_start3A_312 = arith.constant 0 : i32
          %dma_start3A_313 = arith.constant 0 : i32
          %dma_start3A_314 = tpu.memref_slice %arg7[%get3A_305, %dma_start3A_312, %dma_start3A_313] : memref<64x256x256xbf16, #tpu.memory_space<hbm>> -> memref<1x256x256xbf16, #tpu.memory_space<hbm>>
          tpu.enqueue_dma source(%dma_start3A_314 : memref<1x256x256xbf16, #tpu.memory_space<hbm>>) target(%dma_start3A_311 : memref<1x256x256xbf16, #tpu.memory_space<vmem>>) target_semaphore(%dma_start3A_307 : memref<!tpu.dma_semaphore, #tpu.memory_space<semaphore_mem>>)
        } else {
        }
      } else {
      }
      %add3A_184 = arith.constant 8 : i32
      %add3A_185 = arith.addi %add3A_135, %add3A_184 : i32
      %lt3A_186 = arith.cmpi slt, %add3A_185, %get3A_3 : i32
      %convert_element_type3A_187 = arith.extui %lt3A_186 : i1 to i32
      %cond3A_188 = arith.constant 0 : i32
      %cond3A_189 = arith.cmpi ne, %convert_element_type3A_187, %cond3A_188 : i32
      scf.if %cond3A_189 {
        %add3A_233 = arith.constant 8 : i32
        %add3A_234 = arith.addi %add3A_135, %add3A_233 : i32
        %dma_wait3A = arith.constant 8 : i32
        %dma_wait3A_235 = tpu.memref_slice %arg11[%dma_wait3A] : memref<16x!tpu.dma_semaphore, #tpu.memory_space<semaphore_mem>> -> memref<1x!tpu.dma_semaphore, #tpu.memory_space<semaphore_mem>>
        %dma_wait3A_236 = tpu.memref_squeeze %dma_wait3A_235 : memref<1x!tpu.dma_semaphore, #tpu.memory_space<semaphore_mem>> -> memref<!tpu.dma_semaphore, #tpu.memory_space<semaphore_mem>>
        %dma_wait3A_237 = arith.constant 8 : i32
        %dma_wait3A_238 = arith.constant 0 : i32
        %dma_wait3A_239 = arith.constant 0 : i32
        %dma_wait3A_240 = tpu.memref_slice %arg10[%dma_wait3A_237, %dma_wait3A_238, %dma_wait3A_239] : memref<16x256x256xbf16, #tpu.memory_space<vmem>> -> memref<1x256x256xbf16, #tpu.memory_space<vmem>>
        %dma_wait3A_241 = arith.constant 0 : i32
        %dma_wait3A_242 = arith.constant 0 : i32
        %dma_wait3A_243 = arith.constant 0 : i32
        %dma_wait3A_244 = tpu.memref_slice %arg7[%dma_wait3A_241, %dma_wait3A_242, %dma_wait3A_243] : memref<64x256x256xbf16, #tpu.memory_space<hbm>> -> memref<1x256x256xbf16, #tpu.memory_space<hbm>>
        tpu.wait_dma2 semaphore(%dma_wait3A_236 : memref<!tpu.dma_semaphore, #tpu.memory_space<semaphore_mem>>) src(%dma_wait3A_244 : memref<1x256x256xbf16, #tpu.memory_space<hbm>>) dst(%dma_wait3A_240 : memref<1x256x256xbf16, #tpu.memory_space<vmem>>)
        %get3A_245 = arith.index_cast %add3A_234 : i32 to index
        %get3A_246 = memref.load %arg2[%get3A_245] : memref<79xi32, #tpu.memory_space<smem>>
        %get3A_247 = arith.index_cast %add3A_234 : i32 to index
        %get3A_248 = memref.load %arg4[%get3A_247] : memref<79xi32, #tpu.memory_space<smem>>
        %get3A_249 = arith.index_cast %add3A_234 : i32 to index
        %get3A_250 = memref.load %arg5[%get3A_249] : memref<79xi32, #tpu.memory_space<smem>>
        %mul3A_251 = arith.constant 128 : i32
        %mul3A_252 = arith.muli %get3A_246, %mul3A_251 : i32
        %mul3A_253 = arith.constant 1024 : i32
        %mul3A_254 = arith.muli %arg0, %mul3A_253 : i32
        %sub3A_255 = arith.subi %mul3A_252, %mul3A_254 : i32
        %iota3A = tpu.iota {dimensions = array<i32: 0>} : vector<128x1xi32>
        %add3A_256 = vector.broadcast %mul3A_252 : i32 to vector<128x1xi32>
        %add3A_257 = arith.addi %add3A_256, %iota3A : vector<128x1xi32>
        %ge3A = vector.broadcast %get3A_248 : i32 to vector<128x1xi32>
        %ge3A_258 = arith.cmpi sge, %add3A_257, %ge3A : vector<128x1xi32>
        %lt3A_259 = vector.broadcast %get3A_250 : i32 to vector<128x1xi32>
        %lt3A_260 = arith.cmpi slt, %add3A_257, %lt3A_259 : vector<128x1xi32>
        %and3A_261 = arith.andi %ge3A_258, %lt3A_260 : vector<128x1xi1>
        %get3A_262 = arith.index_cast %sub3A_255 : i32 to index
        %get3A_263 = arith.constant 0 : index
        %get3A_264 = vector.load %arg6[%get3A_262, %get3A_263] : memref<1024x256xf32, #tpu.memory_space<vmem>>, vector<128x256xf32>
        %jit3A_265 = arith.constant 0.000000e+00 : f32
        %broadcast_in_dim3A_266 = vector.shape_cast %and3A_261 : vector<128x1xi1> to vector<128x1xi1>
        %broadcast_in_dim3A_267 = vector.broadcast %broadcast_in_dim3A_266 : vector<128x1xi1> to vector<128x256xi1>
        %broadcast_in_dim3A_268 = vector.broadcast %jit3A_265 : f32 to vector<128x256xf32>
        %select_n3A_269 = arith.select %broadcast_in_dim3A_267, %get3A_264, %broadcast_in_dim3A_268 : vector<128x256xi1>, vector<128x256xf32>
        %convert_element_type3A_270 = arith.truncf %select_n3A_269 : vector<128x256xf32> to vector<128x256xbf16>
        %get3A_271 = arith.constant 8 : index
        %get3A_272 = arith.constant 0 : index
        %get3A_273 = arith.constant 0 : index
        %get3A_274 = vector.load %arg10[%get3A_271, %get3A_272, %get3A_273] : memref<16x256x256xbf16, #tpu.memory_space<vmem>>, vector<1x256x256xbf16>
        %squeeze3A = vector.shape_cast %get3A_274 : vector<1x256x256xbf16> to vector<256x256xbf16>
        %dot_general3A = arith.constant dense<0.000000e+00> : vector<128x256xf32>
        %dot_general3A_275 = tpu.matmul %convert_element_type3A_270, %squeeze3A, %dot_general3A {dimension_numbers = #tpu.dot_dimension_numbers<[1], [1], [0], [0], [0, 0, 1, 0], [], []>, transpose_lhs_hint = false} : vector<128x256xbf16>, vector<256x256xbf16>, vector<128x256xf32> -> vector<128x256xf32>
        %get3A_276 = arith.index_cast %add3A_234 : i32 to index
        %get3A_277 = memref.load %arg3[%get3A_276] : memref<79xi32, #tpu.memory_space<smem>>
        %get3A_278 = arith.index_cast %get3A_277 : i32 to index
        %get3A_279 = arith.constant 0 : index
        %get3A_280 = vector.load %arg8[%get3A_278, %get3A_279] : memref<64x256xf32, #tpu.memory_space<vmem>>, vector<1x256xf32>
        %jit3A_281 = arith.constant 0.000000e+00 : f32
        %broadcast_in_dim3A_282 = vector.shape_cast %and3A_261 : vector<128x1xi1> to vector<128x1xi1>
        %broadcast_in_dim3A_283 = vector.broadcast %broadcast_in_dim3A_282 : vector<128x1xi1> to vector<128x256xi1>
        %broadcast_in_dim3A_284 = vector.shape_cast %get3A_280 : vector<1x256xf32> to vector<1x256xf32>
        %broadcast_in_dim3A_285 = vector.broadcast %broadcast_in_dim3A_284 : vector<1x256xf32> to vector<128x256xf32>
        %broadcast_in_dim3A_286 = vector.broadcast %jit3A_281 : f32 to vector<128x256xf32>
        %select_n3A_287 = arith.select %broadcast_in_dim3A_283, %broadcast_in_dim3A_285, %broadcast_in_dim3A_286 : vector<128x256xi1>, vector<128x256xf32>
        %add3A_288 = arith.addf %dot_general3A_275, %select_n3A_287 : vector<128x256xf32>
        %get3A_289 = arith.index_cast %sub3A_255 : i32 to index
        %get3A_290 = arith.constant 0 : index
        %get3A_291 = vector.load %arg9[%get3A_289, %get3A_290] : memref<1024x256xf32, #tpu.memory_space<vmem>>, vector<128x256xf32>
        %add3A_292 = arith.addf %get3A_291, %add3A_288 : vector<128x256xf32>
        %swap3A_293 = arith.index_cast %sub3A_255 : i32 to index
        %swap3A_294 = arith.constant 0 : index
        %swap3A_295 = vector.load %arg9[%swap3A_293, %swap3A_294] : memref<1024x256xf32, #tpu.memory_space<vmem>>, vector<128x256xf32>
        tpu.vector_store %arg9[%swap3A_293, %swap3A_294], %add3A_292 {strides = array<i32>} : memref<1024x256xf32, #tpu.memory_space<vmem>>, vector<128x256xf32>,
        %add3A_296 = arith.constant 16 : i32
        %add3A_297 = arith.addi %add3A_234, %add3A_296 : i32
        %lt3A_298 = arith.cmpi slt, %add3A_297, %get3A_3 : i32
        %convert_element_type3A_299 = arith.extui %lt3A_298 : i1 to i32
        %cond3A_300 = arith.constant 0 : i32
        %cond3A_301 = arith.cmpi ne, %convert_element_type3A_299, %cond3A_300 : i32
        scf.if %cond3A_301 {
          %add3A_302 = arith.constant 16 : i32
          %add3A_303 = arith.addi %add3A_234, %add3A_302 : i32
          %get3A_304 = arith.index_cast %add3A_303 : i32 to index
          %get3A_305 = memref.load %arg3[%get3A_304] : memref<79xi32, #tpu.memory_space<smem>>
          %dma_start3A = arith.constant 8 : i32
          %dma_start3A_306 = tpu.memref_slice %arg11[%dma_start3A] : memref<16x!tpu.dma_semaphore, #tpu.memory_space<semaphore_mem>> -> memref<1x!tpu.dma_semaphore, #tpu.memory_space<semaphore_mem>>
          %dma_start3A_307 = tpu.memref_squeeze %dma_start3A_306 : memref<1x!tpu.dma_semaphore, #tpu.memory_space<semaphore_mem>> -> memref<!tpu.dma_semaphore, #tpu.memory_space<semaphore_mem>>
          %dma_start3A_308 = arith.constant 8 : i32
          %dma_start3A_309 = arith.constant 0 : i32
          %dma_start3A_310 = arith.constant 0 : i32
          %dma_start3A_311 = tpu.memref_slice %arg10[%dma_start3A_308, %dma_start3A_309, %dma_start3A_310] : memref<16x256x256xbf16, #tpu.memory_space<vmem>> -> memref<1x256x256xbf16, #tpu.memory_space<vmem>>
          %dma_start3A_312 = arith.constant 0 : i32
          %dma_start3A_313 = arith.constant 0 : i32
          %dma_start3A_314 = tpu.memref_slice %arg7[%get3A_305, %dma_start3A_312, %dma_start3A_313] : memref<64x256x256xbf16, #tpu.memory_space<hbm>> -> memref<1x256x256xbf16, #tpu.memory_space<hbm>>
          tpu.enqueue_dma source(%dma_start3A_314 : memref<1x256x256xbf16, #tpu.memory_space<hbm>>) target(%dma_start3A_311 : memref<1x256x256xbf16, #tpu.memory_space<vmem>>) target_semaphore(%dma_start3A_307 : memref<!tpu.dma_semaphore, #tpu.memory_space<semaphore_mem>>)
        } else {
        }
      } else {
      }
      %add3A_190 = arith.constant 9 : i32
      %add3A_191 = arith.addi %add3A_135, %add3A_190 : i32
      %lt3A_192 = arith.cmpi slt, %add3A_191, %get3A_3 : i32
      %convert_element_type3A_193 = arith.extui %lt3A_192 : i1 to i32
      %cond3A_194 = arith.constant 0 : i32
      %cond3A_195 = arith.cmpi ne, %convert_element_type3A_193, %cond3A_194 : i32
      scf.if %cond3A_195 {
        %add3A_233 = arith.constant 9 : i32
        %add3A_234 = arith.addi %add3A_135, %add3A_233 : i32
        %dma_wait3A = arith.constant 9 : i32
        %dma_wait3A_235 = tpu.memref_slice %arg11[%dma_wait3A] : memref<16x!tpu.dma_semaphore, #tpu.memory_space<semaphore_mem>> -> memref<1x!tpu.dma_semaphore, #tpu.memory_space<semaphore_mem>>
        %dma_wait3A_236 = tpu.memref_squeeze %dma_wait3A_235 : memref<1x!tpu.dma_semaphore, #tpu.memory_space<semaphore_mem>> -> memref<!tpu.dma_semaphore, #tpu.memory_space<semaphore_mem>>
        %dma_wait3A_237 = arith.constant 9 : i32
        %dma_wait3A_238 = arith.constant 0 : i32
        %dma_wait3A_239 = arith.constant 0 : i32
        %dma_wait3A_240 = tpu.memref_slice %arg10[%dma_wait3A_237, %dma_wait3A_238, %dma_wait3A_239] : memref<16x256x256xbf16, #tpu.memory_space<vmem>> -> memref<1x256x256xbf16, #tpu.memory_space<vmem>>
        %dma_wait3A_241 = arith.constant 0 : i32
        %dma_wait3A_242 = arith.constant 0 : i32
        %dma_wait3A_243 = arith.constant 0 : i32
        %dma_wait3A_244 = tpu.memref_slice %arg7[%dma_wait3A_241, %dma_wait3A_242, %dma_wait3A_243] : memref<64x256x256xbf16, #tpu.memory_space<hbm>> -> memref<1x256x256xbf16, #tpu.memory_space<hbm>>
        tpu.wait_dma2 semaphore(%dma_wait3A_236 : memref<!tpu.dma_semaphore, #tpu.memory_space<semaphore_mem>>) src(%dma_wait3A_244 : memref<1x256x256xbf16, #tpu.memory_space<hbm>>) dst(%dma_wait3A_240 : memref<1x256x256xbf16, #tpu.memory_space<vmem>>)
        %get3A_245 = arith.index_cast %add3A_234 : i32 to index
        %get3A_246 = memref.load %arg2[%get3A_245] : memref<79xi32, #tpu.memory_space<smem>>
        %get3A_247 = arith.index_cast %add3A_234 : i32 to index
        %get3A_248 = memref.load %arg4[%get3A_247] : memref<79xi32, #tpu.memory_space<smem>>
        %get3A_249 = arith.index_cast %add3A_234 : i32 to index
        %get3A_250 = memref.load %arg5[%get3A_249] : memref<79xi32, #tpu.memory_space<smem>>
        %mul3A_251 = arith.constant 128 : i32
        %mul3A_252 = arith.muli %get3A_246, %mul3A_251 : i32
        %mul3A_253 = arith.constant 1024 : i32
        %mul3A_254 = arith.muli %arg0, %mul3A_253 : i32
        %sub3A_255 = arith.subi %mul3A_252, %mul3A_254 : i32
        %iota3A = tpu.iota {dimensions = array<i32: 0>} : vector<128x1xi32>
        %add3A_256 = vector.broadcast %mul3A_252 : i32 to vector<128x1xi32>
        %add3A_257 = arith.addi %add3A_256, %iota3A : vector<128x1xi32>
        %ge3A = vector.broadcast %get3A_248 : i32 to vector<128x1xi32>
        %ge3A_258 = arith.cmpi sge, %add3A_257, %ge3A : vector<128x1xi32>
        %lt3A_259 = vector.broadcast %get3A_250 : i32 to vector<128x1xi32>
        %lt3A_260 = arith.cmpi slt, %add3A_257, %lt3A_259 : vector<128x1xi32>
        %and3A_261 = arith.andi %ge3A_258, %lt3A_260 : vector<128x1xi1>
        %get3A_262 = arith.index_cast %sub3A_255 : i32 to index
        %get3A_263 = arith.constant 0 : index
        %get3A_264 = vector.load %arg6[%get3A_262, %get3A_263] : memref<1024x256xf32, #tpu.memory_space<vmem>>, vector<128x256xf32>
        %jit3A_265 = arith.constant 0.000000e+00 : f32
        %broadcast_in_dim3A_266 = vector.shape_cast %and3A_261 : vector<128x1xi1> to vector<128x1xi1>
        %broadcast_in_dim3A_267 = vector.broadcast %broadcast_in_dim3A_266 : vector<128x1xi1> to vector<128x256xi1>
        %broadcast_in_dim3A_268 = vector.broadcast %jit3A_265 : f32 to vector<128x256xf32>
        %select_n3A_269 = arith.select %broadcast_in_dim3A_267, %get3A_264, %broadcast_in_dim3A_268 : vector<128x256xi1>, vector<128x256xf32>
        %convert_element_type3A_270 = arith.truncf %select_n3A_269 : vector<128x256xf32> to vector<128x256xbf16>
        %get3A_271 = arith.constant 9 : index
        %get3A_272 = arith.constant 0 : index
        %get3A_273 = arith.constant 0 : index
        %get3A_274 = vector.load %arg10[%get3A_271, %get3A_272, %get3A_273] : memref<16x256x256xbf16, #tpu.memory_space<vmem>>, vector<1x256x256xbf16>
        %squeeze3A = vector.shape_cast %get3A_274 : vector<1x256x256xbf16> to vector<256x256xbf16>
        %dot_general3A = arith.constant dense<0.000000e+00> : vector<128x256xf32>
        %dot_general3A_275 = tpu.matmul %convert_element_type3A_270, %squeeze3A, %dot_general3A {dimension_numbers = #tpu.dot_dimension_numbers<[1], [1], [0], [0], [0, 0, 1, 0], [], []>, transpose_lhs_hint = false} : vector<128x256xbf16>, vector<256x256xbf16>, vector<128x256xf32> -> vector<128x256xf32>
        %get3A_276 = arith.index_cast %add3A_234 : i32 to index
        %get3A_277 = memref.load %arg3[%get3A_276] : memref<79xi32, #tpu.memory_space<smem>>
        %get3A_278 = arith.index_cast %get3A_277 : i32 to index
        %get3A_279 = arith.constant 0 : index
        %get3A_280 = vector.load %arg8[%get3A_278, %get3A_279] : memref<64x256xf32, #tpu.memory_space<vmem>>, vector<1x256xf32>
        %jit3A_281 = arith.constant 0.000000e+00 : f32
        %broadcast_in_dim3A_282 = vector.shape_cast %and3A_261 : vector<128x1xi1> to vector<128x1xi1>
        %broadcast_in_dim3A_283 = vector.broadcast %broadcast_in_dim3A_282 : vector<128x1xi1> to vector<128x256xi1>
        %broadcast_in_dim3A_284 = vector.shape_cast %get3A_280 : vector<1x256xf32> to vector<1x256xf32>
        %broadcast_in_dim3A_285 = vector.broadcast %broadcast_in_dim3A_284 : vector<1x256xf32> to vector<128x256xf32>
        %broadcast_in_dim3A_286 = vector.broadcast %jit3A_281 : f32 to vector<128x256xf32>
        %select_n3A_287 = arith.select %broadcast_in_dim3A_283, %broadcast_in_dim3A_285, %broadcast_in_dim3A_286 : vector<128x256xi1>, vector<128x256xf32>
        %add3A_288 = arith.addf %dot_general3A_275, %select_n3A_287 : vector<128x256xf32>
        %get3A_289 = arith.index_cast %sub3A_255 : i32 to index
        %get3A_290 = arith.constant 0 : index
        %get3A_291 = vector.load %arg9[%get3A_289, %get3A_290] : memref<1024x256xf32, #tpu.memory_space<vmem>>, vector<128x256xf32>
        %add3A_292 = arith.addf %get3A_291, %add3A_288 : vector<128x256xf32>
        %swap3A_293 = arith.index_cast %sub3A_255 : i32 to index
        %swap3A_294 = arith.constant 0 : index
        %swap3A_295 = vector.load %arg9[%swap3A_293, %swap3A_294] : memref<1024x256xf32, #tpu.memory_space<vmem>>, vector<128x256xf32>
        tpu.vector_store %arg9[%swap3A_293, %swap3A_294], %add3A_292 {strides = array<i32>} : memref<1024x256xf32, #tpu.memory_space<vmem>>, vector<128x256xf32>,
        %add3A_296 = arith.constant 16 : i32
        %add3A_297 = arith.addi %add3A_234, %add3A_296 : i32
        %lt3A_298 = arith.cmpi slt, %add3A_297, %get3A_3 : i32
        %convert_element_type3A_299 = arith.extui %lt3A_298 : i1 to i32
        %cond3A_300 = arith.constant 0 : i32
        %cond3A_301 = arith.cmpi ne, %convert_element_type3A_299, %cond3A_300 : i32
        scf.if %cond3A_301 {
          %add3A_302 = arith.constant 16 : i32
          %add3A_303 = arith.addi %add3A_234, %add3A_302 : i32
          %get3A_304 = arith.index_cast %add3A_303 : i32 to index
          %get3A_305 = memref.load %arg3[%get3A_304] : memref<79xi32, #tpu.memory_space<smem>>
          %dma_start3A = arith.constant 9 : i32
          %dma_start3A_306 = tpu.memref_slice %arg11[%dma_start3A] : memref<16x!tpu.dma_semaphore, #tpu.memory_space<semaphore_mem>> -> memref<1x!tpu.dma_semaphore, #tpu.memory_space<semaphore_mem>>
          %dma_start3A_307 = tpu.memref_squeeze %dma_start3A_306 : memref<1x!tpu.dma_semaphore, #tpu.memory_space<semaphore_mem>> -> memref<!tpu.dma_semaphore, #tpu.memory_space<semaphore_mem>>
          %dma_start3A_308 = arith.constant 9 : i32
          %dma_start3A_309 = arith.constant 0 : i32
          %dma_start3A_310 = arith.constant 0 : i32
          %dma_start3A_311 = tpu.memref_slice %arg10[%dma_start3A_308, %dma_start3A_309, %dma_start3A_310] : memref<16x256x256xbf16, #tpu.memory_space<vmem>> -> memref<1x256x256xbf16, #tpu.memory_space<vmem>>
          %dma_start3A_312 = arith.constant 0 : i32
          %dma_start3A_313 = arith.constant 0 : i32
          %dma_start3A_314 = tpu.memref_slice %arg7[%get3A_305, %dma_start3A_312, %dma_start3A_313] : memref<64x256x256xbf16, #tpu.memory_space<hbm>> -> memref<1x256x256xbf16, #tpu.memory_space<hbm>>
          tpu.enqueue_dma source(%dma_start3A_314 : memref<1x256x256xbf16, #tpu.memory_space<hbm>>) target(%dma_start3A_311 : memref<1x256x256xbf16, #tpu.memory_space<vmem>>) target_semaphore(%dma_start3A_307 : memref<!tpu.dma_semaphore, #tpu.memory_space<semaphore_mem>>)
        } else {
        }
      } else {
      }
      %add3A_196 = arith.constant 10 : i32
      %add3A_197 = arith.addi %add3A_135, %add3A_196 : i32
      %lt3A_198 = arith.cmpi slt, %add3A_197, %get3A_3 : i32
      %convert_element_type3A_199 = arith.extui %lt3A_198 : i1 to i32
      %cond3A_200 = arith.constant 0 : i32
      %cond3A_201 = arith.cmpi ne, %convert_element_type3A_199, %cond3A_200 : i32
      scf.if %cond3A_201 {
        %add3A_233 = arith.constant 10 : i32
        %add3A_234 = arith.addi %add3A_135, %add3A_233 : i32
        %dma_wait3A = arith.constant 10 : i32
        %dma_wait3A_235 = tpu.memref_slice %arg11[%dma_wait3A] : memref<16x!tpu.dma_semaphore, #tpu.memory_space<semaphore_mem>> -> memref<1x!tpu.dma_semaphore, #tpu.memory_space<semaphore_mem>>
        %dma_wait3A_236 = tpu.memref_squeeze %dma_wait3A_235 : memref<1x!tpu.dma_semaphore, #tpu.memory_space<semaphore_mem>> -> memref<!tpu.dma_semaphore, #tpu.memory_space<semaphore_mem>>
        %dma_wait3A_237 = arith.constant 10 : i32
        %dma_wait3A_238 = arith.constant 0 : i32
        %dma_wait3A_239 = arith.constant 0 : i32
        %dma_wait3A_240 = tpu.memref_slice %arg10[%dma_wait3A_237, %dma_wait3A_238, %dma_wait3A_239] : memref<16x256x256xbf16, #tpu.memory_space<vmem>> -> memref<1x256x256xbf16, #tpu.memory_space<vmem>>
        %dma_wait3A_241 = arith.constant 0 : i32
        %dma_wait3A_242 = arith.constant 0 : i32
        %dma_wait3A_243 = arith.constant 0 : i32
        %dma_wait3A_244 = tpu.memref_slice %arg7[%dma_wait3A_241, %dma_wait3A_242, %dma_wait3A_243] : memref<64x256x256xbf16, #tpu.memory_space<hbm>> -> memref<1x256x256xbf16, #tpu.memory_space<hbm>>
        tpu.wait_dma2 semaphore(%dma_wait3A_236 : memref<!tpu.dma_semaphore, #tpu.memory_space<semaphore_mem>>) src(%dma_wait3A_244 : memref<1x256x256xbf16, #tpu.memory_space<hbm>>) dst(%dma_wait3A_240 : memref<1x256x256xbf16, #tpu.memory_space<vmem>>)
        %get3A_245 = arith.index_cast %add3A_234 : i32 to index
        %get3A_246 = memref.load %arg2[%get3A_245] : memref<79xi32, #tpu.memory_space<smem>>
        %get3A_247 = arith.index_cast %add3A_234 : i32 to index
        %get3A_248 = memref.load %arg4[%get3A_247] : memref<79xi32, #tpu.memory_space<smem>>
        %get3A_249 = arith.index_cast %add3A_234 : i32 to index
        %get3A_250 = memref.load %arg5[%get3A_249] : memref<79xi32, #tpu.memory_space<smem>>
        %mul3A_251 = arith.constant 128 : i32
        %mul3A_252 = arith.muli %get3A_246, %mul3A_251 : i32
        %mul3A_253 = arith.constant 1024 : i32
        %mul3A_254 = arith.muli %arg0, %mul3A_253 : i32
        %sub3A_255 = arith.subi %mul3A_252, %mul3A_254 : i32
        %iota3A = tpu.iota {dimensions = array<i32: 0>} : vector<128x1xi32>
        %add3A_256 = vector.broadcast %mul3A_252 : i32 to vector<128x1xi32>
        %add3A_257 = arith.addi %add3A_256, %iota3A : vector<128x1xi32>
        %ge3A = vector.broadcast %get3A_248 : i32 to vector<128x1xi32>
        %ge3A_258 = arith.cmpi sge, %add3A_257, %ge3A : vector<128x1xi32>
        %lt3A_259 = vector.broadcast %get3A_250 : i32 to vector<128x1xi32>
        %lt3A_260 = arith.cmpi slt, %add3A_257, %lt3A_259 : vector<128x1xi32>
        %and3A_261 = arith.andi %ge3A_258, %lt3A_260 : vector<128x1xi1>
        %get3A_262 = arith.index_cast %sub3A_255 : i32 to index
        %get3A_263 = arith.constant 0 : index
        %get3A_264 = vector.load %arg6[%get3A_262, %get3A_263] : memref<1024x256xf32, #tpu.memory_space<vmem>>, vector<128x256xf32>
        %jit3A_265 = arith.constant 0.000000e+00 : f32
        %broadcast_in_dim3A_266 = vector.shape_cast %and3A_261 : vector<128x1xi1> to vector<128x1xi1>
        %broadcast_in_dim3A_267 = vector.broadcast %broadcast_in_dim3A_266 : vector<128x1xi1> to vector<128x256xi1>
        %broadcast_in_dim3A_268 = vector.broadcast %jit3A_265 : f32 to vector<128x256xf32>
        %select_n3A_269 = arith.select %broadcast_in_dim3A_267, %get3A_264, %broadcast_in_dim3A_268 : vector<128x256xi1>, vector<128x256xf32>
        %convert_element_type3A_270 = arith.truncf %select_n3A_269 : vector<128x256xf32> to vector<128x256xbf16>
        %get3A_271 = arith.constant 10 : index
        %get3A_272 = arith.constant 0 : index
        %get3A_273 = arith.constant 0 : index
        %get3A_274 = vector.load %arg10[%get3A_271, %get3A_272, %get3A_273] : memref<16x256x256xbf16, #tpu.memory_space<vmem>>, vector<1x256x256xbf16>
        %squeeze3A = vector.shape_cast %get3A_274 : vector<1x256x256xbf16> to vector<256x256xbf16>
        %dot_general3A = arith.constant dense<0.000000e+00> : vector<128x256xf32>
        %dot_general3A_275 = tpu.matmul %convert_element_type3A_270, %squeeze3A, %dot_general3A {dimension_numbers = #tpu.dot_dimension_numbers<[1], [1], [0], [0], [0, 0, 1, 0], [], []>, transpose_lhs_hint = false} : vector<128x256xbf16>, vector<256x256xbf16>, vector<128x256xf32> -> vector<128x256xf32>
        %get3A_276 = arith.index_cast %add3A_234 : i32 to index
        %get3A_277 = memref.load %arg3[%get3A_276] : memref<79xi32, #tpu.memory_space<smem>>
        %get3A_278 = arith.index_cast %get3A_277 : i32 to index
        %get3A_279 = arith.constant 0 : index
        %get3A_280 = vector.load %arg8[%get3A_278, %get3A_279] : memref<64x256xf32, #tpu.memory_space<vmem>>, vector<1x256xf32>
        %jit3A_281 = arith.constant 0.000000e+00 : f32
        %broadcast_in_dim3A_282 = vector.shape_cast %and3A_261 : vector<128x1xi1> to vector<128x1xi1>
        %broadcast_in_dim3A_283 = vector.broadcast %broadcast_in_dim3A_282 : vector<128x1xi1> to vector<128x256xi1>
        %broadcast_in_dim3A_284 = vector.shape_cast %get3A_280 : vector<1x256xf32> to vector<1x256xf32>
        %broadcast_in_dim3A_285 = vector.broadcast %broadcast_in_dim3A_284 : vector<1x256xf32> to vector<128x256xf32>
        %broadcast_in_dim3A_286 = vector.broadcast %jit3A_281 : f32 to vector<128x256xf32>
        %select_n3A_287 = arith.select %broadcast_in_dim3A_283, %broadcast_in_dim3A_285, %broadcast_in_dim3A_286 : vector<128x256xi1>, vector<128x256xf32>
        %add3A_288 = arith.addf %dot_general3A_275, %select_n3A_287 : vector<128x256xf32>
        %get3A_289 = arith.index_cast %sub3A_255 : i32 to index
        %get3A_290 = arith.constant 0 : index
        %get3A_291 = vector.load %arg9[%get3A_289, %get3A_290] : memref<1024x256xf32, #tpu.memory_space<vmem>>, vector<128x256xf32>
        %add3A_292 = arith.addf %get3A_291, %add3A_288 : vector<128x256xf32>
        %swap3A_293 = arith.index_cast %sub3A_255 : i32 to index
        %swap3A_294 = arith.constant 0 : index
        %swap3A_295 = vector.load %arg9[%swap3A_293, %swap3A_294] : memref<1024x256xf32, #tpu.memory_space<vmem>>, vector<128x256xf32>
        tpu.vector_store %arg9[%swap3A_293, %swap3A_294], %add3A_292 {strides = array<i32>} : memref<1024x256xf32, #tpu.memory_space<vmem>>, vector<128x256xf32>,
        %add3A_296 = arith.constant 16 : i32
        %add3A_297 = arith.addi %add3A_234, %add3A_296 : i32
        %lt3A_298 = arith.cmpi slt, %add3A_297, %get3A_3 : i32
        %convert_element_type3A_299 = arith.extui %lt3A_298 : i1 to i32
        %cond3A_300 = arith.constant 0 : i32
        %cond3A_301 = arith.cmpi ne, %convert_element_type3A_299, %cond3A_300 : i32
        scf.if %cond3A_301 {
          %add3A_302 = arith.constant 16 : i32
          %add3A_303 = arith.addi %add3A_234, %add3A_302 : i32
          %get3A_304 = arith.index_cast %add3A_303 : i32 to index
          %get3A_305 = memref.load %arg3[%get3A_304] : memref<79xi32, #tpu.memory_space<smem>>
          %dma_start3A = arith.constant 10 : i32
          %dma_start3A_306 = tpu.memref_slice %arg11[%dma_start3A] : memref<16x!tpu.dma_semaphore, #tpu.memory_space<semaphore_mem>> -> memref<1x!tpu.dma_semaphore, #tpu.memory_space<semaphore_mem>>
          %dma_start3A_307 = tpu.memref_squeeze %dma_start3A_306 : memref<1x!tpu.dma_semaphore, #tpu.memory_space<semaphore_mem>> -> memref<!tpu.dma_semaphore, #tpu.memory_space<semaphore_mem>>
          %dma_start3A_308 = arith.constant 10 : i32
          %dma_start3A_309 = arith.constant 0 : i32
          %dma_start3A_310 = arith.constant 0 : i32
          %dma_start3A_311 = tpu.memref_slice %arg10[%dma_start3A_308, %dma_start3A_309, %dma_start3A_310] : memref<16x256x256xbf16, #tpu.memory_space<vmem>> -> memref<1x256x256xbf16, #tpu.memory_space<vmem>>
          %dma_start3A_312 = arith.constant 0 : i32
          %dma_start3A_313 = arith.constant 0 : i32
          %dma_start3A_314 = tpu.memref_slice %arg7[%get3A_305, %dma_start3A_312, %dma_start3A_313] : memref<64x256x256xbf16, #tpu.memory_space<hbm>> -> memref<1x256x256xbf16, #tpu.memory_space<hbm>>
          tpu.enqueue_dma source(%dma_start3A_314 : memref<1x256x256xbf16, #tpu.memory_space<hbm>>) target(%dma_start3A_311 : memref<1x256x256xbf16, #tpu.memory_space<vmem>>) target_semaphore(%dma_start3A_307 : memref<!tpu.dma_semaphore, #tpu.memory_space<semaphore_mem>>)
        } else {
        }
      } else {
      }
      %add3A_202 = arith.constant 11 : i32
      %add3A_203 = arith.addi %add3A_135, %add3A_202 : i32
      %lt3A_204 = arith.cmpi slt, %add3A_203, %get3A_3 : i32
      %convert_element_type3A_205 = arith.extui %lt3A_204 : i1 to i32
      %cond3A_206 = arith.constant 0 : i32
      %cond3A_207 = arith.cmpi ne, %convert_element_type3A_205, %cond3A_206 : i32
      scf.if %cond3A_207 {
        %add3A_233 = arith.constant 11 : i32
        %add3A_234 = arith.addi %add3A_135, %add3A_233 : i32
        %dma_wait3A = arith.constant 11 : i32
        %dma_wait3A_235 = tpu.memref_slice %arg11[%dma_wait3A] : memref<16x!tpu.dma_semaphore, #tpu.memory_space<semaphore_mem>> -> memref<1x!tpu.dma_semaphore, #tpu.memory_space<semaphore_mem>>
        %dma_wait3A_236 = tpu.memref_squeeze %dma_wait3A_235 : memref<1x!tpu.dma_semaphore, #tpu.memory_space<semaphore_mem>> -> memref<!tpu.dma_semaphore, #tpu.memory_space<semaphore_mem>>
        %dma_wait3A_237 = arith.constant 11 : i32
        %dma_wait3A_238 = arith.constant 0 : i32
        %dma_wait3A_239 = arith.constant 0 : i32
        %dma_wait3A_240 = tpu.memref_slice %arg10[%dma_wait3A_237, %dma_wait3A_238, %dma_wait3A_239] : memref<16x256x256xbf16, #tpu.memory_space<vmem>> -> memref<1x256x256xbf16, #tpu.memory_space<vmem>>
        %dma_wait3A_241 = arith.constant 0 : i32
        %dma_wait3A_242 = arith.constant 0 : i32
        %dma_wait3A_243 = arith.constant 0 : i32
        %dma_wait3A_244 = tpu.memref_slice %arg7[%dma_wait3A_241, %dma_wait3A_242, %dma_wait3A_243] : memref<64x256x256xbf16, #tpu.memory_space<hbm>> -> memref<1x256x256xbf16, #tpu.memory_space<hbm>>
        tpu.wait_dma2 semaphore(%dma_wait3A_236 : memref<!tpu.dma_semaphore, #tpu.memory_space<semaphore_mem>>) src(%dma_wait3A_244 : memref<1x256x256xbf16, #tpu.memory_space<hbm>>) dst(%dma_wait3A_240 : memref<1x256x256xbf16, #tpu.memory_space<vmem>>)
        %get3A_245 = arith.index_cast %add3A_234 : i32 to index
        %get3A_246 = memref.load %arg2[%get3A_245] : memref<79xi32, #tpu.memory_space<smem>>
        %get3A_247 = arith.index_cast %add3A_234 : i32 to index
        %get3A_248 = memref.load %arg4[%get3A_247] : memref<79xi32, #tpu.memory_space<smem>>
        %get3A_249 = arith.index_cast %add3A_234 : i32 to index
        %get3A_250 = memref.load %arg5[%get3A_249] : memref<79xi32, #tpu.memory_space<smem>>
        %mul3A_251 = arith.constant 128 : i32
        %mul3A_252 = arith.muli %get3A_246, %mul3A_251 : i32
        %mul3A_253 = arith.constant 1024 : i32
        %mul3A_254 = arith.muli %arg0, %mul3A_253 : i32
        %sub3A_255 = arith.subi %mul3A_252, %mul3A_254 : i32
        %iota3A = tpu.iota {dimensions = array<i32: 0>} : vector<128x1xi32>
        %add3A_256 = vector.broadcast %mul3A_252 : i32 to vector<128x1xi32>
        %add3A_257 = arith.addi %add3A_256, %iota3A : vector<128x1xi32>
        %ge3A = vector.broadcast %get3A_248 : i32 to vector<128x1xi32>
        %ge3A_258 = arith.cmpi sge, %add3A_257, %ge3A : vector<128x1xi32>
        %lt3A_259 = vector.broadcast %get3A_250 : i32 to vector<128x1xi32>
        %lt3A_260 = arith.cmpi slt, %add3A_257, %lt3A_259 : vector<128x1xi32>
        %and3A_261 = arith.andi %ge3A_258, %lt3A_260 : vector<128x1xi1>
        %get3A_262 = arith.index_cast %sub3A_255 : i32 to index
        %get3A_263 = arith.constant 0 : index
        %get3A_264 = vector.load %arg6[%get3A_262, %get3A_263] : memref<1024x256xf32, #tpu.memory_space<vmem>>, vector<128x256xf32>
        %jit3A_265 = arith.constant 0.000000e+00 : f32
        %broadcast_in_dim3A_266 = vector.shape_cast %and3A_261 : vector<128x1xi1> to vector<128x1xi1>
        %broadcast_in_dim3A_267 = vector.broadcast %broadcast_in_dim3A_266 : vector<128x1xi1> to vector<128x256xi1>
        %broadcast_in_dim3A_268 = vector.broadcast %jit3A_265 : f32 to vector<128x256xf32>
        %select_n3A_269 = arith.select %broadcast_in_dim3A_267, %get3A_264, %broadcast_in_dim3A_268 : vector<128x256xi1>, vector<128x256xf32>
        %convert_element_type3A_270 = arith.truncf %select_n3A_269 : vector<128x256xf32> to vector<128x256xbf16>
        %get3A_271 = arith.constant 11 : index
        %get3A_272 = arith.constant 0 : index
        %get3A_273 = arith.constant 0 : index
        %get3A_274 = vector.load %arg10[%get3A_271, %get3A_272, %get3A_273] : memref<16x256x256xbf16, #tpu.memory_space<vmem>>, vector<1x256x256xbf16>
        %squeeze3A = vector.shape_cast %get3A_274 : vector<1x256x256xbf16> to vector<256x256xbf16>
        %dot_general3A = arith.constant dense<0.000000e+00> : vector<128x256xf32>
        %dot_general3A_275 = tpu.matmul %convert_element_type3A_270, %squeeze3A, %dot_general3A {dimension_numbers = #tpu.dot_dimension_numbers<[1], [1], [0], [0], [0, 0, 1, 0], [], []>, transpose_lhs_hint = false} : vector<128x256xbf16>, vector<256x256xbf16>, vector<128x256xf32> -> vector<128x256xf32>
        %get3A_276 = arith.index_cast %add3A_234 : i32 to index
        %get3A_277 = memref.load %arg3[%get3A_276] : memref<79xi32, #tpu.memory_space<smem>>
        %get3A_278 = arith.index_cast %get3A_277 : i32 to index
        %get3A_279 = arith.constant 0 : index
        %get3A_280 = vector.load %arg8[%get3A_278, %get3A_279] : memref<64x256xf32, #tpu.memory_space<vmem>>, vector<1x256xf32>
        %jit3A_281 = arith.constant 0.000000e+00 : f32
        %broadcast_in_dim3A_282 = vector.shape_cast %and3A_261 : vector<128x1xi1> to vector<128x1xi1>
        %broadcast_in_dim3A_283 = vector.broadcast %broadcast_in_dim3A_282 : vector<128x1xi1> to vector<128x256xi1>
        %broadcast_in_dim3A_284 = vector.shape_cast %get3A_280 : vector<1x256xf32> to vector<1x256xf32>
        %broadcast_in_dim3A_285 = vector.broadcast %broadcast_in_dim3A_284 : vector<1x256xf32> to vector<128x256xf32>
        %broadcast_in_dim3A_286 = vector.broadcast %jit3A_281 : f32 to vector<128x256xf32>
        %select_n3A_287 = arith.select %broadcast_in_dim3A_283, %broadcast_in_dim3A_285, %broadcast_in_dim3A_286 : vector<128x256xi1>, vector<128x256xf32>
        %add3A_288 = arith.addf %dot_general3A_275, %select_n3A_287 : vector<128x256xf32>
        %get3A_289 = arith.index_cast %sub3A_255 : i32 to index
        %get3A_290 = arith.constant 0 : index
        %get3A_291 = vector.load %arg9[%get3A_289, %get3A_290] : memref<1024x256xf32, #tpu.memory_space<vmem>>, vector<128x256xf32>
        %add3A_292 = arith.addf %get3A_291, %add3A_288 : vector<128x256xf32>
        %swap3A_293 = arith.index_cast %sub3A_255 : i32 to index
        %swap3A_294 = arith.constant 0 : index
        %swap3A_295 = vector.load %arg9[%swap3A_293, %swap3A_294] : memref<1024x256xf32, #tpu.memory_space<vmem>>, vector<128x256xf32>
        tpu.vector_store %arg9[%swap3A_293, %swap3A_294], %add3A_292 {strides = array<i32>} : memref<1024x256xf32, #tpu.memory_space<vmem>>, vector<128x256xf32>,
        %add3A_296 = arith.constant 16 : i32
        %add3A_297 = arith.addi %add3A_234, %add3A_296 : i32
        %lt3A_298 = arith.cmpi slt, %add3A_297, %get3A_3 : i32
        %convert_element_type3A_299 = arith.extui %lt3A_298 : i1 to i32
        %cond3A_300 = arith.constant 0 : i32
        %cond3A_301 = arith.cmpi ne, %convert_element_type3A_299, %cond3A_300 : i32
        scf.if %cond3A_301 {
          %add3A_302 = arith.constant 16 : i32
          %add3A_303 = arith.addi %add3A_234, %add3A_302 : i32
          %get3A_304 = arith.index_cast %add3A_303 : i32 to index
          %get3A_305 = memref.load %arg3[%get3A_304] : memref<79xi32, #tpu.memory_space<smem>>
          %dma_start3A = arith.constant 11 : i32
          %dma_start3A_306 = tpu.memref_slice %arg11[%dma_start3A] : memref<16x!tpu.dma_semaphore, #tpu.memory_space<semaphore_mem>> -> memref<1x!tpu.dma_semaphore, #tpu.memory_space<semaphore_mem>>
          %dma_start3A_307 = tpu.memref_squeeze %dma_start3A_306 : memref<1x!tpu.dma_semaphore, #tpu.memory_space<semaphore_mem>> -> memref<!tpu.dma_semaphore, #tpu.memory_space<semaphore_mem>>
          %dma_start3A_308 = arith.constant 11 : i32
          %dma_start3A_309 = arith.constant 0 : i32
          %dma_start3A_310 = arith.constant 0 : i32
          %dma_start3A_311 = tpu.memref_slice %arg10[%dma_start3A_308, %dma_start3A_309, %dma_start3A_310] : memref<16x256x256xbf16, #tpu.memory_space<vmem>> -> memref<1x256x256xbf16, #tpu.memory_space<vmem>>
          %dma_start3A_312 = arith.constant 0 : i32
          %dma_start3A_313 = arith.constant 0 : i32
          %dma_start3A_314 = tpu.memref_slice %arg7[%get3A_305, %dma_start3A_312, %dma_start3A_313] : memref<64x256x256xbf16, #tpu.memory_space<hbm>> -> memref<1x256x256xbf16, #tpu.memory_space<hbm>>
          tpu.enqueue_dma source(%dma_start3A_314 : memref<1x256x256xbf16, #tpu.memory_space<hbm>>) target(%dma_start3A_311 : memref<1x256x256xbf16, #tpu.memory_space<vmem>>) target_semaphore(%dma_start3A_307 : memref<!tpu.dma_semaphore, #tpu.memory_space<semaphore_mem>>)
        } else {
        }
      } else {
      }
      %add3A_208 = arith.constant 12 : i32
      %add3A_209 = arith.addi %add3A_135, %add3A_208 : i32
      %lt3A_210 = arith.cmpi slt, %add3A_209, %get3A_3 : i32
      %convert_element_type3A_211 = arith.extui %lt3A_210 : i1 to i32
      %cond3A_212 = arith.constant 0 : i32
      %cond3A_213 = arith.cmpi ne, %convert_element_type3A_211, %cond3A_212 : i32
      scf.if %cond3A_213 {
        %add3A_233 = arith.constant 12 : i32
        %add3A_234 = arith.addi %add3A_135, %add3A_233 : i32
        %dma_wait3A = arith.constant 12 : i32
        %dma_wait3A_235 = tpu.memref_slice %arg11[%dma_wait3A] : memref<16x!tpu.dma_semaphore, #tpu.memory_space<semaphore_mem>> -> memref<1x!tpu.dma_semaphore, #tpu.memory_space<semaphore_mem>>
        %dma_wait3A_236 = tpu.memref_squeeze %dma_wait3A_235 : memref<1x!tpu.dma_semaphore, #tpu.memory_space<semaphore_mem>> -> memref<!tpu.dma_semaphore, #tpu.memory_space<semaphore_mem>>
        %dma_wait3A_237 = arith.constant 12 : i32
        %dma_wait3A_238 = arith.constant 0 : i32
        %dma_wait3A_239 = arith.constant 0 : i32
        %dma_wait3A_240 = tpu.memref_slice %arg10[%dma_wait3A_237, %dma_wait3A_238, %dma_wait3A_239] : memref<16x256x256xbf16, #tpu.memory_space<vmem>> -> memref<1x256x256xbf16, #tpu.memory_space<vmem>>
        %dma_wait3A_241 = arith.constant 0 : i32
        %dma_wait3A_242 = arith.constant 0 : i32
        %dma_wait3A_243 = arith.constant 0 : i32
        %dma_wait3A_244 = tpu.memref_slice %arg7[%dma_wait3A_241, %dma_wait3A_242, %dma_wait3A_243] : memref<64x256x256xbf16, #tpu.memory_space<hbm>> -> memref<1x256x256xbf16, #tpu.memory_space<hbm>>
        tpu.wait_dma2 semaphore(%dma_wait3A_236 : memref<!tpu.dma_semaphore, #tpu.memory_space<semaphore_mem>>) src(%dma_wait3A_244 : memref<1x256x256xbf16, #tpu.memory_space<hbm>>) dst(%dma_wait3A_240 : memref<1x256x256xbf16, #tpu.memory_space<vmem>>)
        %get3A_245 = arith.index_cast %add3A_234 : i32 to index
        %get3A_246 = memref.load %arg2[%get3A_245] : memref<79xi32, #tpu.memory_space<smem>>
        %get3A_247 = arith.index_cast %add3A_234 : i32 to index
        %get3A_248 = memref.load %arg4[%get3A_247] : memref<79xi32, #tpu.memory_space<smem>>
        %get3A_249 = arith.index_cast %add3A_234 : i32 to index
        %get3A_250 = memref.load %arg5[%get3A_249] : memref<79xi32, #tpu.memory_space<smem>>
        %mul3A_251 = arith.constant 128 : i32
        %mul3A_252 = arith.muli %get3A_246, %mul3A_251 : i32
        %mul3A_253 = arith.constant 1024 : i32
        %mul3A_254 = arith.muli %arg0, %mul3A_253 : i32
        %sub3A_255 = arith.subi %mul3A_252, %mul3A_254 : i32
        %iota3A = tpu.iota {dimensions = array<i32: 0>} : vector<128x1xi32>
        %add3A_256 = vector.broadcast %mul3A_252 : i32 to vector<128x1xi32>
        %add3A_257 = arith.addi %add3A_256, %iota3A : vector<128x1xi32>
        %ge3A = vector.broadcast %get3A_248 : i32 to vector<128x1xi32>
        %ge3A_258 = arith.cmpi sge, %add3A_257, %ge3A : vector<128x1xi32>
        %lt3A_259 = vector.broadcast %get3A_250 : i32 to vector<128x1xi32>
        %lt3A_260 = arith.cmpi slt, %add3A_257, %lt3A_259 : vector<128x1xi32>
        %and3A_261 = arith.andi %ge3A_258, %lt3A_260 : vector<128x1xi1>
        %get3A_262 = arith.index_cast %sub3A_255 : i32 to index
        %get3A_263 = arith.constant 0 : index
        %get3A_264 = vector.load %arg6[%get3A_262, %get3A_263] : memref<1024x256xf32, #tpu.memory_space<vmem>>, vector<128x256xf32>
        %jit3A_265 = arith.constant 0.000000e+00 : f32
        %broadcast_in_dim3A_266 = vector.shape_cast %and3A_261 : vector<128x1xi1> to vector<128x1xi1>
        %broadcast_in_dim3A_267 = vector.broadcast %broadcast_in_dim3A_266 : vector<128x1xi1> to vector<128x256xi1>
        %broadcast_in_dim3A_268 = vector.broadcast %jit3A_265 : f32 to vector<128x256xf32>
        %select_n3A_269 = arith.select %broadcast_in_dim3A_267, %get3A_264, %broadcast_in_dim3A_268 : vector<128x256xi1>, vector<128x256xf32>
        %convert_element_type3A_270 = arith.truncf %select_n3A_269 : vector<128x256xf32> to vector<128x256xbf16>
        %get3A_271 = arith.constant 12 : index
        %get3A_272 = arith.constant 0 : index
        %get3A_273 = arith.constant 0 : index
        %get3A_274 = vector.load %arg10[%get3A_271, %get3A_272, %get3A_273] : memref<16x256x256xbf16, #tpu.memory_space<vmem>>, vector<1x256x256xbf16>
        %squeeze3A = vector.shape_cast %get3A_274 : vector<1x256x256xbf16> to vector<256x256xbf16>
        %dot_general3A = arith.constant dense<0.000000e+00> : vector<128x256xf32>
        %dot_general3A_275 = tpu.matmul %convert_element_type3A_270, %squeeze3A, %dot_general3A {dimension_numbers = #tpu.dot_dimension_numbers<[1], [1], [0], [0], [0, 0, 1, 0], [], []>, transpose_lhs_hint = false} : vector<128x256xbf16>, vector<256x256xbf16>, vector<128x256xf32> -> vector<128x256xf32>
        %get3A_276 = arith.index_cast %add3A_234 : i32 to index
        %get3A_277 = memref.load %arg3[%get3A_276] : memref<79xi32, #tpu.memory_space<smem>>
        %get3A_278 = arith.index_cast %get3A_277 : i32 to index
        %get3A_279 = arith.constant 0 : index
        %get3A_280 = vector.load %arg8[%get3A_278, %get3A_279] : memref<64x256xf32, #tpu.memory_space<vmem>>, vector<1x256xf32>
        %jit3A_281 = arith.constant 0.000000e+00 : f32
        %broadcast_in_dim3A_282 = vector.shape_cast %and3A_261 : vector<128x1xi1> to vector<128x1xi1>
        %broadcast_in_dim3A_283 = vector.broadcast %broadcast_in_dim3A_282 : vector<128x1xi1> to vector<128x256xi1>
        %broadcast_in_dim3A_284 = vector.shape_cast %get3A_280 : vector<1x256xf32> to vector<1x256xf32>
        %broadcast_in_dim3A_285 = vector.broadcast %broadcast_in_dim3A_284 : vector<1x256xf32> to vector<128x256xf32>
        %broadcast_in_dim3A_286 = vector.broadcast %jit3A_281 : f32 to vector<128x256xf32>
        %select_n3A_287 = arith.select %broadcast_in_dim3A_283, %broadcast_in_dim3A_285, %broadcast_in_dim3A_286 : vector<128x256xi1>, vector<128x256xf32>
        %add3A_288 = arith.addf %dot_general3A_275, %select_n3A_287 : vector<128x256xf32>
        %get3A_289 = arith.index_cast %sub3A_255 : i32 to index
        %get3A_290 = arith.constant 0 : index
        %get3A_291 = vector.load %arg9[%get3A_289, %get3A_290] : memref<1024x256xf32, #tpu.memory_space<vmem>>, vector<128x256xf32>
        %add3A_292 = arith.addf %get3A_291, %add3A_288 : vector<128x256xf32>
        %swap3A_293 = arith.index_cast %sub3A_255 : i32 to index
        %swap3A_294 = arith.constant 0 : index
        %swap3A_295 = vector.load %arg9[%swap3A_293, %swap3A_294] : memref<1024x256xf32, #tpu.memory_space<vmem>>, vector<128x256xf32>
        tpu.vector_store %arg9[%swap3A_293, %swap3A_294], %add3A_292 {strides = array<i32>} : memref<1024x256xf32, #tpu.memory_space<vmem>>, vector<128x256xf32>,
        %add3A_296 = arith.constant 16 : i32
        %add3A_297 = arith.addi %add3A_234, %add3A_296 : i32
        %lt3A_298 = arith.cmpi slt, %add3A_297, %get3A_3 : i32
        %convert_element_type3A_299 = arith.extui %lt3A_298 : i1 to i32
        %cond3A_300 = arith.constant 0 : i32
        %cond3A_301 = arith.cmpi ne, %convert_element_type3A_299, %cond3A_300 : i32
        scf.if %cond3A_301 {
          %add3A_302 = arith.constant 16 : i32
          %add3A_303 = arith.addi %add3A_234, %add3A_302 : i32
          %get3A_304 = arith.index_cast %add3A_303 : i32 to index
          %get3A_305 = memref.load %arg3[%get3A_304] : memref<79xi32, #tpu.memory_space<smem>>
          %dma_start3A = arith.constant 12 : i32
          %dma_start3A_306 = tpu.memref_slice %arg11[%dma_start3A] : memref<16x!tpu.dma_semaphore, #tpu.memory_space<semaphore_mem>> -> memref<1x!tpu.dma_semaphore, #tpu.memory_space<semaphore_mem>>
          %dma_start3A_307 = tpu.memref_squeeze %dma_start3A_306 : memref<1x!tpu.dma_semaphore, #tpu.memory_space<semaphore_mem>> -> memref<!tpu.dma_semaphore, #tpu.memory_space<semaphore_mem>>
          %dma_start3A_308 = arith.constant 12 : i32
          %dma_start3A_309 = arith.constant 0 : i32
          %dma_start3A_310 = arith.constant 0 : i32
          %dma_start3A_311 = tpu.memref_slice %arg10[%dma_start3A_308, %dma_start3A_309, %dma_start3A_310] : memref<16x256x256xbf16, #tpu.memory_space<vmem>> -> memref<1x256x256xbf16, #tpu.memory_space<vmem>>
          %dma_start3A_312 = arith.constant 0 : i32
          %dma_start3A_313 = arith.constant 0 : i32
          %dma_start3A_314 = tpu.memref_slice %arg7[%get3A_305, %dma_start3A_312, %dma_start3A_313] : memref<64x256x256xbf16, #tpu.memory_space<hbm>> -> memref<1x256x256xbf16, #tpu.memory_space<hbm>>
          tpu.enqueue_dma source(%dma_start3A_314 : memref<1x256x256xbf16, #tpu.memory_space<hbm>>) target(%dma_start3A_311 : memref<1x256x256xbf16, #tpu.memory_space<vmem>>) target_semaphore(%dma_start3A_307 : memref<!tpu.dma_semaphore, #tpu.memory_space<semaphore_mem>>)
        } else {
        }
      } else {
      }
      %add3A_214 = arith.constant 13 : i32
      %add3A_215 = arith.addi %add3A_135, %add3A_214 : i32
      %lt3A_216 = arith.cmpi slt, %add3A_215, %get3A_3 : i32
      %convert_element_type3A_217 = arith.extui %lt3A_216 : i1 to i32
      %cond3A_218 = arith.constant 0 : i32
      %cond3A_219 = arith.cmpi ne, %convert_element_type3A_217, %cond3A_218 : i32
      scf.if %cond3A_219 {
        %add3A_233 = arith.constant 13 : i32
        %add3A_234 = arith.addi %add3A_135, %add3A_233 : i32
        %dma_wait3A = arith.constant 13 : i32
        %dma_wait3A_235 = tpu.memref_slice %arg11[%dma_wait3A] : memref<16x!tpu.dma_semaphore, #tpu.memory_space<semaphore_mem>> -> memref<1x!tpu.dma_semaphore, #tpu.memory_space<semaphore_mem>>
        %dma_wait3A_236 = tpu.memref_squeeze %dma_wait3A_235 : memref<1x!tpu.dma_semaphore, #tpu.memory_space<semaphore_mem>> -> memref<!tpu.dma_semaphore, #tpu.memory_space<semaphore_mem>>
        %dma_wait3A_237 = arith.constant 13 : i32
        %dma_wait3A_238 = arith.constant 0 : i32
        %dma_wait3A_239 = arith.constant 0 : i32
        %dma_wait3A_240 = tpu.memref_slice %arg10[%dma_wait3A_237, %dma_wait3A_238, %dma_wait3A_239] : memref<16x256x256xbf16, #tpu.memory_space<vmem>> -> memref<1x256x256xbf16, #tpu.memory_space<vmem>>
        %dma_wait3A_241 = arith.constant 0 : i32
        %dma_wait3A_242 = arith.constant 0 : i32
        %dma_wait3A_243 = arith.constant 0 : i32
        %dma_wait3A_244 = tpu.memref_slice %arg7[%dma_wait3A_241, %dma_wait3A_242, %dma_wait3A_243] : memref<64x256x256xbf16, #tpu.memory_space<hbm>> -> memref<1x256x256xbf16, #tpu.memory_space<hbm>>
        tpu.wait_dma2 semaphore(%dma_wait3A_236 : memref<!tpu.dma_semaphore, #tpu.memory_space<semaphore_mem>>) src(%dma_wait3A_244 : memref<1x256x256xbf16, #tpu.memory_space<hbm>>) dst(%dma_wait3A_240 : memref<1x256x256xbf16, #tpu.memory_space<vmem>>)
        %get3A_245 = arith.index_cast %add3A_234 : i32 to index
        %get3A_246 = memref.load %arg2[%get3A_245] : memref<79xi32, #tpu.memory_space<smem>>
        %get3A_247 = arith.index_cast %add3A_234 : i32 to index
        %get3A_248 = memref.load %arg4[%get3A_247] : memref<79xi32, #tpu.memory_space<smem>>
        %get3A_249 = arith.index_cast %add3A_234 : i32 to index
        %get3A_250 = memref.load %arg5[%get3A_249] : memref<79xi32, #tpu.memory_space<smem>>
        %mul3A_251 = arith.constant 128 : i32
        %mul3A_252 = arith.muli %get3A_246, %mul3A_251 : i32
        %mul3A_253 = arith.constant 1024 : i32
        %mul3A_254 = arith.muli %arg0, %mul3A_253 : i32
        %sub3A_255 = arith.subi %mul3A_252, %mul3A_254 : i32
        %iota3A = tpu.iota {dimensions = array<i32: 0>} : vector<128x1xi32>
        %add3A_256 = vector.broadcast %mul3A_252 : i32 to vector<128x1xi32>
        %add3A_257 = arith.addi %add3A_256, %iota3A : vector<128x1xi32>
        %ge3A = vector.broadcast %get3A_248 : i32 to vector<128x1xi32>
        %ge3A_258 = arith.cmpi sge, %add3A_257, %ge3A : vector<128x1xi32>
        %lt3A_259 = vector.broadcast %get3A_250 : i32 to vector<128x1xi32>
        %lt3A_260 = arith.cmpi slt, %add3A_257, %lt3A_259 : vector<128x1xi32>
        %and3A_261 = arith.andi %ge3A_258, %lt3A_260 : vector<128x1xi1>
        %get3A_262 = arith.index_cast %sub3A_255 : i32 to index
        %get3A_263 = arith.constant 0 : index
        %get3A_264 = vector.load %arg6[%get3A_262, %get3A_263] : memref<1024x256xf32, #tpu.memory_space<vmem>>, vector<128x256xf32>
        %jit3A_265 = arith.constant 0.000000e+00 : f32
        %broadcast_in_dim3A_266 = vector.shape_cast %and3A_261 : vector<128x1xi1> to vector<128x1xi1>
        %broadcast_in_dim3A_267 = vector.broadcast %broadcast_in_dim3A_266 : vector<128x1xi1> to vector<128x256xi1>
        %broadcast_in_dim3A_268 = vector.broadcast %jit3A_265 : f32 to vector<128x256xf32>
        %select_n3A_269 = arith.select %broadcast_in_dim3A_267, %get3A_264, %broadcast_in_dim3A_268 : vector<128x256xi1>, vector<128x256xf32>
        %convert_element_type3A_270 = arith.truncf %select_n3A_269 : vector<128x256xf32> to vector<128x256xbf16>
        %get3A_271 = arith.constant 13 : index
        %get3A_272 = arith.constant 0 : index
        %get3A_273 = arith.constant 0 : index
        %get3A_274 = vector.load %arg10[%get3A_271, %get3A_272, %get3A_273] : memref<16x256x256xbf16, #tpu.memory_space<vmem>>, vector<1x256x256xbf16>
        %squeeze3A = vector.shape_cast %get3A_274 : vector<1x256x256xbf16> to vector<256x256xbf16>
        %dot_general3A = arith.constant dense<0.000000e+00> : vector<128x256xf32>
        %dot_general3A_275 = tpu.matmul %convert_element_type3A_270, %squeeze3A, %dot_general3A {dimension_numbers = #tpu.dot_dimension_numbers<[1], [1], [0], [0], [0, 0, 1, 0], [], []>, transpose_lhs_hint = false} : vector<128x256xbf16>, vector<256x256xbf16>, vector<128x256xf32> -> vector<128x256xf32>
        %get3A_276 = arith.index_cast %add3A_234 : i32 to index
        %get3A_277 = memref.load %arg3[%get3A_276] : memref<79xi32, #tpu.memory_space<smem>>
        %get3A_278 = arith.index_cast %get3A_277 : i32 to index
        %get3A_279 = arith.constant 0 : index
        %get3A_280 = vector.load %arg8[%get3A_278, %get3A_279] : memref<64x256xf32, #tpu.memory_space<vmem>>, vector<1x256xf32>
        %jit3A_281 = arith.constant 0.000000e+00 : f32
        %broadcast_in_dim3A_282 = vector.shape_cast %and3A_261 : vector<128x1xi1> to vector<128x1xi1>
        %broadcast_in_dim3A_283 = vector.broadcast %broadcast_in_dim3A_282 : vector<128x1xi1> to vector<128x256xi1>
        %broadcast_in_dim3A_284 = vector.shape_cast %get3A_280 : vector<1x256xf32> to vector<1x256xf32>
        %broadcast_in_dim3A_285 = vector.broadcast %broadcast_in_dim3A_284 : vector<1x256xf32> to vector<128x256xf32>
        %broadcast_in_dim3A_286 = vector.broadcast %jit3A_281 : f32 to vector<128x256xf32>
        %select_n3A_287 = arith.select %broadcast_in_dim3A_283, %broadcast_in_dim3A_285, %broadcast_in_dim3A_286 : vector<128x256xi1>, vector<128x256xf32>
        %add3A_288 = arith.addf %dot_general3A_275, %select_n3A_287 : vector<128x256xf32>
        %get3A_289 = arith.index_cast %sub3A_255 : i32 to index
        %get3A_290 = arith.constant 0 : index
        %get3A_291 = vector.load %arg9[%get3A_289, %get3A_290] : memref<1024x256xf32, #tpu.memory_space<vmem>>, vector<128x256xf32>
        %add3A_292 = arith.addf %get3A_291, %add3A_288 : vector<128x256xf32>
        %swap3A_293 = arith.index_cast %sub3A_255 : i32 to index
        %swap3A_294 = arith.constant 0 : index
        %swap3A_295 = vector.load %arg9[%swap3A_293, %swap3A_294] : memref<1024x256xf32, #tpu.memory_space<vmem>>, vector<128x256xf32>
        tpu.vector_store %arg9[%swap3A_293, %swap3A_294], %add3A_292 {strides = array<i32>} : memref<1024x256xf32, #tpu.memory_space<vmem>>, vector<128x256xf32>,
        %add3A_296 = arith.constant 16 : i32
        %add3A_297 = arith.addi %add3A_234, %add3A_296 : i32
        %lt3A_298 = arith.cmpi slt, %add3A_297, %get3A_3 : i32
        %convert_element_type3A_299 = arith.extui %lt3A_298 : i1 to i32
        %cond3A_300 = arith.constant 0 : i32
        %cond3A_301 = arith.cmpi ne, %convert_element_type3A_299, %cond3A_300 : i32
        scf.if %cond3A_301 {
          %add3A_302 = arith.constant 16 : i32
          %add3A_303 = arith.addi %add3A_234, %add3A_302 : i32
          %get3A_304 = arith.index_cast %add3A_303 : i32 to index
          %get3A_305 = memref.load %arg3[%get3A_304] : memref<79xi32, #tpu.memory_space<smem>>
          %dma_start3A = arith.constant 13 : i32
          %dma_start3A_306 = tpu.memref_slice %arg11[%dma_start3A] : memref<16x!tpu.dma_semaphore, #tpu.memory_space<semaphore_mem>> -> memref<1x!tpu.dma_semaphore, #tpu.memory_space<semaphore_mem>>
          %dma_start3A_307 = tpu.memref_squeeze %dma_start3A_306 : memref<1x!tpu.dma_semaphore, #tpu.memory_space<semaphore_mem>> -> memref<!tpu.dma_semaphore, #tpu.memory_space<semaphore_mem>>
          %dma_start3A_308 = arith.constant 13 : i32
          %dma_start3A_309 = arith.constant 0 : i32
          %dma_start3A_310 = arith.constant 0 : i32
          %dma_start3A_311 = tpu.memref_slice %arg10[%dma_start3A_308, %dma_start3A_309, %dma_start3A_310] : memref<16x256x256xbf16, #tpu.memory_space<vmem>> -> memref<1x256x256xbf16, #tpu.memory_space<vmem>>
          %dma_start3A_312 = arith.constant 0 : i32
          %dma_start3A_313 = arith.constant 0 : i32
          %dma_start3A_314 = tpu.memref_slice %arg7[%get3A_305, %dma_start3A_312, %dma_start3A_313] : memref<64x256x256xbf16, #tpu.memory_space<hbm>> -> memref<1x256x256xbf16, #tpu.memory_space<hbm>>
          tpu.enqueue_dma source(%dma_start3A_314 : memref<1x256x256xbf16, #tpu.memory_space<hbm>>) target(%dma_start3A_311 : memref<1x256x256xbf16, #tpu.memory_space<vmem>>) target_semaphore(%dma_start3A_307 : memref<!tpu.dma_semaphore, #tpu.memory_space<semaphore_mem>>)
        } else {
        }
      } else {
      }
      %add3A_220 = arith.constant 14 : i32
      %add3A_221 = arith.addi %add3A_135, %add3A_220 : i32
      %lt3A_222 = arith.cmpi slt, %add3A_221, %get3A_3 : i32
      %convert_element_type3A_223 = arith.extui %lt3A_222 : i1 to i32
      %cond3A_224 = arith.constant 0 : i32
      %cond3A_225 = arith.cmpi ne, %convert_element_type3A_223, %cond3A_224 : i32
      scf.if %cond3A_225 {
        %add3A_233 = arith.constant 14 : i32
        %add3A_234 = arith.addi %add3A_135, %add3A_233 : i32
        %dma_wait3A = arith.constant 14 : i32
        %dma_wait3A_235 = tpu.memref_slice %arg11[%dma_wait3A] : memref<16x!tpu.dma_semaphore, #tpu.memory_space<semaphore_mem>> -> memref<1x!tpu.dma_semaphore, #tpu.memory_space<semaphore_mem>>
        %dma_wait3A_236 = tpu.memref_squeeze %dma_wait3A_235 : memref<1x!tpu.dma_semaphore, #tpu.memory_space<semaphore_mem>> -> memref<!tpu.dma_semaphore, #tpu.memory_space<semaphore_mem>>
        %dma_wait3A_237 = arith.constant 14 : i32
        %dma_wait3A_238 = arith.constant 0 : i32
        %dma_wait3A_239 = arith.constant 0 : i32
        %dma_wait3A_240 = tpu.memref_slice %arg10[%dma_wait3A_237, %dma_wait3A_238, %dma_wait3A_239] : memref<16x256x256xbf16, #tpu.memory_space<vmem>> -> memref<1x256x256xbf16, #tpu.memory_space<vmem>>
        %dma_wait3A_241 = arith.constant 0 : i32
        %dma_wait3A_242 = arith.constant 0 : i32
        %dma_wait3A_243 = arith.constant 0 : i32
        %dma_wait3A_244 = tpu.memref_slice %arg7[%dma_wait3A_241, %dma_wait3A_242, %dma_wait3A_243] : memref<64x256x256xbf16, #tpu.memory_space<hbm>> -> memref<1x256x256xbf16, #tpu.memory_space<hbm>>
        tpu.wait_dma2 semaphore(%dma_wait3A_236 : memref<!tpu.dma_semaphore, #tpu.memory_space<semaphore_mem>>) src(%dma_wait3A_244 : memref<1x256x256xbf16, #tpu.memory_space<hbm>>) dst(%dma_wait3A_240 : memref<1x256x256xbf16, #tpu.memory_space<vmem>>)
        %get3A_245 = arith.index_cast %add3A_234 : i32 to index
        %get3A_246 = memref.load %arg2[%get3A_245] : memref<79xi32, #tpu.memory_space<smem>>
        %get3A_247 = arith.index_cast %add3A_234 : i32 to index
        %get3A_248 = memref.load %arg4[%get3A_247] : memref<79xi32, #tpu.memory_space<smem>>
        %get3A_249 = arith.index_cast %add3A_234 : i32 to index
        %get3A_250 = memref.load %arg5[%get3A_249] : memref<79xi32, #tpu.memory_space<smem>>
        %mul3A_251 = arith.constant 128 : i32
        %mul3A_252 = arith.muli %get3A_246, %mul3A_251 : i32
        %mul3A_253 = arith.constant 1024 : i32
        %mul3A_254 = arith.muli %arg0, %mul3A_253 : i32
        %sub3A_255 = arith.subi %mul3A_252, %mul3A_254 : i32
        %iota3A = tpu.iota {dimensions = array<i32: 0>} : vector<128x1xi32>
        %add3A_256 = vector.broadcast %mul3A_252 : i32 to vector<128x1xi32>
        %add3A_257 = arith.addi %add3A_256, %iota3A : vector<128x1xi32>
        %ge3A = vector.broadcast %get3A_248 : i32 to vector<128x1xi32>
        %ge3A_258 = arith.cmpi sge, %add3A_257, %ge3A : vector<128x1xi32>
        %lt3A_259 = vector.broadcast %get3A_250 : i32 to vector<128x1xi32>
        %lt3A_260 = arith.cmpi slt, %add3A_257, %lt3A_259 : vector<128x1xi32>
        %and3A_261 = arith.andi %ge3A_258, %lt3A_260 : vector<128x1xi1>
        %get3A_262 = arith.index_cast %sub3A_255 : i32 to index
        %get3A_263 = arith.constant 0 : index
        %get3A_264 = vector.load %arg6[%get3A_262, %get3A_263] : memref<1024x256xf32, #tpu.memory_space<vmem>>, vector<128x256xf32>
        %jit3A_265 = arith.constant 0.000000e+00 : f32
        %broadcast_in_dim3A_266 = vector.shape_cast %and3A_261 : vector<128x1xi1> to vector<128x1xi1>
        %broadcast_in_dim3A_267 = vector.broadcast %broadcast_in_dim3A_266 : vector<128x1xi1> to vector<128x256xi1>
        %broadcast_in_dim3A_268 = vector.broadcast %jit3A_265 : f32 to vector<128x256xf32>
        %select_n3A_269 = arith.select %broadcast_in_dim3A_267, %get3A_264, %broadcast_in_dim3A_268 : vector<128x256xi1>, vector<128x256xf32>
        %convert_element_type3A_270 = arith.truncf %select_n3A_269 : vector<128x256xf32> to vector<128x256xbf16>
        %get3A_271 = arith.constant 14 : index
        %get3A_272 = arith.constant 0 : index
        %get3A_273 = arith.constant 0 : index
        %get3A_274 = vector.load %arg10[%get3A_271, %get3A_272, %get3A_273] : memref<16x256x256xbf16, #tpu.memory_space<vmem>>, vector<1x256x256xbf16>
        %squeeze3A = vector.shape_cast %get3A_274 : vector<1x256x256xbf16> to vector<256x256xbf16>
        %dot_general3A = arith.constant dense<0.000000e+00> : vector<128x256xf32>
        %dot_general3A_275 = tpu.matmul %convert_element_type3A_270, %squeeze3A, %dot_general3A {dimension_numbers = #tpu.dot_dimension_numbers<[1], [1], [0], [0], [0, 0, 1, 0], [], []>, transpose_lhs_hint = false} : vector<128x256xbf16>, vector<256x256xbf16>, vector<128x256xf32> -> vector<128x256xf32>
        %get3A_276 = arith.index_cast %add3A_234 : i32 to index
        %get3A_277 = memref.load %arg3[%get3A_276] : memref<79xi32, #tpu.memory_space<smem>>
        %get3A_278 = arith.index_cast %get3A_277 : i32 to index
        %get3A_279 = arith.constant 0 : index
        %get3A_280 = vector.load %arg8[%get3A_278, %get3A_279] : memref<64x256xf32, #tpu.memory_space<vmem>>, vector<1x256xf32>
        %jit3A_281 = arith.constant 0.000000e+00 : f32
        %broadcast_in_dim3A_282 = vector.shape_cast %and3A_261 : vector<128x1xi1> to vector<128x1xi1>
        %broadcast_in_dim3A_283 = vector.broadcast %broadcast_in_dim3A_282 : vector<128x1xi1> to vector<128x256xi1>
        %broadcast_in_dim3A_284 = vector.shape_cast %get3A_280 : vector<1x256xf32> to vector<1x256xf32>
        %broadcast_in_dim3A_285 = vector.broadcast %broadcast_in_dim3A_284 : vector<1x256xf32> to vector<128x256xf32>
        %broadcast_in_dim3A_286 = vector.broadcast %jit3A_281 : f32 to vector<128x256xf32>
        %select_n3A_287 = arith.select %broadcast_in_dim3A_283, %broadcast_in_dim3A_285, %broadcast_in_dim3A_286 : vector<128x256xi1>, vector<128x256xf32>
        %add3A_288 = arith.addf %dot_general3A_275, %select_n3A_287 : vector<128x256xf32>
        %get3A_289 = arith.index_cast %sub3A_255 : i32 to index
        %get3A_290 = arith.constant 0 : index
        %get3A_291 = vector.load %arg9[%get3A_289, %get3A_290] : memref<1024x256xf32, #tpu.memory_space<vmem>>, vector<128x256xf32>
        %add3A_292 = arith.addf %get3A_291, %add3A_288 : vector<128x256xf32>
        %swap3A_293 = arith.index_cast %sub3A_255 : i32 to index
        %swap3A_294 = arith.constant 0 : index
        %swap3A_295 = vector.load %arg9[%swap3A_293, %swap3A_294] : memref<1024x256xf32, #tpu.memory_space<vmem>>, vector<128x256xf32>
        tpu.vector_store %arg9[%swap3A_293, %swap3A_294], %add3A_292 {strides = array<i32>} : memref<1024x256xf32, #tpu.memory_space<vmem>>, vector<128x256xf32>,
        %add3A_296 = arith.constant 16 : i32
        %add3A_297 = arith.addi %add3A_234, %add3A_296 : i32
        %lt3A_298 = arith.cmpi slt, %add3A_297, %get3A_3 : i32
        %convert_element_type3A_299 = arith.extui %lt3A_298 : i1 to i32
        %cond3A_300 = arith.constant 0 : i32
        %cond3A_301 = arith.cmpi ne, %convert_element_type3A_299, %cond3A_300 : i32
        scf.if %cond3A_301 {
          %add3A_302 = arith.constant 16 : i32
          %add3A_303 = arith.addi %add3A_234, %add3A_302 : i32
          %get3A_304 = arith.index_cast %add3A_303 : i32 to index
          %get3A_305 = memref.load %arg3[%get3A_304] : memref<79xi32, #tpu.memory_space<smem>>
          %dma_start3A = arith.constant 14 : i32
          %dma_start3A_306 = tpu.memref_slice %arg11[%dma_start3A] : memref<16x!tpu.dma_semaphore, #tpu.memory_space<semaphore_mem>> -> memref<1x!tpu.dma_semaphore, #tpu.memory_space<semaphore_mem>>
          %dma_start3A_307 = tpu.memref_squeeze %dma_start3A_306 : memref<1x!tpu.dma_semaphore, #tpu.memory_space<semaphore_mem>> -> memref<!tpu.dma_semaphore, #tpu.memory_space<semaphore_mem>>
          %dma_start3A_308 = arith.constant 14 : i32
          %dma_start3A_309 = arith.constant 0 : i32
          %dma_start3A_310 = arith.constant 0 : i32
          %dma_start3A_311 = tpu.memref_slice %arg10[%dma_start3A_308, %dma_start3A_309, %dma_start3A_310] : memref<16x256x256xbf16, #tpu.memory_space<vmem>> -> memref<1x256x256xbf16, #tpu.memory_space<vmem>>
          %dma_start3A_312 = arith.constant 0 : i32
          %dma_start3A_313 = arith.constant 0 : i32
          %dma_start3A_314 = tpu.memref_slice %arg7[%get3A_305, %dma_start3A_312, %dma_start3A_313] : memref<64x256x256xbf16, #tpu.memory_space<hbm>> -> memref<1x256x256xbf16, #tpu.memory_space<hbm>>
          tpu.enqueue_dma source(%dma_start3A_314 : memref<1x256x256xbf16, #tpu.memory_space<hbm>>) target(%dma_start3A_311 : memref<1x256x256xbf16, #tpu.memory_space<vmem>>) target_semaphore(%dma_start3A_307 : memref<!tpu.dma_semaphore, #tpu.memory_space<semaphore_mem>>)
        } else {
        }
      } else {
      }
      %add3A_226 = arith.constant 15 : i32
      %add3A_227 = arith.addi %add3A_135, %add3A_226 : i32
      %lt3A_228 = arith.cmpi slt, %add3A_227, %get3A_3 : i32
      %convert_element_type3A_229 = arith.extui %lt3A_228 : i1 to i32
      %cond3A_230 = arith.constant 0 : i32
      %cond3A_231 = arith.cmpi ne, %convert_element_type3A_229, %cond3A_230 : i32
      scf.if %cond3A_231 {
        %add3A_233 = arith.constant 15 : i32
        %add3A_234 = arith.addi %add3A_135, %add3A_233 : i32
        %dma_wait3A = arith.constant 15 : i32
        %dma_wait3A_235 = tpu.memref_slice %arg11[%dma_wait3A] : memref<16x!tpu.dma_semaphore, #tpu.memory_space<semaphore_mem>> -> memref<1x!tpu.dma_semaphore, #tpu.memory_space<semaphore_mem>>
        %dma_wait3A_236 = tpu.memref_squeeze %dma_wait3A_235 : memref<1x!tpu.dma_semaphore, #tpu.memory_space<semaphore_mem>> -> memref<!tpu.dma_semaphore, #tpu.memory_space<semaphore_mem>>
        %dma_wait3A_237 = arith.constant 15 : i32
        %dma_wait3A_238 = arith.constant 0 : i32
        %dma_wait3A_239 = arith.constant 0 : i32
        %dma_wait3A_240 = tpu.memref_slice %arg10[%dma_wait3A_237, %dma_wait3A_238, %dma_wait3A_239] : memref<16x256x256xbf16, #tpu.memory_space<vmem>> -> memref<1x256x256xbf16, #tpu.memory_space<vmem>>
        %dma_wait3A_241 = arith.constant 0 : i32
        %dma_wait3A_242 = arith.constant 0 : i32
        %dma_wait3A_243 = arith.constant 0 : i32
        %dma_wait3A_244 = tpu.memref_slice %arg7[%dma_wait3A_241, %dma_wait3A_242, %dma_wait3A_243] : memref<64x256x256xbf16, #tpu.memory_space<hbm>> -> memref<1x256x256xbf16, #tpu.memory_space<hbm>>
        tpu.wait_dma2 semaphore(%dma_wait3A_236 : memref<!tpu.dma_semaphore, #tpu.memory_space<semaphore_mem>>) src(%dma_wait3A_244 : memref<1x256x256xbf16, #tpu.memory_space<hbm>>) dst(%dma_wait3A_240 : memref<1x256x256xbf16, #tpu.memory_space<vmem>>)
        %get3A_245 = arith.index_cast %add3A_234 : i32 to index
        %get3A_246 = memref.load %arg2[%get3A_245] : memref<79xi32, #tpu.memory_space<smem>>
        %get3A_247 = arith.index_cast %add3A_234 : i32 to index
        %get3A_248 = memref.load %arg4[%get3A_247] : memref<79xi32, #tpu.memory_space<smem>>
        %get3A_249 = arith.index_cast %add3A_234 : i32 to index
        %get3A_250 = memref.load %arg5[%get3A_249] : memref<79xi32, #tpu.memory_space<smem>>
        %mul3A_251 = arith.constant 128 : i32
        %mul3A_252 = arith.muli %get3A_246, %mul3A_251 : i32
        %mul3A_253 = arith.constant 1024 : i32
        %mul3A_254 = arith.muli %arg0, %mul3A_253 : i32
        %sub3A_255 = arith.subi %mul3A_252, %mul3A_254 : i32
        %iota3A = tpu.iota {dimensions = array<i32: 0>} : vector<128x1xi32>
        %add3A_256 = vector.broadcast %mul3A_252 : i32 to vector<128x1xi32>
        %add3A_257 = arith.addi %add3A_256, %iota3A : vector<128x1xi32>
        %ge3A = vector.broadcast %get3A_248 : i32 to vector<128x1xi32>
        %ge3A_258 = arith.cmpi sge, %add3A_257, %ge3A : vector<128x1xi32>
        %lt3A_259 = vector.broadcast %get3A_250 : i32 to vector<128x1xi32>
        %lt3A_260 = arith.cmpi slt, %add3A_257, %lt3A_259 : vector<128x1xi32>
        %and3A_261 = arith.andi %ge3A_258, %lt3A_260 : vector<128x1xi1>
        %get3A_262 = arith.index_cast %sub3A_255 : i32 to index
        %get3A_263 = arith.constant 0 : index
        %get3A_264 = vector.load %arg6[%get3A_262, %get3A_263] : memref<1024x256xf32, #tpu.memory_space<vmem>>, vector<128x256xf32>
        %jit3A_265 = arith.constant 0.000000e+00 : f32
        %broadcast_in_dim3A_266 = vector.shape_cast %and3A_261 : vector<128x1xi1> to vector<128x1xi1>
        %broadcast_in_dim3A_267 = vector.broadcast %broadcast_in_dim3A_266 : vector<128x1xi1> to vector<128x256xi1>
        %broadcast_in_dim3A_268 = vector.broadcast %jit3A_265 : f32 to vector<128x256xf32>
        %select_n3A_269 = arith.select %broadcast_in_dim3A_267, %get3A_264, %broadcast_in_dim3A_268 : vector<128x256xi1>, vector<128x256xf32>
        %convert_element_type3A_270 = arith.truncf %select_n3A_269 : vector<128x256xf32> to vector<128x256xbf16>
        %get3A_271 = arith.constant 15 : index
        %get3A_272 = arith.constant 0 : index
        %get3A_273 = arith.constant 0 : index
        %get3A_274 = vector.load %arg10[%get3A_271, %get3A_272, %get3A_273] : memref<16x256x256xbf16, #tpu.memory_space<vmem>>, vector<1x256x256xbf16>
        %squeeze3A = vector.shape_cast %get3A_274 : vector<1x256x256xbf16> to vector<256x256xbf16>
        %dot_general3A = arith.constant dense<0.000000e+00> : vector<128x256xf32>
        %dot_general3A_275 = tpu.matmul %convert_element_type3A_270, %squeeze3A, %dot_general3A {dimension_numbers = #tpu.dot_dimension_numbers<[1], [1], [0], [0], [0, 0, 1, 0], [], []>, transpose_lhs_hint = false} : vector<128x256xbf16>, vector<256x256xbf16>, vector<128x256xf32> -> vector<128x256xf32>
        %get3A_276 = arith.index_cast %add3A_234 : i32 to index
        %get3A_277 = memref.load %arg3[%get3A_276] : memref<79xi32, #tpu.memory_space<smem>>
        %get3A_278 = arith.index_cast %get3A_277 : i32 to index
        %get3A_279 = arith.constant 0 : index
        %get3A_280 = vector.load %arg8[%get3A_278, %get3A_279] : memref<64x256xf32, #tpu.memory_space<vmem>>, vector<1x256xf32>
        %jit3A_281 = arith.constant 0.000000e+00 : f32
        %broadcast_in_dim3A_282 = vector.shape_cast %and3A_261 : vector<128x1xi1> to vector<128x1xi1>
        %broadcast_in_dim3A_283 = vector.broadcast %broadcast_in_dim3A_282 : vector<128x1xi1> to vector<128x256xi1>
        %broadcast_in_dim3A_284 = vector.shape_cast %get3A_280 : vector<1x256xf32> to vector<1x256xf32>
        %broadcast_in_dim3A_285 = vector.broadcast %broadcast_in_dim3A_284 : vector<1x256xf32> to vector<128x256xf32>
        %broadcast_in_dim3A_286 = vector.broadcast %jit3A_281 : f32 to vector<128x256xf32>
        %select_n3A_287 = arith.select %broadcast_in_dim3A_283, %broadcast_in_dim3A_285, %broadcast_in_dim3A_286 : vector<128x256xi1>, vector<128x256xf32>
        %add3A_288 = arith.addf %dot_general3A_275, %select_n3A_287 : vector<128x256xf32>
        %get3A_289 = arith.index_cast %sub3A_255 : i32 to index
        %get3A_290 = arith.constant 0 : index
        %get3A_291 = vector.load %arg9[%get3A_289, %get3A_290] : memref<1024x256xf32, #tpu.memory_space<vmem>>, vector<128x256xf32>
        %add3A_292 = arith.addf %get3A_291, %add3A_288 : vector<128x256xf32>
        %swap3A_293 = arith.index_cast %sub3A_255 : i32 to index
        %swap3A_294 = arith.constant 0 : index
        %swap3A_295 = vector.load %arg9[%swap3A_293, %swap3A_294] : memref<1024x256xf32, #tpu.memory_space<vmem>>, vector<128x256xf32>
        tpu.vector_store %arg9[%swap3A_293, %swap3A_294], %add3A_292 {strides = array<i32>} : memref<1024x256xf32, #tpu.memory_space<vmem>>, vector<128x256xf32>,
        %add3A_296 = arith.constant 16 : i32
        %add3A_297 = arith.addi %add3A_234, %add3A_296 : i32
        %lt3A_298 = arith.cmpi slt, %add3A_297, %get3A_3 : i32
        %convert_element_type3A_299 = arith.extui %lt3A_298 : i1 to i32
        %cond3A_300 = arith.constant 0 : i32
        %cond3A_301 = arith.cmpi ne, %convert_element_type3A_299, %cond3A_300 : i32
        scf.if %cond3A_301 {
          %add3A_302 = arith.constant 16 : i32
          %add3A_303 = arith.addi %add3A_234, %add3A_302 : i32
          %get3A_304 = arith.index_cast %add3A_303 : i32 to index
          %get3A_305 = memref.load %arg3[%get3A_304] : memref<79xi32, #tpu.memory_space<smem>>
          %dma_start3A = arith.constant 15 : i32
          %dma_start3A_306 = tpu.memref_slice %arg11[%dma_start3A] : memref<16x!tpu.dma_semaphore, #tpu.memory_space<semaphore_mem>> -> memref<1x!tpu.dma_semaphore, #tpu.memory_space<semaphore_mem>>
          %dma_start3A_307 = tpu.memref_squeeze %dma_start3A_306 : memref<1x!tpu.dma_semaphore, #tpu.memory_space<semaphore_mem>> -> memref<!tpu.dma_semaphore, #tpu.memory_space<semaphore_mem>>
          %dma_start3A_308 = arith.constant 15 : i32
          %dma_start3A_309 = arith.constant 0 : i32
          %dma_start3A_310 = arith.constant 0 : i32
          %dma_start3A_311 = tpu.memref_slice %arg10[%dma_start3A_308, %dma_start3A_309, %dma_start3A_310] : memref<16x256x256xbf16, #tpu.memory_space<vmem>> -> memref<1x256x256xbf16, #tpu.memory_space<vmem>>
          %dma_start3A_312 = arith.constant 0 : i32
          %dma_start3A_313 = arith.constant 0 : i32
          %dma_start3A_314 = tpu.memref_slice %arg7[%get3A_305, %dma_start3A_312, %dma_start3A_313] : memref<64x256x256xbf16, #tpu.memory_space<hbm>> -> memref<1x256x256xbf16, #tpu.memory_space<hbm>>
          tpu.enqueue_dma source(%dma_start3A_314 : memref<1x256x256xbf16, #tpu.memory_space<hbm>>) target(%dma_start3A_311 : memref<1x256x256xbf16, #tpu.memory_space<vmem>>) target_semaphore(%dma_start3A_307 : memref<!tpu.dma_semaphore, #tpu.memory_space<semaphore_mem>>)
        } else {
        }
      } else {
      }
      %while3A_232 = arith.constant 0 : i32
      scf.yield %while3A_232 : i32
    }
    %while3A_130 = arith.constant 1 : i32
    %while3A_131 = scf.for %while3A_132 = %while3A_127 to %while3A_123 step %while3A_130 iter_args(%while3A_133 = %while3A_129) -> (i32)  : i32 {
      %mul3A = arith.constant 16 : i32
      %mul3A_134 = arith.muli %while3A_132, %mul3A : i32
      %add3A_135 = arith.addi %get3A_0, %mul3A_134 : i32
      %add3A_136 = arith.constant 0 : i32
      %add3A_137 = arith.addi %add3A_135, %add3A_136 : i32
      %lt3A_138 = arith.cmpi slt, %add3A_137, %get3A_3 : i32
      %convert_element_type3A_139 = arith.extui %lt3A_138 : i1 to i32
      %cond3A_140 = arith.constant 0 : i32
      %cond3A_141 = arith.cmpi ne, %convert_element_type3A_139, %cond3A_140 : i32
      scf.if %cond3A_141 {
        %add3A_233 = arith.constant 0 : i32
        %add3A_234 = arith.addi %add3A_135, %add3A_233 : i32
        %dma_wait3A = arith.constant 0 : i32
        %dma_wait3A_235 = tpu.memref_slice %arg11[%dma_wait3A] : memref<16x!tpu.dma_semaphore, #tpu.memory_space<semaphore_mem>> -> memref<1x!tpu.dma_semaphore, #tpu.memory_space<semaphore_mem>>
        %dma_wait3A_236 = tpu.memref_squeeze %dma_wait3A_235 : memref<1x!tpu.dma_semaphore, #tpu.memory_space<semaphore_mem>> -> memref<!tpu.dma_semaphore, #tpu.memory_space<semaphore_mem>>
        %dma_wait3A_237 = arith.constant 0 : i32
        %dma_wait3A_238 = arith.constant 0 : i32
        %dma_wait3A_239 = arith.constant 0 : i32
        %dma_wait3A_240 = tpu.memref_slice %arg10[%dma_wait3A_237, %dma_wait3A_238, %dma_wait3A_239] : memref<16x256x256xbf16, #tpu.memory_space<vmem>> -> memref<1x256x256xbf16, #tpu.memory_space<vmem>>
        %dma_wait3A_241 = arith.constant 0 : i32
        %dma_wait3A_242 = arith.constant 0 : i32
        %dma_wait3A_243 = arith.constant 0 : i32
        %dma_wait3A_244 = tpu.memref_slice %arg7[%dma_wait3A_241, %dma_wait3A_242, %dma_wait3A_243] : memref<64x256x256xbf16, #tpu.memory_space<hbm>> -> memref<1x256x256xbf16, #tpu.memory_space<hbm>>
        tpu.wait_dma2 semaphore(%dma_wait3A_236 : memref<!tpu.dma_semaphore, #tpu.memory_space<semaphore_mem>>) src(%dma_wait3A_244 : memref<1x256x256xbf16, #tpu.memory_space<hbm>>) dst(%dma_wait3A_240 : memref<1x256x256xbf16, #tpu.memory_space<vmem>>)
        %get3A_245 = arith.index_cast %add3A_234 : i32 to index
        %get3A_246 = memref.load %arg2[%get3A_245] : memref<79xi32, #tpu.memory_space<smem>>
        %get3A_247 = arith.index_cast %add3A_234 : i32 to index
        %get3A_248 = memref.load %arg4[%get3A_247] : memref<79xi32, #tpu.memory_space<smem>>
        %get3A_249 = arith.index_cast %add3A_234 : i32 to index
        %get3A_250 = memref.load %arg5[%get3A_249] : memref<79xi32, #tpu.memory_space<smem>>
        %mul3A_251 = arith.constant 128 : i32
        %mul3A_252 = arith.muli %get3A_246, %mul3A_251 : i32
        %mul3A_253 = arith.constant 1024 : i32
        %mul3A_254 = arith.muli %arg0, %mul3A_253 : i32
        %sub3A_255 = arith.subi %mul3A_252, %mul3A_254 : i32
        %iota3A = tpu.iota {dimensions = array<i32: 0>} : vector<128x1xi32>
        %add3A_256 = vector.broadcast %mul3A_252 : i32 to vector<128x1xi32>
        %add3A_257 = arith.addi %add3A_256, %iota3A : vector<128x1xi32>
        %ge3A = vector.broadcast %get3A_248 : i32 to vector<128x1xi32>
        %ge3A_258 = arith.cmpi sge, %add3A_257, %ge3A : vector<128x1xi32>
        %lt3A_259 = vector.broadcast %get3A_250 : i32 to vector<128x1xi32>
        %lt3A_260 = arith.cmpi slt, %add3A_257, %lt3A_259 : vector<128x1xi32>
        %and3A_261 = arith.andi %ge3A_258, %lt3A_260 : vector<128x1xi1>
        %get3A_262 = arith.index_cast %sub3A_255 : i32 to index
        %get3A_263 = arith.constant 0 : index
        %get3A_264 = vector.load %arg6[%get3A_262, %get3A_263] : memref<1024x256xf32, #tpu.memory_space<vmem>>, vector<128x256xf32>
        %jit3A_265 = arith.constant 0.000000e+00 : f32
        %broadcast_in_dim3A_266 = vector.shape_cast %and3A_261 : vector<128x1xi1> to vector<128x1xi1>
        %broadcast_in_dim3A_267 = vector.broadcast %broadcast_in_dim3A_266 : vector<128x1xi1> to vector<128x256xi1>
        %broadcast_in_dim3A_268 = vector.broadcast %jit3A_265 : f32 to vector<128x256xf32>
        %select_n3A_269 = arith.select %broadcast_in_dim3A_267, %get3A_264, %broadcast_in_dim3A_268 : vector<128x256xi1>, vector<128x256xf32>
        %convert_element_type3A_270 = arith.truncf %select_n3A_269 : vector<128x256xf32> to vector<128x256xbf16>
        %get3A_271 = arith.constant 0 : index
        %get3A_272 = arith.constant 0 : index
        %get3A_273 = arith.constant 0 : index
        %get3A_274 = vector.load %arg10[%get3A_271, %get3A_272, %get3A_273] : memref<16x256x256xbf16, #tpu.memory_space<vmem>>, vector<1x256x256xbf16>
        %squeeze3A = vector.shape_cast %get3A_274 : vector<1x256x256xbf16> to vector<256x256xbf16>
        %dot_general3A = arith.constant dense<0.000000e+00> : vector<128x256xf32>
        %dot_general3A_275 = tpu.matmul %convert_element_type3A_270, %squeeze3A, %dot_general3A {dimension_numbers = #tpu.dot_dimension_numbers<[1], [1], [0], [0], [0, 0, 1, 0], [], []>, transpose_lhs_hint = false} : vector<128x256xbf16>, vector<256x256xbf16>, vector<128x256xf32> -> vector<128x256xf32>
        %get3A_276 = arith.index_cast %add3A_234 : i32 to index
        %get3A_277 = memref.load %arg3[%get3A_276] : memref<79xi32, #tpu.memory_space<smem>>
        %get3A_278 = arith.index_cast %get3A_277 : i32 to index
        %get3A_279 = arith.constant 0 : index
        %get3A_280 = vector.load %arg8[%get3A_278, %get3A_279] : memref<64x256xf32, #tpu.memory_space<vmem>>, vector<1x256xf32>
        %jit3A_281 = arith.constant 0.000000e+00 : f32
        %broadcast_in_dim3A_282 = vector.shape_cast %and3A_261 : vector<128x1xi1> to vector<128x1xi1>
        %broadcast_in_dim3A_283 = vector.broadcast %broadcast_in_dim3A_282 : vector<128x1xi1> to vector<128x256xi1>
        %broadcast_in_dim3A_284 = vector.shape_cast %get3A_280 : vector<1x256xf32> to vector<1x256xf32>
        %broadcast_in_dim3A_285 = vector.broadcast %broadcast_in_dim3A_284 : vector<1x256xf32> to vector<128x256xf32>
        %broadcast_in_dim3A_286 = vector.broadcast %jit3A_281 : f32 to vector<128x256xf32>
        %select_n3A_287 = arith.select %broadcast_in_dim3A_283, %broadcast_in_dim3A_285, %broadcast_in_dim3A_286 : vector<128x256xi1>, vector<128x256xf32>
        %add3A_288 = arith.addf %dot_general3A_275, %select_n3A_287 : vector<128x256xf32>
        %get3A_289 = arith.index_cast %sub3A_255 : i32 to index
        %get3A_290 = arith.constant 0 : index
        %get3A_291 = vector.load %arg9[%get3A_289, %get3A_290] : memref<1024x256xf32, #tpu.memory_space<vmem>>, vector<128x256xf32>
        %add3A_292 = arith.addf %get3A_291, %add3A_288 : vector<128x256xf32>
        %swap3A_293 = arith.index_cast %sub3A_255 : i32 to index
        %swap3A_294 = arith.constant 0 : index
        %swap3A_295 = vector.load %arg9[%swap3A_293, %swap3A_294] : memref<1024x256xf32, #tpu.memory_space<vmem>>, vector<128x256xf32>
        tpu.vector_store %arg9[%swap3A_293, %swap3A_294], %add3A_292 {strides = array<i32>} : memref<1024x256xf32, #tpu.memory_space<vmem>>, vector<128x256xf32>,
        %add3A_296 = arith.constant 16 : i32
        %add3A_297 = arith.addi %add3A_234, %add3A_296 : i32
        %lt3A_298 = arith.cmpi slt, %add3A_297, %get3A_3 : i32
        %convert_element_type3A_299 = arith.extui %lt3A_298 : i1 to i32
        %cond3A_300 = arith.constant 0 : i32
        %cond3A_301 = arith.cmpi ne, %convert_element_type3A_299, %cond3A_300 : i32
        scf.if %cond3A_301 {
          %add3A_302 = arith.constant 16 : i32
          %add3A_303 = arith.addi %add3A_234, %add3A_302 : i32
          %get3A_304 = arith.index_cast %add3A_303 : i32 to index
          %get3A_305 = memref.load %arg3[%get3A_304] : memref<79xi32, #tpu.memory_space<smem>>
          %dma_start3A = arith.constant 0 : i32
          %dma_start3A_306 = tpu.memref_slice %arg11[%dma_start3A] : memref<16x!tpu.dma_semaphore, #tpu.memory_space<semaphore_mem>> -> memref<1x!tpu.dma_semaphore, #tpu.memory_space<semaphore_mem>>
          %dma_start3A_307 = tpu.memref_squeeze %dma_start3A_306 : memref<1x!tpu.dma_semaphore, #tpu.memory_space<semaphore_mem>> -> memref<!tpu.dma_semaphore, #tpu.memory_space<semaphore_mem>>
          %dma_start3A_308 = arith.constant 0 : i32
          %dma_start3A_309 = arith.constant 0 : i32
          %dma_start3A_310 = arith.constant 0 : i32
          %dma_start3A_311 = tpu.memref_slice %arg10[%dma_start3A_308, %dma_start3A_309, %dma_start3A_310] : memref<16x256x256xbf16, #tpu.memory_space<vmem>> -> memref<1x256x256xbf16, #tpu.memory_space<vmem>>
          %dma_start3A_312 = arith.constant 0 : i32
          %dma_start3A_313 = arith.constant 0 : i32
          %dma_start3A_314 = tpu.memref_slice %arg7[%get3A_305, %dma_start3A_312, %dma_start3A_313] : memref<64x256x256xbf16, #tpu.memory_space<hbm>> -> memref<1x256x256xbf16, #tpu.memory_space<hbm>>
          tpu.enqueue_dma source(%dma_start3A_314 : memref<1x256x256xbf16, #tpu.memory_space<hbm>>) target(%dma_start3A_311 : memref<1x256x256xbf16, #tpu.memory_space<vmem>>) target_semaphore(%dma_start3A_307 : memref<!tpu.dma_semaphore, #tpu.memory_space<semaphore_mem>>)
        } else {
        }
      } else {
      }
      %add3A_142 = arith.constant 1 : i32
      %add3A_143 = arith.addi %add3A_135, %add3A_142 : i32
      %lt3A_144 = arith.cmpi slt, %add3A_143, %get3A_3 : i32
      %convert_element_type3A_145 = arith.extui %lt3A_144 : i1 to i32
      %cond3A_146 = arith.constant 0 : i32
      %cond3A_147 = arith.cmpi ne, %convert_element_type3A_145, %cond3A_146 : i32
      scf.if %cond3A_147 {
        %add3A_233 = arith.constant 1 : i32
        %add3A_234 = arith.addi %add3A_135, %add3A_233 : i32
        %dma_wait3A = arith.constant 1 : i32
        %dma_wait3A_235 = tpu.memref_slice %arg11[%dma_wait3A] : memref<16x!tpu.dma_semaphore, #tpu.memory_space<semaphore_mem>> -> memref<1x!tpu.dma_semaphore, #tpu.memory_space<semaphore_mem>>
        %dma_wait3A_236 = tpu.memref_squeeze %dma_wait3A_235 : memref<1x!tpu.dma_semaphore, #tpu.memory_space<semaphore_mem>> -> memref<!tpu.dma_semaphore, #tpu.memory_space<semaphore_mem>>
        %dma_wait3A_237 = arith.constant 1 : i32
        %dma_wait3A_238 = arith.constant 0 : i32
        %dma_wait3A_239 = arith.constant 0 : i32
        %dma_wait3A_240 = tpu.memref_slice %arg10[%dma_wait3A_237, %dma_wait3A_238, %dma_wait3A_239] : memref<16x256x256xbf16, #tpu.memory_space<vmem>> -> memref<1x256x256xbf16, #tpu.memory_space<vmem>>
        %dma_wait3A_241 = arith.constant 0 : i32
        %dma_wait3A_242 = arith.constant 0 : i32
        %dma_wait3A_243 = arith.constant 0 : i32
        %dma_wait3A_244 = tpu.memref_slice %arg7[%dma_wait3A_241, %dma_wait3A_242, %dma_wait3A_243] : memref<64x256x256xbf16, #tpu.memory_space<hbm>> -> memref<1x256x256xbf16, #tpu.memory_space<hbm>>
        tpu.wait_dma2 semaphore(%dma_wait3A_236 : memref<!tpu.dma_semaphore, #tpu.memory_space<semaphore_mem>>) src(%dma_wait3A_244 : memref<1x256x256xbf16, #tpu.memory_space<hbm>>) dst(%dma_wait3A_240 : memref<1x256x256xbf16, #tpu.memory_space<vmem>>)
        %get3A_245 = arith.index_cast %add3A_234 : i32 to index
        %get3A_246 = memref.load %arg2[%get3A_245] : memref<79xi32, #tpu.memory_space<smem>>
        %get3A_247 = arith.index_cast %add3A_234 : i32 to index
        %get3A_248 = memref.load %arg4[%get3A_247] : memref<79xi32, #tpu.memory_space<smem>>
        %get3A_249 = arith.index_cast %add3A_234 : i32 to index
        %get3A_250 = memref.load %arg5[%get3A_249] : memref<79xi32, #tpu.memory_space<smem>>
        %mul3A_251 = arith.constant 128 : i32
        %mul3A_252 = arith.muli %get3A_246, %mul3A_251 : i32
        %mul3A_253 = arith.constant 1024 : i32
        %mul3A_254 = arith.muli %arg0, %mul3A_253 : i32
        %sub3A_255 = arith.subi %mul3A_252, %mul3A_254 : i32
        %iota3A = tpu.iota {dimensions = array<i32: 0>} : vector<128x1xi32>
        %add3A_256 = vector.broadcast %mul3A_252 : i32 to vector<128x1xi32>
        %add3A_257 = arith.addi %add3A_256, %iota3A : vector<128x1xi32>
        %ge3A = vector.broadcast %get3A_248 : i32 to vector<128x1xi32>
        %ge3A_258 = arith.cmpi sge, %add3A_257, %ge3A : vector<128x1xi32>
        %lt3A_259 = vector.broadcast %get3A_250 : i32 to vector<128x1xi32>
        %lt3A_260 = arith.cmpi slt, %add3A_257, %lt3A_259 : vector<128x1xi32>
        %and3A_261 = arith.andi %ge3A_258, %lt3A_260 : vector<128x1xi1>
        %get3A_262 = arith.index_cast %sub3A_255 : i32 to index
        %get3A_263 = arith.constant 0 : index
        %get3A_264 = vector.load %arg6[%get3A_262, %get3A_263] : memref<1024x256xf32, #tpu.memory_space<vmem>>, vector<128x256xf32>
        %jit3A_265 = arith.constant 0.000000e+00 : f32
        %broadcast_in_dim3A_266 = vector.shape_cast %and3A_261 : vector<128x1xi1> to vector<128x1xi1>
        %broadcast_in_dim3A_267 = vector.broadcast %broadcast_in_dim3A_266 : vector<128x1xi1> to vector<128x256xi1>
        %broadcast_in_dim3A_268 = vector.broadcast %jit3A_265 : f32 to vector<128x256xf32>
        %select_n3A_269 = arith.select %broadcast_in_dim3A_267, %get3A_264, %broadcast_in_dim3A_268 : vector<128x256xi1>, vector<128x256xf32>
        %convert_element_type3A_270 = arith.truncf %select_n3A_269 : vector<128x256xf32> to vector<128x256xbf16>
        %get3A_271 = arith.constant 1 : index
        %get3A_272 = arith.constant 0 : index
        %get3A_273 = arith.constant 0 : index
        %get3A_274 = vector.load %arg10[%get3A_271, %get3A_272, %get3A_273] : memref<16x256x256xbf16, #tpu.memory_space<vmem>>, vector<1x256x256xbf16>
        %squeeze3A = vector.shape_cast %get3A_274 : vector<1x256x256xbf16> to vector<256x256xbf16>
        %dot_general3A = arith.constant dense<0.000000e+00> : vector<128x256xf32>
        %dot_general3A_275 = tpu.matmul %convert_element_type3A_270, %squeeze3A, %dot_general3A {dimension_numbers = #tpu.dot_dimension_numbers<[1], [1], [0], [0], [0, 0, 1, 0], [], []>, transpose_lhs_hint = false} : vector<128x256xbf16>, vector<256x256xbf16>, vector<128x256xf32> -> vector<128x256xf32>
        %get3A_276 = arith.index_cast %add3A_234 : i32 to index
        %get3A_277 = memref.load %arg3[%get3A_276] : memref<79xi32, #tpu.memory_space<smem>>
        %get3A_278 = arith.index_cast %get3A_277 : i32 to index
        %get3A_279 = arith.constant 0 : index
        %get3A_280 = vector.load %arg8[%get3A_278, %get3A_279] : memref<64x256xf32, #tpu.memory_space<vmem>>, vector<1x256xf32>
        %jit3A_281 = arith.constant 0.000000e+00 : f32
        %broadcast_in_dim3A_282 = vector.shape_cast %and3A_261 : vector<128x1xi1> to vector<128x1xi1>
        %broadcast_in_dim3A_283 = vector.broadcast %broadcast_in_dim3A_282 : vector<128x1xi1> to vector<128x256xi1>
        %broadcast_in_dim3A_284 = vector.shape_cast %get3A_280 : vector<1x256xf32> to vector<1x256xf32>
        %broadcast_in_dim3A_285 = vector.broadcast %broadcast_in_dim3A_284 : vector<1x256xf32> to vector<128x256xf32>
        %broadcast_in_dim3A_286 = vector.broadcast %jit3A_281 : f32 to vector<128x256xf32>
        %select_n3A_287 = arith.select %broadcast_in_dim3A_283, %broadcast_in_dim3A_285, %broadcast_in_dim3A_286 : vector<128x256xi1>, vector<128x256xf32>
        %add3A_288 = arith.addf %dot_general3A_275, %select_n3A_287 : vector<128x256xf32>
        %get3A_289 = arith.index_cast %sub3A_255 : i32 to index
        %get3A_290 = arith.constant 0 : index
        %get3A_291 = vector.load %arg9[%get3A_289, %get3A_290] : memref<1024x256xf32, #tpu.memory_space<vmem>>, vector<128x256xf32>
        %add3A_292 = arith.addf %get3A_291, %add3A_288 : vector<128x256xf32>
        %swap3A_293 = arith.index_cast %sub3A_255 : i32 to index
        %swap3A_294 = arith.constant 0 : index
        %swap3A_295 = vector.load %arg9[%swap3A_293, %swap3A_294] : memref<1024x256xf32, #tpu.memory_space<vmem>>, vector<128x256xf32>
        tpu.vector_store %arg9[%swap3A_293, %swap3A_294], %add3A_292 {strides = array<i32>} : memref<1024x256xf32, #tpu.memory_space<vmem>>, vector<128x256xf32>,
        %add3A_296 = arith.constant 16 : i32
        %add3A_297 = arith.addi %add3A_234, %add3A_296 : i32
        %lt3A_298 = arith.cmpi slt, %add3A_297, %get3A_3 : i32
        %convert_element_type3A_299 = arith.extui %lt3A_298 : i1 to i32
        %cond3A_300 = arith.constant 0 : i32
        %cond3A_301 = arith.cmpi ne, %convert_element_type3A_299, %cond3A_300 : i32
        scf.if %cond3A_301 {
          %add3A_302 = arith.constant 16 : i32
          %add3A_303 = arith.addi %add3A_234, %add3A_302 : i32
          %get3A_304 = arith.index_cast %add3A_303 : i32 to index
          %get3A_305 = memref.load %arg3[%get3A_304] : memref<79xi32, #tpu.memory_space<smem>>
          %dma_start3A = arith.constant 1 : i32
          %dma_start3A_306 = tpu.memref_slice %arg11[%dma_start3A] : memref<16x!tpu.dma_semaphore, #tpu.memory_space<semaphore_mem>> -> memref<1x!tpu.dma_semaphore, #tpu.memory_space<semaphore_mem>>
          %dma_start3A_307 = tpu.memref_squeeze %dma_start3A_306 : memref<1x!tpu.dma_semaphore, #tpu.memory_space<semaphore_mem>> -> memref<!tpu.dma_semaphore, #tpu.memory_space<semaphore_mem>>
          %dma_start3A_308 = arith.constant 1 : i32
          %dma_start3A_309 = arith.constant 0 : i32
          %dma_start3A_310 = arith.constant 0 : i32
          %dma_start3A_311 = tpu.memref_slice %arg10[%dma_start3A_308, %dma_start3A_309, %dma_start3A_310] : memref<16x256x256xbf16, #tpu.memory_space<vmem>> -> memref<1x256x256xbf16, #tpu.memory_space<vmem>>
          %dma_start3A_312 = arith.constant 0 : i32
          %dma_start3A_313 = arith.constant 0 : i32
          %dma_start3A_314 = tpu.memref_slice %arg7[%get3A_305, %dma_start3A_312, %dma_start3A_313] : memref<64x256x256xbf16, #tpu.memory_space<hbm>> -> memref<1x256x256xbf16, #tpu.memory_space<hbm>>
          tpu.enqueue_dma source(%dma_start3A_314 : memref<1x256x256xbf16, #tpu.memory_space<hbm>>) target(%dma_start3A_311 : memref<1x256x256xbf16, #tpu.memory_space<vmem>>) target_semaphore(%dma_start3A_307 : memref<!tpu.dma_semaphore, #tpu.memory_space<semaphore_mem>>)
        } else {
        }
      } else {
      }
      %add3A_148 = arith.constant 2 : i32
      %add3A_149 = arith.addi %add3A_135, %add3A_148 : i32
      %lt3A_150 = arith.cmpi slt, %add3A_149, %get3A_3 : i32
      %convert_element_type3A_151 = arith.extui %lt3A_150 : i1 to i32
      %cond3A_152 = arith.constant 0 : i32
      %cond3A_153 = arith.cmpi ne, %convert_element_type3A_151, %cond3A_152 : i32
      scf.if %cond3A_153 {
        %add3A_233 = arith.constant 2 : i32
        %add3A_234 = arith.addi %add3A_135, %add3A_233 : i32
        %dma_wait3A = arith.constant 2 : i32
        %dma_wait3A_235 = tpu.memref_slice %arg11[%dma_wait3A] : memref<16x!tpu.dma_semaphore, #tpu.memory_space<semaphore_mem>> -> memref<1x!tpu.dma_semaphore, #tpu.memory_space<semaphore_mem>>
        %dma_wait3A_236 = tpu.memref_squeeze %dma_wait3A_235 : memref<1x!tpu.dma_semaphore, #tpu.memory_space<semaphore_mem>> -> memref<!tpu.dma_semaphore, #tpu.memory_space<semaphore_mem>>
        %dma_wait3A_237 = arith.constant 2 : i32
        %dma_wait3A_238 = arith.constant 0 : i32
        %dma_wait3A_239 = arith.constant 0 : i32
        %dma_wait3A_240 = tpu.memref_slice %arg10[%dma_wait3A_237, %dma_wait3A_238, %dma_wait3A_239] : memref<16x256x256xbf16, #tpu.memory_space<vmem>> -> memref<1x256x256xbf16, #tpu.memory_space<vmem>>
        %dma_wait3A_241 = arith.constant 0 : i32
        %dma_wait3A_242 = arith.constant 0 : i32
        %dma_wait3A_243 = arith.constant 0 : i32
        %dma_wait3A_244 = tpu.memref_slice %arg7[%dma_wait3A_241, %dma_wait3A_242, %dma_wait3A_243] : memref<64x256x256xbf16, #tpu.memory_space<hbm>> -> memref<1x256x256xbf16, #tpu.memory_space<hbm>>
        tpu.wait_dma2 semaphore(%dma_wait3A_236 : memref<!tpu.dma_semaphore, #tpu.memory_space<semaphore_mem>>) src(%dma_wait3A_244 : memref<1x256x256xbf16, #tpu.memory_space<hbm>>) dst(%dma_wait3A_240 : memref<1x256x256xbf16, #tpu.memory_space<vmem>>)
        %get3A_245 = arith.index_cast %add3A_234 : i32 to index
        %get3A_246 = memref.load %arg2[%get3A_245] : memref<79xi32, #tpu.memory_space<smem>>
        %get3A_247 = arith.index_cast %add3A_234 : i32 to index
        %get3A_248 = memref.load %arg4[%get3A_247] : memref<79xi32, #tpu.memory_space<smem>>
        %get3A_249 = arith.index_cast %add3A_234 : i32 to index
        %get3A_250 = memref.load %arg5[%get3A_249] : memref<79xi32, #tpu.memory_space<smem>>
        %mul3A_251 = arith.constant 128 : i32
        %mul3A_252 = arith.muli %get3A_246, %mul3A_251 : i32
        %mul3A_253 = arith.constant 1024 : i32
        %mul3A_254 = arith.muli %arg0, %mul3A_253 : i32
        %sub3A_255 = arith.subi %mul3A_252, %mul3A_254 : i32
        %iota3A = tpu.iota {dimensions = array<i32: 0>} : vector<128x1xi32>
        %add3A_256 = vector.broadcast %mul3A_252 : i32 to vector<128x1xi32>
        %add3A_257 = arith.addi %add3A_256, %iota3A : vector<128x1xi32>
        %ge3A = vector.broadcast %get3A_248 : i32 to vector<128x1xi32>
        %ge3A_258 = arith.cmpi sge, %add3A_257, %ge3A : vector<128x1xi32>
        %lt3A_259 = vector.broadcast %get3A_250 : i32 to vector<128x1xi32>
        %lt3A_260 = arith.cmpi slt, %add3A_257, %lt3A_259 : vector<128x1xi32>
        %and3A_261 = arith.andi %ge3A_258, %lt3A_260 : vector<128x1xi1>
        %get3A_262 = arith.index_cast %sub3A_255 : i32 to index
        %get3A_263 = arith.constant 0 : index
        %get3A_264 = vector.load %arg6[%get3A_262, %get3A_263] : memref<1024x256xf32, #tpu.memory_space<vmem>>, vector<128x256xf32>
        %jit3A_265 = arith.constant 0.000000e+00 : f32
        %broadcast_in_dim3A_266 = vector.shape_cast %and3A_261 : vector<128x1xi1> to vector<128x1xi1>
        %broadcast_in_dim3A_267 = vector.broadcast %broadcast_in_dim3A_266 : vector<128x1xi1> to vector<128x256xi1>
        %broadcast_in_dim3A_268 = vector.broadcast %jit3A_265 : f32 to vector<128x256xf32>
        %select_n3A_269 = arith.select %broadcast_in_dim3A_267, %get3A_264, %broadcast_in_dim3A_268 : vector<128x256xi1>, vector<128x256xf32>
        %convert_element_type3A_270 = arith.truncf %select_n3A_269 : vector<128x256xf32> to vector<128x256xbf16>
        %get3A_271 = arith.constant 2 : index
        %get3A_272 = arith.constant 0 : index
        %get3A_273 = arith.constant 0 : index
        %get3A_274 = vector.load %arg10[%get3A_271, %get3A_272, %get3A_273] : memref<16x256x256xbf16, #tpu.memory_space<vmem>>, vector<1x256x256xbf16>
        %squeeze3A = vector.shape_cast %get3A_274 : vector<1x256x256xbf16> to vector<256x256xbf16>
        %dot_general3A = arith.constant dense<0.000000e+00> : vector<128x256xf32>
        %dot_general3A_275 = tpu.matmul %convert_element_type3A_270, %squeeze3A, %dot_general3A {dimension_numbers = #tpu.dot_dimension_numbers<[1], [1], [0], [0], [0, 0, 1, 0], [], []>, transpose_lhs_hint = false} : vector<128x256xbf16>, vector<256x256xbf16>, vector<128x256xf32> -> vector<128x256xf32>
        %get3A_276 = arith.index_cast %add3A_234 : i32 to index
        %get3A_277 = memref.load %arg3[%get3A_276] : memref<79xi32, #tpu.memory_space<smem>>
        %get3A_278 = arith.index_cast %get3A_277 : i32 to index
        %get3A_279 = arith.constant 0 : index
        %get3A_280 = vector.load %arg8[%get3A_278, %get3A_279] : memref<64x256xf32, #tpu.memory_space<vmem>>, vector<1x256xf32>
        %jit3A_281 = arith.constant 0.000000e+00 : f32
        %broadcast_in_dim3A_282 = vector.shape_cast %and3A_261 : vector<128x1xi1> to vector<128x1xi1>
        %broadcast_in_dim3A_283 = vector.broadcast %broadcast_in_dim3A_282 : vector<128x1xi1> to vector<128x256xi1>
        %broadcast_in_dim3A_284 = vector.shape_cast %get3A_280 : vector<1x256xf32> to vector<1x256xf32>
        %broadcast_in_dim3A_285 = vector.broadcast %broadcast_in_dim3A_284 : vector<1x256xf32> to vector<128x256xf32>
        %broadcast_in_dim3A_286 = vector.broadcast %jit3A_281 : f32 to vector<128x256xf32>
        %select_n3A_287 = arith.select %broadcast_in_dim3A_283, %broadcast_in_dim3A_285, %broadcast_in_dim3A_286 : vector<128x256xi1>, vector<128x256xf32>
        %add3A_288 = arith.addf %dot_general3A_275, %select_n3A_287 : vector<128x256xf32>
        %get3A_289 = arith.index_cast %sub3A_255 : i32 to index
        %get3A_290 = arith.constant 0 : index
        %get3A_291 = vector.load %arg9[%get3A_289, %get3A_290] : memref<1024x256xf32, #tpu.memory_space<vmem>>, vector<128x256xf32>
        %add3A_292 = arith.addf %get3A_291, %add3A_288 : vector<128x256xf32>
        %swap3A_293 = arith.index_cast %sub3A_255 : i32 to index
        %swap3A_294 = arith.constant 0 : index
        %swap3A_295 = vector.load %arg9[%swap3A_293, %swap3A_294] : memref<1024x256xf32, #tpu.memory_space<vmem>>, vector<128x256xf32>
        tpu.vector_store %arg9[%swap3A_293, %swap3A_294], %add3A_292 {strides = array<i32>} : memref<1024x256xf32, #tpu.memory_space<vmem>>, vector<128x256xf32>,
        %add3A_296 = arith.constant 16 : i32
        %add3A_297 = arith.addi %add3A_234, %add3A_296 : i32
        %lt3A_298 = arith.cmpi slt, %add3A_297, %get3A_3 : i32
        %convert_element_type3A_299 = arith.extui %lt3A_298 : i1 to i32
        %cond3A_300 = arith.constant 0 : i32
        %cond3A_301 = arith.cmpi ne, %convert_element_type3A_299, %cond3A_300 : i32
        scf.if %cond3A_301 {
          %add3A_302 = arith.constant 16 : i32
          %add3A_303 = arith.addi %add3A_234, %add3A_302 : i32
          %get3A_304 = arith.index_cast %add3A_303 : i32 to index
          %get3A_305 = memref.load %arg3[%get3A_304] : memref<79xi32, #tpu.memory_space<smem>>
          %dma_start3A = arith.constant 2 : i32
          %dma_start3A_306 = tpu.memref_slice %arg11[%dma_start3A] : memref<16x!tpu.dma_semaphore, #tpu.memory_space<semaphore_mem>> -> memref<1x!tpu.dma_semaphore, #tpu.memory_space<semaphore_mem>>
          %dma_start3A_307 = tpu.memref_squeeze %dma_start3A_306 : memref<1x!tpu.dma_semaphore, #tpu.memory_space<semaphore_mem>> -> memref<!tpu.dma_semaphore, #tpu.memory_space<semaphore_mem>>
          %dma_start3A_308 = arith.constant 2 : i32
          %dma_start3A_309 = arith.constant 0 : i32
          %dma_start3A_310 = arith.constant 0 : i32
          %dma_start3A_311 = tpu.memref_slice %arg10[%dma_start3A_308, %dma_start3A_309, %dma_start3A_310] : memref<16x256x256xbf16, #tpu.memory_space<vmem>> -> memref<1x256x256xbf16, #tpu.memory_space<vmem>>
          %dma_start3A_312 = arith.constant 0 : i32
          %dma_start3A_313 = arith.constant 0 : i32
          %dma_start3A_314 = tpu.memref_slice %arg7[%get3A_305, %dma_start3A_312, %dma_start3A_313] : memref<64x256x256xbf16, #tpu.memory_space<hbm>> -> memref<1x256x256xbf16, #tpu.memory_space<hbm>>
          tpu.enqueue_dma source(%dma_start3A_314 : memref<1x256x256xbf16, #tpu.memory_space<hbm>>) target(%dma_start3A_311 : memref<1x256x256xbf16, #tpu.memory_space<vmem>>) target_semaphore(%dma_start3A_307 : memref<!tpu.dma_semaphore, #tpu.memory_space<semaphore_mem>>)
        } else {
        }
      } else {
      }
      %add3A_154 = arith.constant 3 : i32
      %add3A_155 = arith.addi %add3A_135, %add3A_154 : i32
      %lt3A_156 = arith.cmpi slt, %add3A_155, %get3A_3 : i32
      %convert_element_type3A_157 = arith.extui %lt3A_156 : i1 to i32
      %cond3A_158 = arith.constant 0 : i32
      %cond3A_159 = arith.cmpi ne, %convert_element_type3A_157, %cond3A_158 : i32
      scf.if %cond3A_159 {
        %add3A_233 = arith.constant 3 : i32
        %add3A_234 = arith.addi %add3A_135, %add3A_233 : i32
        %dma_wait3A = arith.constant 3 : i32
        %dma_wait3A_235 = tpu.memref_slice %arg11[%dma_wait3A] : memref<16x!tpu.dma_semaphore, #tpu.memory_space<semaphore_mem>> -> memref<1x!tpu.dma_semaphore, #tpu.memory_space<semaphore_mem>>
        %dma_wait3A_236 = tpu.memref_squeeze %dma_wait3A_235 : memref<1x!tpu.dma_semaphore, #tpu.memory_space<semaphore_mem>> -> memref<!tpu.dma_semaphore, #tpu.memory_space<semaphore_mem>>
        %dma_wait3A_237 = arith.constant 3 : i32
        %dma_wait3A_238 = arith.constant 0 : i32
        %dma_wait3A_239 = arith.constant 0 : i32
        %dma_wait3A_240 = tpu.memref_slice %arg10[%dma_wait3A_237, %dma_wait3A_238, %dma_wait3A_239] : memref<16x256x256xbf16, #tpu.memory_space<vmem>> -> memref<1x256x256xbf16, #tpu.memory_space<vmem>>
        %dma_wait3A_241 = arith.constant 0 : i32
        %dma_wait3A_242 = arith.constant 0 : i32
        %dma_wait3A_243 = arith.constant 0 : i32
        %dma_wait3A_244 = tpu.memref_slice %arg7[%dma_wait3A_241, %dma_wait3A_242, %dma_wait3A_243] : memref<64x256x256xbf16, #tpu.memory_space<hbm>> -> memref<1x256x256xbf16, #tpu.memory_space<hbm>>
        tpu.wait_dma2 semaphore(%dma_wait3A_236 : memref<!tpu.dma_semaphore, #tpu.memory_space<semaphore_mem>>) src(%dma_wait3A_244 : memref<1x256x256xbf16, #tpu.memory_space<hbm>>) dst(%dma_wait3A_240 : memref<1x256x256xbf16, #tpu.memory_space<vmem>>)
        %get3A_245 = arith.index_cast %add3A_234 : i32 to index
        %get3A_246 = memref.load %arg2[%get3A_245] : memref<79xi32, #tpu.memory_space<smem>>
        %get3A_247 = arith.index_cast %add3A_234 : i32 to index
        %get3A_248 = memref.load %arg4[%get3A_247] : memref<79xi32, #tpu.memory_space<smem>>
        %get3A_249 = arith.index_cast %add3A_234 : i32 to index
        %get3A_250 = memref.load %arg5[%get3A_249] : memref<79xi32, #tpu.memory_space<smem>>
        %mul3A_251 = arith.constant 128 : i32
        %mul3A_252 = arith.muli %get3A_246, %mul3A_251 : i32
        %mul3A_253 = arith.constant 1024 : i32
        %mul3A_254 = arith.muli %arg0, %mul3A_253 : i32
        %sub3A_255 = arith.subi %mul3A_252, %mul3A_254 : i32
        %iota3A = tpu.iota {dimensions = array<i32: 0>} : vector<128x1xi32>
        %add3A_256 = vector.broadcast %mul3A_252 : i32 to vector<128x1xi32>
        %add3A_257 = arith.addi %add3A_256, %iota3A : vector<128x1xi32>
        %ge3A = vector.broadcast %get3A_248 : i32 to vector<128x1xi32>
        %ge3A_258 = arith.cmpi sge, %add3A_257, %ge3A : vector<128x1xi32>
        %lt3A_259 = vector.broadcast %get3A_250 : i32 to vector<128x1xi32>
        %lt3A_260 = arith.cmpi slt, %add3A_257, %lt3A_259 : vector<128x1xi32>
        %and3A_261 = arith.andi %ge3A_258, %lt3A_260 : vector<128x1xi1>
        %get3A_262 = arith.index_cast %sub3A_255 : i32 to index
        %get3A_263 = arith.constant 0 : index
        %get3A_264 = vector.load %arg6[%get3A_262, %get3A_263] : memref<1024x256xf32, #tpu.memory_space<vmem>>, vector<128x256xf32>
        %jit3A_265 = arith.constant 0.000000e+00 : f32
        %broadcast_in_dim3A_266 = vector.shape_cast %and3A_261 : vector<128x1xi1> to vector<128x1xi1>
        %broadcast_in_dim3A_267 = vector.broadcast %broadcast_in_dim3A_266 : vector<128x1xi1> to vector<128x256xi1>
        %broadcast_in_dim3A_268 = vector.broadcast %jit3A_265 : f32 to vector<128x256xf32>
        %select_n3A_269 = arith.select %broadcast_in_dim3A_267, %get3A_264, %broadcast_in_dim3A_268 : vector<128x256xi1>, vector<128x256xf32>
        %convert_element_type3A_270 = arith.truncf %select_n3A_269 : vector<128x256xf32> to vector<128x256xbf16>
        %get3A_271 = arith.constant 3 : index
        %get3A_272 = arith.constant 0 : index
        %get3A_273 = arith.constant 0 : index
        %get3A_274 = vector.load %arg10[%get3A_271, %get3A_272, %get3A_273] : memref<16x256x256xbf16, #tpu.memory_space<vmem>>, vector<1x256x256xbf16>
        %squeeze3A = vector.shape_cast %get3A_274 : vector<1x256x256xbf16> to vector<256x256xbf16>
        %dot_general3A = arith.constant dense<0.000000e+00> : vector<128x256xf32>
        %dot_general3A_275 = tpu.matmul %convert_element_type3A_270, %squeeze3A, %dot_general3A {dimension_numbers = #tpu.dot_dimension_numbers<[1], [1], [0], [0], [0, 0, 1, 0], [], []>, transpose_lhs_hint = false} : vector<128x256xbf16>, vector<256x256xbf16>, vector<128x256xf32> -> vector<128x256xf32>
        %get3A_276 = arith.index_cast %add3A_234 : i32 to index
        %get3A_277 = memref.load %arg3[%get3A_276] : memref<79xi32, #tpu.memory_space<smem>>
        %get3A_278 = arith.index_cast %get3A_277 : i32 to index
        %get3A_279 = arith.constant 0 : index
        %get3A_280 = vector.load %arg8[%get3A_278, %get3A_279] : memref<64x256xf32, #tpu.memory_space<vmem>>, vector<1x256xf32>
        %jit3A_281 = arith.constant 0.000000e+00 : f32
        %broadcast_in_dim3A_282 = vector.shape_cast %and3A_261 : vector<128x1xi1> to vector<128x1xi1>
        %broadcast_in_dim3A_283 = vector.broadcast %broadcast_in_dim3A_282 : vector<128x1xi1> to vector<128x256xi1>
        %broadcast_in_dim3A_284 = vector.shape_cast %get3A_280 : vector<1x256xf32> to vector<1x256xf32>
        %broadcast_in_dim3A_285 = vector.broadcast %broadcast_in_dim3A_284 : vector<1x256xf32> to vector<128x256xf32>
        %broadcast_in_dim3A_286 = vector.broadcast %jit3A_281 : f32 to vector<128x256xf32>
        %select_n3A_287 = arith.select %broadcast_in_dim3A_283, %broadcast_in_dim3A_285, %broadcast_in_dim3A_286 : vector<128x256xi1>, vector<128x256xf32>
        %add3A_288 = arith.addf %dot_general3A_275, %select_n3A_287 : vector<128x256xf32>
        %get3A_289 = arith.index_cast %sub3A_255 : i32 to index
        %get3A_290 = arith.constant 0 : index
        %get3A_291 = vector.load %arg9[%get3A_289, %get3A_290] : memref<1024x256xf32, #tpu.memory_space<vmem>>, vector<128x256xf32>
        %add3A_292 = arith.addf %get3A_291, %add3A_288 : vector<128x256xf32>
        %swap3A_293 = arith.index_cast %sub3A_255 : i32 to index
        %swap3A_294 = arith.constant 0 : index
        %swap3A_295 = vector.load %arg9[%swap3A_293, %swap3A_294] : memref<1024x256xf32, #tpu.memory_space<vmem>>, vector<128x256xf32>
        tpu.vector_store %arg9[%swap3A_293, %swap3A_294], %add3A_292 {strides = array<i32>} : memref<1024x256xf32, #tpu.memory_space<vmem>>, vector<128x256xf32>,
        %add3A_296 = arith.constant 16 : i32
        %add3A_297 = arith.addi %add3A_234, %add3A_296 : i32
        %lt3A_298 = arith.cmpi slt, %add3A_297, %get3A_3 : i32
        %convert_element_type3A_299 = arith.extui %lt3A_298 : i1 to i32
        %cond3A_300 = arith.constant 0 : i32
        %cond3A_301 = arith.cmpi ne, %convert_element_type3A_299, %cond3A_300 : i32
        scf.if %cond3A_301 {
          %add3A_302 = arith.constant 16 : i32
          %add3A_303 = arith.addi %add3A_234, %add3A_302 : i32
          %get3A_304 = arith.index_cast %add3A_303 : i32 to index
          %get3A_305 = memref.load %arg3[%get3A_304] : memref<79xi32, #tpu.memory_space<smem>>
          %dma_start3A = arith.constant 3 : i32
          %dma_start3A_306 = tpu.memref_slice %arg11[%dma_start3A] : memref<16x!tpu.dma_semaphore, #tpu.memory_space<semaphore_mem>> -> memref<1x!tpu.dma_semaphore, #tpu.memory_space<semaphore_mem>>
          %dma_start3A_307 = tpu.memref_squeeze %dma_start3A_306 : memref<1x!tpu.dma_semaphore, #tpu.memory_space<semaphore_mem>> -> memref<!tpu.dma_semaphore, #tpu.memory_space<semaphore_mem>>
          %dma_start3A_308 = arith.constant 3 : i32
          %dma_start3A_309 = arith.constant 0 : i32
          %dma_start3A_310 = arith.constant 0 : i32
          %dma_start3A_311 = tpu.memref_slice %arg10[%dma_start3A_308, %dma_start3A_309, %dma_start3A_310] : memref<16x256x256xbf16, #tpu.memory_space<vmem>> -> memref<1x256x256xbf16, #tpu.memory_space<vmem>>
          %dma_start3A_312 = arith.constant 0 : i32
          %dma_start3A_313 = arith.constant 0 : i32
          %dma_start3A_314 = tpu.memref_slice %arg7[%get3A_305, %dma_start3A_312, %dma_start3A_313] : memref<64x256x256xbf16, #tpu.memory_space<hbm>> -> memref<1x256x256xbf16, #tpu.memory_space<hbm>>
          tpu.enqueue_dma source(%dma_start3A_314 : memref<1x256x256xbf16, #tpu.memory_space<hbm>>) target(%dma_start3A_311 : memref<1x256x256xbf16, #tpu.memory_space<vmem>>) target_semaphore(%dma_start3A_307 : memref<!tpu.dma_semaphore, #tpu.memory_space<semaphore_mem>>)
        } else {
        }
      } else {
      }
      %add3A_160 = arith.constant 4 : i32
      %add3A_161 = arith.addi %add3A_135, %add3A_160 : i32
      %lt3A_162 = arith.cmpi slt, %add3A_161, %get3A_3 : i32
      %convert_element_type3A_163 = arith.extui %lt3A_162 : i1 to i32
      %cond3A_164 = arith.constant 0 : i32
      %cond3A_165 = arith.cmpi ne, %convert_element_type3A_163, %cond3A_164 : i32
      scf.if %cond3A_165 {
        %add3A_233 = arith.constant 4 : i32
        %add3A_234 = arith.addi %add3A_135, %add3A_233 : i32
        %dma_wait3A = arith.constant 4 : i32
        %dma_wait3A_235 = tpu.memref_slice %arg11[%dma_wait3A] : memref<16x!tpu.dma_semaphore, #tpu.memory_space<semaphore_mem>> -> memref<1x!tpu.dma_semaphore, #tpu.memory_space<semaphore_mem>>
        %dma_wait3A_236 = tpu.memref_squeeze %dma_wait3A_235 : memref<1x!tpu.dma_semaphore, #tpu.memory_space<semaphore_mem>> -> memref<!tpu.dma_semaphore, #tpu.memory_space<semaphore_mem>>
        %dma_wait3A_237 = arith.constant 4 : i32
        %dma_wait3A_238 = arith.constant 0 : i32
        %dma_wait3A_239 = arith.constant 0 : i32
        %dma_wait3A_240 = tpu.memref_slice %arg10[%dma_wait3A_237, %dma_wait3A_238, %dma_wait3A_239] : memref<16x256x256xbf16, #tpu.memory_space<vmem>> -> memref<1x256x256xbf16, #tpu.memory_space<vmem>>
        %dma_wait3A_241 = arith.constant 0 : i32
        %dma_wait3A_242 = arith.constant 0 : i32
        %dma_wait3A_243 = arith.constant 0 : i32
        %dma_wait3A_244 = tpu.memref_slice %arg7[%dma_wait3A_241, %dma_wait3A_242, %dma_wait3A_243] : memref<64x256x256xbf16, #tpu.memory_space<hbm>> -> memref<1x256x256xbf16, #tpu.memory_space<hbm>>
        tpu.wait_dma2 semaphore(%dma_wait3A_236 : memref<!tpu.dma_semaphore, #tpu.memory_space<semaphore_mem>>) src(%dma_wait3A_244 : memref<1x256x256xbf16, #tpu.memory_space<hbm>>) dst(%dma_wait3A_240 : memref<1x256x256xbf16, #tpu.memory_space<vmem>>)
        %get3A_245 = arith.index_cast %add3A_234 : i32 to index
        %get3A_246 = memref.load %arg2[%get3A_245] : memref<79xi32, #tpu.memory_space<smem>>
        %get3A_247 = arith.index_cast %add3A_234 : i32 to index
        %get3A_248 = memref.load %arg4[%get3A_247] : memref<79xi32, #tpu.memory_space<smem>>
        %get3A_249 = arith.index_cast %add3A_234 : i32 to index
        %get3A_250 = memref.load %arg5[%get3A_249] : memref<79xi32, #tpu.memory_space<smem>>
        %mul3A_251 = arith.constant 128 : i32
        %mul3A_252 = arith.muli %get3A_246, %mul3A_251 : i32
        %mul3A_253 = arith.constant 1024 : i32
        %mul3A_254 = arith.muli %arg0, %mul3A_253 : i32
        %sub3A_255 = arith.subi %mul3A_252, %mul3A_254 : i32
        %iota3A = tpu.iota {dimensions = array<i32: 0>} : vector<128x1xi32>
        %add3A_256 = vector.broadcast %mul3A_252 : i32 to vector<128x1xi32>
        %add3A_257 = arith.addi %add3A_256, %iota3A : vector<128x1xi32>
        %ge3A = vector.broadcast %get3A_248 : i32 to vector<128x1xi32>
        %ge3A_258 = arith.cmpi sge, %add3A_257, %ge3A : vector<128x1xi32>
        %lt3A_259 = vector.broadcast %get3A_250 : i32 to vector<128x1xi32>
        %lt3A_260 = arith.cmpi slt, %add3A_257, %lt3A_259 : vector<128x1xi32>
        %and3A_261 = arith.andi %ge3A_258, %lt3A_260 : vector<128x1xi1>
        %get3A_262 = arith.index_cast %sub3A_255 : i32 to index
        %get3A_263 = arith.constant 0 : index
        %get3A_264 = vector.load %arg6[%get3A_262, %get3A_263] : memref<1024x256xf32, #tpu.memory_space<vmem>>, vector<128x256xf32>
        %jit3A_265 = arith.constant 0.000000e+00 : f32
        %broadcast_in_dim3A_266 = vector.shape_cast %and3A_261 : vector<128x1xi1> to vector<128x1xi1>
        %broadcast_in_dim3A_267 = vector.broadcast %broadcast_in_dim3A_266 : vector<128x1xi1> to vector<128x256xi1>
        %broadcast_in_dim3A_268 = vector.broadcast %jit3A_265 : f32 to vector<128x256xf32>
        %select_n3A_269 = arith.select %broadcast_in_dim3A_267, %get3A_264, %broadcast_in_dim3A_268 : vector<128x256xi1>, vector<128x256xf32>
        %convert_element_type3A_270 = arith.truncf %select_n3A_269 : vector<128x256xf32> to vector<128x256xbf16>
        %get3A_271 = arith.constant 4 : index
        %get3A_272 = arith.constant 0 : index
        %get3A_273 = arith.constant 0 : index
        %get3A_274 = vector.load %arg10[%get3A_271, %get3A_272, %get3A_273] : memref<16x256x256xbf16, #tpu.memory_space<vmem>>, vector<1x256x256xbf16>
        %squeeze3A = vector.shape_cast %get3A_274 : vector<1x256x256xbf16> to vector<256x256xbf16>
        %dot_general3A = arith.constant dense<0.000000e+00> : vector<128x256xf32>
        %dot_general3A_275 = tpu.matmul %convert_element_type3A_270, %squeeze3A, %dot_general3A {dimension_numbers = #tpu.dot_dimension_numbers<[1], [1], [0], [0], [0, 0, 1, 0], [], []>, transpose_lhs_hint = false} : vector<128x256xbf16>, vector<256x256xbf16>, vector<128x256xf32> -> vector<128x256xf32>
        %get3A_276 = arith.index_cast %add3A_234 : i32 to index
        %get3A_277 = memref.load %arg3[%get3A_276] : memref<79xi32, #tpu.memory_space<smem>>
        %get3A_278 = arith.index_cast %get3A_277 : i32 to index
        %get3A_279 = arith.constant 0 : index
        %get3A_280 = vector.load %arg8[%get3A_278, %get3A_279] : memref<64x256xf32, #tpu.memory_space<vmem>>, vector<1x256xf32>
        %jit3A_281 = arith.constant 0.000000e+00 : f32
        %broadcast_in_dim3A_282 = vector.shape_cast %and3A_261 : vector<128x1xi1> to vector<128x1xi1>
        %broadcast_in_dim3A_283 = vector.broadcast %broadcast_in_dim3A_282 : vector<128x1xi1> to vector<128x256xi1>
        %broadcast_in_dim3A_284 = vector.shape_cast %get3A_280 : vector<1x256xf32> to vector<1x256xf32>
        %broadcast_in_dim3A_285 = vector.broadcast %broadcast_in_dim3A_284 : vector<1x256xf32> to vector<128x256xf32>
        %broadcast_in_dim3A_286 = vector.broadcast %jit3A_281 : f32 to vector<128x256xf32>
        %select_n3A_287 = arith.select %broadcast_in_dim3A_283, %broadcast_in_dim3A_285, %broadcast_in_dim3A_286 : vector<128x256xi1>, vector<128x256xf32>
        %add3A_288 = arith.addf %dot_general3A_275, %select_n3A_287 : vector<128x256xf32>
        %get3A_289 = arith.index_cast %sub3A_255 : i32 to index
        %get3A_290 = arith.constant 0 : index
        %get3A_291 = vector.load %arg9[%get3A_289, %get3A_290] : memref<1024x256xf32, #tpu.memory_space<vmem>>, vector<128x256xf32>
        %add3A_292 = arith.addf %get3A_291, %add3A_288 : vector<128x256xf32>
        %swap3A_293 = arith.index_cast %sub3A_255 : i32 to index
        %swap3A_294 = arith.constant 0 : index
        %swap3A_295 = vector.load %arg9[%swap3A_293, %swap3A_294] : memref<1024x256xf32, #tpu.memory_space<vmem>>, vector<128x256xf32>
        tpu.vector_store %arg9[%swap3A_293, %swap3A_294], %add3A_292 {strides = array<i32>} : memref<1024x256xf32, #tpu.memory_space<vmem>>, vector<128x256xf32>,
        %add3A_296 = arith.constant 16 : i32
        %add3A_297 = arith.addi %add3A_234, %add3A_296 : i32
        %lt3A_298 = arith.cmpi slt, %add3A_297, %get3A_3 : i32
        %convert_element_type3A_299 = arith.extui %lt3A_298 : i1 to i32
        %cond3A_300 = arith.constant 0 : i32
        %cond3A_301 = arith.cmpi ne, %convert_element_type3A_299, %cond3A_300 : i32
        scf.if %cond3A_301 {
          %add3A_302 = arith.constant 16 : i32
          %add3A_303 = arith.addi %add3A_234, %add3A_302 : i32
          %get3A_304 = arith.index_cast %add3A_303 : i32 to index
          %get3A_305 = memref.load %arg3[%get3A_304] : memref<79xi32, #tpu.memory_space<smem>>
          %dma_start3A = arith.constant 4 : i32
          %dma_start3A_306 = tpu.memref_slice %arg11[%dma_start3A] : memref<16x!tpu.dma_semaphore, #tpu.memory_space<semaphore_mem>> -> memref<1x!tpu.dma_semaphore, #tpu.memory_space<semaphore_mem>>
          %dma_start3A_307 = tpu.memref_squeeze %dma_start3A_306 : memref<1x!tpu.dma_semaphore, #tpu.memory_space<semaphore_mem>> -> memref<!tpu.dma_semaphore, #tpu.memory_space<semaphore_mem>>
          %dma_start3A_308 = arith.constant 4 : i32
          %dma_start3A_309 = arith.constant 0 : i32
          %dma_start3A_310 = arith.constant 0 : i32
          %dma_start3A_311 = tpu.memref_slice %arg10[%dma_start3A_308, %dma_start3A_309, %dma_start3A_310] : memref<16x256x256xbf16, #tpu.memory_space<vmem>> -> memref<1x256x256xbf16, #tpu.memory_space<vmem>>
          %dma_start3A_312 = arith.constant 0 : i32
          %dma_start3A_313 = arith.constant 0 : i32
          %dma_start3A_314 = tpu.memref_slice %arg7[%get3A_305, %dma_start3A_312, %dma_start3A_313] : memref<64x256x256xbf16, #tpu.memory_space<hbm>> -> memref<1x256x256xbf16, #tpu.memory_space<hbm>>
          tpu.enqueue_dma source(%dma_start3A_314 : memref<1x256x256xbf16, #tpu.memory_space<hbm>>) target(%dma_start3A_311 : memref<1x256x256xbf16, #tpu.memory_space<vmem>>) target_semaphore(%dma_start3A_307 : memref<!tpu.dma_semaphore, #tpu.memory_space<semaphore_mem>>)
        } else {
        }
      } else {
      }
      %add3A_166 = arith.constant 5 : i32
      %add3A_167 = arith.addi %add3A_135, %add3A_166 : i32
      %lt3A_168 = arith.cmpi slt, %add3A_167, %get3A_3 : i32
      %convert_element_type3A_169 = arith.extui %lt3A_168 : i1 to i32
      %cond3A_170 = arith.constant 0 : i32
      %cond3A_171 = arith.cmpi ne, %convert_element_type3A_169, %cond3A_170 : i32
      scf.if %cond3A_171 {
        %add3A_233 = arith.constant 5 : i32
        %add3A_234 = arith.addi %add3A_135, %add3A_233 : i32
        %dma_wait3A = arith.constant 5 : i32
        %dma_wait3A_235 = tpu.memref_slice %arg11[%dma_wait3A] : memref<16x!tpu.dma_semaphore, #tpu.memory_space<semaphore_mem>> -> memref<1x!tpu.dma_semaphore, #tpu.memory_space<semaphore_mem>>
        %dma_wait3A_236 = tpu.memref_squeeze %dma_wait3A_235 : memref<1x!tpu.dma_semaphore, #tpu.memory_space<semaphore_mem>> -> memref<!tpu.dma_semaphore, #tpu.memory_space<semaphore_mem>>
        %dma_wait3A_237 = arith.constant 5 : i32
        %dma_wait3A_238 = arith.constant 0 : i32
        %dma_wait3A_239 = arith.constant 0 : i32
        %dma_wait3A_240 = tpu.memref_slice %arg10[%dma_wait3A_237, %dma_wait3A_238, %dma_wait3A_239] : memref<16x256x256xbf16, #tpu.memory_space<vmem>> -> memref<1x256x256xbf16, #tpu.memory_space<vmem>>
        %dma_wait3A_241 = arith.constant 0 : i32
        %dma_wait3A_242 = arith.constant 0 : i32
        %dma_wait3A_243 = arith.constant 0 : i32
        %dma_wait3A_244 = tpu.memref_slice %arg7[%dma_wait3A_241, %dma_wait3A_242, %dma_wait3A_243] : memref<64x256x256xbf16, #tpu.memory_space<hbm>> -> memref<1x256x256xbf16, #tpu.memory_space<hbm>>
        tpu.wait_dma2 semaphore(%dma_wait3A_236 : memref<!tpu.dma_semaphore, #tpu.memory_space<semaphore_mem>>) src(%dma_wait3A_244 : memref<1x256x256xbf16, #tpu.memory_space<hbm>>) dst(%dma_wait3A_240 : memref<1x256x256xbf16, #tpu.memory_space<vmem>>)
        %get3A_245 = arith.index_cast %add3A_234 : i32 to index
        %get3A_246 = memref.load %arg2[%get3A_245] : memref<79xi32, #tpu.memory_space<smem>>
        %get3A_247 = arith.index_cast %add3A_234 : i32 to index
        %get3A_248 = memref.load %arg4[%get3A_247] : memref<79xi32, #tpu.memory_space<smem>>
        %get3A_249 = arith.index_cast %add3A_234 : i32 to index
        %get3A_250 = memref.load %arg5[%get3A_249] : memref<79xi32, #tpu.memory_space<smem>>
        %mul3A_251 = arith.constant 128 : i32
        %mul3A_252 = arith.muli %get3A_246, %mul3A_251 : i32
        %mul3A_253 = arith.constant 1024 : i32
        %mul3A_254 = arith.muli %arg0, %mul3A_253 : i32
        %sub3A_255 = arith.subi %mul3A_252, %mul3A_254 : i32
        %iota3A = tpu.iota {dimensions = array<i32: 0>} : vector<128x1xi32>
        %add3A_256 = vector.broadcast %mul3A_252 : i32 to vector<128x1xi32>
        %add3A_257 = arith.addi %add3A_256, %iota3A : vector<128x1xi32>
        %ge3A = vector.broadcast %get3A_248 : i32 to vector<128x1xi32>
        %ge3A_258 = arith.cmpi sge, %add3A_257, %ge3A : vector<128x1xi32>
        %lt3A_259 = vector.broadcast %get3A_250 : i32 to vector<128x1xi32>
        %lt3A_260 = arith.cmpi slt, %add3A_257, %lt3A_259 : vector<128x1xi32>
        %and3A_261 = arith.andi %ge3A_258, %lt3A_260 : vector<128x1xi1>
        %get3A_262 = arith.index_cast %sub3A_255 : i32 to index
        %get3A_263 = arith.constant 0 : index
        %get3A_264 = vector.load %arg6[%get3A_262, %get3A_263] : memref<1024x256xf32, #tpu.memory_space<vmem>>, vector<128x256xf32>
        %jit3A_265 = arith.constant 0.000000e+00 : f32
        %broadcast_in_dim3A_266 = vector.shape_cast %and3A_261 : vector<128x1xi1> to vector<128x1xi1>
        %broadcast_in_dim3A_267 = vector.broadcast %broadcast_in_dim3A_266 : vector<128x1xi1> to vector<128x256xi1>
        %broadcast_in_dim3A_268 = vector.broadcast %jit3A_265 : f32 to vector<128x256xf32>
        %select_n3A_269 = arith.select %broadcast_in_dim3A_267, %get3A_264, %broadcast_in_dim3A_268 : vector<128x256xi1>, vector<128x256xf32>
        %convert_element_type3A_270 = arith.truncf %select_n3A_269 : vector<128x256xf32> to vector<128x256xbf16>
        %get3A_271 = arith.constant 5 : index
        %get3A_272 = arith.constant 0 : index
        %get3A_273 = arith.constant 0 : index
        %get3A_274 = vector.load %arg10[%get3A_271, %get3A_272, %get3A_273] : memref<16x256x256xbf16, #tpu.memory_space<vmem>>, vector<1x256x256xbf16>
        %squeeze3A = vector.shape_cast %get3A_274 : vector<1x256x256xbf16> to vector<256x256xbf16>
        %dot_general3A = arith.constant dense<0.000000e+00> : vector<128x256xf32>
        %dot_general3A_275 = tpu.matmul %convert_element_type3A_270, %squeeze3A, %dot_general3A {dimension_numbers = #tpu.dot_dimension_numbers<[1], [1], [0], [0], [0, 0, 1, 0], [], []>, transpose_lhs_hint = false} : vector<128x256xbf16>, vector<256x256xbf16>, vector<128x256xf32> -> vector<128x256xf32>
        %get3A_276 = arith.index_cast %add3A_234 : i32 to index
        %get3A_277 = memref.load %arg3[%get3A_276] : memref<79xi32, #tpu.memory_space<smem>>
        %get3A_278 = arith.index_cast %get3A_277 : i32 to index
        %get3A_279 = arith.constant 0 : index
        %get3A_280 = vector.load %arg8[%get3A_278, %get3A_279] : memref<64x256xf32, #tpu.memory_space<vmem>>, vector<1x256xf32>
        %jit3A_281 = arith.constant 0.000000e+00 : f32
        %broadcast_in_dim3A_282 = vector.shape_cast %and3A_261 : vector<128x1xi1> to vector<128x1xi1>
        %broadcast_in_dim3A_283 = vector.broadcast %broadcast_in_dim3A_282 : vector<128x1xi1> to vector<128x256xi1>
        %broadcast_in_dim3A_284 = vector.shape_cast %get3A_280 : vector<1x256xf32> to vector<1x256xf32>
        %broadcast_in_dim3A_285 = vector.broadcast %broadcast_in_dim3A_284 : vector<1x256xf32> to vector<128x256xf32>
        %broadcast_in_dim3A_286 = vector.broadcast %jit3A_281 : f32 to vector<128x256xf32>
        %select_n3A_287 = arith.select %broadcast_in_dim3A_283, %broadcast_in_dim3A_285, %broadcast_in_dim3A_286 : vector<128x256xi1>, vector<128x256xf32>
        %add3A_288 = arith.addf %dot_general3A_275, %select_n3A_287 : vector<128x256xf32>
        %get3A_289 = arith.index_cast %sub3A_255 : i32 to index
        %get3A_290 = arith.constant 0 : index
        %get3A_291 = vector.load %arg9[%get3A_289, %get3A_290] : memref<1024x256xf32, #tpu.memory_space<vmem>>, vector<128x256xf32>
        %add3A_292 = arith.addf %get3A_291, %add3A_288 : vector<128x256xf32>
        %swap3A_293 = arith.index_cast %sub3A_255 : i32 to index
        %swap3A_294 = arith.constant 0 : index
        %swap3A_295 = vector.load %arg9[%swap3A_293, %swap3A_294] : memref<1024x256xf32, #tpu.memory_space<vmem>>, vector<128x256xf32>
        tpu.vector_store %arg9[%swap3A_293, %swap3A_294], %add3A_292 {strides = array<i32>} : memref<1024x256xf32, #tpu.memory_space<vmem>>, vector<128x256xf32>,
        %add3A_296 = arith.constant 16 : i32
        %add3A_297 = arith.addi %add3A_234, %add3A_296 : i32
        %lt3A_298 = arith.cmpi slt, %add3A_297, %get3A_3 : i32
        %convert_element_type3A_299 = arith.extui %lt3A_298 : i1 to i32
        %cond3A_300 = arith.constant 0 : i32
        %cond3A_301 = arith.cmpi ne, %convert_element_type3A_299, %cond3A_300 : i32
        scf.if %cond3A_301 {
          %add3A_302 = arith.constant 16 : i32
          %add3A_303 = arith.addi %add3A_234, %add3A_302 : i32
          %get3A_304 = arith.index_cast %add3A_303 : i32 to index
          %get3A_305 = memref.load %arg3[%get3A_304] : memref<79xi32, #tpu.memory_space<smem>>
          %dma_start3A = arith.constant 5 : i32
          %dma_start3A_306 = tpu.memref_slice %arg11[%dma_start3A] : memref<16x!tpu.dma_semaphore, #tpu.memory_space<semaphore_mem>> -> memref<1x!tpu.dma_semaphore, #tpu.memory_space<semaphore_mem>>
          %dma_start3A_307 = tpu.memref_squeeze %dma_start3A_306 : memref<1x!tpu.dma_semaphore, #tpu.memory_space<semaphore_mem>> -> memref<!tpu.dma_semaphore, #tpu.memory_space<semaphore_mem>>
          %dma_start3A_308 = arith.constant 5 : i32
          %dma_start3A_309 = arith.constant 0 : i32
          %dma_start3A_310 = arith.constant 0 : i32
          %dma_start3A_311 = tpu.memref_slice %arg10[%dma_start3A_308, %dma_start3A_309, %dma_start3A_310] : memref<16x256x256xbf16, #tpu.memory_space<vmem>> -> memref<1x256x256xbf16, #tpu.memory_space<vmem>>
          %dma_start3A_312 = arith.constant 0 : i32
          %dma_start3A_313 = arith.constant 0 : i32
          %dma_start3A_314 = tpu.memref_slice %arg7[%get3A_305, %dma_start3A_312, %dma_start3A_313] : memref<64x256x256xbf16, #tpu.memory_space<hbm>> -> memref<1x256x256xbf16, #tpu.memory_space<hbm>>
          tpu.enqueue_dma source(%dma_start3A_314 : memref<1x256x256xbf16, #tpu.memory_space<hbm>>) target(%dma_start3A_311 : memref<1x256x256xbf16, #tpu.memory_space<vmem>>) target_semaphore(%dma_start3A_307 : memref<!tpu.dma_semaphore, #tpu.memory_space<semaphore_mem>>)
        } else {
        }
      } else {
      }
      %add3A_172 = arith.constant 6 : i32
      %add3A_173 = arith.addi %add3A_135, %add3A_172 : i32
      %lt3A_174 = arith.cmpi slt, %add3A_173, %get3A_3 : i32
      %convert_element_type3A_175 = arith.extui %lt3A_174 : i1 to i32
      %cond3A_176 = arith.constant 0 : i32
      %cond3A_177 = arith.cmpi ne, %convert_element_type3A_175, %cond3A_176 : i32
      scf.if %cond3A_177 {
        %add3A_233 = arith.constant 6 : i32
        %add3A_234 = arith.addi %add3A_135, %add3A_233 : i32
        %dma_wait3A = arith.constant 6 : i32
        %dma_wait3A_235 = tpu.memref_slice %arg11[%dma_wait3A] : memref<16x!tpu.dma_semaphore, #tpu.memory_space<semaphore_mem>> -> memref<1x!tpu.dma_semaphore, #tpu.memory_space<semaphore_mem>>
        %dma_wait3A_236 = tpu.memref_squeeze %dma_wait3A_235 : memref<1x!tpu.dma_semaphore, #tpu.memory_space<semaphore_mem>> -> memref<!tpu.dma_semaphore, #tpu.memory_space<semaphore_mem>>
        %dma_wait3A_237 = arith.constant 6 : i32
        %dma_wait3A_238 = arith.constant 0 : i32
        %dma_wait3A_239 = arith.constant 0 : i32
        %dma_wait3A_240 = tpu.memref_slice %arg10[%dma_wait3A_237, %dma_wait3A_238, %dma_wait3A_239] : memref<16x256x256xbf16, #tpu.memory_space<vmem>> -> memref<1x256x256xbf16, #tpu.memory_space<vmem>>
        %dma_wait3A_241 = arith.constant 0 : i32
        %dma_wait3A_242 = arith.constant 0 : i32
        %dma_wait3A_243 = arith.constant 0 : i32
        %dma_wait3A_244 = tpu.memref_slice %arg7[%dma_wait3A_241, %dma_wait3A_242, %dma_wait3A_243] : memref<64x256x256xbf16, #tpu.memory_space<hbm>> -> memref<1x256x256xbf16, #tpu.memory_space<hbm>>
        tpu.wait_dma2 semaphore(%dma_wait3A_236 : memref<!tpu.dma_semaphore, #tpu.memory_space<semaphore_mem>>) src(%dma_wait3A_244 : memref<1x256x256xbf16, #tpu.memory_space<hbm>>) dst(%dma_wait3A_240 : memref<1x256x256xbf16, #tpu.memory_space<vmem>>)
        %get3A_245 = arith.index_cast %add3A_234 : i32 to index
        %get3A_246 = memref.load %arg2[%get3A_245] : memref<79xi32, #tpu.memory_space<smem>>
        %get3A_247 = arith.index_cast %add3A_234 : i32 to index
        %get3A_248 = memref.load %arg4[%get3A_247] : memref<79xi32, #tpu.memory_space<smem>>
        %get3A_249 = arith.index_cast %add3A_234 : i32 to index
        %get3A_250 = memref.load %arg5[%get3A_249] : memref<79xi32, #tpu.memory_space<smem>>
        %mul3A_251 = arith.constant 128 : i32
        %mul3A_252 = arith.muli %get3A_246, %mul3A_251 : i32
        %mul3A_253 = arith.constant 1024 : i32
        %mul3A_254 = arith.muli %arg0, %mul3A_253 : i32
        %sub3A_255 = arith.subi %mul3A_252, %mul3A_254 : i32
        %iota3A = tpu.iota {dimensions = array<i32: 0>} : vector<128x1xi32>
        %add3A_256 = vector.broadcast %mul3A_252 : i32 to vector<128x1xi32>
        %add3A_257 = arith.addi %add3A_256, %iota3A : vector<128x1xi32>
        %ge3A = vector.broadcast %get3A_248 : i32 to vector<128x1xi32>
        %ge3A_258 = arith.cmpi sge, %add3A_257, %ge3A : vector<128x1xi32>
        %lt3A_259 = vector.broadcast %get3A_250 : i32 to vector<128x1xi32>
        %lt3A_260 = arith.cmpi slt, %add3A_257, %lt3A_259 : vector<128x1xi32>
        %and3A_261 = arith.andi %ge3A_258, %lt3A_260 : vector<128x1xi1>
        %get3A_262 = arith.index_cast %sub3A_255 : i32 to index
        %get3A_263 = arith.constant 0 : index
        %get3A_264 = vector.load %arg6[%get3A_262, %get3A_263] : memref<1024x256xf32, #tpu.memory_space<vmem>>, vector<128x256xf32>
        %jit3A_265 = arith.constant 0.000000e+00 : f32
        %broadcast_in_dim3A_266 = vector.shape_cast %and3A_261 : vector<128x1xi1> to vector<128x1xi1>
        %broadcast_in_dim3A_267 = vector.broadcast %broadcast_in_dim3A_266 : vector<128x1xi1> to vector<128x256xi1>
        %broadcast_in_dim3A_268 = vector.broadcast %jit3A_265 : f32 to vector<128x256xf32>
        %select_n3A_269 = arith.select %broadcast_in_dim3A_267, %get3A_264, %broadcast_in_dim3A_268 : vector<128x256xi1>, vector<128x256xf32>
        %convert_element_type3A_270 = arith.truncf %select_n3A_269 : vector<128x256xf32> to vector<128x256xbf16>
        %get3A_271 = arith.constant 6 : index
        %get3A_272 = arith.constant 0 : index
        %get3A_273 = arith.constant 0 : index
        %get3A_274 = vector.load %arg10[%get3A_271, %get3A_272, %get3A_273] : memref<16x256x256xbf16, #tpu.memory_space<vmem>>, vector<1x256x256xbf16>
        %squeeze3A = vector.shape_cast %get3A_274 : vector<1x256x256xbf16> to vector<256x256xbf16>
        %dot_general3A = arith.constant dense<0.000000e+00> : vector<128x256xf32>
        %dot_general3A_275 = tpu.matmul %convert_element_type3A_270, %squeeze3A, %dot_general3A {dimension_numbers = #tpu.dot_dimension_numbers<[1], [1], [0], [0], [0, 0, 1, 0], [], []>, transpose_lhs_hint = false} : vector<128x256xbf16>, vector<256x256xbf16>, vector<128x256xf32> -> vector<128x256xf32>
        %get3A_276 = arith.index_cast %add3A_234 : i32 to index
        %get3A_277 = memref.load %arg3[%get3A_276] : memref<79xi32, #tpu.memory_space<smem>>
        %get3A_278 = arith.index_cast %get3A_277 : i32 to index
        %get3A_279 = arith.constant 0 : index
        %get3A_280 = vector.load %arg8[%get3A_278, %get3A_279] : memref<64x256xf32, #tpu.memory_space<vmem>>, vector<1x256xf32>
        %jit3A_281 = arith.constant 0.000000e+00 : f32
        %broadcast_in_dim3A_282 = vector.shape_cast %and3A_261 : vector<128x1xi1> to vector<128x1xi1>
        %broadcast_in_dim3A_283 = vector.broadcast %broadcast_in_dim3A_282 : vector<128x1xi1> to vector<128x256xi1>
        %broadcast_in_dim3A_284 = vector.shape_cast %get3A_280 : vector<1x256xf32> to vector<1x256xf32>
        %broadcast_in_dim3A_285 = vector.broadcast %broadcast_in_dim3A_284 : vector<1x256xf32> to vector<128x256xf32>
        %broadcast_in_dim3A_286 = vector.broadcast %jit3A_281 : f32 to vector<128x256xf32>
        %select_n3A_287 = arith.select %broadcast_in_dim3A_283, %broadcast_in_dim3A_285, %broadcast_in_dim3A_286 : vector<128x256xi1>, vector<128x256xf32>
        %add3A_288 = arith.addf %dot_general3A_275, %select_n3A_287 : vector<128x256xf32>
        %get3A_289 = arith.index_cast %sub3A_255 : i32 to index
        %get3A_290 = arith.constant 0 : index
        %get3A_291 = vector.load %arg9[%get3A_289, %get3A_290] : memref<1024x256xf32, #tpu.memory_space<vmem>>, vector<128x256xf32>
        %add3A_292 = arith.addf %get3A_291, %add3A_288 : vector<128x256xf32>
        %swap3A_293 = arith.index_cast %sub3A_255 : i32 to index
        %swap3A_294 = arith.constant 0 : index
        %swap3A_295 = vector.load %arg9[%swap3A_293, %swap3A_294] : memref<1024x256xf32, #tpu.memory_space<vmem>>, vector<128x256xf32>
        tpu.vector_store %arg9[%swap3A_293, %swap3A_294], %add3A_292 {strides = array<i32>} : memref<1024x256xf32, #tpu.memory_space<vmem>>, vector<128x256xf32>,
        %add3A_296 = arith.constant 16 : i32
        %add3A_297 = arith.addi %add3A_234, %add3A_296 : i32
        %lt3A_298 = arith.cmpi slt, %add3A_297, %get3A_3 : i32
        %convert_element_type3A_299 = arith.extui %lt3A_298 : i1 to i32
        %cond3A_300 = arith.constant 0 : i32
        %cond3A_301 = arith.cmpi ne, %convert_element_type3A_299, %cond3A_300 : i32
        scf.if %cond3A_301 {
          %add3A_302 = arith.constant 16 : i32
          %add3A_303 = arith.addi %add3A_234, %add3A_302 : i32
          %get3A_304 = arith.index_cast %add3A_303 : i32 to index
          %get3A_305 = memref.load %arg3[%get3A_304] : memref<79xi32, #tpu.memory_space<smem>>
          %dma_start3A = arith.constant 6 : i32
          %dma_start3A_306 = tpu.memref_slice %arg11[%dma_start3A] : memref<16x!tpu.dma_semaphore, #tpu.memory_space<semaphore_mem>> -> memref<1x!tpu.dma_semaphore, #tpu.memory_space<semaphore_mem>>
          %dma_start3A_307 = tpu.memref_squeeze %dma_start3A_306 : memref<1x!tpu.dma_semaphore, #tpu.memory_space<semaphore_mem>> -> memref<!tpu.dma_semaphore, #tpu.memory_space<semaphore_mem>>
          %dma_start3A_308 = arith.constant 6 : i32
          %dma_start3A_309 = arith.constant 0 : i32
          %dma_start3A_310 = arith.constant 0 : i32
          %dma_start3A_311 = tpu.memref_slice %arg10[%dma_start3A_308, %dma_start3A_309, %dma_start3A_310] : memref<16x256x256xbf16, #tpu.memory_space<vmem>> -> memref<1x256x256xbf16, #tpu.memory_space<vmem>>
          %dma_start3A_312 = arith.constant 0 : i32
          %dma_start3A_313 = arith.constant 0 : i32
          %dma_start3A_314 = tpu.memref_slice %arg7[%get3A_305, %dma_start3A_312, %dma_start3A_313] : memref<64x256x256xbf16, #tpu.memory_space<hbm>> -> memref<1x256x256xbf16, #tpu.memory_space<hbm>>
          tpu.enqueue_dma source(%dma_start3A_314 : memref<1x256x256xbf16, #tpu.memory_space<hbm>>) target(%dma_start3A_311 : memref<1x256x256xbf16, #tpu.memory_space<vmem>>) target_semaphore(%dma_start3A_307 : memref<!tpu.dma_semaphore, #tpu.memory_space<semaphore_mem>>)
        } else {
        }
      } else {
      }
      %add3A_178 = arith.constant 7 : i32
      %add3A_179 = arith.addi %add3A_135, %add3A_178 : i32
      %lt3A_180 = arith.cmpi slt, %add3A_179, %get3A_3 : i32
      %convert_element_type3A_181 = arith.extui %lt3A_180 : i1 to i32
      %cond3A_182 = arith.constant 0 : i32
      %cond3A_183 = arith.cmpi ne, %convert_element_type3A_181, %cond3A_182 : i32
      scf.if %cond3A_183 {
        %add3A_233 = arith.constant 7 : i32
        %add3A_234 = arith.addi %add3A_135, %add3A_233 : i32
        %dma_wait3A = arith.constant 7 : i32
        %dma_wait3A_235 = tpu.memref_slice %arg11[%dma_wait3A] : memref<16x!tpu.dma_semaphore, #tpu.memory_space<semaphore_mem>> -> memref<1x!tpu.dma_semaphore, #tpu.memory_space<semaphore_mem>>
        %dma_wait3A_236 = tpu.memref_squeeze %dma_wait3A_235 : memref<1x!tpu.dma_semaphore, #tpu.memory_space<semaphore_mem>> -> memref<!tpu.dma_semaphore, #tpu.memory_space<semaphore_mem>>
        %dma_wait3A_237 = arith.constant 7 : i32
        %dma_wait3A_238 = arith.constant 0 : i32
        %dma_wait3A_239 = arith.constant 0 : i32
        %dma_wait3A_240 = tpu.memref_slice %arg10[%dma_wait3A_237, %dma_wait3A_238, %dma_wait3A_239] : memref<16x256x256xbf16, #tpu.memory_space<vmem>> -> memref<1x256x256xbf16, #tpu.memory_space<vmem>>
        %dma_wait3A_241 = arith.constant 0 : i32
        %dma_wait3A_242 = arith.constant 0 : i32
        %dma_wait3A_243 = arith.constant 0 : i32
        %dma_wait3A_244 = tpu.memref_slice %arg7[%dma_wait3A_241, %dma_wait3A_242, %dma_wait3A_243] : memref<64x256x256xbf16, #tpu.memory_space<hbm>> -> memref<1x256x256xbf16, #tpu.memory_space<hbm>>
        tpu.wait_dma2 semaphore(%dma_wait3A_236 : memref<!tpu.dma_semaphore, #tpu.memory_space<semaphore_mem>>) src(%dma_wait3A_244 : memref<1x256x256xbf16, #tpu.memory_space<hbm>>) dst(%dma_wait3A_240 : memref<1x256x256xbf16, #tpu.memory_space<vmem>>)
        %get3A_245 = arith.index_cast %add3A_234 : i32 to index
        %get3A_246 = memref.load %arg2[%get3A_245] : memref<79xi32, #tpu.memory_space<smem>>
        %get3A_247 = arith.index_cast %add3A_234 : i32 to index
        %get3A_248 = memref.load %arg4[%get3A_247] : memref<79xi32, #tpu.memory_space<smem>>
        %get3A_249 = arith.index_cast %add3A_234 : i32 to index
        %get3A_250 = memref.load %arg5[%get3A_249] : memref<79xi32, #tpu.memory_space<smem>>
        %mul3A_251 = arith.constant 128 : i32
        %mul3A_252 = arith.muli %get3A_246, %mul3A_251 : i32
        %mul3A_253 = arith.constant 1024 : i32
        %mul3A_254 = arith.muli %arg0, %mul3A_253 : i32
        %sub3A_255 = arith.subi %mul3A_252, %mul3A_254 : i32
        %iota3A = tpu.iota {dimensions = array<i32: 0>} : vector<128x1xi32>
        %add3A_256 = vector.broadcast %mul3A_252 : i32 to vector<128x1xi32>
        %add3A_257 = arith.addi %add3A_256, %iota3A : vector<128x1xi32>
        %ge3A = vector.broadcast %get3A_248 : i32 to vector<128x1xi32>
        %ge3A_258 = arith.cmpi sge, %add3A_257, %ge3A : vector<128x1xi32>
        %lt3A_259 = vector.broadcast %get3A_250 : i32 to vector<128x1xi32>
        %lt3A_260 = arith.cmpi slt, %add3A_257, %lt3A_259 : vector<128x1xi32>
        %and3A_261 = arith.andi %ge3A_258, %lt3A_260 : vector<128x1xi1>
        %get3A_262 = arith.index_cast %sub3A_255 : i32 to index
        %get3A_263 = arith.constant 0 : index
        %get3A_264 = vector.load %arg6[%get3A_262, %get3A_263] : memref<1024x256xf32, #tpu.memory_space<vmem>>, vector<128x256xf32>
        %jit3A_265 = arith.constant 0.000000e+00 : f32
        %broadcast_in_dim3A_266 = vector.shape_cast %and3A_261 : vector<128x1xi1> to vector<128x1xi1>
        %broadcast_in_dim3A_267 = vector.broadcast %broadcast_in_dim3A_266 : vector<128x1xi1> to vector<128x256xi1>
        %broadcast_in_dim3A_268 = vector.broadcast %jit3A_265 : f32 to vector<128x256xf32>
        %select_n3A_269 = arith.select %broadcast_in_dim3A_267, %get3A_264, %broadcast_in_dim3A_268 : vector<128x256xi1>, vector<128x256xf32>
        %convert_element_type3A_270 = arith.truncf %select_n3A_269 : vector<128x256xf32> to vector<128x256xbf16>
        %get3A_271 = arith.constant 7 : index
        %get3A_272 = arith.constant 0 : index
        %get3A_273 = arith.constant 0 : index
        %get3A_274 = vector.load %arg10[%get3A_271, %get3A_272, %get3A_273] : memref<16x256x256xbf16, #tpu.memory_space<vmem>>, vector<1x256x256xbf16>
        %squeeze3A = vector.shape_cast %get3A_274 : vector<1x256x256xbf16> to vector<256x256xbf16>
        %dot_general3A = arith.constant dense<0.000000e+00> : vector<128x256xf32>
        %dot_general3A_275 = tpu.matmul %convert_element_type3A_270, %squeeze3A, %dot_general3A {dimension_numbers = #tpu.dot_dimension_numbers<[1], [1], [0], [0], [0, 0, 1, 0], [], []>, transpose_lhs_hint = false} : vector<128x256xbf16>, vector<256x256xbf16>, vector<128x256xf32> -> vector<128x256xf32>
        %get3A_276 = arith.index_cast %add3A_234 : i32 to index
        %get3A_277 = memref.load %arg3[%get3A_276] : memref<79xi32, #tpu.memory_space<smem>>
        %get3A_278 = arith.index_cast %get3A_277 : i32 to index
        %get3A_279 = arith.constant 0 : index
        %get3A_280 = vector.load %arg8[%get3A_278, %get3A_279] : memref<64x256xf32, #tpu.memory_space<vmem>>, vector<1x256xf32>
        %jit3A_281 = arith.constant 0.000000e+00 : f32
        %broadcast_in_dim3A_282 = vector.shape_cast %and3A_261 : vector<128x1xi1> to vector<128x1xi1>
        %broadcast_in_dim3A_283 = vector.broadcast %broadcast_in_dim3A_282 : vector<128x1xi1> to vector<128x256xi1>
        %broadcast_in_dim3A_284 = vector.shape_cast %get3A_280 : vector<1x256xf32> to vector<1x256xf32>
        %broadcast_in_dim3A_285 = vector.broadcast %broadcast_in_dim3A_284 : vector<1x256xf32> to vector<128x256xf32>
        %broadcast_in_dim3A_286 = vector.broadcast %jit3A_281 : f32 to vector<128x256xf32>
        %select_n3A_287 = arith.select %broadcast_in_dim3A_283, %broadcast_in_dim3A_285, %broadcast_in_dim3A_286 : vector<128x256xi1>, vector<128x256xf32>
        %add3A_288 = arith.addf %dot_general3A_275, %select_n3A_287 : vector<128x256xf32>
        %get3A_289 = arith.index_cast %sub3A_255 : i32 to index
        %get3A_290 = arith.constant 0 : index
        %get3A_291 = vector.load %arg9[%get3A_289, %get3A_290] : memref<1024x256xf32, #tpu.memory_space<vmem>>, vector<128x256xf32>
        %add3A_292 = arith.addf %get3A_291, %add3A_288 : vector<128x256xf32>
        %swap3A_293 = arith.index_cast %sub3A_255 : i32 to index
        %swap3A_294 = arith.constant 0 : index
        %swap3A_295 = vector.load %arg9[%swap3A_293, %swap3A_294] : memref<1024x256xf32, #tpu.memory_space<vmem>>, vector<128x256xf32>
        tpu.vector_store %arg9[%swap3A_293, %swap3A_294], %add3A_292 {strides = array<i32>} : memref<1024x256xf32, #tpu.memory_space<vmem>>, vector<128x256xf32>,
        %add3A_296 = arith.constant 16 : i32
        %add3A_297 = arith.addi %add3A_234, %add3A_296 : i32
        %lt3A_298 = arith.cmpi slt, %add3A_297, %get3A_3 : i32
        %convert_element_type3A_299 = arith.extui %lt3A_298 : i1 to i32
        %cond3A_300 = arith.constant 0 : i32
        %cond3A_301 = arith.cmpi ne, %convert_element_type3A_299, %cond3A_300 : i32
        scf.if %cond3A_301 {
          %add3A_302 = arith.constant 16 : i32
          %add3A_303 = arith.addi %add3A_234, %add3A_302 : i32
          %get3A_304 = arith.index_cast %add3A_303 : i32 to index
          %get3A_305 = memref.load %arg3[%get3A_304] : memref<79xi32, #tpu.memory_space<smem>>
          %dma_start3A = arith.constant 7 : i32
          %dma_start3A_306 = tpu.memref_slice %arg11[%dma_start3A] : memref<16x!tpu.dma_semaphore, #tpu.memory_space<semaphore_mem>> -> memref<1x!tpu.dma_semaphore, #tpu.memory_space<semaphore_mem>>
          %dma_start3A_307 = tpu.memref_squeeze %dma_start3A_306 : memref<1x!tpu.dma_semaphore, #tpu.memory_space<semaphore_mem>> -> memref<!tpu.dma_semaphore, #tpu.memory_space<semaphore_mem>>
          %dma_start3A_308 = arith.constant 7 : i32
          %dma_start3A_309 = arith.constant 0 : i32
          %dma_start3A_310 = arith.constant 0 : i32
          %dma_start3A_311 = tpu.memref_slice %arg10[%dma_start3A_308, %dma_start3A_309, %dma_start3A_310] : memref<16x256x256xbf16, #tpu.memory_space<vmem>> -> memref<1x256x256xbf16, #tpu.memory_space<vmem>>
          %dma_start3A_312 = arith.constant 0 : i32
          %dma_start3A_313 = arith.constant 0 : i32
          %dma_start3A_314 = tpu.memref_slice %arg7[%get3A_305, %dma_start3A_312, %dma_start3A_313] : memref<64x256x256xbf16, #tpu.memory_space<hbm>> -> memref<1x256x256xbf16, #tpu.memory_space<hbm>>
          tpu.enqueue_dma source(%dma_start3A_314 : memref<1x256x256xbf16, #tpu.memory_space<hbm>>) target(%dma_start3A_311 : memref<1x256x256xbf16, #tpu.memory_space<vmem>>) target_semaphore(%dma_start3A_307 : memref<!tpu.dma_semaphore, #tpu.memory_space<semaphore_mem>>)
        } else {
        }
      } else {
      }
      %add3A_184 = arith.constant 8 : i32
      %add3A_185 = arith.addi %add3A_135, %add3A_184 : i32
      %lt3A_186 = arith.cmpi slt, %add3A_185, %get3A_3 : i32
      %convert_element_type3A_187 = arith.extui %lt3A_186 : i1 to i32
      %cond3A_188 = arith.constant 0 : i32
      %cond3A_189 = arith.cmpi ne, %convert_element_type3A_187, %cond3A_188 : i32
      scf.if %cond3A_189 {
        %add3A_233 = arith.constant 8 : i32
        %add3A_234 = arith.addi %add3A_135, %add3A_233 : i32
        %dma_wait3A = arith.constant 8 : i32
        %dma_wait3A_235 = tpu.memref_slice %arg11[%dma_wait3A] : memref<16x!tpu.dma_semaphore, #tpu.memory_space<semaphore_mem>> -> memref<1x!tpu.dma_semaphore, #tpu.memory_space<semaphore_mem>>
        %dma_wait3A_236 = tpu.memref_squeeze %dma_wait3A_235 : memref<1x!tpu.dma_semaphore, #tpu.memory_space<semaphore_mem>> -> memref<!tpu.dma_semaphore, #tpu.memory_space<semaphore_mem>>
        %dma_wait3A_237 = arith.constant 8 : i32
        %dma_wait3A_238 = arith.constant 0 : i32
        %dma_wait3A_239 = arith.constant 0 : i32
        %dma_wait3A_240 = tpu.memref_slice %arg10[%dma_wait3A_237, %dma_wait3A_238, %dma_wait3A_239] : memref<16x256x256xbf16, #tpu.memory_space<vmem>> -> memref<1x256x256xbf16, #tpu.memory_space<vmem>>
        %dma_wait3A_241 = arith.constant 0 : i32
        %dma_wait3A_242 = arith.constant 0 : i32
        %dma_wait3A_243 = arith.constant 0 : i32
        %dma_wait3A_244 = tpu.memref_slice %arg7[%dma_wait3A_241, %dma_wait3A_242, %dma_wait3A_243] : memref<64x256x256xbf16, #tpu.memory_space<hbm>> -> memref<1x256x256xbf16, #tpu.memory_space<hbm>>
        tpu.wait_dma2 semaphore(%dma_wait3A_236 : memref<!tpu.dma_semaphore, #tpu.memory_space<semaphore_mem>>) src(%dma_wait3A_244 : memref<1x256x256xbf16, #tpu.memory_space<hbm>>) dst(%dma_wait3A_240 : memref<1x256x256xbf16, #tpu.memory_space<vmem>>)
        %get3A_245 = arith.index_cast %add3A_234 : i32 to index
        %get3A_246 = memref.load %arg2[%get3A_245] : memref<79xi32, #tpu.memory_space<smem>>
        %get3A_247 = arith.index_cast %add3A_234 : i32 to index
        %get3A_248 = memref.load %arg4[%get3A_247] : memref<79xi32, #tpu.memory_space<smem>>
        %get3A_249 = arith.index_cast %add3A_234 : i32 to index
        %get3A_250 = memref.load %arg5[%get3A_249] : memref<79xi32, #tpu.memory_space<smem>>
        %mul3A_251 = arith.constant 128 : i32
        %mul3A_252 = arith.muli %get3A_246, %mul3A_251 : i32
        %mul3A_253 = arith.constant 1024 : i32
        %mul3A_254 = arith.muli %arg0, %mul3A_253 : i32
        %sub3A_255 = arith.subi %mul3A_252, %mul3A_254 : i32
        %iota3A = tpu.iota {dimensions = array<i32: 0>} : vector<128x1xi32>
        %add3A_256 = vector.broadcast %mul3A_252 : i32 to vector<128x1xi32>
        %add3A_257 = arith.addi %add3A_256, %iota3A : vector<128x1xi32>
        %ge3A = vector.broadcast %get3A_248 : i32 to vector<128x1xi32>
        %ge3A_258 = arith.cmpi sge, %add3A_257, %ge3A : vector<128x1xi32>
        %lt3A_259 = vector.broadcast %get3A_250 : i32 to vector<128x1xi32>
        %lt3A_260 = arith.cmpi slt, %add3A_257, %lt3A_259 : vector<128x1xi32>
        %and3A_261 = arith.andi %ge3A_258, %lt3A_260 : vector<128x1xi1>
        %get3A_262 = arith.index_cast %sub3A_255 : i32 to index
        %get3A_263 = arith.constant 0 : index
        %get3A_264 = vector.load %arg6[%get3A_262, %get3A_263] : memref<1024x256xf32, #tpu.memory_space<vmem>>, vector<128x256xf32>
        %jit3A_265 = arith.constant 0.000000e+00 : f32
        %broadcast_in_dim3A_266 = vector.shape_cast %and3A_261 : vector<128x1xi1> to vector<128x1xi1>
        %broadcast_in_dim3A_267 = vector.broadcast %broadcast_in_dim3A_266 : vector<128x1xi1> to vector<128x256xi1>
        %broadcast_in_dim3A_268 = vector.broadcast %jit3A_265 : f32 to vector<128x256xf32>
        %select_n3A_269 = arith.select %broadcast_in_dim3A_267, %get3A_264, %broadcast_in_dim3A_268 : vector<128x256xi1>, vector<128x256xf32>
        %convert_element_type3A_270 = arith.truncf %select_n3A_269 : vector<128x256xf32> to vector<128x256xbf16>
        %get3A_271 = arith.constant 8 : index
        %get3A_272 = arith.constant 0 : index
        %get3A_273 = arith.constant 0 : index
        %get3A_274 = vector.load %arg10[%get3A_271, %get3A_272, %get3A_273] : memref<16x256x256xbf16, #tpu.memory_space<vmem>>, vector<1x256x256xbf16>
        %squeeze3A = vector.shape_cast %get3A_274 : vector<1x256x256xbf16> to vector<256x256xbf16>
        %dot_general3A = arith.constant dense<0.000000e+00> : vector<128x256xf32>
        %dot_general3A_275 = tpu.matmul %convert_element_type3A_270, %squeeze3A, %dot_general3A {dimension_numbers = #tpu.dot_dimension_numbers<[1], [1], [0], [0], [0, 0, 1, 0], [], []>, transpose_lhs_hint = false} : vector<128x256xbf16>, vector<256x256xbf16>, vector<128x256xf32> -> vector<128x256xf32>
        %get3A_276 = arith.index_cast %add3A_234 : i32 to index
        %get3A_277 = memref.load %arg3[%get3A_276] : memref<79xi32, #tpu.memory_space<smem>>
        %get3A_278 = arith.index_cast %get3A_277 : i32 to index
        %get3A_279 = arith.constant 0 : index
        %get3A_280 = vector.load %arg8[%get3A_278, %get3A_279] : memref<64x256xf32, #tpu.memory_space<vmem>>, vector<1x256xf32>
        %jit3A_281 = arith.constant 0.000000e+00 : f32
        %broadcast_in_dim3A_282 = vector.shape_cast %and3A_261 : vector<128x1xi1> to vector<128x1xi1>
        %broadcast_in_dim3A_283 = vector.broadcast %broadcast_in_dim3A_282 : vector<128x1xi1> to vector<128x256xi1>
        %broadcast_in_dim3A_284 = vector.shape_cast %get3A_280 : vector<1x256xf32> to vector<1x256xf32>
        %broadcast_in_dim3A_285 = vector.broadcast %broadcast_in_dim3A_284 : vector<1x256xf32> to vector<128x256xf32>
        %broadcast_in_dim3A_286 = vector.broadcast %jit3A_281 : f32 to vector<128x256xf32>
        %select_n3A_287 = arith.select %broadcast_in_dim3A_283, %broadcast_in_dim3A_285, %broadcast_in_dim3A_286 : vector<128x256xi1>, vector<128x256xf32>
        %add3A_288 = arith.addf %dot_general3A_275, %select_n3A_287 : vector<128x256xf32>
        %get3A_289 = arith.index_cast %sub3A_255 : i32 to index
        %get3A_290 = arith.constant 0 : index
        %get3A_291 = vector.load %arg9[%get3A_289, %get3A_290] : memref<1024x256xf32, #tpu.memory_space<vmem>>, vector<128x256xf32>
        %add3A_292 = arith.addf %get3A_291, %add3A_288 : vector<128x256xf32>
        %swap3A_293 = arith.index_cast %sub3A_255 : i32 to index
        %swap3A_294 = arith.constant 0 : index
        %swap3A_295 = vector.load %arg9[%swap3A_293, %swap3A_294] : memref<1024x256xf32, #tpu.memory_space<vmem>>, vector<128x256xf32>
        tpu.vector_store %arg9[%swap3A_293, %swap3A_294], %add3A_292 {strides = array<i32>} : memref<1024x256xf32, #tpu.memory_space<vmem>>, vector<128x256xf32>,
        %add3A_296 = arith.constant 16 : i32
        %add3A_297 = arith.addi %add3A_234, %add3A_296 : i32
        %lt3A_298 = arith.cmpi slt, %add3A_297, %get3A_3 : i32
        %convert_element_type3A_299 = arith.extui %lt3A_298 : i1 to i32
        %cond3A_300 = arith.constant 0 : i32
        %cond3A_301 = arith.cmpi ne, %convert_element_type3A_299, %cond3A_300 : i32
        scf.if %cond3A_301 {
          %add3A_302 = arith.constant 16 : i32
          %add3A_303 = arith.addi %add3A_234, %add3A_302 : i32
          %get3A_304 = arith.index_cast %add3A_303 : i32 to index
          %get3A_305 = memref.load %arg3[%get3A_304] : memref<79xi32, #tpu.memory_space<smem>>
          %dma_start3A = arith.constant 8 : i32
          %dma_start3A_306 = tpu.memref_slice %arg11[%dma_start3A] : memref<16x!tpu.dma_semaphore, #tpu.memory_space<semaphore_mem>> -> memref<1x!tpu.dma_semaphore, #tpu.memory_space<semaphore_mem>>
          %dma_start3A_307 = tpu.memref_squeeze %dma_start3A_306 : memref<1x!tpu.dma_semaphore, #tpu.memory_space<semaphore_mem>> -> memref<!tpu.dma_semaphore, #tpu.memory_space<semaphore_mem>>
          %dma_start3A_308 = arith.constant 8 : i32
          %dma_start3A_309 = arith.constant 0 : i32
          %dma_start3A_310 = arith.constant 0 : i32
          %dma_start3A_311 = tpu.memref_slice %arg10[%dma_start3A_308, %dma_start3A_309, %dma_start3A_310] : memref<16x256x256xbf16, #tpu.memory_space<vmem>> -> memref<1x256x256xbf16, #tpu.memory_space<vmem>>
          %dma_start3A_312 = arith.constant 0 : i32
          %dma_start3A_313 = arith.constant 0 : i32
          %dma_start3A_314 = tpu.memref_slice %arg7[%get3A_305, %dma_start3A_312, %dma_start3A_313] : memref<64x256x256xbf16, #tpu.memory_space<hbm>> -> memref<1x256x256xbf16, #tpu.memory_space<hbm>>
          tpu.enqueue_dma source(%dma_start3A_314 : memref<1x256x256xbf16, #tpu.memory_space<hbm>>) target(%dma_start3A_311 : memref<1x256x256xbf16, #tpu.memory_space<vmem>>) target_semaphore(%dma_start3A_307 : memref<!tpu.dma_semaphore, #tpu.memory_space<semaphore_mem>>)
        } else {
        }
      } else {
      }
      %add3A_190 = arith.constant 9 : i32
      %add3A_191 = arith.addi %add3A_135, %add3A_190 : i32
      %lt3A_192 = arith.cmpi slt, %add3A_191, %get3A_3 : i32
      %convert_element_type3A_193 = arith.extui %lt3A_192 : i1 to i32
      %cond3A_194 = arith.constant 0 : i32
      %cond3A_195 = arith.cmpi ne, %convert_element_type3A_193, %cond3A_194 : i32
      scf.if %cond3A_195 {
        %add3A_233 = arith.constant 9 : i32
        %add3A_234 = arith.addi %add3A_135, %add3A_233 : i32
        %dma_wait3A = arith.constant 9 : i32
        %dma_wait3A_235 = tpu.memref_slice %arg11[%dma_wait3A] : memref<16x!tpu.dma_semaphore, #tpu.memory_space<semaphore_mem>> -> memref<1x!tpu.dma_semaphore, #tpu.memory_space<semaphore_mem>>
        %dma_wait3A_236 = tpu.memref_squeeze %dma_wait3A_235 : memref<1x!tpu.dma_semaphore, #tpu.memory_space<semaphore_mem>> -> memref<!tpu.dma_semaphore, #tpu.memory_space<semaphore_mem>>
        %dma_wait3A_237 = arith.constant 9 : i32
        %dma_wait3A_238 = arith.constant 0 : i32
        %dma_wait3A_239 = arith.constant 0 : i32
        %dma_wait3A_240 = tpu.memref_slice %arg10[%dma_wait3A_237, %dma_wait3A_238, %dma_wait3A_239] : memref<16x256x256xbf16, #tpu.memory_space<vmem>> -> memref<1x256x256xbf16, #tpu.memory_space<vmem>>
        %dma_wait3A_241 = arith.constant 0 : i32
        %dma_wait3A_242 = arith.constant 0 : i32
        %dma_wait3A_243 = arith.constant 0 : i32
        %dma_wait3A_244 = tpu.memref_slice %arg7[%dma_wait3A_241, %dma_wait3A_242, %dma_wait3A_243] : memref<64x256x256xbf16, #tpu.memory_space<hbm>> -> memref<1x256x256xbf16, #tpu.memory_space<hbm>>
        tpu.wait_dma2 semaphore(%dma_wait3A_236 : memref<!tpu.dma_semaphore, #tpu.memory_space<semaphore_mem>>) src(%dma_wait3A_244 : memref<1x256x256xbf16, #tpu.memory_space<hbm>>) dst(%dma_wait3A_240 : memref<1x256x256xbf16, #tpu.memory_space<vmem>>)
        %get3A_245 = arith.index_cast %add3A_234 : i32 to index
        %get3A_246 = memref.load %arg2[%get3A_245] : memref<79xi32, #tpu.memory_space<smem>>
        %get3A_247 = arith.index_cast %add3A_234 : i32 to index
        %get3A_248 = memref.load %arg4[%get3A_247] : memref<79xi32, #tpu.memory_space<smem>>
        %get3A_249 = arith.index_cast %add3A_234 : i32 to index
        %get3A_250 = memref.load %arg5[%get3A_249] : memref<79xi32, #tpu.memory_space<smem>>
        %mul3A_251 = arith.constant 128 : i32
        %mul3A_252 = arith.muli %get3A_246, %mul3A_251 : i32
        %mul3A_253 = arith.constant 1024 : i32
        %mul3A_254 = arith.muli %arg0, %mul3A_253 : i32
        %sub3A_255 = arith.subi %mul3A_252, %mul3A_254 : i32
        %iota3A = tpu.iota {dimensions = array<i32: 0>} : vector<128x1xi32>
        %add3A_256 = vector.broadcast %mul3A_252 : i32 to vector<128x1xi32>
        %add3A_257 = arith.addi %add3A_256, %iota3A : vector<128x1xi32>
        %ge3A = vector.broadcast %get3A_248 : i32 to vector<128x1xi32>
        %ge3A_258 = arith.cmpi sge, %add3A_257, %ge3A : vector<128x1xi32>
        %lt3A_259 = vector.broadcast %get3A_250 : i32 to vector<128x1xi32>
        %lt3A_260 = arith.cmpi slt, %add3A_257, %lt3A_259 : vector<128x1xi32>
        %and3A_261 = arith.andi %ge3A_258, %lt3A_260 : vector<128x1xi1>
        %get3A_262 = arith.index_cast %sub3A_255 : i32 to index
        %get3A_263 = arith.constant 0 : index
        %get3A_264 = vector.load %arg6[%get3A_262, %get3A_263] : memref<1024x256xf32, #tpu.memory_space<vmem>>, vector<128x256xf32>
        %jit3A_265 = arith.constant 0.000000e+00 : f32
        %broadcast_in_dim3A_266 = vector.shape_cast %and3A_261 : vector<128x1xi1> to vector<128x1xi1>
        %broadcast_in_dim3A_267 = vector.broadcast %broadcast_in_dim3A_266 : vector<128x1xi1> to vector<128x256xi1>
        %broadcast_in_dim3A_268 = vector.broadcast %jit3A_265 : f32 to vector<128x256xf32>
        %select_n3A_269 = arith.select %broadcast_in_dim3A_267, %get3A_264, %broadcast_in_dim3A_268 : vector<128x256xi1>, vector<128x256xf32>
        %convert_element_type3A_270 = arith.truncf %select_n3A_269 : vector<128x256xf32> to vector<128x256xbf16>
        %get3A_271 = arith.constant 9 : index
        %get3A_272 = arith.constant 0 : index
        %get3A_273 = arith.constant 0 : index
        %get3A_274 = vector.load %arg10[%get3A_271, %get3A_272, %get3A_273] : memref<16x256x256xbf16, #tpu.memory_space<vmem>>, vector<1x256x256xbf16>
        %squeeze3A = vector.shape_cast %get3A_274 : vector<1x256x256xbf16> to vector<256x256xbf16>
        %dot_general3A = arith.constant dense<0.000000e+00> : vector<128x256xf32>
        %dot_general3A_275 = tpu.matmul %convert_element_type3A_270, %squeeze3A, %dot_general3A {dimension_numbers = #tpu.dot_dimension_numbers<[1], [1], [0], [0], [0, 0, 1, 0], [], []>, transpose_lhs_hint = false} : vector<128x256xbf16>, vector<256x256xbf16>, vector<128x256xf32> -> vector<128x256xf32>
        %get3A_276 = arith.index_cast %add3A_234 : i32 to index
        %get3A_277 = memref.load %arg3[%get3A_276] : memref<79xi32, #tpu.memory_space<smem>>
        %get3A_278 = arith.index_cast %get3A_277 : i32 to index
        %get3A_279 = arith.constant 0 : index
        %get3A_280 = vector.load %arg8[%get3A_278, %get3A_279] : memref<64x256xf32, #tpu.memory_space<vmem>>, vector<1x256xf32>
        %jit3A_281 = arith.constant 0.000000e+00 : f32
        %broadcast_in_dim3A_282 = vector.shape_cast %and3A_261 : vector<128x1xi1> to vector<128x1xi1>
        %broadcast_in_dim3A_283 = vector.broadcast %broadcast_in_dim3A_282 : vector<128x1xi1> to vector<128x256xi1>
        %broadcast_in_dim3A_284 = vector.shape_cast %get3A_280 : vector<1x256xf32> to vector<1x256xf32>
        %broadcast_in_dim3A_285 = vector.broadcast %broadcast_in_dim3A_284 : vector<1x256xf32> to vector<128x256xf32>
        %broadcast_in_dim3A_286 = vector.broadcast %jit3A_281 : f32 to vector<128x256xf32>
        %select_n3A_287 = arith.select %broadcast_in_dim3A_283, %broadcast_in_dim3A_285, %broadcast_in_dim3A_286 : vector<128x256xi1>, vector<128x256xf32>
        %add3A_288 = arith.addf %dot_general3A_275, %select_n3A_287 : vector<128x256xf32>
        %get3A_289 = arith.index_cast %sub3A_255 : i32 to index
        %get3A_290 = arith.constant 0 : index
        %get3A_291 = vector.load %arg9[%get3A_289, %get3A_290] : memref<1024x256xf32, #tpu.memory_space<vmem>>, vector<128x256xf32>
        %add3A_292 = arith.addf %get3A_291, %add3A_288 : vector<128x256xf32>
        %swap3A_293 = arith.index_cast %sub3A_255 : i32 to index
        %swap3A_294 = arith.constant 0 : index
        %swap3A_295 = vector.load %arg9[%swap3A_293, %swap3A_294] : memref<1024x256xf32, #tpu.memory_space<vmem>>, vector<128x256xf32>
        tpu.vector_store %arg9[%swap3A_293, %swap3A_294], %add3A_292 {strides = array<i32>} : memref<1024x256xf32, #tpu.memory_space<vmem>>, vector<128x256xf32>,
        %add3A_296 = arith.constant 16 : i32
        %add3A_297 = arith.addi %add3A_234, %add3A_296 : i32
        %lt3A_298 = arith.cmpi slt, %add3A_297, %get3A_3 : i32
        %convert_element_type3A_299 = arith.extui %lt3A_298 : i1 to i32
        %cond3A_300 = arith.constant 0 : i32
        %cond3A_301 = arith.cmpi ne, %convert_element_type3A_299, %cond3A_300 : i32
        scf.if %cond3A_301 {
          %add3A_302 = arith.constant 16 : i32
          %add3A_303 = arith.addi %add3A_234, %add3A_302 : i32
          %get3A_304 = arith.index_cast %add3A_303 : i32 to index
          %get3A_305 = memref.load %arg3[%get3A_304] : memref<79xi32, #tpu.memory_space<smem>>
          %dma_start3A = arith.constant 9 : i32
          %dma_start3A_306 = tpu.memref_slice %arg11[%dma_start3A] : memref<16x!tpu.dma_semaphore, #tpu.memory_space<semaphore_mem>> -> memref<1x!tpu.dma_semaphore, #tpu.memory_space<semaphore_mem>>
          %dma_start3A_307 = tpu.memref_squeeze %dma_start3A_306 : memref<1x!tpu.dma_semaphore, #tpu.memory_space<semaphore_mem>> -> memref<!tpu.dma_semaphore, #tpu.memory_space<semaphore_mem>>
          %dma_start3A_308 = arith.constant 9 : i32
          %dma_start3A_309 = arith.constant 0 : i32
          %dma_start3A_310 = arith.constant 0 : i32
          %dma_start3A_311 = tpu.memref_slice %arg10[%dma_start3A_308, %dma_start3A_309, %dma_start3A_310] : memref<16x256x256xbf16, #tpu.memory_space<vmem>> -> memref<1x256x256xbf16, #tpu.memory_space<vmem>>
          %dma_start3A_312 = arith.constant 0 : i32
          %dma_start3A_313 = arith.constant 0 : i32
          %dma_start3A_314 = tpu.memref_slice %arg7[%get3A_305, %dma_start3A_312, %dma_start3A_313] : memref<64x256x256xbf16, #tpu.memory_space<hbm>> -> memref<1x256x256xbf16, #tpu.memory_space<hbm>>
          tpu.enqueue_dma source(%dma_start3A_314 : memref<1x256x256xbf16, #tpu.memory_space<hbm>>) target(%dma_start3A_311 : memref<1x256x256xbf16, #tpu.memory_space<vmem>>) target_semaphore(%dma_start3A_307 : memref<!tpu.dma_semaphore, #tpu.memory_space<semaphore_mem>>)
        } else {
        }
      } else {
      }
      %add3A_196 = arith.constant 10 : i32
      %add3A_197 = arith.addi %add3A_135, %add3A_196 : i32
      %lt3A_198 = arith.cmpi slt, %add3A_197, %get3A_3 : i32
      %convert_element_type3A_199 = arith.extui %lt3A_198 : i1 to i32
      %cond3A_200 = arith.constant 0 : i32
      %cond3A_201 = arith.cmpi ne, %convert_element_type3A_199, %cond3A_200 : i32
      scf.if %cond3A_201 {
        %add3A_233 = arith.constant 10 : i32
        %add3A_234 = arith.addi %add3A_135, %add3A_233 : i32
        %dma_wait3A = arith.constant 10 : i32
        %dma_wait3A_235 = tpu.memref_slice %arg11[%dma_wait3A] : memref<16x!tpu.dma_semaphore, #tpu.memory_space<semaphore_mem>> -> memref<1x!tpu.dma_semaphore, #tpu.memory_space<semaphore_mem>>
        %dma_wait3A_236 = tpu.memref_squeeze %dma_wait3A_235 : memref<1x!tpu.dma_semaphore, #tpu.memory_space<semaphore_mem>> -> memref<!tpu.dma_semaphore, #tpu.memory_space<semaphore_mem>>
        %dma_wait3A_237 = arith.constant 10 : i32
        %dma_wait3A_238 = arith.constant 0 : i32
        %dma_wait3A_239 = arith.constant 0 : i32
        %dma_wait3A_240 = tpu.memref_slice %arg10[%dma_wait3A_237, %dma_wait3A_238, %dma_wait3A_239] : memref<16x256x256xbf16, #tpu.memory_space<vmem>> -> memref<1x256x256xbf16, #tpu.memory_space<vmem>>
        %dma_wait3A_241 = arith.constant 0 : i32
        %dma_wait3A_242 = arith.constant 0 : i32
        %dma_wait3A_243 = arith.constant 0 : i32
        %dma_wait3A_244 = tpu.memref_slice %arg7[%dma_wait3A_241, %dma_wait3A_242, %dma_wait3A_243] : memref<64x256x256xbf16, #tpu.memory_space<hbm>> -> memref<1x256x256xbf16, #tpu.memory_space<hbm>>
        tpu.wait_dma2 semaphore(%dma_wait3A_236 : memref<!tpu.dma_semaphore, #tpu.memory_space<semaphore_mem>>) src(%dma_wait3A_244 : memref<1x256x256xbf16, #tpu.memory_space<hbm>>) dst(%dma_wait3A_240 : memref<1x256x256xbf16, #tpu.memory_space<vmem>>)
        %get3A_245 = arith.index_cast %add3A_234 : i32 to index
        %get3A_246 = memref.load %arg2[%get3A_245] : memref<79xi32, #tpu.memory_space<smem>>
        %get3A_247 = arith.index_cast %add3A_234 : i32 to index
        %get3A_248 = memref.load %arg4[%get3A_247] : memref<79xi32, #tpu.memory_space<smem>>
        %get3A_249 = arith.index_cast %add3A_234 : i32 to index
        %get3A_250 = memref.load %arg5[%get3A_249] : memref<79xi32, #tpu.memory_space<smem>>
        %mul3A_251 = arith.constant 128 : i32
        %mul3A_252 = arith.muli %get3A_246, %mul3A_251 : i32
        %mul3A_253 = arith.constant 1024 : i32
        %mul3A_254 = arith.muli %arg0, %mul3A_253 : i32
        %sub3A_255 = arith.subi %mul3A_252, %mul3A_254 : i32
        %iota3A = tpu.iota {dimensions = array<i32: 0>} : vector<128x1xi32>
        %add3A_256 = vector.broadcast %mul3A_252 : i32 to vector<128x1xi32>
        %add3A_257 = arith.addi %add3A_256, %iota3A : vector<128x1xi32>
        %ge3A = vector.broadcast %get3A_248 : i32 to vector<128x1xi32>
        %ge3A_258 = arith.cmpi sge, %add3A_257, %ge3A : vector<128x1xi32>
        %lt3A_259 = vector.broadcast %get3A_250 : i32 to vector<128x1xi32>
        %lt3A_260 = arith.cmpi slt, %add3A_257, %lt3A_259 : vector<128x1xi32>
        %and3A_261 = arith.andi %ge3A_258, %lt3A_260 : vector<128x1xi1>
        %get3A_262 = arith.index_cast %sub3A_255 : i32 to index
        %get3A_263 = arith.constant 0 : index
        %get3A_264 = vector.load %arg6[%get3A_262, %get3A_263] : memref<1024x256xf32, #tpu.memory_space<vmem>>, vector<128x256xf32>
        %jit3A_265 = arith.constant 0.000000e+00 : f32
        %broadcast_in_dim3A_266 = vector.shape_cast %and3A_261 : vector<128x1xi1> to vector<128x1xi1>
        %broadcast_in_dim3A_267 = vector.broadcast %broadcast_in_dim3A_266 : vector<128x1xi1> to vector<128x256xi1>
        %broadcast_in_dim3A_268 = vector.broadcast %jit3A_265 : f32 to vector<128x256xf32>
        %select_n3A_269 = arith.select %broadcast_in_dim3A_267, %get3A_264, %broadcast_in_dim3A_268 : vector<128x256xi1>, vector<128x256xf32>
        %convert_element_type3A_270 = arith.truncf %select_n3A_269 : vector<128x256xf32> to vector<128x256xbf16>
        %get3A_271 = arith.constant 10 : index
        %get3A_272 = arith.constant 0 : index
        %get3A_273 = arith.constant 0 : index
        %get3A_274 = vector.load %arg10[%get3A_271, %get3A_272, %get3A_273] : memref<16x256x256xbf16, #tpu.memory_space<vmem>>, vector<1x256x256xbf16>
        %squeeze3A = vector.shape_cast %get3A_274 : vector<1x256x256xbf16> to vector<256x256xbf16>
        %dot_general3A = arith.constant dense<0.000000e+00> : vector<128x256xf32>
        %dot_general3A_275 = tpu.matmul %convert_element_type3A_270, %squeeze3A, %dot_general3A {dimension_numbers = #tpu.dot_dimension_numbers<[1], [1], [0], [0], [0, 0, 1, 0], [], []>, transpose_lhs_hint = false} : vector<128x256xbf16>, vector<256x256xbf16>, vector<128x256xf32> -> vector<128x256xf32>
        %get3A_276 = arith.index_cast %add3A_234 : i32 to index
        %get3A_277 = memref.load %arg3[%get3A_276] : memref<79xi32, #tpu.memory_space<smem>>
        %get3A_278 = arith.index_cast %get3A_277 : i32 to index
        %get3A_279 = arith.constant 0 : index
        %get3A_280 = vector.load %arg8[%get3A_278, %get3A_279] : memref<64x256xf32, #tpu.memory_space<vmem>>, vector<1x256xf32>
        %jit3A_281 = arith.constant 0.000000e+00 : f32
        %broadcast_in_dim3A_282 = vector.shape_cast %and3A_261 : vector<128x1xi1> to vector<128x1xi1>
        %broadcast_in_dim3A_283 = vector.broadcast %broadcast_in_dim3A_282 : vector<128x1xi1> to vector<128x256xi1>
        %broadcast_in_dim3A_284 = vector.shape_cast %get3A_280 : vector<1x256xf32> to vector<1x256xf32>
        %broadcast_in_dim3A_285 = vector.broadcast %broadcast_in_dim3A_284 : vector<1x256xf32> to vector<128x256xf32>
        %broadcast_in_dim3A_286 = vector.broadcast %jit3A_281 : f32 to vector<128x256xf32>
        %select_n3A_287 = arith.select %broadcast_in_dim3A_283, %broadcast_in_dim3A_285, %broadcast_in_dim3A_286 : vector<128x256xi1>, vector<128x256xf32>
        %add3A_288 = arith.addf %dot_general3A_275, %select_n3A_287 : vector<128x256xf32>
        %get3A_289 = arith.index_cast %sub3A_255 : i32 to index
        %get3A_290 = arith.constant 0 : index
        %get3A_291 = vector.load %arg9[%get3A_289, %get3A_290] : memref<1024x256xf32, #tpu.memory_space<vmem>>, vector<128x256xf32>
        %add3A_292 = arith.addf %get3A_291, %add3A_288 : vector<128x256xf32>
        %swap3A_293 = arith.index_cast %sub3A_255 : i32 to index
        %swap3A_294 = arith.constant 0 : index
        %swap3A_295 = vector.load %arg9[%swap3A_293, %swap3A_294] : memref<1024x256xf32, #tpu.memory_space<vmem>>, vector<128x256xf32>
        tpu.vector_store %arg9[%swap3A_293, %swap3A_294], %add3A_292 {strides = array<i32>} : memref<1024x256xf32, #tpu.memory_space<vmem>>, vector<128x256xf32>,
        %add3A_296 = arith.constant 16 : i32
        %add3A_297 = arith.addi %add3A_234, %add3A_296 : i32
        %lt3A_298 = arith.cmpi slt, %add3A_297, %get3A_3 : i32
        %convert_element_type3A_299 = arith.extui %lt3A_298 : i1 to i32
        %cond3A_300 = arith.constant 0 : i32
        %cond3A_301 = arith.cmpi ne, %convert_element_type3A_299, %cond3A_300 : i32
        scf.if %cond3A_301 {
          %add3A_302 = arith.constant 16 : i32
          %add3A_303 = arith.addi %add3A_234, %add3A_302 : i32
          %get3A_304 = arith.index_cast %add3A_303 : i32 to index
          %get3A_305 = memref.load %arg3[%get3A_304] : memref<79xi32, #tpu.memory_space<smem>>
          %dma_start3A = arith.constant 10 : i32
          %dma_start3A_306 = tpu.memref_slice %arg11[%dma_start3A] : memref<16x!tpu.dma_semaphore, #tpu.memory_space<semaphore_mem>> -> memref<1x!tpu.dma_semaphore, #tpu.memory_space<semaphore_mem>>
          %dma_start3A_307 = tpu.memref_squeeze %dma_start3A_306 : memref<1x!tpu.dma_semaphore, #tpu.memory_space<semaphore_mem>> -> memref<!tpu.dma_semaphore, #tpu.memory_space<semaphore_mem>>
          %dma_start3A_308 = arith.constant 10 : i32
          %dma_start3A_309 = arith.constant 0 : i32
          %dma_start3A_310 = arith.constant 0 : i32
          %dma_start3A_311 = tpu.memref_slice %arg10[%dma_start3A_308, %dma_start3A_309, %dma_start3A_310] : memref<16x256x256xbf16, #tpu.memory_space<vmem>> -> memref<1x256x256xbf16, #tpu.memory_space<vmem>>
          %dma_start3A_312 = arith.constant 0 : i32
          %dma_start3A_313 = arith.constant 0 : i32
          %dma_start3A_314 = tpu.memref_slice %arg7[%get3A_305, %dma_start3A_312, %dma_start3A_313] : memref<64x256x256xbf16, #tpu.memory_space<hbm>> -> memref<1x256x256xbf16, #tpu.memory_space<hbm>>
          tpu.enqueue_dma source(%dma_start3A_314 : memref<1x256x256xbf16, #tpu.memory_space<hbm>>) target(%dma_start3A_311 : memref<1x256x256xbf16, #tpu.memory_space<vmem>>) target_semaphore(%dma_start3A_307 : memref<!tpu.dma_semaphore, #tpu.memory_space<semaphore_mem>>)
        } else {
        }
      } else {
      }
      %add3A_202 = arith.constant 11 : i32
      %add3A_203 = arith.addi %add3A_135, %add3A_202 : i32
      %lt3A_204 = arith.cmpi slt, %add3A_203, %get3A_3 : i32
      %convert_element_type3A_205 = arith.extui %lt3A_204 : i1 to i32
      %cond3A_206 = arith.constant 0 : i32
      %cond3A_207 = arith.cmpi ne, %convert_element_type3A_205, %cond3A_206 : i32
      scf.if %cond3A_207 {
        %add3A_233 = arith.constant 11 : i32
        %add3A_234 = arith.addi %add3A_135, %add3A_233 : i32
        %dma_wait3A = arith.constant 11 : i32
        %dma_wait3A_235 = tpu.memref_slice %arg11[%dma_wait3A] : memref<16x!tpu.dma_semaphore, #tpu.memory_space<semaphore_mem>> -> memref<1x!tpu.dma_semaphore, #tpu.memory_space<semaphore_mem>>
        %dma_wait3A_236 = tpu.memref_squeeze %dma_wait3A_235 : memref<1x!tpu.dma_semaphore, #tpu.memory_space<semaphore_mem>> -> memref<!tpu.dma_semaphore, #tpu.memory_space<semaphore_mem>>
        %dma_wait3A_237 = arith.constant 11 : i32
        %dma_wait3A_238 = arith.constant 0 : i32
        %dma_wait3A_239 = arith.constant 0 : i32
        %dma_wait3A_240 = tpu.memref_slice %arg10[%dma_wait3A_237, %dma_wait3A_238, %dma_wait3A_239] : memref<16x256x256xbf16, #tpu.memory_space<vmem>> -> memref<1x256x256xbf16, #tpu.memory_space<vmem>>
        %dma_wait3A_241 = arith.constant 0 : i32
        %dma_wait3A_242 = arith.constant 0 : i32
        %dma_wait3A_243 = arith.constant 0 : i32
        %dma_wait3A_244 = tpu.memref_slice %arg7[%dma_wait3A_241, %dma_wait3A_242, %dma_wait3A_243] : memref<64x256x256xbf16, #tpu.memory_space<hbm>> -> memref<1x256x256xbf16, #tpu.memory_space<hbm>>
        tpu.wait_dma2 semaphore(%dma_wait3A_236 : memref<!tpu.dma_semaphore, #tpu.memory_space<semaphore_mem>>) src(%dma_wait3A_244 : memref<1x256x256xbf16, #tpu.memory_space<hbm>>) dst(%dma_wait3A_240 : memref<1x256x256xbf16, #tpu.memory_space<vmem>>)
        %get3A_245 = arith.index_cast %add3A_234 : i32 to index
        %get3A_246 = memref.load %arg2[%get3A_245] : memref<79xi32, #tpu.memory_space<smem>>
        %get3A_247 = arith.index_cast %add3A_234 : i32 to index
        %get3A_248 = memref.load %arg4[%get3A_247] : memref<79xi32, #tpu.memory_space<smem>>
        %get3A_249 = arith.index_cast %add3A_234 : i32 to index
        %get3A_250 = memref.load %arg5[%get3A_249] : memref<79xi32, #tpu.memory_space<smem>>
        %mul3A_251 = arith.constant 128 : i32
        %mul3A_252 = arith.muli %get3A_246, %mul3A_251 : i32
        %mul3A_253 = arith.constant 1024 : i32
        %mul3A_254 = arith.muli %arg0, %mul3A_253 : i32
        %sub3A_255 = arith.subi %mul3A_252, %mul3A_254 : i32
        %iota3A = tpu.iota {dimensions = array<i32: 0>} : vector<128x1xi32>
        %add3A_256 = vector.broadcast %mul3A_252 : i32 to vector<128x1xi32>
        %add3A_257 = arith.addi %add3A_256, %iota3A : vector<128x1xi32>
        %ge3A = vector.broadcast %get3A_248 : i32 to vector<128x1xi32>
        %ge3A_258 = arith.cmpi sge, %add3A_257, %ge3A : vector<128x1xi32>
        %lt3A_259 = vector.broadcast %get3A_250 : i32 to vector<128x1xi32>
        %lt3A_260 = arith.cmpi slt, %add3A_257, %lt3A_259 : vector<128x1xi32>
        %and3A_261 = arith.andi %ge3A_258, %lt3A_260 : vector<128x1xi1>
        %get3A_262 = arith.index_cast %sub3A_255 : i32 to index
        %get3A_263 = arith.constant 0 : index
        %get3A_264 = vector.load %arg6[%get3A_262, %get3A_263] : memref<1024x256xf32, #tpu.memory_space<vmem>>, vector<128x256xf32>
        %jit3A_265 = arith.constant 0.000000e+00 : f32
        %broadcast_in_dim3A_266 = vector.shape_cast %and3A_261 : vector<128x1xi1> to vector<128x1xi1>
        %broadcast_in_dim3A_267 = vector.broadcast %broadcast_in_dim3A_266 : vector<128x1xi1> to vector<128x256xi1>
        %broadcast_in_dim3A_268 = vector.broadcast %jit3A_265 : f32 to vector<128x256xf32>
        %select_n3A_269 = arith.select %broadcast_in_dim3A_267, %get3A_264, %broadcast_in_dim3A_268 : vector<128x256xi1>, vector<128x256xf32>
        %convert_element_type3A_270 = arith.truncf %select_n3A_269 : vector<128x256xf32> to vector<128x256xbf16>
        %get3A_271 = arith.constant 11 : index
        %get3A_272 = arith.constant 0 : index
        %get3A_273 = arith.constant 0 : index
        %get3A_274 = vector.load %arg10[%get3A_271, %get3A_272, %get3A_273] : memref<16x256x256xbf16, #tpu.memory_space<vmem>>, vector<1x256x256xbf16>
        %squeeze3A = vector.shape_cast %get3A_274 : vector<1x256x256xbf16> to vector<256x256xbf16>
        %dot_general3A = arith.constant dense<0.000000e+00> : vector<128x256xf32>
        %dot_general3A_275 = tpu.matmul %convert_element_type3A_270, %squeeze3A, %dot_general3A {dimension_numbers = #tpu.dot_dimension_numbers<[1], [1], [0], [0], [0, 0, 1, 0], [], []>, transpose_lhs_hint = false} : vector<128x256xbf16>, vector<256x256xbf16>, vector<128x256xf32> -> vector<128x256xf32>
        %get3A_276 = arith.index_cast %add3A_234 : i32 to index
        %get3A_277 = memref.load %arg3[%get3A_276] : memref<79xi32, #tpu.memory_space<smem>>
        %get3A_278 = arith.index_cast %get3A_277 : i32 to index
        %get3A_279 = arith.constant 0 : index
        %get3A_280 = vector.load %arg8[%get3A_278, %get3A_279] : memref<64x256xf32, #tpu.memory_space<vmem>>, vector<1x256xf32>
        %jit3A_281 = arith.constant 0.000000e+00 : f32
        %broadcast_in_dim3A_282 = vector.shape_cast %and3A_261 : vector<128x1xi1> to vector<128x1xi1>
        %broadcast_in_dim3A_283 = vector.broadcast %broadcast_in_dim3A_282 : vector<128x1xi1> to vector<128x256xi1>
        %broadcast_in_dim3A_284 = vector.shape_cast %get3A_280 : vector<1x256xf32> to vector<1x256xf32>
        %broadcast_in_dim3A_285 = vector.broadcast %broadcast_in_dim3A_284 : vector<1x256xf32> to vector<128x256xf32>
        %broadcast_in_dim3A_286 = vector.broadcast %jit3A_281 : f32 to vector<128x256xf32>
        %select_n3A_287 = arith.select %broadcast_in_dim3A_283, %broadcast_in_dim3A_285, %broadcast_in_dim3A_286 : vector<128x256xi1>, vector<128x256xf32>
        %add3A_288 = arith.addf %dot_general3A_275, %select_n3A_287 : vector<128x256xf32>
        %get3A_289 = arith.index_cast %sub3A_255 : i32 to index
        %get3A_290 = arith.constant 0 : index
        %get3A_291 = vector.load %arg9[%get3A_289, %get3A_290] : memref<1024x256xf32, #tpu.memory_space<vmem>>, vector<128x256xf32>
        %add3A_292 = arith.addf %get3A_291, %add3A_288 : vector<128x256xf32>
        %swap3A_293 = arith.index_cast %sub3A_255 : i32 to index
        %swap3A_294 = arith.constant 0 : index
        %swap3A_295 = vector.load %arg9[%swap3A_293, %swap3A_294] : memref<1024x256xf32, #tpu.memory_space<vmem>>, vector<128x256xf32>
        tpu.vector_store %arg9[%swap3A_293, %swap3A_294], %add3A_292 {strides = array<i32>} : memref<1024x256xf32, #tpu.memory_space<vmem>>, vector<128x256xf32>,
        %add3A_296 = arith.constant 16 : i32
        %add3A_297 = arith.addi %add3A_234, %add3A_296 : i32
        %lt3A_298 = arith.cmpi slt, %add3A_297, %get3A_3 : i32
        %convert_element_type3A_299 = arith.extui %lt3A_298 : i1 to i32
        %cond3A_300 = arith.constant 0 : i32
        %cond3A_301 = arith.cmpi ne, %convert_element_type3A_299, %cond3A_300 : i32
        scf.if %cond3A_301 {
          %add3A_302 = arith.constant 16 : i32
          %add3A_303 = arith.addi %add3A_234, %add3A_302 : i32
          %get3A_304 = arith.index_cast %add3A_303 : i32 to index
          %get3A_305 = memref.load %arg3[%get3A_304] : memref<79xi32, #tpu.memory_space<smem>>
          %dma_start3A = arith.constant 11 : i32
          %dma_start3A_306 = tpu.memref_slice %arg11[%dma_start3A] : memref<16x!tpu.dma_semaphore, #tpu.memory_space<semaphore_mem>> -> memref<1x!tpu.dma_semaphore, #tpu.memory_space<semaphore_mem>>
          %dma_start3A_307 = tpu.memref_squeeze %dma_start3A_306 : memref<1x!tpu.dma_semaphore, #tpu.memory_space<semaphore_mem>> -> memref<!tpu.dma_semaphore, #tpu.memory_space<semaphore_mem>>
          %dma_start3A_308 = arith.constant 11 : i32
          %dma_start3A_309 = arith.constant 0 : i32
          %dma_start3A_310 = arith.constant 0 : i32
          %dma_start3A_311 = tpu.memref_slice %arg10[%dma_start3A_308, %dma_start3A_309, %dma_start3A_310] : memref<16x256x256xbf16, #tpu.memory_space<vmem>> -> memref<1x256x256xbf16, #tpu.memory_space<vmem>>
          %dma_start3A_312 = arith.constant 0 : i32
          %dma_start3A_313 = arith.constant 0 : i32
          %dma_start3A_314 = tpu.memref_slice %arg7[%get3A_305, %dma_start3A_312, %dma_start3A_313] : memref<64x256x256xbf16, #tpu.memory_space<hbm>> -> memref<1x256x256xbf16, #tpu.memory_space<hbm>>
          tpu.enqueue_dma source(%dma_start3A_314 : memref<1x256x256xbf16, #tpu.memory_space<hbm>>) target(%dma_start3A_311 : memref<1x256x256xbf16, #tpu.memory_space<vmem>>) target_semaphore(%dma_start3A_307 : memref<!tpu.dma_semaphore, #tpu.memory_space<semaphore_mem>>)
        } else {
        }
      } else {
      }
      %add3A_208 = arith.constant 12 : i32
      %add3A_209 = arith.addi %add3A_135, %add3A_208 : i32
      %lt3A_210 = arith.cmpi slt, %add3A_209, %get3A_3 : i32
      %convert_element_type3A_211 = arith.extui %lt3A_210 : i1 to i32
      %cond3A_212 = arith.constant 0 : i32
      %cond3A_213 = arith.cmpi ne, %convert_element_type3A_211, %cond3A_212 : i32
      scf.if %cond3A_213 {
        %add3A_233 = arith.constant 12 : i32
        %add3A_234 = arith.addi %add3A_135, %add3A_233 : i32
        %dma_wait3A = arith.constant 12 : i32
        %dma_wait3A_235 = tpu.memref_slice %arg11[%dma_wait3A] : memref<16x!tpu.dma_semaphore, #tpu.memory_space<semaphore_mem>> -> memref<1x!tpu.dma_semaphore, #tpu.memory_space<semaphore_mem>>
        %dma_wait3A_236 = tpu.memref_squeeze %dma_wait3A_235 : memref<1x!tpu.dma_semaphore, #tpu.memory_space<semaphore_mem>> -> memref<!tpu.dma_semaphore, #tpu.memory_space<semaphore_mem>>
        %dma_wait3A_237 = arith.constant 12 : i32
        %dma_wait3A_238 = arith.constant 0 : i32
        %dma_wait3A_239 = arith.constant 0 : i32
        %dma_wait3A_240 = tpu.memref_slice %arg10[%dma_wait3A_237, %dma_wait3A_238, %dma_wait3A_239] : memref<16x256x256xbf16, #tpu.memory_space<vmem>> -> memref<1x256x256xbf16, #tpu.memory_space<vmem>>
        %dma_wait3A_241 = arith.constant 0 : i32
        %dma_wait3A_242 = arith.constant 0 : i32
        %dma_wait3A_243 = arith.constant 0 : i32
        %dma_wait3A_244 = tpu.memref_slice %arg7[%dma_wait3A_241, %dma_wait3A_242, %dma_wait3A_243] : memref<64x256x256xbf16, #tpu.memory_space<hbm>> -> memref<1x256x256xbf16, #tpu.memory_space<hbm>>
        tpu.wait_dma2 semaphore(%dma_wait3A_236 : memref<!tpu.dma_semaphore, #tpu.memory_space<semaphore_mem>>) src(%dma_wait3A_244 : memref<1x256x256xbf16, #tpu.memory_space<hbm>>) dst(%dma_wait3A_240 : memref<1x256x256xbf16, #tpu.memory_space<vmem>>)
        %get3A_245 = arith.index_cast %add3A_234 : i32 to index
        %get3A_246 = memref.load %arg2[%get3A_245] : memref<79xi32, #tpu.memory_space<smem>>
        %get3A_247 = arith.index_cast %add3A_234 : i32 to index
        %get3A_248 = memref.load %arg4[%get3A_247] : memref<79xi32, #tpu.memory_space<smem>>
        %get3A_249 = arith.index_cast %add3A_234 : i32 to index
        %get3A_250 = memref.load %arg5[%get3A_249] : memref<79xi32, #tpu.memory_space<smem>>
        %mul3A_251 = arith.constant 128 : i32
        %mul3A_252 = arith.muli %get3A_246, %mul3A_251 : i32
        %mul3A_253 = arith.constant 1024 : i32
        %mul3A_254 = arith.muli %arg0, %mul3A_253 : i32
        %sub3A_255 = arith.subi %mul3A_252, %mul3A_254 : i32
        %iota3A = tpu.iota {dimensions = array<i32: 0>} : vector<128x1xi32>
        %add3A_256 = vector.broadcast %mul3A_252 : i32 to vector<128x1xi32>
        %add3A_257 = arith.addi %add3A_256, %iota3A : vector<128x1xi32>
        %ge3A = vector.broadcast %get3A_248 : i32 to vector<128x1xi32>
        %ge3A_258 = arith.cmpi sge, %add3A_257, %ge3A : vector<128x1xi32>
        %lt3A_259 = vector.broadcast %get3A_250 : i32 to vector<128x1xi32>
        %lt3A_260 = arith.cmpi slt, %add3A_257, %lt3A_259 : vector<128x1xi32>
        %and3A_261 = arith.andi %ge3A_258, %lt3A_260 : vector<128x1xi1>
        %get3A_262 = arith.index_cast %sub3A_255 : i32 to index
        %get3A_263 = arith.constant 0 : index
        %get3A_264 = vector.load %arg6[%get3A_262, %get3A_263] : memref<1024x256xf32, #tpu.memory_space<vmem>>, vector<128x256xf32>
        %jit3A_265 = arith.constant 0.000000e+00 : f32
        %broadcast_in_dim3A_266 = vector.shape_cast %and3A_261 : vector<128x1xi1> to vector<128x1xi1>
        %broadcast_in_dim3A_267 = vector.broadcast %broadcast_in_dim3A_266 : vector<128x1xi1> to vector<128x256xi1>
        %broadcast_in_dim3A_268 = vector.broadcast %jit3A_265 : f32 to vector<128x256xf32>
        %select_n3A_269 = arith.select %broadcast_in_dim3A_267, %get3A_264, %broadcast_in_dim3A_268 : vector<128x256xi1>, vector<128x256xf32>
        %convert_element_type3A_270 = arith.truncf %select_n3A_269 : vector<128x256xf32> to vector<128x256xbf16>
        %get3A_271 = arith.constant 12 : index
        %get3A_272 = arith.constant 0 : index
        %get3A_273 = arith.constant 0 : index
        %get3A_274 = vector.load %arg10[%get3A_271, %get3A_272, %get3A_273] : memref<16x256x256xbf16, #tpu.memory_space<vmem>>, vector<1x256x256xbf16>
        %squeeze3A = vector.shape_cast %get3A_274 : vector<1x256x256xbf16> to vector<256x256xbf16>
        %dot_general3A = arith.constant dense<0.000000e+00> : vector<128x256xf32>
        %dot_general3A_275 = tpu.matmul %convert_element_type3A_270, %squeeze3A, %dot_general3A {dimension_numbers = #tpu.dot_dimension_numbers<[1], [1], [0], [0], [0, 0, 1, 0], [], []>, transpose_lhs_hint = false} : vector<128x256xbf16>, vector<256x256xbf16>, vector<128x256xf32> -> vector<128x256xf32>
        %get3A_276 = arith.index_cast %add3A_234 : i32 to index
        %get3A_277 = memref.load %arg3[%get3A_276] : memref<79xi32, #tpu.memory_space<smem>>
        %get3A_278 = arith.index_cast %get3A_277 : i32 to index
        %get3A_279 = arith.constant 0 : index
        %get3A_280 = vector.load %arg8[%get3A_278, %get3A_279] : memref<64x256xf32, #tpu.memory_space<vmem>>, vector<1x256xf32>
        %jit3A_281 = arith.constant 0.000000e+00 : f32
        %broadcast_in_dim3A_282 = vector.shape_cast %and3A_261 : vector<128x1xi1> to vector<128x1xi1>
        %broadcast_in_dim3A_283 = vector.broadcast %broadcast_in_dim3A_282 : vector<128x1xi1> to vector<128x256xi1>
        %broadcast_in_dim3A_284 = vector.shape_cast %get3A_280 : vector<1x256xf32> to vector<1x256xf32>
        %broadcast_in_dim3A_285 = vector.broadcast %broadcast_in_dim3A_284 : vector<1x256xf32> to vector<128x256xf32>
        %broadcast_in_dim3A_286 = vector.broadcast %jit3A_281 : f32 to vector<128x256xf32>
        %select_n3A_287 = arith.select %broadcast_in_dim3A_283, %broadcast_in_dim3A_285, %broadcast_in_dim3A_286 : vector<128x256xi1>, vector<128x256xf32>
        %add3A_288 = arith.addf %dot_general3A_275, %select_n3A_287 : vector<128x256xf32>
        %get3A_289 = arith.index_cast %sub3A_255 : i32 to index
        %get3A_290 = arith.constant 0 : index
        %get3A_291 = vector.load %arg9[%get3A_289, %get3A_290] : memref<1024x256xf32, #tpu.memory_space<vmem>>, vector<128x256xf32>
        %add3A_292 = arith.addf %get3A_291, %add3A_288 : vector<128x256xf32>
        %swap3A_293 = arith.index_cast %sub3A_255 : i32 to index
        %swap3A_294 = arith.constant 0 : index
        %swap3A_295 = vector.load %arg9[%swap3A_293, %swap3A_294] : memref<1024x256xf32, #tpu.memory_space<vmem>>, vector<128x256xf32>
        tpu.vector_store %arg9[%swap3A_293, %swap3A_294], %add3A_292 {strides = array<i32>} : memref<1024x256xf32, #tpu.memory_space<vmem>>, vector<128x256xf32>,
        %add3A_296 = arith.constant 16 : i32
        %add3A_297 = arith.addi %add3A_234, %add3A_296 : i32
        %lt3A_298 = arith.cmpi slt, %add3A_297, %get3A_3 : i32
        %convert_element_type3A_299 = arith.extui %lt3A_298 : i1 to i32
        %cond3A_300 = arith.constant 0 : i32
        %cond3A_301 = arith.cmpi ne, %convert_element_type3A_299, %cond3A_300 : i32
        scf.if %cond3A_301 {
          %add3A_302 = arith.constant 16 : i32
          %add3A_303 = arith.addi %add3A_234, %add3A_302 : i32
          %get3A_304 = arith.index_cast %add3A_303 : i32 to index
          %get3A_305 = memref.load %arg3[%get3A_304] : memref<79xi32, #tpu.memory_space<smem>>
          %dma_start3A = arith.constant 12 : i32
          %dma_start3A_306 = tpu.memref_slice %arg11[%dma_start3A] : memref<16x!tpu.dma_semaphore, #tpu.memory_space<semaphore_mem>> -> memref<1x!tpu.dma_semaphore, #tpu.memory_space<semaphore_mem>>
          %dma_start3A_307 = tpu.memref_squeeze %dma_start3A_306 : memref<1x!tpu.dma_semaphore, #tpu.memory_space<semaphore_mem>> -> memref<!tpu.dma_semaphore, #tpu.memory_space<semaphore_mem>>
          %dma_start3A_308 = arith.constant 12 : i32
          %dma_start3A_309 = arith.constant 0 : i32
          %dma_start3A_310 = arith.constant 0 : i32
          %dma_start3A_311 = tpu.memref_slice %arg10[%dma_start3A_308, %dma_start3A_309, %dma_start3A_310] : memref<16x256x256xbf16, #tpu.memory_space<vmem>> -> memref<1x256x256xbf16, #tpu.memory_space<vmem>>
          %dma_start3A_312 = arith.constant 0 : i32
          %dma_start3A_313 = arith.constant 0 : i32
          %dma_start3A_314 = tpu.memref_slice %arg7[%get3A_305, %dma_start3A_312, %dma_start3A_313] : memref<64x256x256xbf16, #tpu.memory_space<hbm>> -> memref<1x256x256xbf16, #tpu.memory_space<hbm>>
          tpu.enqueue_dma source(%dma_start3A_314 : memref<1x256x256xbf16, #tpu.memory_space<hbm>>) target(%dma_start3A_311 : memref<1x256x256xbf16, #tpu.memory_space<vmem>>) target_semaphore(%dma_start3A_307 : memref<!tpu.dma_semaphore, #tpu.memory_space<semaphore_mem>>)
        } else {
        }
      } else {
      }
      %add3A_214 = arith.constant 13 : i32
      %add3A_215 = arith.addi %add3A_135, %add3A_214 : i32
      %lt3A_216 = arith.cmpi slt, %add3A_215, %get3A_3 : i32
      %convert_element_type3A_217 = arith.extui %lt3A_216 : i1 to i32
      %cond3A_218 = arith.constant 0 : i32
      %cond3A_219 = arith.cmpi ne, %convert_element_type3A_217, %cond3A_218 : i32
      scf.if %cond3A_219 {
        %add3A_233 = arith.constant 13 : i32
        %add3A_234 = arith.addi %add3A_135, %add3A_233 : i32
        %dma_wait3A = arith.constant 13 : i32
        %dma_wait3A_235 = tpu.memref_slice %arg11[%dma_wait3A] : memref<16x!tpu.dma_semaphore, #tpu.memory_space<semaphore_mem>> -> memref<1x!tpu.dma_semaphore, #tpu.memory_space<semaphore_mem>>
        %dma_wait3A_236 = tpu.memref_squeeze %dma_wait3A_235 : memref<1x!tpu.dma_semaphore, #tpu.memory_space<semaphore_mem>> -> memref<!tpu.dma_semaphore, #tpu.memory_space<semaphore_mem>>
        %dma_wait3A_237 = arith.constant 13 : i32
        %dma_wait3A_238 = arith.constant 0 : i32
        %dma_wait3A_239 = arith.constant 0 : i32
        %dma_wait3A_240 = tpu.memref_slice %arg10[%dma_wait3A_237, %dma_wait3A_238, %dma_wait3A_239] : memref<16x256x256xbf16, #tpu.memory_space<vmem>> -> memref<1x256x256xbf16, #tpu.memory_space<vmem>>
        %dma_wait3A_241 = arith.constant 0 : i32
        %dma_wait3A_242 = arith.constant 0 : i32
        %dma_wait3A_243 = arith.constant 0 : i32
        %dma_wait3A_244 = tpu.memref_slice %arg7[%dma_wait3A_241, %dma_wait3A_242, %dma_wait3A_243] : memref<64x256x256xbf16, #tpu.memory_space<hbm>> -> memref<1x256x256xbf16, #tpu.memory_space<hbm>>
        tpu.wait_dma2 semaphore(%dma_wait3A_236 : memref<!tpu.dma_semaphore, #tpu.memory_space<semaphore_mem>>) src(%dma_wait3A_244 : memref<1x256x256xbf16, #tpu.memory_space<hbm>>) dst(%dma_wait3A_240 : memref<1x256x256xbf16, #tpu.memory_space<vmem>>)
        %get3A_245 = arith.index_cast %add3A_234 : i32 to index
        %get3A_246 = memref.load %arg2[%get3A_245] : memref<79xi32, #tpu.memory_space<smem>>
        %get3A_247 = arith.index_cast %add3A_234 : i32 to index
        %get3A_248 = memref.load %arg4[%get3A_247] : memref<79xi32, #tpu.memory_space<smem>>
        %get3A_249 = arith.index_cast %add3A_234 : i32 to index
        %get3A_250 = memref.load %arg5[%get3A_249] : memref<79xi32, #tpu.memory_space<smem>>
        %mul3A_251 = arith.constant 128 : i32
        %mul3A_252 = arith.muli %get3A_246, %mul3A_251 : i32
        %mul3A_253 = arith.constant 1024 : i32
        %mul3A_254 = arith.muli %arg0, %mul3A_253 : i32
        %sub3A_255 = arith.subi %mul3A_252, %mul3A_254 : i32
        %iota3A = tpu.iota {dimensions = array<i32: 0>} : vector<128x1xi32>
        %add3A_256 = vector.broadcast %mul3A_252 : i32 to vector<128x1xi32>
        %add3A_257 = arith.addi %add3A_256, %iota3A : vector<128x1xi32>
        %ge3A = vector.broadcast %get3A_248 : i32 to vector<128x1xi32>
        %ge3A_258 = arith.cmpi sge, %add3A_257, %ge3A : vector<128x1xi32>
        %lt3A_259 = vector.broadcast %get3A_250 : i32 to vector<128x1xi32>
        %lt3A_260 = arith.cmpi slt, %add3A_257, %lt3A_259 : vector<128x1xi32>
        %and3A_261 = arith.andi %ge3A_258, %lt3A_260 : vector<128x1xi1>
        %get3A_262 = arith.index_cast %sub3A_255 : i32 to index
        %get3A_263 = arith.constant 0 : index
        %get3A_264 = vector.load %arg6[%get3A_262, %get3A_263] : memref<1024x256xf32, #tpu.memory_space<vmem>>, vector<128x256xf32>
        %jit3A_265 = arith.constant 0.000000e+00 : f32
        %broadcast_in_dim3A_266 = vector.shape_cast %and3A_261 : vector<128x1xi1> to vector<128x1xi1>
        %broadcast_in_dim3A_267 = vector.broadcast %broadcast_in_dim3A_266 : vector<128x1xi1> to vector<128x256xi1>
        %broadcast_in_dim3A_268 = vector.broadcast %jit3A_265 : f32 to vector<128x256xf32>
        %select_n3A_269 = arith.select %broadcast_in_dim3A_267, %get3A_264, %broadcast_in_dim3A_268 : vector<128x256xi1>, vector<128x256xf32>
        %convert_element_type3A_270 = arith.truncf %select_n3A_269 : vector<128x256xf32> to vector<128x256xbf16>
        %get3A_271 = arith.constant 13 : index
        %get3A_272 = arith.constant 0 : index
        %get3A_273 = arith.constant 0 : index
        %get3A_274 = vector.load %arg10[%get3A_271, %get3A_272, %get3A_273] : memref<16x256x256xbf16, #tpu.memory_space<vmem>>, vector<1x256x256xbf16>
        %squeeze3A = vector.shape_cast %get3A_274 : vector<1x256x256xbf16> to vector<256x256xbf16>
        %dot_general3A = arith.constant dense<0.000000e+00> : vector<128x256xf32>
        %dot_general3A_275 = tpu.matmul %convert_element_type3A_270, %squeeze3A, %dot_general3A {dimension_numbers = #tpu.dot_dimension_numbers<[1], [1], [0], [0], [0, 0, 1, 0], [], []>, transpose_lhs_hint = false} : vector<128x256xbf16>, vector<256x256xbf16>, vector<128x256xf32> -> vector<128x256xf32>
        %get3A_276 = arith.index_cast %add3A_234 : i32 to index
        %get3A_277 = memref.load %arg3[%get3A_276] : memref<79xi32, #tpu.memory_space<smem>>
        %get3A_278 = arith.index_cast %get3A_277 : i32 to index
        %get3A_279 = arith.constant 0 : index
        %get3A_280 = vector.load %arg8[%get3A_278, %get3A_279] : memref<64x256xf32, #tpu.memory_space<vmem>>, vector<1x256xf32>
        %jit3A_281 = arith.constant 0.000000e+00 : f32
        %broadcast_in_dim3A_282 = vector.shape_cast %and3A_261 : vector<128x1xi1> to vector<128x1xi1>
        %broadcast_in_dim3A_283 = vector.broadcast %broadcast_in_dim3A_282 : vector<128x1xi1> to vector<128x256xi1>
        %broadcast_in_dim3A_284 = vector.shape_cast %get3A_280 : vector<1x256xf32> to vector<1x256xf32>
        %broadcast_in_dim3A_285 = vector.broadcast %broadcast_in_dim3A_284 : vector<1x256xf32> to vector<128x256xf32>
        %broadcast_in_dim3A_286 = vector.broadcast %jit3A_281 : f32 to vector<128x256xf32>
        %select_n3A_287 = arith.select %broadcast_in_dim3A_283, %broadcast_in_dim3A_285, %broadcast_in_dim3A_286 : vector<128x256xi1>, vector<128x256xf32>
        %add3A_288 = arith.addf %dot_general3A_275, %select_n3A_287 : vector<128x256xf32>
        %get3A_289 = arith.index_cast %sub3A_255 : i32 to index
        %get3A_290 = arith.constant 0 : index
        %get3A_291 = vector.load %arg9[%get3A_289, %get3A_290] : memref<1024x256xf32, #tpu.memory_space<vmem>>, vector<128x256xf32>
        %add3A_292 = arith.addf %get3A_291, %add3A_288 : vector<128x256xf32>
        %swap3A_293 = arith.index_cast %sub3A_255 : i32 to index
        %swap3A_294 = arith.constant 0 : index
        %swap3A_295 = vector.load %arg9[%swap3A_293, %swap3A_294] : memref<1024x256xf32, #tpu.memory_space<vmem>>, vector<128x256xf32>
        tpu.vector_store %arg9[%swap3A_293, %swap3A_294], %add3A_292 {strides = array<i32>} : memref<1024x256xf32, #tpu.memory_space<vmem>>, vector<128x256xf32>,
        %add3A_296 = arith.constant 16 : i32
        %add3A_297 = arith.addi %add3A_234, %add3A_296 : i32
        %lt3A_298 = arith.cmpi slt, %add3A_297, %get3A_3 : i32
        %convert_element_type3A_299 = arith.extui %lt3A_298 : i1 to i32
        %cond3A_300 = arith.constant 0 : i32
        %cond3A_301 = arith.cmpi ne, %convert_element_type3A_299, %cond3A_300 : i32
        scf.if %cond3A_301 {
          %add3A_302 = arith.constant 16 : i32
          %add3A_303 = arith.addi %add3A_234, %add3A_302 : i32
          %get3A_304 = arith.index_cast %add3A_303 : i32 to index
          %get3A_305 = memref.load %arg3[%get3A_304] : memref<79xi32, #tpu.memory_space<smem>>
          %dma_start3A = arith.constant 13 : i32
          %dma_start3A_306 = tpu.memref_slice %arg11[%dma_start3A] : memref<16x!tpu.dma_semaphore, #tpu.memory_space<semaphore_mem>> -> memref<1x!tpu.dma_semaphore, #tpu.memory_space<semaphore_mem>>
          %dma_start3A_307 = tpu.memref_squeeze %dma_start3A_306 : memref<1x!tpu.dma_semaphore, #tpu.memory_space<semaphore_mem>> -> memref<!tpu.dma_semaphore, #tpu.memory_space<semaphore_mem>>
          %dma_start3A_308 = arith.constant 13 : i32
          %dma_start3A_309 = arith.constant 0 : i32
          %dma_start3A_310 = arith.constant 0 : i32
          %dma_start3A_311 = tpu.memref_slice %arg10[%dma_start3A_308, %dma_start3A_309, %dma_start3A_310] : memref<16x256x256xbf16, #tpu.memory_space<vmem>> -> memref<1x256x256xbf16, #tpu.memory_space<vmem>>
          %dma_start3A_312 = arith.constant 0 : i32
          %dma_start3A_313 = arith.constant 0 : i32
          %dma_start3A_314 = tpu.memref_slice %arg7[%get3A_305, %dma_start3A_312, %dma_start3A_313] : memref<64x256x256xbf16, #tpu.memory_space<hbm>> -> memref<1x256x256xbf16, #tpu.memory_space<hbm>>
          tpu.enqueue_dma source(%dma_start3A_314 : memref<1x256x256xbf16, #tpu.memory_space<hbm>>) target(%dma_start3A_311 : memref<1x256x256xbf16, #tpu.memory_space<vmem>>) target_semaphore(%dma_start3A_307 : memref<!tpu.dma_semaphore, #tpu.memory_space<semaphore_mem>>)
        } else {
        }
      } else {
      }
      %add3A_220 = arith.constant 14 : i32
      %add3A_221 = arith.addi %add3A_135, %add3A_220 : i32
      %lt3A_222 = arith.cmpi slt, %add3A_221, %get3A_3 : i32
      %convert_element_type3A_223 = arith.extui %lt3A_222 : i1 to i32
      %cond3A_224 = arith.constant 0 : i32
      %cond3A_225 = arith.cmpi ne, %convert_element_type3A_223, %cond3A_224 : i32
      scf.if %cond3A_225 {
        %add3A_233 = arith.constant 14 : i32
        %add3A_234 = arith.addi %add3A_135, %add3A_233 : i32
        %dma_wait3A = arith.constant 14 : i32
        %dma_wait3A_235 = tpu.memref_slice %arg11[%dma_wait3A] : memref<16x!tpu.dma_semaphore, #tpu.memory_space<semaphore_mem>> -> memref<1x!tpu.dma_semaphore, #tpu.memory_space<semaphore_mem>>
        %dma_wait3A_236 = tpu.memref_squeeze %dma_wait3A_235 : memref<1x!tpu.dma_semaphore, #tpu.memory_space<semaphore_mem>> -> memref<!tpu.dma_semaphore, #tpu.memory_space<semaphore_mem>>
        %dma_wait3A_237 = arith.constant 14 : i32
        %dma_wait3A_238 = arith.constant 0 : i32
        %dma_wait3A_239 = arith.constant 0 : i32
        %dma_wait3A_240 = tpu.memref_slice %arg10[%dma_wait3A_237, %dma_wait3A_238, %dma_wait3A_239] : memref<16x256x256xbf16, #tpu.memory_space<vmem>> -> memref<1x256x256xbf16, #tpu.memory_space<vmem>>
        %dma_wait3A_241 = arith.constant 0 : i32
        %dma_wait3A_242 = arith.constant 0 : i32
        %dma_wait3A_243 = arith.constant 0 : i32
        %dma_wait3A_244 = tpu.memref_slice %arg7[%dma_wait3A_241, %dma_wait3A_242, %dma_wait3A_243] : memref<64x256x256xbf16, #tpu.memory_space<hbm>> -> memref<1x256x256xbf16, #tpu.memory_space<hbm>>
        tpu.wait_dma2 semaphore(%dma_wait3A_236 : memref<!tpu.dma_semaphore, #tpu.memory_space<semaphore_mem>>) src(%dma_wait3A_244 : memref<1x256x256xbf16, #tpu.memory_space<hbm>>) dst(%dma_wait3A_240 : memref<1x256x256xbf16, #tpu.memory_space<vmem>>)
        %get3A_245 = arith.index_cast %add3A_234 : i32 to index
        %get3A_246 = memref.load %arg2[%get3A_245] : memref<79xi32, #tpu.memory_space<smem>>
        %get3A_247 = arith.index_cast %add3A_234 : i32 to index
        %get3A_248 = memref.load %arg4[%get3A_247] : memref<79xi32, #tpu.memory_space<smem>>
        %get3A_249 = arith.index_cast %add3A_234 : i32 to index
        %get3A_250 = memref.load %arg5[%get3A_249] : memref<79xi32, #tpu.memory_space<smem>>
        %mul3A_251 = arith.constant 128 : i32
        %mul3A_252 = arith.muli %get3A_246, %mul3A_251 : i32
        %mul3A_253 = arith.constant 1024 : i32
        %mul3A_254 = arith.muli %arg0, %mul3A_253 : i32
        %sub3A_255 = arith.subi %mul3A_252, %mul3A_254 : i32
        %iota3A = tpu.iota {dimensions = array<i32: 0>} : vector<128x1xi32>
        %add3A_256 = vector.broadcast %mul3A_252 : i32 to vector<128x1xi32>
        %add3A_257 = arith.addi %add3A_256, %iota3A : vector<128x1xi32>
        %ge3A = vector.broadcast %get3A_248 : i32 to vector<128x1xi32>
        %ge3A_258 = arith.cmpi sge, %add3A_257, %ge3A : vector<128x1xi32>
        %lt3A_259 = vector.broadcast %get3A_250 : i32 to vector<128x1xi32>
        %lt3A_260 = arith.cmpi slt, %add3A_257, %lt3A_259 : vector<128x1xi32>
        %and3A_261 = arith.andi %ge3A_258, %lt3A_260 : vector<128x1xi1>
        %get3A_262 = arith.index_cast %sub3A_255 : i32 to index
        %get3A_263 = arith.constant 0 : index
        %get3A_264 = vector.load %arg6[%get3A_262, %get3A_263] : memref<1024x256xf32, #tpu.memory_space<vmem>>, vector<128x256xf32>
        %jit3A_265 = arith.constant 0.000000e+00 : f32
        %broadcast_in_dim3A_266 = vector.shape_cast %and3A_261 : vector<128x1xi1> to vector<128x1xi1>
        %broadcast_in_dim3A_267 = vector.broadcast %broadcast_in_dim3A_266 : vector<128x1xi1> to vector<128x256xi1>
        %broadcast_in_dim3A_268 = vector.broadcast %jit3A_265 : f32 to vector<128x256xf32>
        %select_n3A_269 = arith.select %broadcast_in_dim3A_267, %get3A_264, %broadcast_in_dim3A_268 : vector<128x256xi1>, vector<128x256xf32>
        %convert_element_type3A_270 = arith.truncf %select_n3A_269 : vector<128x256xf32> to vector<128x256xbf16>
        %get3A_271 = arith.constant 14 : index
        %get3A_272 = arith.constant 0 : index
        %get3A_273 = arith.constant 0 : index
        %get3A_274 = vector.load %arg10[%get3A_271, %get3A_272, %get3A_273] : memref<16x256x256xbf16, #tpu.memory_space<vmem>>, vector<1x256x256xbf16>
        %squeeze3A = vector.shape_cast %get3A_274 : vector<1x256x256xbf16> to vector<256x256xbf16>
        %dot_general3A = arith.constant dense<0.000000e+00> : vector<128x256xf32>
        %dot_general3A_275 = tpu.matmul %convert_element_type3A_270, %squeeze3A, %dot_general3A {dimension_numbers = #tpu.dot_dimension_numbers<[1], [1], [0], [0], [0, 0, 1, 0], [], []>, transpose_lhs_hint = false} : vector<128x256xbf16>, vector<256x256xbf16>, vector<128x256xf32> -> vector<128x256xf32>
        %get3A_276 = arith.index_cast %add3A_234 : i32 to index
        %get3A_277 = memref.load %arg3[%get3A_276] : memref<79xi32, #tpu.memory_space<smem>>
        %get3A_278 = arith.index_cast %get3A_277 : i32 to index
        %get3A_279 = arith.constant 0 : index
        %get3A_280 = vector.load %arg8[%get3A_278, %get3A_279] : memref<64x256xf32, #tpu.memory_space<vmem>>, vector<1x256xf32>
        %jit3A_281 = arith.constant 0.000000e+00 : f32
        %broadcast_in_dim3A_282 = vector.shape_cast %and3A_261 : vector<128x1xi1> to vector<128x1xi1>
        %broadcast_in_dim3A_283 = vector.broadcast %broadcast_in_dim3A_282 : vector<128x1xi1> to vector<128x256xi1>
        %broadcast_in_dim3A_284 = vector.shape_cast %get3A_280 : vector<1x256xf32> to vector<1x256xf32>
        %broadcast_in_dim3A_285 = vector.broadcast %broadcast_in_dim3A_284 : vector<1x256xf32> to vector<128x256xf32>
        %broadcast_in_dim3A_286 = vector.broadcast %jit3A_281 : f32 to vector<128x256xf32>
        %select_n3A_287 = arith.select %broadcast_in_dim3A_283, %broadcast_in_dim3A_285, %broadcast_in_dim3A_286 : vector<128x256xi1>, vector<128x256xf32>
        %add3A_288 = arith.addf %dot_general3A_275, %select_n3A_287 : vector<128x256xf32>
        %get3A_289 = arith.index_cast %sub3A_255 : i32 to index
        %get3A_290 = arith.constant 0 : index
        %get3A_291 = vector.load %arg9[%get3A_289, %get3A_290] : memref<1024x256xf32, #tpu.memory_space<vmem>>, vector<128x256xf32>
        %add3A_292 = arith.addf %get3A_291, %add3A_288 : vector<128x256xf32>
        %swap3A_293 = arith.index_cast %sub3A_255 : i32 to index
        %swap3A_294 = arith.constant 0 : index
        %swap3A_295 = vector.load %arg9[%swap3A_293, %swap3A_294] : memref<1024x256xf32, #tpu.memory_space<vmem>>, vector<128x256xf32>
        tpu.vector_store %arg9[%swap3A_293, %swap3A_294], %add3A_292 {strides = array<i32>} : memref<1024x256xf32, #tpu.memory_space<vmem>>, vector<128x256xf32>,
        %add3A_296 = arith.constant 16 : i32
        %add3A_297 = arith.addi %add3A_234, %add3A_296 : i32
        %lt3A_298 = arith.cmpi slt, %add3A_297, %get3A_3 : i32
        %convert_element_type3A_299 = arith.extui %lt3A_298 : i1 to i32
        %cond3A_300 = arith.constant 0 : i32
        %cond3A_301 = arith.cmpi ne, %convert_element_type3A_299, %cond3A_300 : i32
        scf.if %cond3A_301 {
          %add3A_302 = arith.constant 16 : i32
          %add3A_303 = arith.addi %add3A_234, %add3A_302 : i32
          %get3A_304 = arith.index_cast %add3A_303 : i32 to index
          %get3A_305 = memref.load %arg3[%get3A_304] : memref<79xi32, #tpu.memory_space<smem>>
          %dma_start3A = arith.constant 14 : i32
          %dma_start3A_306 = tpu.memref_slice %arg11[%dma_start3A] : memref<16x!tpu.dma_semaphore, #tpu.memory_space<semaphore_mem>> -> memref<1x!tpu.dma_semaphore, #tpu.memory_space<semaphore_mem>>
          %dma_start3A_307 = tpu.memref_squeeze %dma_start3A_306 : memref<1x!tpu.dma_semaphore, #tpu.memory_space<semaphore_mem>> -> memref<!tpu.dma_semaphore, #tpu.memory_space<semaphore_mem>>
          %dma_start3A_308 = arith.constant 14 : i32
          %dma_start3A_309 = arith.constant 0 : i32
          %dma_start3A_310 = arith.constant 0 : i32
          %dma_start3A_311 = tpu.memref_slice %arg10[%dma_start3A_308, %dma_start3A_309, %dma_start3A_310] : memref<16x256x256xbf16, #tpu.memory_space<vmem>> -> memref<1x256x256xbf16, #tpu.memory_space<vmem>>
          %dma_start3A_312 = arith.constant 0 : i32
          %dma_start3A_313 = arith.constant 0 : i32
          %dma_start3A_314 = tpu.memref_slice %arg7[%get3A_305, %dma_start3A_312, %dma_start3A_313] : memref<64x256x256xbf16, #tpu.memory_space<hbm>> -> memref<1x256x256xbf16, #tpu.memory_space<hbm>>
          tpu.enqueue_dma source(%dma_start3A_314 : memref<1x256x256xbf16, #tpu.memory_space<hbm>>) target(%dma_start3A_311 : memref<1x256x256xbf16, #tpu.memory_space<vmem>>) target_semaphore(%dma_start3A_307 : memref<!tpu.dma_semaphore, #tpu.memory_space<semaphore_mem>>)
        } else {
        }
      } else {
      }
      %add3A_226 = arith.constant 15 : i32
      %add3A_227 = arith.addi %add3A_135, %add3A_226 : i32
      %lt3A_228 = arith.cmpi slt, %add3A_227, %get3A_3 : i32
      %convert_element_type3A_229 = arith.extui %lt3A_228 : i1 to i32
      %cond3A_230 = arith.constant 0 : i32
      %cond3A_231 = arith.cmpi ne, %convert_element_type3A_229, %cond3A_230 : i32
      scf.if %cond3A_231 {
        %add3A_233 = arith.constant 15 : i32
        %add3A_234 = arith.addi %add3A_135, %add3A_233 : i32
        %dma_wait3A = arith.constant 15 : i32
        %dma_wait3A_235 = tpu.memref_slice %arg11[%dma_wait3A] : memref<16x!tpu.dma_semaphore, #tpu.memory_space<semaphore_mem>> -> memref<1x!tpu.dma_semaphore, #tpu.memory_space<semaphore_mem>>
        %dma_wait3A_236 = tpu.memref_squeeze %dma_wait3A_235 : memref<1x!tpu.dma_semaphore, #tpu.memory_space<semaphore_mem>> -> memref<!tpu.dma_semaphore, #tpu.memory_space<semaphore_mem>>
        %dma_wait3A_237 = arith.constant 15 : i32
        %dma_wait3A_238 = arith.constant 0 : i32
        %dma_wait3A_239 = arith.constant 0 : i32
        %dma_wait3A_240 = tpu.memref_slice %arg10[%dma_wait3A_237, %dma_wait3A_238, %dma_wait3A_239] : memref<16x256x256xbf16, #tpu.memory_space<vmem>> -> memref<1x256x256xbf16, #tpu.memory_space<vmem>>
        %dma_wait3A_241 = arith.constant 0 : i32
        %dma_wait3A_242 = arith.constant 0 : i32
        %dma_wait3A_243 = arith.constant 0 : i32
        %dma_wait3A_244 = tpu.memref_slice %arg7[%dma_wait3A_241, %dma_wait3A_242, %dma_wait3A_243] : memref<64x256x256xbf16, #tpu.memory_space<hbm>> -> memref<1x256x256xbf16, #tpu.memory_space<hbm>>
        tpu.wait_dma2 semaphore(%dma_wait3A_236 : memref<!tpu.dma_semaphore, #tpu.memory_space<semaphore_mem>>) src(%dma_wait3A_244 : memref<1x256x256xbf16, #tpu.memory_space<hbm>>) dst(%dma_wait3A_240 : memref<1x256x256xbf16, #tpu.memory_space<vmem>>)
        %get3A_245 = arith.index_cast %add3A_234 : i32 to index
        %get3A_246 = memref.load %arg2[%get3A_245] : memref<79xi32, #tpu.memory_space<smem>>
        %get3A_247 = arith.index_cast %add3A_234 : i32 to index
        %get3A_248 = memref.load %arg4[%get3A_247] : memref<79xi32, #tpu.memory_space<smem>>
        %get3A_249 = arith.index_cast %add3A_234 : i32 to index
        %get3A_250 = memref.load %arg5[%get3A_249] : memref<79xi32, #tpu.memory_space<smem>>
        %mul3A_251 = arith.constant 128 : i32
        %mul3A_252 = arith.muli %get3A_246, %mul3A_251 : i32
        %mul3A_253 = arith.constant 1024 : i32
        %mul3A_254 = arith.muli %arg0, %mul3A_253 : i32
        %sub3A_255 = arith.subi %mul3A_252, %mul3A_254 : i32
        %iota3A = tpu.iota {dimensions = array<i32: 0>} : vector<128x1xi32>
        %add3A_256 = vector.broadcast %mul3A_252 : i32 to vector<128x1xi32>
        %add3A_257 = arith.addi %add3A_256, %iota3A : vector<128x1xi32>
        %ge3A = vector.broadcast %get3A_248 : i32 to vector<128x1xi32>
        %ge3A_258 = arith.cmpi sge, %add3A_257, %ge3A : vector<128x1xi32>
        %lt3A_259 = vector.broadcast %get3A_250 : i32 to vector<128x1xi32>
        %lt3A_260 = arith.cmpi slt, %add3A_257, %lt3A_259 : vector<128x1xi32>
        %and3A_261 = arith.andi %ge3A_258, %lt3A_260 : vector<128x1xi1>
        %get3A_262 = arith.index_cast %sub3A_255 : i32 to index
        %get3A_263 = arith.constant 0 : index
        %get3A_264 = vector.load %arg6[%get3A_262, %get3A_263] : memref<1024x256xf32, #tpu.memory_space<vmem>>, vector<128x256xf32>
        %jit3A_265 = arith.constant 0.000000e+00 : f32
        %broadcast_in_dim3A_266 = vector.shape_cast %and3A_261 : vector<128x1xi1> to vector<128x1xi1>
        %broadcast_in_dim3A_267 = vector.broadcast %broadcast_in_dim3A_266 : vector<128x1xi1> to vector<128x256xi1>
        %broadcast_in_dim3A_268 = vector.broadcast %jit3A_265 : f32 to vector<128x256xf32>
        %select_n3A_269 = arith.select %broadcast_in_dim3A_267, %get3A_264, %broadcast_in_dim3A_268 : vector<128x256xi1>, vector<128x256xf32>
        %convert_element_type3A_270 = arith.truncf %select_n3A_269 : vector<128x256xf32> to vector<128x256xbf16>
        %get3A_271 = arith.constant 15 : index
        %get3A_272 = arith.constant 0 : index
        %get3A_273 = arith.constant 0 : index
        %get3A_274 = vector.load %arg10[%get3A_271, %get3A_272, %get3A_273] : memref<16x256x256xbf16, #tpu.memory_space<vmem>>, vector<1x256x256xbf16>
        %squeeze3A = vector.shape_cast %get3A_274 : vector<1x256x256xbf16> to vector<256x256xbf16>
        %dot_general3A = arith.constant dense<0.000000e+00> : vector<128x256xf32>
        %dot_general3A_275 = tpu.matmul %convert_element_type3A_270, %squeeze3A, %dot_general3A {dimension_numbers = #tpu.dot_dimension_numbers<[1], [1], [0], [0], [0, 0, 1, 0], [], []>, transpose_lhs_hint = false} : vector<128x256xbf16>, vector<256x256xbf16>, vector<128x256xf32> -> vector<128x256xf32>
        %get3A_276 = arith.index_cast %add3A_234 : i32 to index
        %get3A_277 = memref.load %arg3[%get3A_276] : memref<79xi32, #tpu.memory_space<smem>>
        %get3A_278 = arith.index_cast %get3A_277 : i32 to index
        %get3A_279 = arith.constant 0 : index
        %get3A_280 = vector.load %arg8[%get3A_278, %get3A_279] : memref<64x256xf32, #tpu.memory_space<vmem>>, vector<1x256xf32>
        %jit3A_281 = arith.constant 0.000000e+00 : f32
        %broadcast_in_dim3A_282 = vector.shape_cast %and3A_261 : vector<128x1xi1> to vector<128x1xi1>
        %broadcast_in_dim3A_283 = vector.broadcast %broadcast_in_dim3A_282 : vector<128x1xi1> to vector<128x256xi1>
        %broadcast_in_dim3A_284 = vector.shape_cast %get3A_280 : vector<1x256xf32> to vector<1x256xf32>
        %broadcast_in_dim3A_285 = vector.broadcast %broadcast_in_dim3A_284 : vector<1x256xf32> to vector<128x256xf32>
        %broadcast_in_dim3A_286 = vector.broadcast %jit3A_281 : f32 to vector<128x256xf32>
        %select_n3A_287 = arith.select %broadcast_in_dim3A_283, %broadcast_in_dim3A_285, %broadcast_in_dim3A_286 : vector<128x256xi1>, vector<128x256xf32>
        %add3A_288 = arith.addf %dot_general3A_275, %select_n3A_287 : vector<128x256xf32>
        %get3A_289 = arith.index_cast %sub3A_255 : i32 to index
        %get3A_290 = arith.constant 0 : index
        %get3A_291 = vector.load %arg9[%get3A_289, %get3A_290] : memref<1024x256xf32, #tpu.memory_space<vmem>>, vector<128x256xf32>
        %add3A_292 = arith.addf %get3A_291, %add3A_288 : vector<128x256xf32>
        %swap3A_293 = arith.index_cast %sub3A_255 : i32 to index
        %swap3A_294 = arith.constant 0 : index
        %swap3A_295 = vector.load %arg9[%swap3A_293, %swap3A_294] : memref<1024x256xf32, #tpu.memory_space<vmem>>, vector<128x256xf32>
        tpu.vector_store %arg9[%swap3A_293, %swap3A_294], %add3A_292 {strides = array<i32>} : memref<1024x256xf32, #tpu.memory_space<vmem>>, vector<128x256xf32>,
        %add3A_296 = arith.constant 16 : i32
        %add3A_297 = arith.addi %add3A_234, %add3A_296 : i32
        %lt3A_298 = arith.cmpi slt, %add3A_297, %get3A_3 : i32
        %convert_element_type3A_299 = arith.extui %lt3A_298 : i1 to i32
        %cond3A_300 = arith.constant 0 : i32
        %cond3A_301 = arith.cmpi ne, %convert_element_type3A_299, %cond3A_300 : i32
        scf.if %cond3A_301 {
          %add3A_302 = arith.constant 16 : i32
          %add3A_303 = arith.addi %add3A_234, %add3A_302 : i32
          %get3A_304 = arith.index_cast %add3A_303 : i32 to index
          %get3A_305 = memref.load %arg3[%get3A_304] : memref<79xi32, #tpu.memory_space<smem>>
          %dma_start3A = arith.constant 15 : i32
          %dma_start3A_306 = tpu.memref_slice %arg11[%dma_start3A] : memref<16x!tpu.dma_semaphore, #tpu.memory_space<semaphore_mem>> -> memref<1x!tpu.dma_semaphore, #tpu.memory_space<semaphore_mem>>
          %dma_start3A_307 = tpu.memref_squeeze %dma_start3A_306 : memref<1x!tpu.dma_semaphore, #tpu.memory_space<semaphore_mem>> -> memref<!tpu.dma_semaphore, #tpu.memory_space<semaphore_mem>>
          %dma_start3A_308 = arith.constant 15 : i32
          %dma_start3A_309 = arith.constant 0 : i32
          %dma_start3A_310 = arith.constant 0 : i32
          %dma_start3A_311 = tpu.memref_slice %arg10[%dma_start3A_308, %dma_start3A_309, %dma_start3A_310] : memref<16x256x256xbf16, #tpu.memory_space<vmem>> -> memref<1x256x256xbf16, #tpu.memory_space<vmem>>
          %dma_start3A_312 = arith.constant 0 : i32
          %dma_start3A_313 = arith.constant 0 : i32
          %dma_start3A_314 = tpu.memref_slice %arg7[%get3A_305, %dma_start3A_312, %dma_start3A_313] : memref<64x256x256xbf16, #tpu.memory_space<hbm>> -> memref<1x256x256xbf16, #tpu.memory_space<hbm>>
          tpu.enqueue_dma source(%dma_start3A_314 : memref<1x256x256xbf16, #tpu.memory_space<hbm>>) target(%dma_start3A_311 : memref<1x256x256xbf16, #tpu.memory_space<vmem>>) target_semaphore(%dma_start3A_307 : memref<!tpu.dma_semaphore, #tpu.memory_space<semaphore_mem>>)
        } else {
        }
      } else {
      }
      %while3A_232 = arith.constant 0 : i32
      scf.yield %while3A_232 : i32
    }
    return
  }
  func.func @transform_0(%arg0: i32, %arg1: memref<3xi32, #tpu.memory_space<smem>>, %arg2: memref<79xi32, #tpu.memory_space<smem>>, %arg3: memref<79xi32, #tpu.memory_space<smem>>, %arg4: memref<79xi32, #tpu.memory_space<smem>>, %arg5: memref<79xi32, #tpu.memory_space<smem>>) -> (i32, i32) {
    %c0_i32 = arith.constant 0 : i32
    %c0_i32_0 = arith.constant 0 : i32
    return %arg0, %c0_i32 : i32, i32
  }
  func.func @transform_2(%arg0: i32, %arg1: memref<3xi32, #tpu.memory_space<smem>>, %arg2: memref<79xi32, #tpu.memory_space<smem>>, %arg3: memref<79xi32, #tpu.memory_space<smem>>, %arg4: memref<79xi32, #tpu.memory_space<smem>>, %arg5: memref<79xi32, #tpu.memory_space<smem>>) -> (i32, i32) {
    %c0_i32 = arith.constant 0 : i32
    %c0_i32_0 = arith.constant 0 : i32
    %c0_i32_1 = arith.constant 0 : i32
    return %c0_i32, %c0_i32_0 : i32, i32
  }
  func.func @transform_3(%arg0: i32, %arg1: memref<3xi32, #tpu.memory_space<smem>>, %arg2: memref<79xi32, #tpu.memory_space<smem>>, %arg3: memref<79xi32, #tpu.memory_space<smem>>, %arg4: memref<79xi32, #tpu.memory_space<smem>>, %arg5: memref<79xi32, #tpu.memory_space<smem>>) -> (i32, i32) {
    %c0_i32 = arith.constant 0 : i32
    %c0_i32_0 = arith.constant 0 : i32
    return %arg0, %c0_i32 : i32, i32
  }
}

</mosaic_0001>

<sc_bundles>
// kernel: kernel.5.cloned.1.call-start
scs
__scs_entry_jumppad:
0x0: {  	(pc) =	sbr.rel $0x88, $3  }
0x1: {  	(tag) =	ssettag $0x0;
	lr =	simm.s32 $0x1  }
0x2: {  	[smem:$0x3F9B] =	sst lr;
	_ =	strace $0xD0000000  }
0x3: {  	_ = 	snop  }
0x4: {  	_ = 	snop  }
0x5: {  	_ = 	snop  }
0x6: {  	_ = 	snop  }
0x7: {  	_ = 	snop  }
__scs_overlays_trampoline_lowered:
0x8: {  	[smem:$0x3FAA] =	sst s0  }
0x9: {  	[smem:$0x3FAB] =	sst s1  }
0xa: {  	[smem:$0x3FAC] =	sst s2  }
0xb: {  	[smem:$0x3FAD] =	sst s3  }
0xc: {  	[smem:$0x3FAE] =	sst s4  }
0xd: {  	[smem:$0x3FAF] =	sst s5  }
0xe: {  	[smem:$0x3FB0] =	sst s6  }
0xf: {  	[smem:$0x3FB1] =	sst s7  }
0x10: {  	[smem:$0x3FB2] =	sst s8  }
0x11: {  	[smem:$0x3FB3] =	sst s9;
	s0 =	simm.s32 @!p0 $0x0  }
0x12: {  	s1 =	sld [smem:$0x3F99];
	s0 =	simm.s32 @p0 $0x1  }
0x13: {  	[smem:$0x3FB4] =	sst s0;
	s0 =	simm.s32 @!p1 $0x0  }
0x14: {  	s2 =	sld [smem:$0x3F98];
	s0 =	simm.s32 @p1 $0x1  }
0x15: {  	[smem:$0x3FB5] =	sst s0;
	s0 =	simm.s32 @!p2 $0x0  }
0x16: {  	s3 =	sld [smem:$0x3FDB];
	s0 =	simm.s32 @p2 $0x1  }
0x17: {  	s4 =	simm.s32 $0x1BF5;
	[smem:$0x3FB7] =	sst s0  }
0x18: {  	s0 =	sld [smem:$0x3F9A];
	_ =	swait.ge [sflag:s4], $0x0  }
0x19: {  	s7 =	sld [smem:$0x3F9B]  }
0x1a: {  	s8 =	sadd.s32 $0xFFFFE003, lr  }
0x1b: {  	s9 =	sadd.s32 $0xFFFFFEF7, lr;
	s5 =	simm.s32 $0xFFFFFFFF;
	p2 =	slt.u32 s8, $0xFFFFF086  }
0x1c: {  	p1 =	slt.u32 s9, $0xF7A;
	s5 =	simm.s32 @!p2 $0x0  }
0x1d: {  	s5 =	simm.s32 @p1 $0x1;
	p0 =	seq.s32 s7, s2  }
0x1e: {  	s7 =	smul.u32 @!p0 $0xF7A, s2;
	p2 =	seq.s32 @!p0 s5, $0x0  }
0x1f: {  	s9 =	smul.u32 $0xF7A, s1;
	s8 =	simm.s32 @!p0 $0x1BF5;
	p2 =	por !p2, p0  }
0x20: {  	[sflag:s8] =	ssyncset.s32 @!p0 $0xFFFFF086;
	s6 =	sadd.s32 @!p0 s3, s7;
	s7 =	simm.s32 @!p0 $0x108  }
0x21: {  	s3 =	sadd.s32 s3, s9;
	s6 =	sadd.s32 @!p0 $0x88, s6;
	s7 =	simm.s32 @p2 $0x1082  }
0x22: {  	[simem:s7], [sflag:s8] =	dma.local @!p0 [hbm:s6], $0xF7A  }
0x23: {  	s9 =	sor.u32 $0xD0000000, s2;
	s6 =	simm.s32 $0x108;
	_ =	swait.ge @!p0 [sflag:s8], $0x0  }
0x24: {  	s3 =	sadd.s32 $0x88, s3;
	s6 =	simm.s32 @!p1 $0x1082;
	[sflag:s4] =	ssyncset.s32 $0xFFFFF086  }
0x25: {  	[simem:s6], [sflag:s4] =	dma.local [hbm:s3], $0xF7A  }
0x26: {  	[smem:$0x3F9B] =	sst s1;
	(tag) =	ssettag s2;
	_ =	strace s9  }
0x27: {  	s1 =	sld [smem:$0x3FAB]  }
0x28: {  	s2 =	sld [smem:$0x3FAC]  }
0x29: {  	s4 =	sld [smem:$0x3FAE]  }
0x2a: {  	p0 =	seq.s32 s5, $0x0;
	s5 =	sld [smem:$0x3FAF]  }
0x2b: {  	s6 =	sld [smem:$0x3FB0]  }
0x2c: {  	s7 =	sld [smem:$0x3FB1]  }
0x2d: {  	s3 =	simm.s32 $0x108;
	s8 =	sld [smem:$0x3FB2]  }
0x2e: {  	s3 =	simm.s32 @!p0 $0x1082;
	s9 =	sld [smem:$0x3FB3]  }
0x2f: {  	lr =	sadd.s32 s0, s3;
	s0 =	sld [smem:$0x3FAA]  }
0x30: {  	s3 =	sld [smem:$0x3FAD]  }
0x31: {  	[smem:$0x3FB6] =	sst s10  }
0x32: {  	s10 =	sld [smem:$0x3FB4];
	_ =	sdelay $0x3  }
0x33: {  	p0 =	seq.s32 s10, $0x1;
	s10 =	sld [smem:$0x3FB6];
	_ =	sdelay $0x3  }
0x34: {  	[smem:$0x3FB6] =	sst s10  }
0x35: {  	s10 =	sld [smem:$0x3FB5];
	_ =	sdelay $0x3  }
0x36: {  	p1 =	seq.s32 s10, $0x1;
	s10 =	sld [smem:$0x3FB6];
	_ =	sdelay $0x3  }
0x37: {  	[smem:$0x3FB6] =	sst s10  }
0x38: {  	s10 =	sld [smem:$0x3FB7]  }
0x39: {  	_ = 	snop;
	(pc) =	sbr.ind lr, $3  }
0x3a: {  	_ = 	snop  }
0x3b: {  	_ = 	snop  }
0x3c: {  	p2 =	seq.s32 s10, $0x1;
	s10 =	sld [smem:$0x3FB6]  }
0x3d: {  	_ =	shalt  }
0x3e: {  	_ =	shalt  }
0x3f: {  	_ =	shalt  }
0x40: {  	_ =	shalt  }
0x41: {  	_ =	shalt  }
0x42: {  	_ =	shalt  }
0x43: {  	_ =	shalt  }
0x44: {  	_ =	shalt  }
0x45: {  	_ =	shalt  }
0x46: {  	_ =	shalt  }
0x47: {  	_ =	shalt  }
0x48: {  	_ =	shalt  }
0x49: {  	_ =	shalt  }
0x4a: {  	_ =	shalt  }
0x4b: {  	_ =	shalt  }
0x4c: {  	_ =	shalt  }
0x4d: {  	_ =	shalt  }
0x4e: {  	_ =	shalt  }
0x4f: {  	_ =	shalt  }
0x50: {  	_ =	shalt  }
0x51: {  	_ =	shalt  }
0x52: {  	_ =	shalt  }
0x53: {  	_ =	shalt  }
0x54: {  	_ =	shalt  }
0x55: {  	_ =	shalt  }
0x56: {  	_ =	shalt  }
0x57: {  	_ =	shalt  }
0x58: {  	_ =	shalt  }
0x59: {  	_ =	shalt  }
0x5a: {  	_ =	shalt  }
0x5b: {  	_ =	shalt  }
0x5c: {  	_ =	shalt  }
0x5d: {  	_ =	shalt  }
0x5e: {  	_ =	shalt  }
0x5f: {  	_ =	shalt  }
0x60: {  	_ =	shalt  }
0x61: {  	_ =	shalt  }
0x62: {  	_ =	shalt  }
0x63: {  	_ =	shalt  }
0x64: {  	_ =	shalt  }
0x65: {  	_ =	shalt  }
0x66: {  	_ =	shalt  }
0x67: {  	_ =	shalt  }
0x68: {  	_ =	shalt  }
0x69: {  	_ =	shalt  }
0x6a: {  	_ =	shalt  }
0x6b: {  	_ =	shalt  }
0x6c: {  	_ =	shalt  }
0x6d: {  	_ =	shalt  }
0x6e: {  	_ =	shalt  }
0x6f: {  	_ =	shalt  }
0x70: {  	_ =	shalt  }
0x71: {  	_ =	shalt  }
0x72: {  	_ =	shalt  }
0x73: {  	_ =	shalt  }
0x74: {  	_ =	shalt  }
0x75: {  	_ =	shalt  }
0x76: {  	_ =	shalt  }
0x77: {  	_ =	shalt  }
0x78: {  	_ =	shalt  }
0x79: {  	_ =	shalt  }
0x7a: {  	_ =	shalt  }
0x7b: {  	_ =	shalt  }
0x7c: {  	_ =	shalt  }
0x7d: {  	_ =	shalt  }
0x7e: {  	_ =	shalt  }
0x7f: {  	_ =	shalt  }
0x80: {  	_ =	shalt  }
0x81: {  	_ =	shalt  }
0x82: {  	_ =	shalt  }
0x83: {  	_ =	shalt  }
0x84: {  	_ =	shalt  }
0x85: {  	_ =	shalt  }
0x86: {  	_ =	shalt  }
0x87: {  	_ =	shalt  }
.Lfunc_end0:
.L_simem_size_0:
called_computation_lowered:
.L_overlay_start_0:
0x88: {  	s2 =	sld [smem:$0x3FD9]  }
0x89: {  	s3 =	sld [smem:$0x3FFE];
	_ =	sdelay $0x1  }
0x8a: {  	s1 =	srdreg.scid  }
0x8b: {  	s0 =	sand.u32 $0x1, s1  }
0x8c: {  	s17 =	sshll.u32 s0, $0xA;
	s2 =	sadd.s32 s3, s2  }
0x8d: {  	s2 =	sadd.s32 s2, s17  }
0x8e: {  	[smem:$0x3FC2] =	sst s2  }
0x8f: {  	_ = 	snop  }
0x90: {  	s2 =	sld [smem:$0x3FC9]  }
0x91: {  	s18 =	sld [smem:$0x3FD0];
	(tm) =	ssettm $0x1  }
0x92: {  	s4 =	sld [smem:$0x3FFB];
	_ =	sdelay $0x3  }
0x93: {  	_ =	strace s4  }
0x94: {  	s4 =	sld [smem:$0x3FFC];
	_ =	sdelay $0x3  }
0x95: {  	_ =	strace s4  }
0x96: {  	s4 =	sld [smem:$0x3FFD];
	_ =	sdelay $0x3  }
0x97: {  	_ =	strace s4  }
0x98: {  	_ =	strace $0x8FFFFFFF  }
0x99: {  	s19 =	sld [smem:$0x3FDB];
	_ =	sdelay $0x1  }
0x9a: {  	s5 =	simm.s32 $_scs_section_size  }
0x9b: {  	s6 =	simm.s32 $_size__tile_overlayer_lowered;
	s7 =	simm.s32 $_tile_overlayer_lowered  }
0x9c: {  	s22 =	simm.s32 $0x1BFF;
	s21 =	sshll.u32 s7, $0x1;
	s4 =	sadd.s32 s5, s19  }
0x9d: {  	s8 =	simm.s32 $0x0;
	s20 =	sshll.u32 s6, $0x1;
	s6 =	sadd.s32 s21, s4  }
0x9e: {  	[timem:s8], [sflag:s22] =	dma.local [hbm:s6], s20  }
0x9f: {  	_ =	swait.ge [sflag:s22], s20  }
0xa0: {  	s5 =	ssub.s32 $0x0, s20;
	[sflag:s22] =	ssyncset.done $0x0  }
0xa1: {  	[sflag:s22] =	ssyncadd.s32 s5;
	_ =	sdelay $0x1  }
0xa2: {  	s23 =	simm.s32 $0x1B8B  }
0xa3: {  	_ =	swait.ge [sflag:s23], $0x1  }
0xa4: {  	[sflag:s23] =	ssyncset.done $0x0  }
0xa5: {  	s25 =	simm.s32 $0x1B8E;
	s24 =	sld [smem:$0x3FFE];
	[sflag:s23] =	ssyncadd.s32 $0xFFFFFFFF  }
0xa6: {  	s26 =	simm.s32 $execute0_lowered;
	[smem:$0x3FD2] =	sst s25  }
0xa7: {  	s6 =	sshll.u32 s26, $0x1;
	_ =	strace $0x80000046;
	[dreg:$0x1] =	wrdreg $0xFFFFFFFF  }
0xa8: {  	s28 =	simm.s32 $_size_execute0_lowered;
	s4 =	sadd.s32 s4, s6;
	[dreg:$0x0] =	wrdreg $0x0  }
0xa9: {  	s6 =	sshll.u32 s28, $0x1;
	[dreg:$0x2] =	wrdreg s4  }
0xaa: {  	[dreg:$0x3] =	wrdreg s6  }
0xab: {  	[dreg:$0x4] =	wrdreg $0xC0  }
0xac: {  	_ =	task [dreg:s8], $0x5FFFF  }
0xad: {  	[dreg:$0x1] =	wrdreg $0xFFFFFFFF  }
0xae: {  	[dreg:$0x0] =	wrdreg $0x60  }
0xaf: {  	[dreg:$0x2] =	wrdreg s2  }
0xb0: {  	[dreg:$0x3] =	wrdreg s24  }
0xb1: {  	[dreg:$0x4] =	wrdreg s18  }
0xb2: {  	[dreg:$0x5] =	wrdreg $0x9  }
0xb3: {  	_ =	task.clear_ibuf [dreg:s8], $0x6FFFF;
	_ =	strace $0x90000046  }
0xb4: {  	s29 =	simm.s32 $0x9;
	_ =	strace $0x80000048  }
0xb5: {  	_ =	swait.ge [sflag:s29], $0x1  }
0xb6: {  	[sflag:s29] =	ssyncadd.s32 $0xFFFFFFFF  }
0xb7: {  	_ =	strace $0x90000048  }
0xb8: {  	_ =	sfence  }
0xb9: {  	s30 =	sld [smem:$0x0];
	_ =	sdelay $0x2  }
0xba: {  	s31 =	sshll.u32 s1, $0xD;
	s1 =	sshrl.u32 s1, $0x2  }
0xbb: {  	s3 =	sand.u32 $0x4000, s31;
	s1 =	sadd.s32 s1, s30  }
0xbc: {  	s0 =	sor.u32 s3, s0;
	s1 =	sshll.u32 s1, $0x11  }
0xbd: {  	s0 =	sor.u32 s1, s0  }
0xbe: {  	s0 =	sadd.s32 $0x8F2B, s0  }
0xbf: {  	[sflag:s0] =	ssyncadd.remote.s32 $0x1  }
0xc0: {  	_ =	sfence.sel $0xFFFF  }
0xc1: {  	[dreg:$0x0] =	wrdreg $0xFFFFFFFF;
	(pc) =	sbr.abs _section_cstart, $3  }
0xc2: {  	[dreg:$0x1] =	wrdreg $0xFFFFFFFF  }
0xc3: {  	_ =	task.clear_ibuf [dreg:s8], $0x2FFFF;
	_ =	strace $0x9FFFFFFF  }
0xc4: {  	(tm) =	ssettm $0x7FFFFFFF  }
0xc5: {  	_ =	shalt  }
tec
execute0_lowered:
.L_overlay_start_1:
0x0: {  	(tag) =	ssettag $0x1  }
0x1: {  	s5 =	rddreg [dreg:$0x0]  }
0x2: {  	s4 =	rddreg [dreg:$0x1]  }
0x3: {  	s2 =	rddreg [dreg:$0x2];
	s3 =	srdreg.scid  }
0x4: {  	s0 =	rddreg [dreg:$0x3];
	s1 =	stileid.u32;
	s10 =	simm.s32 $0x1080  }
0x5: {  	s11 =	simm.s32 $0x1880;
	s12 =	simm.s32 $0x2080;
	s13 =	simm.s32 $0x2880  }
0x6: {  	s14 =	simm.s32 $0x3080;
	s15 =	simm.s32 $0x3880;
	s16 =	simm.s32 $0x1  }
0x7: {  	s6 =	sand.u32 $0x1, s3;
	s3 =	simm.s32 $0x0;
	s7 =	sshll.u32 s1, $0x7  }
0x8: {  	s8 =	sshll.u32 s6, $0x6;
	[smem:$0x7FF] =	sst s3;
	s6 =	ssub.s32 $0x2, s6  }
0x9: {  	s7 =	sor.u32 s8, s7;
	_ =	strace $0x80000047;
	s31 =	sshrl.u32 s6, $0x1  }
0xa: {  	v2 =	vlaneseq.u32;
	s8 =	simm.s32 $0x80;
	s9 =	sshrl.u32 s7, $0x3;
	s7 =	sshll.u32 s7, $0x5  }
0xb: {  	vm0 =	vmmov $0xffff;
	v1 =	vshrl.u32 v2, $0x3;
	s6 =	ssub.s32 s6, s31;
	s4 =	sadd.s32 s4, s9;
	s5 =	sadd.s32 s5, s7  }
0xc: {  	v0 =	vand.u32 $0x7, v2;
	v2 =	vor.u32 $0x8, v2;
	v1 =	vmul.u32 $0x8, v1;
	s6 =	smax.u32 s6, $0x1;
	s7 =	simm.s32 $0x2;
	s9 =	simm.s32 $0x880  }
.LBB2_1:
0xd: {  	[tilespmem:s3], [sflag:$0x2] =	stream.linear.gather [hbm4b:s4+s3], $0x40, $0x38;
	[tilespmem:$0x4080] =	vst v63  }
0xe: {  	_ =	swait.ge [sflag:s7], $0x40  }
0xf: {  	[sflag:s7] =	ssyncset.done $0x0  }
0x10: {  	[sflag:s7] =	ssyncadd.s32 $0xFFFFFFC0  }
0x11: {  	[tilespmem:s8], [sflag:$0x2] =	stream.linear.gather [hbm4b:s5+s3], $0x4000, $0x38;
	[tilespmem:$0x4080] =	vst v63  }
0x12: {  	_ =	swait.ge [sflag:s7], $0x4000  }
0x13: {  	[sflag:s7] =	ssyncset.done $0x0  }
0x14: {  	[sflag:s7] =	ssyncadd.s32 $0xFFFFC000  }
0x15: {  	v3 =	vld [tilespmem:$0x0];
	_ =	sdelay $0x4  }
0x16: {  	v4 =	vshll.u32 v3, $0x1  }
0x17: {  	v3 =	vand.u32 $0x7, v3;
	v4 =	vand.u32 $0xFFFFFFF0, v4  }
0x18: {  	v3 =	vor.u32 v3, v4  }
0x19: {  	v4 =	vperm.xlane v3, v0;
	_ =	sdelay $0x1  }
0x1a: {  	v3 =	vperm.xlane v3, v2;
	v4 =	vadd.s32 v1, v4;
	_ =	sdelay $0x1  }
0x1b: {  	v3 =	vadd.s32 v1, v3;
	_ =	sdelay $0x2  }
0x1c: {  	[hbm4b:s2+s3] =	stream.indirect_vreg.scatter [tilespmem:s8], [sflag:$0x1], $0x80, v4, vm0, $0xb8;
	[tilespmem:$0x4080] =	vst v63  }
0x1d: {  	_ = 	snop  }
0x1e: {  	[hbm4b:s2+s3] =	stream.indirect_vreg.scatter [tilespmem:s9], [sflag:$0x1], $0x80, v3, vm0, $0xb8;
	[tilespmem:$0x4080] =	vst v63  }
0x1f: {  	v3 =	vld [tilespmem:$0x10];
	_ =	sdelay $0x4  }
0x20: {  	v61 =	vshll.u32 v3, $0x1  }
0x21: {  	v3 =	vand.u32 $0x7, v3;
	v4 =	vand.u32 $0xFFFFFFF0, v61  }
0x22: {  	v3 =	vor.u32 v3, v4  }
0x23: {  	v4 =	vperm.xlane v3, v0;
	_ =	sdelay $0x1  }
0x24: {  	v3 =	vperm.xlane v3, v2;
	v4 =	vadd.s32 v1, v4;
	_ =	sdelay $0x1  }
0x25: {  	v3 =	vadd.s32 v1, v3;
	_ =	sdelay $0x2  }
0x26: {  	[hbm4b:s2+s3] =	stream.indirect_vreg.scatter [tilespmem:s10], [sflag:$0x1], $0x80, v4, vm0, $0xb8;
	[tilespmem:$0x4080] =	vst v63  }
0x27: {  	_ = 	snop  }
0x28: {  	[hbm4b:s2+s3] =	stream.indirect_vreg.scatter [tilespmem:s11], [sflag:$0x1], $0x80, v3, vm0, $0xb8;
	[tilespmem:$0x4080] =	vst v63  }
0x29: {  	v3 =	vld [tilespmem:$0x20];
	_ =	sdelay $0x4  }
0x2a: {  	v62 =	vshll.u32 v3, $0x1  }
0x2b: {  	v3 =	vand.u32 $0x7, v3;
	v4 =	vand.u32 $0xFFFFFFF0, v62  }
0x2c: {  	v3 =	vor.u32 v3, v4  }
0x2d: {  	v4 =	vperm.xlane v3, v0;
	_ =	sdelay $0x1  }
0x2e: {  	v3 =	vperm.xlane v3, v2;
	v4 =	vadd.s32 v1, v4;
	_ =	sdelay $0x1  }
0x2f: {  	v3 =	vadd.s32 v1, v3;
	_ =	sdelay $0x2  }
0x30: {  	[hbm4b:s2+s3] =	stream.indirect_vreg.scatter [tilespmem:s12], [sflag:$0x1], $0x80, v4, vm0, $0xb8;
	[tilespmem:$0x4080] =	vst v63  }
0x31: {  	_ = 	snop  }
0x32: {  	[hbm4b:s2+s3] =	stream.indirect_vreg.scatter [tilespmem:s13], [sflag:$0x1], $0x80, v3, vm0, $0xb8;
	[tilespmem:$0x4080] =	vst v63  }
0x33: {  	v3 =	vld [tilespmem:$0x30];
	_ =	sdelay $0x4  }
0x34: {  	v63 =	vshll.u32 v3, $0x1  }
0x35: {  	v3 =	vand.u32 $0x7, v3;
	v4 =	vand.u32 $0xFFFFFFF0, v63  }
0x36: {  	v3 =	vor.u32 v3, v4  }
0x37: {  	v4 =	vperm.xlane v3, v0;
	_ =	sdelay $0x1  }
0x38: {  	v3 =	vperm.xlane v3, v2;
	v4 =	vadd.s32 v1, v4;
	_ =	sdelay $0x1  }
0x39: {  	v3 =	vadd.s32 v1, v3;
	_ =	sdelay $0x1  }
0x3a: {  	p0 =	sne.s32 s6, $0x1  }
0x3b: {  	[hbm4b:s2+s3] =	stream.indirect_vreg.scatter [tilespmem:s14], [sflag:$0x1], $0x80, v4, vm0, $0xb8;
	[tilespmem:$0x4080] =	vst v63  }
.Ltmp0:
0x3c: {  	_ = 	snop;
	(pc) =	sbr.rel @p0 .LBB2_1-.Ltmp0, $4  }
0x3d: {  	[hbm4b:s2+s3] =	stream.indirect_vreg.scatter [tilespmem:s15], [sflag:$0x1], $0x80, v3, vm0, $0xb8;
	[tilespmem:$0x4080] =	vst v63  }
0x3e: {  	_ =	swait.ge [sflag:s16], $0x4000  }
0x3f: {  	[sflag:s16] =	ssyncset.done $0x0  }
0x40: {  	s6 =	sadd.s32 $0xFFFFFFFF, s6;
	[sflag:s16] =	ssyncadd.s32 $0xFFFFC000  }
0x41: {  	_ =	sfence.sel $0x180000  }
0x42: {  	[bflag:$0x0] =	sbarrier.arrive $0xFFFF  }
0x43: {  	p0 =	sne.s32 s1, $0x0;
	_ =	strace $0x90000047  }
0x44: {  	s0 =	sadd.s32 @!p0 $0x100000, s0;
	[bflag:$0x2] =	sbarrier.arrive $0xFFFF  }
0x45: {  	[sflag:s0] =	ssyncadd.tile.s32 @!p0 $0x1;
	_ =	shalt  }
.Lfunc_end2:
_tile_overlayer_lowered:
.L_overlay_start_2:
0x46: {  	(tag) =	ssettag $0x2  }
0x47: {  	s0 =	rddreg [dreg:$0x0];
	s2 =	stileid.u32  }
0x48: {  	s1 =	rddreg [dreg:$0x1];
	p0 =	sne.s32 s2, $0x0  }
0x49: {  	s3 =	rddreg [dreg:$0x2];
	[bflag:$0x3] =	sbarrier.arrive $0xFFFF;
	s2 =	simm.s32 @!p0 $0x1C02  }
0x4a: {  	[timem:s3], [sflag:s2] =	dma.local @!p0 [hbm:s0], s1  }
0x4b: {  	s0 =	simm.s32 @!p0 $0x2  }
0x4c: {  	_ =	swait.ge @!p0 [sflag:s0], s1  }
0x4d: {  	s1 =	ssub.s32 @!p0 $0x0, s1;
	[sflag:s0] =	ssyncset.done @!p0 $0x0  }
0x4e: {  	[sflag:s0] =	ssyncadd.s32 @!p0 s1  }
0x4f: {  	[bflag:$0x3] =	sbarrier.arrive $0xFFFF  }
0x50: {  	_ =	shalt  }

// kernel: kernel.8.cloned.1.call-start
scs
__scs_entry_jumppad:
0x0: {  	(pc) =	sbr.rel $0x88, $3  }
0x1: {  	(tag) =	ssettag $0x0;
	lr =	simm.s32 $0x1  }
0x2: {  	[smem:$0x3F9B] =	sst lr;
	_ =	strace $0xD0000000  }
0x3: {  	_ = 	snop  }
0x4: {  	_ = 	snop  }
0x5: {  	_ = 	snop  }
0x6: {  	_ = 	snop  }
0x7: {  	_ = 	snop  }
__scs_overlays_trampoline_lowered:
0x8: {  	[smem:$0x3FAA] =	sst s0  }
0x9: {  	[smem:$0x3FAB] =	sst s1  }
0xa: {  	[smem:$0x3FAC] =	sst s2  }
0xb: {  	[smem:$0x3FAD] =	sst s3  }
0xc: {  	[smem:$0x3FAE] =	sst s4  }
0xd: {  	[smem:$0x3FAF] =	sst s5  }
0xe: {  	[smem:$0x3FB0] =	sst s6  }
0xf: {  	[smem:$0x3FB1] =	sst s7  }
0x10: {  	[smem:$0x3FB2] =	sst s8  }
0x11: {  	[smem:$0x3FB3] =	sst s9;
	s0 =	simm.s32 @!p0 $0x0  }
0x12: {  	s1 =	sld [smem:$0x3F99];
	s0 =	simm.s32 @p0 $0x1  }
0x13: {  	[smem:$0x3FB4] =	sst s0;
	s0 =	simm.s32 @!p1 $0x0  }
0x14: {  	s2 =	sld [smem:$0x3F98];
	s0 =	simm.s32 @p1 $0x1  }
0x15: {  	[smem:$0x3FB5] =	sst s0;
	s0 =	simm.s32 @!p2 $0x0  }
0x16: {  	s3 =	sld [smem:$0x3FDB];
	s0 =	simm.s32 @p2 $0x1  }
0x17: {  	s4 =	simm.s32 $0x1BF5;
	[smem:$0x3FB7] =	sst s0  }
0x18: {  	s0 =	sld [smem:$0x3F9A];
	_ =	swait.ge [sflag:s4], $0x0  }
0x19: {  	s7 =	sld [smem:$0x3F9B]  }
0x1a: {  	s8 =	sadd.s32 $0xFFFFE003, lr  }
0x1b: {  	s9 =	sadd.s32 $0xFFFFFEF7, lr;
	s5 =	simm.s32 $0xFFFFFFFF;
	p2 =	slt.u32 s8, $0xFFFFF086  }
0x1c: {  	p1 =	slt.u32 s9, $0xF7A;
	s5 =	simm.s32 @!p2 $0x0  }
0x1d: {  	s5 =	simm.s32 @p1 $0x1;
	p0 =	seq.s32 s7, s2  }
0x1e: {  	s7 =	smul.u32 @!p0 $0xF7A, s2;
	p2 =	seq.s32 @!p0 s5, $0x0  }
0x1f: {  	s9 =	smul.u32 $0xF7A, s1;
	s8 =	simm.s32 @!p0 $0x1BF5;
	p2 =	por !p2, p0  }
0x20: {  	[sflag:s8] =	ssyncset.s32 @!p0 $0xFFFFF086;
	s6 =	sadd.s32 @!p0 s3, s7;
	s7 =	simm.s32 @!p0 $0x108  }
0x21: {  	s3 =	sadd.s32 s3, s9;
	s6 =	sadd.s32 @!p0 $0x88, s6;
	s7 =	simm.s32 @p2 $0x1082  }
0x22: {  	[simem:s7], [sflag:s8] =	dma.local @!p0 [hbm:s6], $0xF7A  }
0x23: {  	s9 =	sor.u32 $0xD0000000, s2;
	s6 =	simm.s32 $0x108;
	_ =	swait.ge @!p0 [sflag:s8], $0x0  }
0x24: {  	s3 =	sadd.s32 $0x88, s3;
	s6 =	simm.s32 @!p1 $0x1082;
	[sflag:s4] =	ssyncset.s32 $0xFFFFF086  }
0x25: {  	[simem:s6], [sflag:s4] =	dma.local [hbm:s3], $0xF7A  }
0x26: {  	[smem:$0x3F9B] =	sst s1;
	(tag) =	ssettag s2;
	_ =	strace s9  }
0x27: {  	s1 =	sld [smem:$0x3FAB]  }
0x28: {  	s2 =	sld [smem:$0x3FAC]  }
0x29: {  	s4 =	sld [smem:$0x3FAE]  }
0x2a: {  	p0 =	seq.s32 s5, $0x0;
	s5 =	sld [smem:$0x3FAF]  }
0x2b: {  	s6 =	sld [smem:$0x3FB0]  }
0x2c: {  	s7 =	sld [smem:$0x3FB1]  }
0x2d: {  	s3 =	simm.s32 $0x108;
	s8 =	sld [smem:$0x3FB2]  }
0x2e: {  	s3 =	simm.s32 @!p0 $0x1082;
	s9 =	sld [smem:$0x3FB3]  }
0x2f: {  	lr =	sadd.s32 s0, s3;
	s0 =	sld [smem:$0x3FAA]  }
0x30: {  	s3 =	sld [smem:$0x3FAD]  }
0x31: {  	[smem:$0x3FB6] =	sst s10  }
0x32: {  	s10 =	sld [smem:$0x3FB4];
	_ =	sdelay $0x3  }
0x33: {  	p0 =	seq.s32 s10, $0x1;
	s10 =	sld [smem:$0x3FB6];
	_ =	sdelay $0x3  }
0x34: {  	[smem:$0x3FB6] =	sst s10  }
0x35: {  	s10 =	sld [smem:$0x3FB5];
	_ =	sdelay $0x3  }
0x36: {  	p1 =	seq.s32 s10, $0x1;
	s10 =	sld [smem:$0x3FB6];
	_ =	sdelay $0x3  }
0x37: {  	[smem:$0x3FB6] =	sst s10  }
0x38: {  	s10 =	sld [smem:$0x3FB7]  }
0x39: {  	_ = 	snop;
	(pc) =	sbr.ind lr, $3  }
0x3a: {  	_ = 	snop  }
0x3b: {  	_ = 	snop  }
0x3c: {  	p2 =	seq.s32 s10, $0x1;
	s10 =	sld [smem:$0x3FB6]  }
0x3d: {  	_ =	shalt  }
0x3e: {  	_ =	shalt  }
0x3f: {  	_ =	shalt  }
0x40: {  	_ =	shalt  }
0x41: {  	_ =	shalt  }
0x42: {  	_ =	shalt  }
0x43: {  	_ =	shalt  }
0x44: {  	_ =	shalt  }
0x45: {  	_ =	shalt  }
0x46: {  	_ =	shalt  }
0x47: {  	_ =	shalt  }
0x48: {  	_ =	shalt  }
0x49: {  	_ =	shalt  }
0x4a: {  	_ =	shalt  }
0x4b: {  	_ =	shalt  }
0x4c: {  	_ =	shalt  }
0x4d: {  	_ =	shalt  }
0x4e: {  	_ =	shalt  }
0x4f: {  	_ =	shalt  }
0x50: {  	_ =	shalt  }
0x51: {  	_ =	shalt  }
0x52: {  	_ =	shalt  }
0x53: {  	_ =	shalt  }
0x54: {  	_ =	shalt  }
0x55: {  	_ =	shalt  }
0x56: {  	_ =	shalt  }
0x57: {  	_ =	shalt  }
0x58: {  	_ =	shalt  }
0x59: {  	_ =	shalt  }
0x5a: {  	_ =	shalt  }
0x5b: {  	_ =	shalt  }
0x5c: {  	_ =	shalt  }
0x5d: {  	_ =	shalt  }
0x5e: {  	_ =	shalt  }
0x5f: {  	_ =	shalt  }
0x60: {  	_ =	shalt  }
0x61: {  	_ =	shalt  }
0x62: {  	_ =	shalt  }
0x63: {  	_ =	shalt  }
0x64: {  	_ =	shalt  }
0x65: {  	_ =	shalt  }
0x66: {  	_ =	shalt  }
0x67: {  	_ =	shalt  }
0x68: {  	_ =	shalt  }
0x69: {  	_ =	shalt  }
0x6a: {  	_ =	shalt  }
0x6b: {  	_ =	shalt  }
0x6c: {  	_ =	shalt  }
0x6d: {  	_ =	shalt  }
0x6e: {  	_ =	shalt  }
0x6f: {  	_ =	shalt  }
0x70: {  	_ =	shalt  }
0x71: {  	_ =	shalt  }
0x72: {  	_ =	shalt  }
0x73: {  	_ =	shalt  }
0x74: {  	_ =	shalt  }
0x75: {  	_ =	shalt  }
0x76: {  	_ =	shalt  }
0x77: {  	_ =	shalt  }
0x78: {  	_ =	shalt  }
0x79: {  	_ =	shalt  }
0x7a: {  	_ =	shalt  }
0x7b: {  	_ =	shalt  }
0x7c: {  	_ =	shalt  }
0x7d: {  	_ =	shalt  }
0x7e: {  	_ =	shalt  }
0x7f: {  	_ =	shalt  }
0x80: {  	_ =	shalt  }
0x81: {  	_ =	shalt  }
0x82: {  	_ =	shalt  }
0x83: {  	_ =	shalt  }
0x84: {  	_ =	shalt  }
0x85: {  	_ =	shalt  }
0x86: {  	_ =	shalt  }
0x87: {  	_ =	shalt  }
.Lfunc_end0:
.L_simem_size_0:
called_computation.1_lowered:
.L_overlay_start_0:
0x88: {  	s2 =	sld [smem:$0x3FD9]  }
0x89: {  	s3 =	sld [smem:$0x3FFE];
	_ =	sdelay $0x1  }
0x8a: {  	s1 =	srdreg.scid  }
0x8b: {  	s0 =	sand.u32 $0x1, s1  }
0x8c: {  	s17 =	sshll.u32 s0, $0xA;
	s2 =	sadd.s32 s3, s2  }
0x8d: {  	s2 =	sadd.s32 s2, s17  }
0x8e: {  	[smem:$0x3FC2] =	sst s2  }
0x8f: {  	_ = 	snop  }
0x90: {  	s2 =	sld [smem:$0x3FD0];
	(tm) =	ssettm $0x1  }
0x91: {  	s18 =	sld [smem:$0x3FFB];
	_ =	sdelay $0x3  }
0x92: {  	_ =	strace s18  }
0x93: {  	s3 =	sld [smem:$0x3FFC];
	_ =	sdelay $0x3  }
0x94: {  	_ =	strace s3  }
0x95: {  	s3 =	sld [smem:$0x3FFD];
	_ =	sdelay $0x3  }
0x96: {  	_ =	strace s3  }
0x97: {  	_ =	strace $0x8FFFFFFF  }
0x98: {  	s19 =	sld [smem:$0x3FDB];
	_ =	sdelay $0x1  }
0x99: {  	s4 =	simm.s32 $_scs_section_size  }
0x9a: {  	s5 =	simm.s32 $_size__tile_overlayer_lowered;
	s6 =	simm.s32 $_tile_overlayer_lowered  }
0x9b: {  	s22 =	simm.s32 $0x1BFF;
	s21 =	sshll.u32 s6, $0x1;
	s3 =	sadd.s32 s4, s19  }
0x9c: {  	s7 =	simm.s32 $0x0;
	s20 =	sshll.u32 s5, $0x1;
	s5 =	sadd.s32 s21, s3  }
0x9d: {  	[timem:s7], [sflag:s22] =	dma.local [hbm:s5], s20  }
0x9e: {  	_ =	swait.ge [sflag:s22], s20  }
0x9f: {  	s4 =	ssub.s32 $0x0, s20;
	[sflag:s22] =	ssyncset.done $0x0  }
0xa0: {  	[sflag:s22] =	ssyncadd.s32 s4;
	_ =	sdelay $0x1  }
0xa1: {  	s23 =	simm.s32 $0x1B8B  }
0xa2: {  	_ =	swait.ge [sflag:s23], $0x1  }
0xa3: {  	[sflag:s23] =	ssyncset.done $0x0  }
0xa4: {  	s25 =	simm.s32 $0x1B8E;
	s24 =	sld [smem:$0x3FFE];
	[sflag:s23] =	ssyncadd.s32 $0xFFFFFFFF  }
0xa5: {  	s26 =	simm.s32 $execute0_lowered;
	[smem:$0x3FD2] =	sst s25  }
0xa6: {  	s5 =	sshll.u32 s26, $0x1;
	_ =	strace $0x80000049;
	[dreg:$0x1] =	wrdreg $0xFFFFFFFF  }
0xa7: {  	s28 =	simm.s32 $_size_execute0_lowered;
	s3 =	sadd.s32 s3, s5;
	[dreg:$0x0] =	wrdreg $0x0  }
0xa8: {  	s5 =	sshll.u32 s28, $0x1;
	[dreg:$0x2] =	wrdreg s3  }
0xa9: {  	[dreg:$0x3] =	wrdreg s5  }
0xaa: {  	[dreg:$0x4] =	wrdreg $0xC0  }
0xab: {  	_ =	task [dreg:s7], $0x5FFFF  }
0xac: {  	[dreg:$0x1] =	wrdreg $0xFFFFFFFF  }
0xad: {  	[dreg:$0x0] =	wrdreg $0x60  }
0xae: {  	[dreg:$0x2] =	wrdreg s24  }
0xaf: {  	[dreg:$0x3] =	wrdreg s2  }
0xb0: {  	[dreg:$0x4] =	wrdreg $0x9  }
0xb1: {  	_ =	task.clear_ibuf [dreg:s7], $0x5FFFF;
	_ =	strace $0x90000049  }
0xb2: {  	s29 =	simm.s32 $0x9;
	_ =	strace $0x8000004B  }
0xb3: {  	_ =	swait.ge [sflag:s29], $0x1  }
0xb4: {  	[sflag:s29] =	ssyncadd.s32 $0xFFFFFFFF  }
0xb5: {  	_ =	strace $0x9000004B  }
0xb6: {  	_ =	sfence  }
0xb7: {  	s30 =	sld [smem:$0x0];
	_ =	sdelay $0x2  }
0xb8: {  	s31 =	sshll.u32 s1, $0xD;
	s1 =	sshrl.u32 s1, $0x2  }
0xb9: {  	s3 =	sand.u32 $0x4000, s31;
	s1 =	sadd.s32 s1, s30  }
0xba: {  	s0 =	sor.u32 s3, s0;
	s1 =	sshll.u32 s1, $0x11  }
0xbb: {  	s0 =	sor.u32 s1, s0  }
0xbc: {  	s0 =	sadd.s32 $0x8F2B, s0  }
0xbd: {  	[sflag:s0] =	ssyncadd.remote.s32 $0x1  }
0xbe: {  	_ =	sfence.sel $0xFFFF  }
0xbf: {  	[dreg:$0x0] =	wrdreg $0xFFFFFFFF;
	(pc) =	sbr.abs _section_cstart, $3  }
0xc0: {  	[dreg:$0x1] =	wrdreg $0xFFFFFFFF  }
0xc1: {  	_ =	task.clear_ibuf [dreg:s7], $0x2FFFF;
	_ =	strace $0x9FFFFFFF  }
0xc2: {  	(tm) =	ssettm $0x7FFFFFFF  }
0xc3: {  	_ =	shalt  }
tec
execute0_lowered:
.L_overlay_start_1:
0x0: {  	(tag) =	ssettag $0x1  }
0x1: {  	s4 =	rddreg [dreg:$0x0]  }
0x2: {  	s5 =	rddreg [dreg:$0x1]  }
0x3: {  	s0 =	rddreg [dreg:$0x2];
	s3 =	srdreg.scid  }
0x4: {  	s2 =	simm.s32 $0x0;
	s1 =	stileid.u32;
	s10 =	simm.s32 $0x1080  }
0x5: {  	s11 =	simm.s32 $0x1880;
	s12 =	simm.s32 $0x2080;
	s13 =	simm.s32 $0x2880  }
0x6: {  	s14 =	simm.s32 $0x3080;
	s15 =	simm.s32 $0x3880;
	s16 =	simm.s32 $0x1  }
0x7: {  	s3 =	sand.u32 $0x1, s3;
	[smem:$0x7FF] =	sst s2;
	s6 =	sshll.u32 s1, $0x7  }
0x8: {  	s7 =	sshll.u32 s3, $0x6;
	_ =	strace $0x8000004A;
	s8 =	ssub.s32 $0x2, s3  }
0x9: {  	s3 =	sadd.s32 $0x200, s4;
	s6 =	sor.u32 s7, s6;
	s31 =	sshrl.u32 s8, $0x1  }
0xa: {  	v2 =	vlaneseq.u32;
	s9 =	sshrl.u32 s6, $0x3;
	s7 =	ssub.s32 s8, s31;
	s6 =	sshll.u32 s6, $0x5  }
0xb: {  	vm0 =	vmmov $0xffff;
	v1 =	vshrl.u32 v2, $0x3;
	s8 =	simm.s32 $0x80;
	s4 =	sadd.s32 s4, s9;
	s5 =	sadd.s32 s5, s6  }
0xc: {  	v0 =	vand.u32 $0x7, v2;
	v2 =	vor.u32 $0x8, v2;
	v1 =	vmul.u32 $0x8, v1;
	s6 =	smax.u32 s7, $0x1;
	s7 =	simm.s32 $0x2;
	s9 =	simm.s32 $0x880  }
.LBB2_1:
0xd: {  	[tilespmem:s2], [sflag:$0x2] =	stream.linear.gather [hbm4b:s4+s2], $0x40, $0x38;
	[tilespmem:$0x4080] =	vst v63  }
0xe: {  	_ =	swait.ge [sflag:s7], $0x40  }
0xf: {  	[sflag:s7] =	ssyncset.done $0x0  }
0x10: {  	[sflag:s7] =	ssyncadd.s32 $0xFFFFFFC0  }
0x11: {  	v3 =	vld [tilespmem:$0x0];
	_ =	sdelay $0x4  }
0x12: {  	v4 =	vshll.u32 v3, $0x1  }
0x13: {  	v3 =	vand.u32 $0x7, v3;
	v4 =	vand.u32 $0xFFFFFFF0, v4  }
0x14: {  	v3 =	vor.u32 v3, v4  }
0x15: {  	v4 =	vperm.xlane v3, v0;
	_ =	sdelay $0x1  }
0x16: {  	v3 =	vperm.xlane v3, v2;
	v4 =	vadd.s32 v1, v4;
	_ =	sdelay $0x1  }
0x17: {  	v3 =	vadd.s32 v1, v3;
	_ =	sdelay $0x2  }
0x18: {  	[tilespmem:s8], [sflag:$0x1] =	stream.indirect_vreg.gather [hbm4b:s3+s2], $0x80, v4, vm0, $0xb8;
	[tilespmem:$0x4080] =	vst v63  }
0x19: {  	_ = 	snop  }
0x1a: {  	[tilespmem:s9], [sflag:$0x1] =	stream.indirect_vreg.gather [hbm4b:s3+s2], $0x80, v3, vm0, $0xb8;
	[tilespmem:$0x4080] =	vst v63  }
0x1b: {  	v3 =	vld [tilespmem:$0x10];
	_ =	sdelay $0x4  }
0x1c: {  	v61 =	vshll.u32 v3, $0x1  }
0x1d: {  	v3 =	vand.u32 $0x7, v3;
	v4 =	vand.u32 $0xFFFFFFF0, v61  }
0x1e: {  	v3 =	vor.u32 v3, v4  }
0x1f: {  	v4 =	vperm.xlane v3, v0;
	_ =	sdelay $0x1  }
0x20: {  	v3 =	vperm.xlane v3, v2;
	v4 =	vadd.s32 v1, v4;
	_ =	sdelay $0x1  }
0x21: {  	v3 =	vadd.s32 v1, v3;
	_ =	sdelay $0x2  }
0x22: {  	[tilespmem:s10], [sflag:$0x1] =	stream.indirect_vreg.gather [hbm4b:s3+s2], $0x80, v4, vm0, $0xb8;
	[tilespmem:$0x4080] =	vst v63  }
0x23: {  	_ = 	snop  }
0x24: {  	[tilespmem:s11], [sflag:$0x1] =	stream.indirect_vreg.gather [hbm4b:s3+s2], $0x80, v3, vm0, $0xb8;
	[tilespmem:$0x4080] =	vst v63  }
0x25: {  	v3 =	vld [tilespmem:$0x20];
	_ =	sdelay $0x4  }
0x26: {  	v62 =	vshll.u32 v3, $0x1  }
0x27: {  	v3 =	vand.u32 $0x7, v3;
	v4 =	vand.u32 $0xFFFFFFF0, v62  }
0x28: {  	v3 =	vor.u32 v3, v4  }
0x29: {  	v4 =	vperm.xlane v3, v0;
	_ =	sdelay $0x1  }
0x2a: {  	v3 =	vperm.xlane v3, v2;
	v4 =	vadd.s32 v1, v4;
	_ =	sdelay $0x1  }
0x2b: {  	v3 =	vadd.s32 v1, v3;
	_ =	sdelay $0x2  }
0x2c: {  	[tilespmem:s12], [sflag:$0x1] =	stream.indirect_vreg.gather [hbm4b:s3+s2], $0x80, v4, vm0, $0xb8;
	[tilespmem:$0x4080] =	vst v63  }
0x2d: {  	_ = 	snop  }
0x2e: {  	[tilespmem:s13], [sflag:$0x1] =	stream.indirect_vreg.gather [hbm4b:s3+s2], $0x80, v3, vm0, $0xb8;
	[tilespmem:$0x4080] =	vst v63  }
0x2f: {  	v3 =	vld [tilespmem:$0x30];
	_ =	sdelay $0x4  }
0x30: {  	v63 =	vshll.u32 v3, $0x1  }
0x31: {  	v3 =	vand.u32 $0x7, v3;
	v4 =	vand.u32 $0xFFFFFFF0, v63  }
0x32: {  	v3 =	vor.u32 v3, v4  }
0x33: {  	v4 =	vperm.xlane v3, v0;
	_ =	sdelay $0x1  }
0x34: {  	v3 =	vperm.xlane v3, v2;
	v4 =	vadd.s32 v1, v4;
	_ =	sdelay $0x1  }
0x35: {  	v3 =	vadd.s32 v1, v3;
	_ =	sdelay $0x2  }
0x36: {  	[tilespmem:s14], [sflag:$0x1] =	stream.indirect_vreg.gather [hbm4b:s3+s2], $0x80, v4, vm0, $0xb8;
	[tilespmem:$0x4080] =	vst v63  }
0x37: {  	_ = 	snop  }
0x38: {  	[tilespmem:s15], [sflag:$0x1] =	stream.indirect_vreg.gather [hbm4b:s3+s2], $0x80, v3, vm0, $0xb8;
	[tilespmem:$0x4080] =	vst v63  }
0x39: {  	_ =	swait.ge [sflag:s16], $0x4000  }
0x3a: {  	p0 =	sne.s32 s6, $0x1;
	[sflag:s16] =	ssyncset.done $0x0  }
.Ltmp0:
0x3b: {  	[sflag:s16] =	ssyncadd.s32 $0xFFFFC000;
	(pc) =	sbr.rel @p0 .LBB2_1-.Ltmp0, $4  }
0x3c: {  	[hbm4b:s5+s2] =	stream.linear.scatter [tilespmem:s8], [sflag:$0x2], $0x4000, $0x38;
	[tilespmem:$0x4080] =	vst v63  }
0x3d: {  	_ =	swait.ge [sflag:s7], $0x4000  }
0x3e: {  	[sflag:s7] =	ssyncset.done $0x0  }
0x3f: {  	s6 =	sadd.s32 $0xFFFFFFFF, s6;
	[sflag:s7] =	ssyncadd.s32 $0xFFFFC000  }
0x40: {  	_ =	sfence.sel $0x180000  }
0x41: {  	[bflag:$0x0] =	sbarrier.arrive $0xFFFF  }
0x42: {  	p0 =	sne.s32 s1, $0x0;
	_ =	strace $0x9000004A  }
0x43: {  	s0 =	sadd.s32 @!p0 $0x100000, s0;
	[bflag:$0x2] =	sbarrier.arrive $0xFFFF  }
0x44: {  	[sflag:s0] =	ssyncadd.tile.s32 @!p0 $0x1;
	_ =	shalt  }
.Lfunc_end2:
_tile_overlayer_lowered:
.L_overlay_start_2:
0x45: {  	(tag) =	ssettag $0x2  }
0x46: {  	s0 =	rddreg [dreg:$0x0];
	s2 =	stileid.u32  }
0x47: {  	s1 =	rddreg [dreg:$0x1];
	p0 =	sne.s32 s2, $0x0  }
0x48: {  	s3 =	rddreg [dreg:$0x2];
	[bflag:$0x3] =	sbarrier.arrive $0xFFFF;
	s2 =	simm.s32 @!p0 $0x1C02  }
0x49: {  	[timem:s3], [sflag:s2] =	dma.local @!p0 [hbm:s0], s1  }
0x4a: {  	s0 =	simm.s32 @!p0 $0x2  }
0x4b: {  	_ =	swait.ge @!p0 [sflag:s0], s1  }
0x4c: {  	s1 =	ssub.s32 @!p0 $0x0, s1;
	[sflag:s0] =	ssyncset.done @!p0 $0x0  }
0x4d: {  	[sflag:s0] =	ssyncadd.s32 @!p0 s1  }
0x4e: {  	[bflag:$0x3] =	sbarrier.arrive $0xFFFF  }
0x4f: {  	_ =	shalt  }

</sc_bundles>
